<compile_context>
chip_gen: v7x
topology: tpu7x:2x2x1
jax: 0.10.2.dev20260603
libtpu: 0.0.44.dev20260713+nightly
codegen_flags: <defaults>
</compile_context>

<pallas_src>
import functools

import jax
import jax.numpy as jnp
from jax import lax
from jax.experimental import pallas as pl
from jax.experimental.pallas import tpu as pltpu
from jax.experimental.pallas import tpu_sc as plsc

_N = 10000
_E = 320000
_D = 128
_H = 256
_G = 64
_NB = 10
_BR = _N // _NB
_K = 128
_NSUB = 16
_NBK = 32
_BW = 320
_CAP = 12032
_NCH = _CAP // _K
_AR = _BW + 8


def _sc_segment_sum(tab, src_flat, dstl_flat, first):
    mesh = plsc.VectorSubcoreMesh(core_axis_name="c", subcore_axis_name="s")
    out_shape = ((_N, 128) if first else (2, _N, 128))

    @functools.partial(
        pl.kernel,
        mesh=mesh,
        out_type=jax.ShapeDtypeStruct(out_shape, jnp.float32),
        scratch_types=[
            pltpu.VMEM((_CAP,), jnp.int32),
            pltpu.VMEM((2, _K), jnp.int32),
            pltpu.VMEM((2, _K, 128), jnp.float32),
            pltpu.VMEM((_AR, 128), jnp.float32),
            pltpu.VMEM_SHARED((_NSUB * _AR, 128), jnp.float32),
            pltpu.SemaphoreType.DMA,
            pltpu.SemaphoreType.DMA,
        ],
    )
    def k(tab_hbm, src_hbm, dst_hbm, out_hbm, srcall, dst2, rows2, zbuf,
          acc, gsem, isem):
        c = lax.axis_index("c")
        s = lax.axis_index("s")

        @pl.loop(0, _AR)
        def _(i):
            for q in range(8):
                zbuf[i, pl.ds(q * 16, 16)] = jnp.zeros((16,), jnp.float32)

        def reduce_bucket(b):
            pltpu.sync_copy(zbuf, acc.at[pl.ds(s * _AR, _AR)])
            pltpu.sync_copy(src_hbm.at[pl.ds(b * _CAP, _CAP)], srcall)
            tab = tab_hbm if first else tab_hbm.at[c]

            def issue(t, buf):
                pltpu.async_copy(dst_hbm.at[pl.ds(b * _CAP + t * _K, _K)],
                                 dst2.at[buf], isem)
                pltpu.async_copy(tab.at[srcall.at[pl.ds(t * _K, _K)]],
                                 rows2.at[buf], gsem)

            def drain(buf):
                pltpu.make_async_copy(dst_hbm.at[pl.ds(0, _K)],
                                      dst2.at[buf], isem).wait()
                pltpu.make_async_copy(tab.at[pl.ds(0, _K)],
                                      rows2.at[buf], gsem).wait()

            def scatter(buf):
                pltpu.sync_copy(rows2.at[buf], acc.at[dst2.at[buf]],
                                add=True)

            issue(0, 0)

            @pl.loop(0, _NCH - 2, step=2)
            def _(t):
                issue(t + 1, 1)
                drain(0)
                scatter(0)
                issue(t + 2, 0)
                drain(1)
                scatter(1)

            issue(_NCH - 1, 1)
            drain(0)
            scatter(0)
            drain(1)
            scatter(1)

        def write_bucket(b):
            @pl.when(b < _NBK - 1)
            def _():
                if first:
                    pltpu.sync_copy(acc.at[pl.ds(s * _AR, _BW)],
                                    out_hbm.at[pl.ds(b * _BW, _BW)])
                else:
                    pltpu.sync_copy(acc.at[pl.ds(s * _AR, _BW)],
                                    out_hbm.at[c, pl.ds(b * _BW, _BW)])

            tail = _N - (_NBK - 1) * _BW

            @pl.when(b == _NBK - 1)
            def _():
                if first:
                    pltpu.sync_copy(
                        acc.at[pl.ds(s * _AR, tail)],
                        out_hbm.at[pl.ds(b * _BW, tail)])
                else:
                    pltpu.sync_copy(
                        acc.at[pl.ds(s * _AR, tail)],
                        out_hbm.at[c, pl.ds(b * _BW, tail)])

        if first:
            b = 2 * s + c
            reduce_bucket(b)
            write_bucket(b)
        else:
            reduce_bucket(2 * s)
            write_bucket(2 * s)
            reduce_bucket(2 * s + 1)
            write_bucket(2 * s + 1)

    return k(tab, src_flat, dstl_flat)


def _partition_edges(src, dst):
    bucket = dst // _BW
    onehot = (bucket[:, None] == jnp.arange(_NBK, dtype=jnp.int32)[None, :])
    pos = jnp.cumsum(onehot.astype(jnp.int32), axis=0)
    mypos = jnp.take_along_axis(pos, bucket[:, None], axis=1)[:, 0] - 1
    flat_idx = bucket * _CAP + mypos
    ar = jnp.arange(_NBK * _CAP, dtype=jnp.int32)
    src_flat = ((ar * 37) % _N).at[flat_idx].set(src)
    pad_rows = ((ar // _CAP) // 2) * _AR + _BW + (ar % 8)
    real_rows = (bucket // 2) * _AR + (dst - bucket * _BW)
    dstl_flat = pad_rows.at[flat_idx].set(real_rows)
    return src_flat, dstl_flat


def _mm_t(a, w):
    return lax.dot_general(a.astype(jnp.bfloat16), w.astype(jnp.bfloat16),
                           (((1,), (1,)), ((), ())),
                           preferred_element_type=jnp.float32)


def _tc_gin_layer(h, agg, W1, b1, W2, b2, gamma, beta, *, first):
    din = _D if first else _H

    def body(h_ref, a_ref, w1_ref, b1_ref, w2_ref, b2_ref, g_ref, be_ref,
             out_ref, z_sc, sum_sc, sq_sc):
        p = pl.program_id(0)
        j = pl.program_id(1)

        @pl.when(p == 0)
        def _():
            if first:
                u = h_ref[...] + a_ref[...]
            else:
                u = (jnp.concatenate([h_ref[0], h_ref[1]], axis=1)
                     + jnp.concatenate([a_ref[0], a_ref[1]], axis=1))
            z = jnp.maximum(_mm_t(u, w1_ref[...]) + b1_ref[...], 0.0)
            z = jnp.maximum(_mm_t(z, w2_ref[...]) + b2_ref[...], 0.0)
            z_sc[pl.ds(j * _BR, _BR), :] = z
            cs = jnp.sum(z, axis=0, keepdims=True)

            @pl.when(j == 0)
            def _():
                sum_sc[...] = cs

            @pl.when(j > 0)
            def _():
                sum_sc[...] = sum_sc[...] + cs

        @pl.when(p == 1)
        def _():
            m = sum_sc[...] * jnp.float32(1e-4)
            z = z_sc[pl.ds(j * _BR, _BR), :]
            dz = z - m
            cq = jnp.sum(dz * dz, axis=0, keepdims=True)

            @pl.when(j == 0)
            def _():
                sq_sc[...] = cq

            @pl.when(j > 0)
            def _():
                sq_sc[...] = sq_sc[...] + cq

        @pl.when(p == 2)
        def _():
            m = sum_sc[...] * jnp.float32(1e-4)
            v = sq_sc[...] * jnp.float32(1e-4)
            z = z_sc[pl.ds(j * _BR, _BR), :]
            hn = g_ref[...] * (z - m) / jnp.sqrt(v + 1e-5) + be_ref[...]
            out_ref[0] = hn[:, :128]
            out_ref[1] = hn[:, 128:]

    if first:
        h_spec = pl.BlockSpec((_BR, _D), lambda p, j: (j, 0))
        a_spec = pl.BlockSpec((_BR, _D), lambda p, j: (j, 0))
    else:
        h_spec = pl.BlockSpec((2, _BR, 128), lambda p, j: (0, j, 0))
        a_spec = pl.BlockSpec((2, _BR, 128), lambda p, j: (0, j, 0))

    return pl.pallas_call(
        body,
        grid=(3, _NB),
        in_specs=[
            h_spec,
            a_spec,
            pl.BlockSpec((_H, din), lambda p, j: (0, 0)),
            pl.BlockSpec((1, _H), lambda p, j: (0, 0)),
            pl.BlockSpec((_H, _H), lambda p, j: (0, 0)),
            pl.BlockSpec((1, _H), lambda p, j: (0, 0)),
            pl.BlockSpec((1, _H), lambda p, j: (0, 0)),
            pl.BlockSpec((1, _H), lambda p, j: (0, 0)),
        ],
        out_specs=pl.BlockSpec((2, _BR, 128), lambda p, j: (0, j, 0)),
        out_shape=jax.ShapeDtypeStruct((2, _N, 128), jnp.float32),
        scratch_shapes=[
            pltpu.VMEM((_N, _H), jnp.float32),
            pltpu.VMEM((1, _H), jnp.float32),
            pltpu.VMEM((1, _H), jnp.float32),
        ],
    )(h, agg, W1, b1, W2, b2, gamma, beta)


def _tc_pool(h, batch3, att_W, att_b, fc1_W, fc1_b, bn_g, bn_b, fc2_W, fc2_b):

    def body(h_ref, b_ref, aw_ref, ab_ref, f1w_ref, f1b_ref, bg_ref, bb_ref,
             f2w_ref, f2b_ref, out_ref, p_sc, den_sc, smax_sc):
        p = pl.program_id(0)
        j = pl.program_id(1)
        hcat = jnp.concatenate([h_ref[0], h_ref[1]], axis=1)
        s_row = lax.dot_general(aw_ref[...].astype(jnp.bfloat16),
                                hcat.astype(jnp.bfloat16),
                                (((1,), (1,)), ((), ())),
                                preferred_element_type=jnp.float32)
        s_row = s_row + ab_ref[0, 0]
        gids = lax.broadcasted_iota(jnp.int32, (_G, _BR), 0)
        mask = b_ref[0] == gids
        neg = jnp.float32(-jnp.inf)

        @pl.when(p == 0)
        def _():
            sm = jnp.max(jnp.where(mask, jnp.broadcast_to(s_row, (_G, _BR)),
                                   neg), axis=1, keepdims=True)

            @pl.when(j == 0)
            def _():
                smax_sc[...] = sm

            @pl.when(j > 0)
            def _():
                smax_sc[...] = jnp.maximum(smax_sc[...], sm)

        @pl.when(p == 1)
        def _():
            smn = jnp.max(jnp.where(mask, jnp.broadcast_to(smax_sc[...],
                                                           (_G, _BR)), neg),
                          axis=0, keepdims=True)
            e_row = jnp.exp(s_row - smn)
            d_blk = jnp.sum(jnp.where(mask, jnp.broadcast_to(e_row, (_G, _BR)),
                                      0.0), axis=1, keepdims=True)

            @pl.when(j == 0)
            def _():
                den_sc[...] = d_blk

            @pl.when(j > 0)
            def _():
                den_sc[...] = den_sc[...] + d_blk

        @pl.when(p == 2)
        def _():
            smn = jnp.max(jnp.where(mask, jnp.broadcast_to(smax_sc[...],
                                                           (_G, _BR)), neg),
                          axis=0, keepdims=True)
            dn = jnp.max(jnp.where(mask, jnp.broadcast_to(den_sc[...],
                                                          (_G, _BR)), neg),
                         axis=0, keepdims=True)
            att_row = jnp.exp(s_row - smn) / dn
            w = jnp.where(mask, jnp.broadcast_to(att_row, (_G, _BR)), 0.0)
            p_blk = lax.dot_general(w, hcat, (((1,), (0,)), ((), ())),
                                    precision=lax.Precision.HIGHEST,
                                    preferred_element_type=jnp.float32)

            @pl.when(j == 0)
            def _():
                p_sc[...] = p_blk

            @pl.when(j > 0)
            def _():
                p_sc[...] = p_sc[...] + p_blk

            @pl.when(j == _NB - 1)
            def _():
                pooled = p_sc[...]
                z1 = jnp.maximum(_mm_t(pooled, f1w_ref[...]) + f1b_ref[...],
                                 0.0)
                m = jnp.sum(z1, axis=0, keepdims=True) / _G
                d1 = z1 - m
                v = jnp.sum(d1 * d1, axis=0, keepdims=True) / _G
                zn = bg_ref[...] * d1 / jnp.sqrt(v + 1e-5) + bb_ref[...]
                out_ref[...] = _mm_t(zn, f2w_ref[...]) + f2b_ref[...]

    return pl.pallas_call(
        body,
        grid=(3, _NB),
        in_specs=[
            pl.BlockSpec((2, _BR, 128), lambda p, j: (0, j, 0)),
            pl.BlockSpec((1, 1, _BR), lambda p, j: (j, 0, 0)),
            pl.BlockSpec((1, _H), lambda p, j: (0, 0)),
            pl.BlockSpec((1, 1), lambda p, j: (0, 0)),
            pl.BlockSpec((_H // 4, _H), lambda p, j: (0, 0)),
            pl.BlockSpec((1, _H // 4), lambda p, j: (0, 0)),
            pl.BlockSpec((1, _H // 4), lambda p, j: (0, 0)),
            pl.BlockSpec((1, _H // 4), lambda p, j: (0, 0)),
            pl.BlockSpec((2, _H // 4), lambda p, j: (0, 0)),
            pl.BlockSpec((1, 2), lambda p, j: (0, 0)),
        ],
        out_specs=pl.BlockSpec((_G, 2), lambda p, j: (0, 0)),
        out_shape=jax.ShapeDtypeStruct((_G, 2), jnp.float32),
        scratch_shapes=[
            pltpu.VMEM((_G, _H), jnp.float32),
            pltpu.VMEM((_G, 1), jnp.float32),
            pltpu.VMEM((_G, 1), jnp.float32),
        ],
    )(h, batch3, att_W, att_b, fc1_W, fc1_b, bn_g, bn_b, fc2_W, fc2_b)


def kernel(x, edge_index, edge_attr, batch, gin_params, att_W, att_b,
           fc1_W, fc1_b, bn_g, bn_b, fc2_W, fc2_b):
    del edge_attr
    src = edge_index[0]
    dst = edge_index[1]
    src_flat, dstl_flat = _partition_edges(src, dst)
    h = None
    for l, (W1, b1, W2, b2, gamma, beta) in enumerate(gin_params):
        first = l == 0
        tab = x if first else h
        agg = _sc_segment_sum(tab, src_flat, dstl_flat, first)
        h = _tc_gin_layer(
            x if first else h, agg,
            W1, b1.reshape(1, -1), W2, b2.reshape(1, -1),
            gamma.reshape(1, -1), beta.reshape(1, -1), first=first)
    batch3 = batch.reshape(_NB, 1, _BR)
    return _tc_pool(h, batch3, att_W, att_b.reshape(1, 1),
                    fc1_W, fc1_b.reshape(1, -1), bn_g.reshape(1, -1),
                    bn_b.reshape(1, -1), fc2_W, fc2_b.reshape(1, -1))

# --- scband reference (transcript-rebuilt; emitter-appended) ---
"""Pipeline reference for scband-gin-20633022890230 (READ-ONLY COPY).

The authoritative reference and input builder live on the scoring server;
editing this copy changes nothing except your own understanding.
"""

import jax, jax.numpy as jnp
import numpy as np

N = 10000
E = 320000
D = 128
H = 256
L = 3
G = 64
DE = 4

def _linear(x, W, b):
    return x @ W.T + b

def _bn(h, g, b):
    m = jnp.mean(h, axis=0)
    v = jnp.var(h, axis=0)
    return g * (h - m) / jnp.sqrt(v + 1e-5) + b

def setup_inputs(seed: int = 0) -> dict:
    key = jax.random.key(seed)
    k = jax.random.split(key, 64)
    x = jax.random.normal(k[0], (N, D), dtype=jnp.float32)
    edge_index = jax.random.randint(k[1], (2, E), 0, N, dtype=jnp.int32)
    edge_attr = jax.random.normal(k[2], (E, DE), dtype=jnp.float32)
    batch = jnp.sort(jax.random.randint(k[3], (N,), 0, G, dtype=jnp.int32))
    gin_params = []
    idx = 4
    for l in range(L):
        din = D if l == 0 else H
        W1 = jax.random.normal(k[idx], (H, din), dtype=jnp.float32) * (1.0 / np.sqrt(din)); idx += 1
        b1 = jnp.zeros((H,), dtype=jnp.float32)
        W2 = jax.random.normal(k[idx], (H, H), dtype=jnp.float32) * (1.0 / np.sqrt(H)); idx += 1
        b2 = jnp.zeros((H,), dtype=jnp.float32)
        gamma = jnp.ones((H,), dtype=jnp.float32)
        beta = jnp.zeros((H,), dtype=jnp.float32)
        gin_params.append((W1, b1, W2, b2, gamma, beta))
    att_W = jax.random.normal(k[idx], (1, H), dtype=jnp.float32) * (1.0 / np.sqrt(H)); idx += 1
    att_b = jnp.zeros((1,), dtype=jnp.float32)
    fc1_W = jax.random.normal(k[idx], (H // 4, H), dtype=jnp.float32) * (1.0 / np.sqrt(H)); idx += 1
    fc1_b = jnp.zeros((H // 4,), dtype=jnp.float32)
    bn_g = jnp.ones((H // 4,), dtype=jnp.float32)
    bn_b = jnp.zeros((H // 4,), dtype=jnp.float32)
    fc2_W = jax.random.normal(k[idx], (2, H // 4), dtype=jnp.float32) * (1.0 / np.sqrt(H // 4)); idx += 1
    fc2_b = jnp.zeros((2,), dtype=jnp.float32)
    return {"x": x, "edge_index": edge_index, "edge_attr": edge_attr, "batch": batch,
            "gin_params": gin_params, "att_W": att_W, "att_b": att_b,
            "fc1_W": fc1_W, "fc1_b": fc1_b, "bn_g": bn_g, "bn_b": bn_b,
            "fc2_W": fc2_W, "fc2_b": fc2_b}

def reference(x, edge_index, edge_attr, batch, gin_params, att_W, att_b, fc1_W, fc1_b, bn_g, bn_b, fc2_W, fc2_b):
    src = edge_index[0]
    dst = edge_index[1]
    h = x
    for (W1, b1, W2, b2, gamma, beta) in gin_params:
        # GINConv (eps=0): MLP(x + sum of neighbor messages)
        agg = jax.ops.segment_sum(h[src], dst, num_segments=N)
        z = h + agg
        z = jax.nn.relu(_linear(z, W1, b1))
        z = jax.nn.relu(_linear(z, W2, b2))
        z = jax.nn.relu(z)
        h = _bn(z, gamma, beta)
    # graph attention pooling with per-graph softmax
    s = _linear(h, att_W, att_b)[:, 0]
    smax = jax.ops.segment_max(s, batch, num_segments=G)
    e = jnp.exp(s - smax[batch])
    denom = jax.ops.segment_sum(e, batch, num_segments=G)
    att = e / denom[batch]
    pooled = jax.ops.segment_sum(h * att[:, None], batch, num_segments=G)
    z = jax.nn.relu(_linear(pooled, fc1_W, fc1_b))
    z = _bn(z, bn_g, bn_b)
    out = _linear(z, fc2_W, fc2_b)
    return out

if __name__ == "__main__":
    import jax
    _d = setup_inputs()
    print(jax.jit(kernel)(*tuple(_d.values())))

</pallas_src>

<mosaic_0001>
#map = affine_map<(d0, d1) -> (0, 0, 0)>
#map1 = affine_map<(d0, d1) -> (0)>
module attributes {stable_mosaic.version = 14 : i64} {
  func.func @k(%arg0: i32, %arg1: i32, %arg2: memref<2x10000x128xf32, #tpu.memory_space<hbm>>, %arg3: memref<385024xi32, #tpu.memory_space<hbm>>, %arg4: memref<385024xi32, #tpu.memory_space<hbm>>, %arg5: memref<2x10000x128xf32, #tpu.memory_space<hbm>>, %arg6: memref<12032xi32, #tpu.memory_space<vmem>>, %arg7: memref<2x128xi32, #tpu.memory_space<vmem>>, %arg8: memref<2x128x128xf32, #tpu.memory_space<vmem>>, %arg9: memref<328x128xf32, #tpu.memory_space<vmem>>, %arg10: memref<5248x128xf32, #tpu.memory_space<vmem_shared>>, %arg11: memref<!tpu.dma_semaphore, #tpu.memory_space<semaphore_mem>>, %arg12: memref<!tpu.dma_semaphore, #tpu.memory_space<semaphore_mem>>) attributes {dimension_semantics = [#tpu.dimension_semantics<core_parallel>, #tpu.dimension_semantics<subcore_parallel>], iteration_bounds = array<i64: 2, 16>, scalar_prefetch = 0 : i64, scratch_operands = 7 : i64, tpu.core_type = #tpu.core_type<sc_vector_subcore>, window_params = [{transform_indices = #map}, {transform_indices = #map1}, {transform_indices = #map1}, {transform_indices = #map}]} {
    %scan3A = arith.constant 0 : i32
    %scan3A_0 = arith.constant 328 : i32
    %scan3A_1 = arith.addi %scan3A, %scan3A_0 : i32
    %scan3A_2 = arith.constant 1 : i32
    scf.for %scan3A_297 = %scan3A to %scan3A_1 step %scan3A_2  : i32 {
      %mul3A_298 = arith.constant 1 : i32
      %mul3A_299 = arith.muli %scan3A_297, %mul3A_298 : i32
      %add3A_300 = arith.constant 0 : i32
      %add3A_301 = arith.addi %add3A_300, %mul3A_299 : i32
      %broadcast_in_dim3A = arith.constant 0.000000e+00 : f32
      %broadcast_in_dim3A_302 = vector.broadcast %broadcast_in_dim3A : f32 to vector<16xf32>
      %swap3A = arith.index_cast %add3A_301 : i32 to index
      %swap3A_303 = arith.constant 0 : index
      %swap3A_304 = tpu.vector_load %arg9[%swap3A, %swap3A_303] {strides = array<i32>} : memref<328x128xf32, #tpu.memory_space<vmem>>, vector<1x16xf32>,
      %swap3A_305 = vector.shape_cast %swap3A_304 : vector<1x16xf32> to vector<16xf32>
      %swap3A_306 = vector.shape_cast %broadcast_in_dim3A_302 : vector<16xf32> to vector<1x16xf32>
      tpu.vector_store %arg9[%swap3A, %swap3A_303], %swap3A_306 {strides = array<i32>} : memref<328x128xf32, #tpu.memory_space<vmem>>, vector<1x16xf32>,
      %broadcast_in_dim3A_307 = arith.constant 0.000000e+00 : f32
      %broadcast_in_dim3A_308 = vector.broadcast %broadcast_in_dim3A_307 : f32 to vector<16xf32>
      %swap3A_309 = arith.index_cast %add3A_301 : i32 to index
      %swap3A_310 = arith.constant 16 : index
      %swap3A_311 = tpu.vector_load %arg9[%swap3A_309, %swap3A_310] {strides = array<i32>} : memref<328x128xf32, #tpu.memory_space<vmem>>, vector<1x16xf32>,
      %swap3A_312 = vector.shape_cast %swap3A_311 : vector<1x16xf32> to vector<16xf32>
      %swap3A_313 = vector.shape_cast %broadcast_in_dim3A_308 : vector<16xf32> to vector<1x16xf32>
      tpu.vector_store %arg9[%swap3A_309, %swap3A_310], %swap3A_313 {strides = array<i32>} : memref<328x128xf32, #tpu.memory_space<vmem>>, vector<1x16xf32>,
      %broadcast_in_dim3A_314 = arith.constant 0.000000e+00 : f32
      %broadcast_in_dim3A_315 = vector.broadcast %broadcast_in_dim3A_314 : f32 to vector<16xf32>
      %swap3A_316 = arith.index_cast %add3A_301 : i32 to index
      %swap3A_317 = arith.constant 32 : index
      %swap3A_318 = tpu.vector_load %arg9[%swap3A_316, %swap3A_317] {strides = array<i32>} : memref<328x128xf32, #tpu.memory_space<vmem>>, vector<1x16xf32>,
      %swap3A_319 = vector.shape_cast %swap3A_318 : vector<1x16xf32> to vector<16xf32>
      %swap3A_320 = vector.shape_cast %broadcast_in_dim3A_315 : vector<16xf32> to vector<1x16xf32>
      tpu.vector_store %arg9[%swap3A_316, %swap3A_317], %swap3A_320 {strides = array<i32>} : memref<328x128xf32, #tpu.memory_space<vmem>>, vector<1x16xf32>,
      %broadcast_in_dim3A_321 = arith.constant 0.000000e+00 : f32
      %broadcast_in_dim3A_322 = vector.broadcast %broadcast_in_dim3A_321 : f32 to vector<16xf32>
      %swap3A_323 = arith.index_cast %add3A_301 : i32 to index
      %swap3A_324 = arith.constant 48 : index
      %swap3A_325 = tpu.vector_load %arg9[%swap3A_323, %swap3A_324] {strides = array<i32>} : memref<328x128xf32, #tpu.memory_space<vmem>>, vector<1x16xf32>,
      %swap3A_326 = vector.shape_cast %swap3A_325 : vector<1x16xf32> to vector<16xf32>
      %swap3A_327 = vector.shape_cast %broadcast_in_dim3A_322 : vector<16xf32> to vector<1x16xf32>
      tpu.vector_store %arg9[%swap3A_323, %swap3A_324], %swap3A_327 {strides = array<i32>} : memref<328x128xf32, #tpu.memory_space<vmem>>, vector<1x16xf32>,
      %broadcast_in_dim3A_328 = arith.constant 0.000000e+00 : f32
      %broadcast_in_dim3A_329 = vector.broadcast %broadcast_in_dim3A_328 : f32 to vector<16xf32>
      %swap3A_330 = arith.index_cast %add3A_301 : i32 to index
      %swap3A_331 = arith.constant 64 : index
      %swap3A_332 = tpu.vector_load %arg9[%swap3A_330, %swap3A_331] {strides = array<i32>} : memref<328x128xf32, #tpu.memory_space<vmem>>, vector<1x16xf32>,
      %swap3A_333 = vector.shape_cast %swap3A_332 : vector<1x16xf32> to vector<16xf32>
      %swap3A_334 = vector.shape_cast %broadcast_in_dim3A_329 : vector<16xf32> to vector<1x16xf32>
      tpu.vector_store %arg9[%swap3A_330, %swap3A_331], %swap3A_334 {strides = array<i32>} : memref<328x128xf32, #tpu.memory_space<vmem>>, vector<1x16xf32>,
      %broadcast_in_dim3A_335 = arith.constant 0.000000e+00 : f32
      %broadcast_in_dim3A_336 = vector.broadcast %broadcast_in_dim3A_335 : f32 to vector<16xf32>
      %swap3A_337 = arith.index_cast %add3A_301 : i32 to index
      %swap3A_338 = arith.constant 80 : index
      %swap3A_339 = tpu.vector_load %arg9[%swap3A_337, %swap3A_338] {strides = array<i32>} : memref<328x128xf32, #tpu.memory_space<vmem>>, vector<1x16xf32>,
      %swap3A_340 = vector.shape_cast %swap3A_339 : vector<1x16xf32> to vector<16xf32>
      %swap3A_341 = vector.shape_cast %broadcast_in_dim3A_336 : vector<16xf32> to vector<1x16xf32>
      tpu.vector_store %arg9[%swap3A_337, %swap3A_338], %swap3A_341 {strides = array<i32>} : memref<328x128xf32, #tpu.memory_space<vmem>>, vector<1x16xf32>,
      %broadcast_in_dim3A_342 = arith.constant 0.000000e+00 : f32
      %broadcast_in_dim3A_343 = vector.broadcast %broadcast_in_dim3A_342 : f32 to vector<16xf32>
      %swap3A_344 = arith.index_cast %add3A_301 : i32 to index
      %swap3A_345 = arith.constant 96 : index
      %swap3A_346 = tpu.vector_load %arg9[%swap3A_344, %swap3A_345] {strides = array<i32>} : memref<328x128xf32, #tpu.memory_space<vmem>>, vector<1x16xf32>,
      %swap3A_347 = vector.shape_cast %swap3A_346 : vector<1x16xf32> to vector<16xf32>
      %swap3A_348 = vector.shape_cast %broadcast_in_dim3A_343 : vector<16xf32> to vector<1x16xf32>
      tpu.vector_store %arg9[%swap3A_344, %swap3A_345], %swap3A_348 {strides = array<i32>} : memref<328x128xf32, #tpu.memory_space<vmem>>, vector<1x16xf32>,
      %broadcast_in_dim3A_349 = arith.constant 0.000000e+00 : f32
      %broadcast_in_dim3A_350 = vector.broadcast %broadcast_in_dim3A_349 : f32 to vector<16xf32>
      %swap3A_351 = arith.index_cast %add3A_301 : i32 to index
      %swap3A_352 = arith.constant 112 : index
      %swap3A_353 = tpu.vector_load %arg9[%swap3A_351, %swap3A_352] {strides = array<i32>} : memref<328x128xf32, #tpu.memory_space<vmem>>, vector<1x16xf32>,
      %swap3A_354 = vector.shape_cast %swap3A_353 : vector<1x16xf32> to vector<16xf32>
      %swap3A_355 = vector.shape_cast %broadcast_in_dim3A_350 : vector<16xf32> to vector<1x16xf32>
      tpu.vector_store %arg9[%swap3A_351, %swap3A_352], %swap3A_355 {strides = array<i32>} : memref<328x128xf32, #tpu.memory_space<vmem>>, vector<1x16xf32>,
    }
    %scan3A_3 = arith.constant 328 : i32
    %mul3A = arith.constant 2 : i32
    %mul3A_4 = arith.muli %mul3A, %arg1 : i32
    %mul3A_5 = arith.constant 328 : i32
    %mul3A_6 = arith.muli %arg1, %mul3A_5 : i32
    "tpu.region"() ({
      %run_scoped3A_297 = tpu.sem_alloc : memref<!tpu.dma_semaphore, #tpu.memory_space<semaphore_mem>>
      %dma_start3A_298 = arith.constant 0 : i32
      %dma_start3A_299 = tpu.memref_slice %arg10[%mul3A_6, %dma_start3A_298] : memref<5248x128xf32, #tpu.memory_space<vmem_shared>> -> memref<328x128xf32, #tpu.memory_space<vmem_shared>>
      %dma_start3A_300 = arith.constant 0 : i32
      %dma_start3A_301 = tpu.memref_slice %arg10[%mul3A_6, %dma_start3A_300] : memref<5248x128xf32, #tpu.memory_space<vmem_shared>> -> memref<328x128xf32, #tpu.memory_space<vmem_shared>>
      tpu.enqueue_dma source(%arg9 : memref<328x128xf32, #tpu.memory_space<vmem>>) target(%dma_start3A_301 : memref<328x128xf32, #tpu.memory_space<vmem_shared>>) target_semaphore(%run_scoped3A_297 : memref<!tpu.dma_semaphore, #tpu.memory_space<semaphore_mem>>)
      %dma_wait3A_302 = arith.constant 0 : i32
      %dma_wait3A_303 = tpu.memref_slice %arg10[%mul3A_6, %dma_wait3A_302] : memref<5248x128xf32, #tpu.memory_space<vmem_shared>> -> memref<328x128xf32, #tpu.memory_space<vmem_shared>>
      %dma_wait3A_304 = arith.constant 0 : i32
      %dma_wait3A_305 = tpu.memref_slice %arg10[%mul3A_6, %dma_wait3A_304] : memref<5248x128xf32, #tpu.memory_space<vmem_shared>> -> memref<328x128xf32, #tpu.memory_space<vmem_shared>>
      tpu.wait_dma2 semaphore(%run_scoped3A_297 : memref<!tpu.dma_semaphore, #tpu.memory_space<semaphore_mem>>) src(%arg9 : memref<328x128xf32, #tpu.memory_space<vmem>>) dst(%dma_wait3A_305 : memref<328x128xf32, #tpu.memory_space<vmem_shared>>)
      tpu.yield
    }) : () -> ()
    %mul3A_7 = arith.constant 12032 : i32
    %mul3A_8 = arith.muli %mul3A_4, %mul3A_7 : i32
    "tpu.region"() ({
      %run_scoped3A_297 = tpu.sem_alloc : memref<!tpu.dma_semaphore, #tpu.memory_space<semaphore_mem>>
      %dma_start3A_298 = tpu.memref_slice %arg3[%mul3A_8] : memref<385024xi32, #tpu.memory_space<hbm>> -> memref<12032xi32, #tpu.memory_space<hbm>>
      %dma_start3A_299 = tpu.memref_slice %arg3[%mul3A_8] : memref<385024xi32, #tpu.memory_space<hbm>> -> memref<12032xi32, #tpu.memory_space<hbm>>
      tpu.enqueue_dma source(%dma_start3A_299 : memref<12032xi32, #tpu.memory_space<hbm>>) target(%arg6 : memref<12032xi32, #tpu.memory_space<vmem>>) target_semaphore(%run_scoped3A_297 : memref<!tpu.dma_semaphore, #tpu.memory_space<semaphore_mem>>)
      %dma_wait3A_300 = tpu.memref_slice %arg3[%mul3A_8] : memref<385024xi32, #tpu.memory_space<hbm>> -> memref<12032xi32, #tpu.memory_space<hbm>>
      %dma_wait3A_301 = tpu.memref_slice %arg3[%mul3A_8] : memref<385024xi32, #tpu.memory_space<hbm>> -> memref<12032xi32, #tpu.memory_space<hbm>>
      tpu.wait_dma2 semaphore(%run_scoped3A_297 : memref<!tpu.dma_semaphore, #tpu.memory_space<semaphore_mem>>) src(%dma_wait3A_301 : memref<12032xi32, #tpu.memory_space<hbm>>) dst(%arg6 : memref<12032xi32, #tpu.memory_space<vmem>>)
      tpu.yield
    }) : () -> ()
    %mul3A_9 = arith.constant 12032 : i32
    %mul3A_10 = arith.muli %mul3A_4, %mul3A_9 : i32
    %add3A = arith.constant 0 : i32
    %add3A_11 = arith.addi %mul3A_10, %add3A : i32
    %dma_start3A = arith.constant 0 : i32
    %dma_start3A_12 = arith.constant 0 : i32
    %dma_start3A_13 = tpu.memref_slice %arg7[%dma_start3A, %dma_start3A_12] : memref<2x128xi32, #tpu.memory_space<vmem>> -> memref<1x128xi32, #tpu.memory_space<vmem>>
    %dma_start3A_14 = tpu.memref_squeeze %dma_start3A_13 : memref<1x128xi32, #tpu.memory_space<vmem>> -> memref<128xi32, #tpu.memory_space<vmem>>
    %dma_start3A_15 = tpu.memref_slice %arg4[%add3A_11] : memref<385024xi32, #tpu.memory_space<hbm>> -> memref<128xi32, #tpu.memory_space<hbm>>
    %dma_start3A_16 = arith.constant 0 : i32
    %dma_start3A_17 = tpu.memref_slice %arg7[%dma_start3A, %dma_start3A_16] : memref<2x128xi32, #tpu.memory_space<vmem>> -> memref<1x128xi32, #tpu.memory_space<vmem>>
    %dma_start3A_18 = tpu.memref_squeeze %dma_start3A_17 : memref<1x128xi32, #tpu.memory_space<vmem>> -> memref<128xi32, #tpu.memory_space<vmem>>
    %dma_start3A_19 = tpu.memref_slice %arg4[%add3A_11] : memref<385024xi32, #tpu.memory_space<hbm>> -> memref<128xi32, #tpu.memory_space<hbm>>
    tpu.enqueue_dma source(%dma_start3A_19 : memref<128xi32, #tpu.memory_space<hbm>>) target(%dma_start3A_18 : memref<128xi32, #tpu.memory_space<vmem>>) target_semaphore(%arg12 : memref<!tpu.dma_semaphore, #tpu.memory_space<semaphore_mem>>)
    %dma_start3A_20 = arith.constant 0 : i32
    %dma_start3A_21 = arith.constant 0 : i32
    %dma_start3A_22 = arith.constant 0 : i32
    %dma_start3A_23 = tpu.memref_slice %arg8[%dma_start3A_20, %dma_start3A_21, %dma_start3A_22] : memref<2x128x128xf32, #tpu.memory_space<vmem>> -> memref<1x128x128xf32, #tpu.memory_space<vmem>>
    %dma_start3A_24 = tpu.memref_squeeze %dma_start3A_23 : memref<1x128x128xf32, #tpu.memory_space<vmem>> -> memref<128x128xf32, #tpu.memory_space<vmem>>
    %dma_start3A_25 = arith.constant 0 : i32
    %dma_start3A_26 = tpu.memref_slice %arg6[%dma_start3A_25] : memref<12032xi32, #tpu.memory_space<vmem>> -> memref<128xi32, #tpu.memory_space<vmem>>
    %dma_start3A_27 = arith.constant 0 : i32
    %dma_start3A_28 = arith.constant 0 : i32
    %dma_start3A_29 = tpu.memref_slice %arg2[%arg0, %dma_start3A_27, %dma_start3A_28] : memref<2x10000x128xf32, #tpu.memory_space<hbm>> -> memref<1x10000x128xf32, #tpu.memory_space<hbm>>
    %dma_start3A_30 = tpu.memref_squeeze %dma_start3A_29 : memref<1x10000x128xf32, #tpu.memory_space<hbm>> -> memref<10000x128xf32, #tpu.memory_space<hbm>>
    %dma_start3A_31 = arith.constant 0 : i32
    %dma_start3A_32 = arith.constant 0 : i32
    %dma_start3A_33 = tpu.memref_slice %dma_start3A_30[%dma_start3A_31, %dma_start3A_32] : memref<10000x128xf32, #tpu.memory_space<hbm>> -> memref<10000x128xf32, #tpu.memory_space<hbm>>
    tpu.enqueue_indirect_dma source(%dma_start3A_33 : memref<10000x128xf32, #tpu.memory_space<hbm>>) target(%dma_start3A_24 : memref<128x128xf32, #tpu.memory_space<vmem>>) offsets(%dma_start3A_26 : memref<128xi32, #tpu.memory_space<vmem>>) semaphore(%arg11 : memref<!tpu.dma_semaphore, #tpu.memory_space<semaphore_mem>>)
    %scan3A_34 = arith.constant 0 : i32
    %scan3A_35 = arith.constant 46 : i32
    %scan3A_36 = arith.addi %scan3A_34, %scan3A_35 : i32
    %scan3A_37 = arith.constant 1 : i32
    scf.for %scan3A_297 = %scan3A_34 to %scan3A_36 step %scan3A_37  : i32 {
      %mul3A_298 = arith.constant 2 : i32
      %mul3A_299 = arith.muli %scan3A_297, %mul3A_298 : i32
      %add3A_300 = arith.constant 0 : i32
      %add3A_301 = arith.addi %add3A_300, %mul3A_299 : i32
      %add3A_302 = arith.constant 1 : i32
      %add3A_303 = arith.addi %add3A_301, %add3A_302 : i32
      %mul3A_304 = arith.constant 12032 : i32
      %mul3A_305 = arith.muli %mul3A_4, %mul3A_304 : i32
      %mul3A_306 = arith.constant 128 : i32
      %mul3A_307 = arith.muli %add3A_303, %mul3A_306 : i32
      %add3A_308 = arith.addi %mul3A_305, %mul3A_307 : i32
      %dma_start3A_309 = arith.constant 1 : i32
      %dma_start3A_310 = arith.constant 0 : i32
      %dma_start3A_311 = tpu.memref_slice %arg7[%dma_start3A_309, %dma_start3A_310] : memref<2x128xi32, #tpu.memory_space<vmem>> -> memref<1x128xi32, #tpu.memory_space<vmem>>
      %dma_start3A_312 = tpu.memref_squeeze %dma_start3A_311 : memref<1x128xi32, #tpu.memory_space<vmem>> -> memref<128xi32, #tpu.memory_space<vmem>>
      %dma_start3A_313 = tpu.memref_slice %arg4[%add3A_308] : memref<385024xi32, #tpu.memory_space<hbm>> -> memref<128xi32, #tpu.memory_space<hbm>>
      %dma_start3A_314 = arith.constant 0 : i32
      %dma_start3A_315 = tpu.memref_slice %arg7[%dma_start3A_309, %dma_start3A_314] : memref<2x128xi32, #tpu.memory_space<vmem>> -> memref<1x128xi32, #tpu.memory_space<vmem>>
      %dma_start3A_316 = tpu.memref_squeeze %dma_start3A_315 : memref<1x128xi32, #tpu.memory_space<vmem>> -> memref<128xi32, #tpu.memory_space<vmem>>
      %dma_start3A_317 = tpu.memref_slice %arg4[%add3A_308] : memref<385024xi32, #tpu.memory_space<hbm>> -> memref<128xi32, #tpu.memory_space<hbm>>
      tpu.enqueue_dma source(%dma_start3A_317 : memref<128xi32, #tpu.memory_space<hbm>>) target(%dma_start3A_316 : memref<128xi32, #tpu.memory_space<vmem>>) target_semaphore(%arg12 : memref<!tpu.dma_semaphore, #tpu.memory_space<semaphore_mem>>)
      %mul3A_318 = arith.constant 128 : i32
      %mul3A_319 = arith.muli %add3A_303, %mul3A_318 : i32
      %dma_start3A_320 = arith.constant 1 : i32
      %dma_start3A_321 = arith.constant 0 : i32
      %dma_start3A_322 = arith.constant 0 : i32
      %dma_start3A_323 = tpu.memref_slice %arg8[%dma_start3A_320, %dma_start3A_321, %dma_start3A_322] : memref<2x128x128xf32, #tpu.memory_space<vmem>> -> memref<1x128x128xf32, #tpu.memory_space<vmem>>
      %dma_start3A_324 = tpu.memref_squeeze %dma_start3A_323 : memref<1x128x128xf32, #tpu.memory_space<vmem>> -> memref<128x128xf32, #tpu.memory_space<vmem>>
      %dma_start3A_325 = tpu.memref_slice %arg6[%mul3A_319] : memref<12032xi32, #tpu.memory_space<vmem>> -> memref<128xi32, #tpu.memory_space<vmem>>
      %dma_start3A_326 = arith.constant 0 : i32
      %dma_start3A_327 = arith.constant 0 : i32
      %dma_start3A_328 = tpu.memref_slice %arg2[%arg0, %dma_start3A_326, %dma_start3A_327] : memref<2x10000x128xf32, #tpu.memory_space<hbm>> -> memref<1x10000x128xf32, #tpu.memory_space<hbm>>
      %dma_start3A_329 = tpu.memref_squeeze %dma_start3A_328 : memref<1x10000x128xf32, #tpu.memory_space<hbm>> -> memref<10000x128xf32, #tpu.memory_space<hbm>>
      %dma_start3A_330 = arith.constant 0 : i32
      %dma_start3A_331 = arith.constant 0 : i32
      %dma_start3A_332 = tpu.memref_slice %dma_start3A_329[%dma_start3A_330, %dma_start3A_331] : memref<10000x128xf32, #tpu.memory_space<hbm>> -> memref<10000x128xf32, #tpu.memory_space<hbm>>
      tpu.enqueue_indirect_dma source(%dma_start3A_332 : memref<10000x128xf32, #tpu.memory_space<hbm>>) target(%dma_start3A_324 : memref<128x128xf32, #tpu.memory_space<vmem>>) offsets(%dma_start3A_325 : memref<128xi32, #tpu.memory_space<vmem>>) semaphore(%arg11 : memref<!tpu.dma_semaphore, #tpu.memory_space<semaphore_mem>>)
      %dma_wait3A_333 = arith.constant 0 : i32
      %dma_wait3A_334 = arith.constant 0 : i32
      %dma_wait3A_335 = tpu.memref_slice %arg7[%dma_wait3A_333, %dma_wait3A_334] : memref<2x128xi32, #tpu.memory_space<vmem>> -> memref<1x128xi32, #tpu.memory_space<vmem>>
      %dma_wait3A_336 = tpu.memref_squeeze %dma_wait3A_335 : memref<1x128xi32, #tpu.memory_space<vmem>> -> memref<128xi32, #tpu.memory_space<vmem>>
      %dma_wait3A_337 = arith.constant 0 : i32
      %dma_wait3A_338 = tpu.memref_slice %arg4[%dma_wait3A_337] : memref<385024xi32, #tpu.memory_space<hbm>> -> memref<128xi32, #tpu.memory_space<hbm>>
      %dma_wait3A_339 = arith.constant 0 : i32
      %dma_wait3A_340 = tpu.memref_slice %arg7[%dma_wait3A_333, %dma_wait3A_339] : memref<2x128xi32, #tpu.memory_space<vmem>> -> memref<1x128xi32, #tpu.memory_space<vmem>>
      %dma_wait3A_341 = tpu.memref_squeeze %dma_wait3A_340 : memref<1x128xi32, #tpu.memory_space<vmem>> -> memref<128xi32, #tpu.memory_space<vmem>>
      %dma_wait3A_342 = arith.constant 0 : i32
      %dma_wait3A_343 = tpu.memref_slice %arg4[%dma_wait3A_342] : memref<385024xi32, #tpu.memory_space<hbm>> -> memref<128xi32, #tpu.memory_space<hbm>>
      tpu.wait_dma2 semaphore(%arg12 : memref<!tpu.dma_semaphore, #tpu.memory_space<semaphore_mem>>) src(%dma_wait3A_343 : memref<128xi32, #tpu.memory_space<hbm>>) dst(%dma_wait3A_341 : memref<128xi32, #tpu.memory_space<vmem>>)
      %dma_wait3A_344 = arith.constant 0 : i32
      %dma_wait3A_345 = arith.constant 0 : i32
      %dma_wait3A_346 = arith.constant 0 : i32
      %dma_wait3A_347 = tpu.memref_slice %arg8[%dma_wait3A_344, %dma_wait3A_345, %dma_wait3A_346] : memref<2x128x128xf32, #tpu.memory_space<vmem>> -> memref<1x128x128xf32, #tpu.memory_space<vmem>>
      %dma_wait3A_348 = tpu.memref_squeeze %dma_wait3A_347 : memref<1x128x128xf32, #tpu.memory_space<vmem>> -> memref<128x128xf32, #tpu.memory_space<vmem>>
      %dma_wait3A_349 = arith.constant 0 : i32
      %dma_wait3A_350 = arith.constant 0 : i32
      %dma_wait3A_351 = tpu.memref_slice %arg2[%arg0, %dma_wait3A_349, %dma_wait3A_350] : memref<2x10000x128xf32, #tpu.memory_space<hbm>> -> memref<1x10000x128xf32, #tpu.memory_space<hbm>>
      %dma_wait3A_352 = tpu.memref_squeeze %dma_wait3A_351 : memref<1x10000x128xf32, #tpu.memory_space<hbm>> -> memref<10000x128xf32, #tpu.memory_space<hbm>>
      %dma_wait3A_353 = arith.constant 0 : i32
      %dma_wait3A_354 = arith.constant 0 : i32
      %dma_wait3A_355 = tpu.memref_slice %dma_wait3A_352[%dma_wait3A_353, %dma_wait3A_354] : memref<10000x128xf32, #tpu.memory_space<hbm>> -> memref<128x128xf32, #tpu.memory_space<hbm>>
      %dma_wait3A_356 = arith.constant 0 : i32
      %dma_wait3A_357 = arith.constant 0 : i32
      %dma_wait3A_358 = tpu.memref_slice %arg8[%dma_wait3A_344, %dma_wait3A_356, %dma_wait3A_357] : memref<2x128x128xf32, #tpu.memory_space<vmem>> -> memref<1x128x128xf32, #tpu.memory_space<vmem>>
      %dma_wait3A_359 = tpu.memref_squeeze %dma_wait3A_358 : memref<1x128x128xf32, #tpu.memory_space<vmem>> -> memref<128x128xf32, #tpu.memory_space<vmem>>
      %dma_wait3A_360 = arith.constant 0 : i32
      %dma_wait3A_361 = arith.constant 0 : i32
      %dma_wait3A_362 = tpu.memref_slice %arg2[%arg0, %dma_wait3A_360, %dma_wait3A_361] : memref<2x10000x128xf32, #tpu.memory_space<hbm>> -> memref<1x10000x128xf32, #tpu.memory_space<hbm>>
      %dma_wait3A_363 = tpu.memref_squeeze %dma_wait3A_362 : memref<1x10000x128xf32, #tpu.memory_space<hbm>> -> memref<10000x128xf32, #tpu.memory_space<hbm>>
      %dma_wait3A_364 = arith.constant 0 : i32
      %dma_wait3A_365 = arith.constant 0 : i32
      %dma_wait3A_366 = tpu.memref_slice %dma_wait3A_363[%dma_wait3A_364, %dma_wait3A_365] : memref<10000x128xf32, #tpu.memory_space<hbm>> -> memref<128x128xf32, #tpu.memory_space<hbm>>
      tpu.wait_dma2 semaphore(%arg11 : memref<!tpu.dma_semaphore, #tpu.memory_space<semaphore_mem>>) src(%dma_wait3A_366 : memref<128x128xf32, #tpu.memory_space<hbm>>) dst(%dma_wait3A_359 : memref<128x128xf32, #tpu.memory_space<vmem>>)
      %run_scoped3A_367 = arith.constant 0 : i32
      %run_scoped3A_368 = arith.constant 0 : i32
      "tpu.region"() ({
        %run_scoped3A_436 = tpu.sem_alloc : memref<!tpu.dma_semaphore, #tpu.memory_space<semaphore_mem>>
        %dma_start3A_437 = arith.constant 0 : i32
        %dma_start3A_438 = arith.constant 0 : i32
        %dma_start3A_439 = tpu.memref_slice %arg8[%run_scoped3A_367, %dma_start3A_437, %dma_start3A_438] : memref<2x128x128xf32, #tpu.memory_space<vmem>> -> memref<1x128x128xf32, #tpu.memory_space<vmem>>
        %dma_start3A_440 = tpu.memref_squeeze %dma_start3A_439 : memref<1x128x128xf32, #tpu.memory_space<vmem>> -> memref<128x128xf32, #tpu.memory_space<vmem>>
        %dma_start3A_441 = arith.constant 0 : i32
        %dma_start3A_442 = tpu.memref_slice %arg7[%run_scoped3A_368, %dma_start3A_441] : memref<2x128xi32, #tpu.memory_space<vmem>> -> memref<1x128xi32, #tpu.memory_space<vmem>>
        %dma_start3A_443 = tpu.memref_squeeze %dma_start3A_442 : memref<1x128xi32, #tpu.memory_space<vmem>> -> memref<128xi32, #tpu.memory_space<vmem>>
        %dma_start3A_444 = arith.constant 0 : i32
        %dma_start3A_445 = arith.constant 0 : i32
        %dma_start3A_446 = tpu.memref_slice %arg10[%dma_start3A_444, %dma_start3A_445] : memref<5248x128xf32, #tpu.memory_space<vmem_shared>> -> memref<5248x128xf32, #tpu.memory_space<vmem_shared>>
        tpu.enqueue_indirect_dma source(%dma_start3A_440 : memref<128x128xf32, #tpu.memory_space<vmem>>) target(%dma_start3A_446 : memref<5248x128xf32, #tpu.memory_space<vmem_shared>>) offsets(%dma_start3A_443 : memref<128xi32, #tpu.memory_space<vmem>>) semaphore(%run_scoped3A_436 : memref<!tpu.dma_semaphore, #tpu.memory_space<semaphore_mem>>) {add = true}
        %dma_wait3A_447 = arith.constant 0 : i32
        %dma_wait3A_448 = arith.constant 0 : i32
        %dma_wait3A_449 = tpu.memref_slice %arg8[%run_scoped3A_367, %dma_wait3A_447, %dma_wait3A_448] : memref<2x128x128xf32, #tpu.memory_space<vmem>> -> memref<1x128x128xf32, #tpu.memory_space<vmem>>
        %dma_wait3A_450 = tpu.memref_squeeze %dma_wait3A_449 : memref<1x128x128xf32, #tpu.memory_space<vmem>> -> memref<128x128xf32, #tpu.memory_space<vmem>>
        %dma_wait3A_451 = arith.constant 0 : i32
        %dma_wait3A_452 = tpu.memref_slice %arg7[%run_scoped3A_368, %dma_wait3A_451] : memref<2x128xi32, #tpu.memory_space<vmem>> -> memref<1x128xi32, #tpu.memory_space<vmem>>
        %dma_wait3A_453 = tpu.memref_squeeze %dma_wait3A_452 : memref<1x128xi32, #tpu.memory_space<vmem>> -> memref<128xi32, #tpu.memory_space<vmem>>
        %dma_wait3A_454 = arith.constant 0 : i32
        %dma_wait3A_455 = arith.constant 0 : i32
        %dma_wait3A_456 = tpu.memref_slice %arg10[%dma_wait3A_454, %dma_wait3A_455] : memref<5248x128xf32, #tpu.memory_space<vmem_shared>> -> memref<5248x128xf32, #tpu.memory_space<vmem_shared>>
        tpu.wait_indirect_dma semaphore(%run_scoped3A_436 : memref<!tpu.dma_semaphore, #tpu.memory_space<semaphore_mem>>) src(%dma_wait3A_450 : memref<128x128xf32, #tpu.memory_space<vmem>>) dst(%dma_wait3A_456 : memref<5248x128xf32, #tpu.memory_space<vmem_shared>>)
        tpu.yield
      }) : () -> ()
      %add3A_369 = arith.constant 2 : i32
      %add3A_370 = arith.addi %add3A_301, %add3A_369 : i32
      %mul3A_371 = arith.constant 12032 : i32
      %mul3A_372 = arith.muli %mul3A_4, %mul3A_371 : i32
      %mul3A_373 = arith.constant 128 : i32
      %mul3A_374 = arith.muli %add3A_370, %mul3A_373 : i32
      %add3A_375 = arith.addi %mul3A_372, %mul3A_374 : i32
      %dma_start3A_376 = arith.constant 0 : i32
      %dma_start3A_377 = arith.constant 0 : i32
      %dma_start3A_378 = tpu.memref_slice %arg7[%dma_start3A_376, %dma_start3A_377] : memref<2x128xi32, #tpu.memory_space<vmem>> -> memref<1x128xi32, #tpu.memory_space<vmem>>
      %dma_start3A_379 = tpu.memref_squeeze %dma_start3A_378 : memref<1x128xi32, #tpu.memory_space<vmem>> -> memref<128xi32, #tpu.memory_space<vmem>>
      %dma_start3A_380 = tpu.memref_slice %arg4[%add3A_375] : memref<385024xi32, #tpu.memory_space<hbm>> -> memref<128xi32, #tpu.memory_space<hbm>>
      %dma_start3A_381 = arith.constant 0 : i32
      %dma_start3A_382 = tpu.memref_slice %arg7[%dma_start3A_376, %dma_start3A_381] : memref<2x128xi32, #tpu.memory_space<vmem>> -> memref<1x128xi32, #tpu.memory_space<vmem>>
      %dma_start3A_383 = tpu.memref_squeeze %dma_start3A_382 : memref<1x128xi32, #tpu.memory_space<vmem>> -> memref<128xi32, #tpu.memory_space<vmem>>
      %dma_start3A_384 = tpu.memref_slice %arg4[%add3A_375] : memref<385024xi32, #tpu.memory_space<hbm>> -> memref<128xi32, #tpu.memory_space<hbm>>
      tpu.enqueue_dma source(%dma_start3A_384 : memref<128xi32, #tpu.memory_space<hbm>>) target(%dma_start3A_383 : memref<128xi32, #tpu.memory_space<vmem>>) target_semaphore(%arg12 : memref<!tpu.dma_semaphore, #tpu.memory_space<semaphore_mem>>)
      %mul3A_385 = arith.constant 128 : i32
      %mul3A_386 = arith.muli %add3A_370, %mul3A_385 : i32
      %dma_start3A_387 = arith.constant 0 : i32
      %dma_start3A_388 = arith.constant 0 : i32
      %dma_start3A_389 = arith.constant 0 : i32
      %dma_start3A_390 = tpu.memref_slice %arg8[%dma_start3A_387, %dma_start3A_388, %dma_start3A_389] : memref<2x128x128xf32, #tpu.memory_space<vmem>> -> memref<1x128x128xf32, #tpu.memory_space<vmem>>
      %dma_start3A_391 = tpu.memref_squeeze %dma_start3A_390 : memref<1x128x128xf32, #tpu.memory_space<vmem>> -> memref<128x128xf32, #tpu.memory_space<vmem>>
      %dma_start3A_392 = tpu.memref_slice %arg6[%mul3A_386] : memref<12032xi32, #tpu.memory_space<vmem>> -> memref<128xi32, #tpu.memory_space<vmem>>
      %dma_start3A_393 = arith.constant 0 : i32
      %dma_start3A_394 = arith.constant 0 : i32
      %dma_start3A_395 = tpu.memref_slice %arg2[%arg0, %dma_start3A_393, %dma_start3A_394] : memref<2x10000x128xf32, #tpu.memory_space<hbm>> -> memref<1x10000x128xf32, #tpu.memory_space<hbm>>
      %dma_start3A_396 = tpu.memref_squeeze %dma_start3A_395 : memref<1x10000x128xf32, #tpu.memory_space<hbm>> -> memref<10000x128xf32, #tpu.memory_space<hbm>>
      %dma_start3A_397 = arith.constant 0 : i32
      %dma_start3A_398 = arith.constant 0 : i32
      %dma_start3A_399 = tpu.memref_slice %dma_start3A_396[%dma_start3A_397, %dma_start3A_398] : memref<10000x128xf32, #tpu.memory_space<hbm>> -> memref<10000x128xf32, #tpu.memory_space<hbm>>
      tpu.enqueue_indirect_dma source(%dma_start3A_399 : memref<10000x128xf32, #tpu.memory_space<hbm>>) target(%dma_start3A_391 : memref<128x128xf32, #tpu.memory_space<vmem>>) offsets(%dma_start3A_392 : memref<128xi32, #tpu.memory_space<vmem>>) semaphore(%arg11 : memref<!tpu.dma_semaphore, #tpu.memory_space<semaphore_mem>>)
      %dma_wait3A_400 = arith.constant 1 : i32
      %dma_wait3A_401 = arith.constant 0 : i32
      %dma_wait3A_402 = tpu.memref_slice %arg7[%dma_wait3A_400, %dma_wait3A_401] : memref<2x128xi32, #tpu.memory_space<vmem>> -> memref<1x128xi32, #tpu.memory_space<vmem>>
      %dma_wait3A_403 = tpu.memref_squeeze %dma_wait3A_402 : memref<1x128xi32, #tpu.memory_space<vmem>> -> memref<128xi32, #tpu.memory_space<vmem>>
      %dma_wait3A_404 = arith.constant 0 : i32
      %dma_wait3A_405 = tpu.memref_slice %arg4[%dma_wait3A_404] : memref<385024xi32, #tpu.memory_space<hbm>> -> memref<128xi32, #tpu.memory_space<hbm>>
      %dma_wait3A_406 = arith.constant 0 : i32
      %dma_wait3A_407 = tpu.memref_slice %arg7[%dma_wait3A_400, %dma_wait3A_406] : memref<2x128xi32, #tpu.memory_space<vmem>> -> memref<1x128xi32, #tpu.memory_space<vmem>>
      %dma_wait3A_408 = tpu.memref_squeeze %dma_wait3A_407 : memref<1x128xi32, #tpu.memory_space<vmem>> -> memref<128xi32, #tpu.memory_space<vmem>>
      %dma_wait3A_409 = arith.constant 0 : i32
      %dma_wait3A_410 = tpu.memref_slice %arg4[%dma_wait3A_409] : memref<385024xi32, #tpu.memory_space<hbm>> -> memref<128xi32, #tpu.memory_space<hbm>>
      tpu.wait_dma2 semaphore(%arg12 : memref<!tpu.dma_semaphore, #tpu.memory_space<semaphore_mem>>) src(%dma_wait3A_410 : memref<128xi32, #tpu.memory_space<hbm>>) dst(%dma_wait3A_408 : memref<128xi32, #tpu.memory_space<vmem>>)
      %dma_wait3A_411 = arith.constant 1 : i32
      %dma_wait3A_412 = arith.constant 0 : i32
      %dma_wait3A_413 = arith.constant 0 : i32
      %dma_wait3A_414 = tpu.memref_slice %arg8[%dma_wait3A_411, %dma_wait3A_412, %dma_wait3A_413] : memref<2x128x128xf32, #tpu.memory_space<vmem>> -> memref<1x128x128xf32, #tpu.memory_space<vmem>>
      %dma_wait3A_415 = tpu.memref_squeeze %dma_wait3A_414 : memref<1x128x128xf32, #tpu.memory_space<vmem>> -> memref<128x128xf32, #tpu.memory_space<vmem>>
      %dma_wait3A_416 = arith.constant 0 : i32
      %dma_wait3A_417 = arith.constant 0 : i32
      %dma_wait3A_418 = tpu.memref_slice %arg2[%arg0, %dma_wait3A_416, %dma_wait3A_417] : memref<2x10000x128xf32, #tpu.memory_space<hbm>> -> memref<1x10000x128xf32, #tpu.memory_space<hbm>>
      %dma_wait3A_419 = tpu.memref_squeeze %dma_wait3A_418 : memref<1x10000x128xf32, #tpu.memory_space<hbm>> -> memref<10000x128xf32, #tpu.memory_space<hbm>>
      %dma_wait3A_420 = arith.constant 0 : i32
      %dma_wait3A_421 = arith.constant 0 : i32
      %dma_wait3A_422 = tpu.memref_slice %dma_wait3A_419[%dma_wait3A_420, %dma_wait3A_421] : memref<10000x128xf32, #tpu.memory_space<hbm>> -> memref<128x128xf32, #tpu.memory_space<hbm>>
      %dma_wait3A_423 = arith.constant 0 : i32
      %dma_wait3A_424 = arith.constant 0 : i32
      %dma_wait3A_425 = tpu.memref_slice %arg8[%dma_wait3A_411, %dma_wait3A_423, %dma_wait3A_424] : memref<2x128x128xf32, #tpu.memory_space<vmem>> -> memref<1x128x128xf32, #tpu.memory_space<vmem>>
      %dma_wait3A_426 = tpu.memref_squeeze %dma_wait3A_425 : memref<1x128x128xf32, #tpu.memory_space<vmem>> -> memref<128x128xf32, #tpu.memory_space<vmem>>
      %dma_wait3A_427 = arith.constant 0 : i32
      %dma_wait3A_428 = arith.constant 0 : i32
      %dma_wait3A_429 = tpu.memref_slice %arg2[%arg0, %dma_wait3A_427, %dma_wait3A_428] : memref<2x10000x128xf32, #tpu.memory_space<hbm>> -> memref<1x10000x128xf32, #tpu.memory_space<hbm>>
      %dma_wait3A_430 = tpu.memref_squeeze %dma_wait3A_429 : memref<1x10000x128xf32, #tpu.memory_space<hbm>> -> memref<10000x128xf32, #tpu.memory_space<hbm>>
      %dma_wait3A_431 = arith.constant 0 : i32
      %dma_wait3A_432 = arith.constant 0 : i32
      %dma_wait3A_433 = tpu.memref_slice %dma_wait3A_430[%dma_wait3A_431, %dma_wait3A_432] : memref<10000x128xf32, #tpu.memory_space<hbm>> -> memref<128x128xf32, #tpu.memory_space<hbm>>
      tpu.wait_dma2 semaphore(%arg11 : memref<!tpu.dma_semaphore, #tpu.memory_space<semaphore_mem>>) src(%dma_wait3A_433 : memref<128x128xf32, #tpu.memory_space<hbm>>) dst(%dma_wait3A_426 : memref<128x128xf32, #tpu.memory_space<vmem>>)
      %run_scoped3A_434 = arith.constant 1 : i32
      %run_scoped3A_435 = arith.constant 1 : i32
      "tpu.region"() ({
        %run_scoped3A_436 = tpu.sem_alloc : memref<!tpu.dma_semaphore, #tpu.memory_space<semaphore_mem>>
        %dma_start3A_437 = arith.constant 0 : i32
        %dma_start3A_438 = arith.constant 0 : i32
        %dma_start3A_439 = tpu.memref_slice %arg8[%run_scoped3A_434, %dma_start3A_437, %dma_start3A_438] : memref<2x128x128xf32, #tpu.memory_space<vmem>> -> memref<1x128x128xf32, #tpu.memory_space<vmem>>
        %dma_start3A_440 = tpu.memref_squeeze %dma_start3A_439 : memref<1x128x128xf32, #tpu.memory_space<vmem>> -> memref<128x128xf32, #tpu.memory_space<vmem>>
        %dma_start3A_441 = arith.constant 0 : i32
        %dma_start3A_442 = tpu.memref_slice %arg7[%run_scoped3A_435, %dma_start3A_441] : memref<2x128xi32, #tpu.memory_space<vmem>> -> memref<1x128xi32, #tpu.memory_space<vmem>>
        %dma_start3A_443 = tpu.memref_squeeze %dma_start3A_442 : memref<1x128xi32, #tpu.memory_space<vmem>> -> memref<128xi32, #tpu.memory_space<vmem>>
        %dma_start3A_444 = arith.constant 0 : i32
        %dma_start3A_445 = arith.constant 0 : i32
        %dma_start3A_446 = tpu.memref_slice %arg10[%dma_start3A_444, %dma_start3A_445] : memref<5248x128xf32, #tpu.memory_space<vmem_shared>> -> memref<5248x128xf32, #tpu.memory_space<vmem_shared>>
        tpu.enqueue_indirect_dma source(%dma_start3A_440 : memref<128x128xf32, #tpu.memory_space<vmem>>) target(%dma_start3A_446 : memref<5248x128xf32, #tpu.memory_space<vmem_shared>>) offsets(%dma_start3A_443 : memref<128xi32, #tpu.memory_space<vmem>>) semaphore(%run_scoped3A_436 : memref<!tpu.dma_semaphore, #tpu.memory_space<semaphore_mem>>) {add = true}
        %dma_wait3A_447 = arith.constant 0 : i32
        %dma_wait3A_448 = arith.constant 0 : i32
        %dma_wait3A_449 = tpu.memref_slice %arg8[%run_scoped3A_434, %dma_wait3A_447, %dma_wait3A_448] : memref<2x128x128xf32, #tpu.memory_space<vmem>> -> memref<1x128x128xf32, #tpu.memory_space<vmem>>
        %dma_wait3A_450 = tpu.memref_squeeze %dma_wait3A_449 : memref<1x128x128xf32, #tpu.memory_space<vmem>> -> memref<128x128xf32, #tpu.memory_space<vmem>>
        %dma_wait3A_451 = arith.constant 0 : i32
        %dma_wait3A_452 = tpu.memref_slice %arg7[%run_scoped3A_435, %dma_wait3A_451] : memref<2x128xi32, #tpu.memory_space<vmem>> -> memref<1x128xi32, #tpu.memory_space<vmem>>
        %dma_wait3A_453 = tpu.memref_squeeze %dma_wait3A_452 : memref<1x128xi32, #tpu.memory_space<vmem>> -> memref<128xi32, #tpu.memory_space<vmem>>
        %dma_wait3A_454 = arith.constant 0 : i32
        %dma_wait3A_455 = arith.constant 0 : i32
        %dma_wait3A_456 = tpu.memref_slice %arg10[%dma_wait3A_454, %dma_wait3A_455] : memref<5248x128xf32, #tpu.memory_space<vmem_shared>> -> memref<5248x128xf32, #tpu.memory_space<vmem_shared>>
        tpu.wait_indirect_dma semaphore(%run_scoped3A_436 : memref<!tpu.dma_semaphore, #tpu.memory_space<semaphore_mem>>) src(%dma_wait3A_450 : memref<128x128xf32, #tpu.memory_space<vmem>>) dst(%dma_wait3A_456 : memref<5248x128xf32, #tpu.memory_space<vmem_shared>>)
        tpu.yield
      }) : () -> ()
    }
    %scan3A_38 = arith.constant 46 : i32
    %mul3A_39 = arith.constant 12032 : i32
    %mul3A_40 = arith.muli %mul3A_4, %mul3A_39 : i32
    %add3A_41 = arith.constant 11904 : i32
    %add3A_42 = arith.addi %mul3A_40, %add3A_41 : i32
    %dma_start3A_43 = arith.constant 1 : i32
    %dma_start3A_44 = arith.constant 0 : i32
    %dma_start3A_45 = tpu.memref_slice %arg7[%dma_start3A_43, %dma_start3A_44] : memref<2x128xi32, #tpu.memory_space<vmem>> -> memref<1x128xi32, #tpu.memory_space<vmem>>
    %dma_start3A_46 = tpu.memref_squeeze %dma_start3A_45 : memref<1x128xi32, #tpu.memory_space<vmem>> -> memref<128xi32, #tpu.memory_space<vmem>>
    %dma_start3A_47 = tpu.memref_slice %arg4[%add3A_42] : memref<385024xi32, #tpu.memory_space<hbm>> -> memref<128xi32, #tpu.memory_space<hbm>>
    %dma_start3A_48 = arith.constant 0 : i32
    %dma_start3A_49 = tpu.memref_slice %arg7[%dma_start3A_43, %dma_start3A_48] : memref<2x128xi32, #tpu.memory_space<vmem>> -> memref<1x128xi32, #tpu.memory_space<vmem>>
    %dma_start3A_50 = tpu.memref_squeeze %dma_start3A_49 : memref<1x128xi32, #tpu.memory_space<vmem>> -> memref<128xi32, #tpu.memory_space<vmem>>
    %dma_start3A_51 = tpu.memref_slice %arg4[%add3A_42] : memref<385024xi32, #tpu.memory_space<hbm>> -> memref<128xi32, #tpu.memory_space<hbm>>
    tpu.enqueue_dma source(%dma_start3A_51 : memref<128xi32, #tpu.memory_space<hbm>>) target(%dma_start3A_50 : memref<128xi32, #tpu.memory_space<vmem>>) target_semaphore(%arg12 : memref<!tpu.dma_semaphore, #tpu.memory_space<semaphore_mem>>)
    %dma_start3A_52 = arith.constant 1 : i32
    %dma_start3A_53 = arith.constant 0 : i32
    %dma_start3A_54 = arith.constant 0 : i32
    %dma_start3A_55 = tpu.memref_slice %arg8[%dma_start3A_52, %dma_start3A_53, %dma_start3A_54] : memref<2x128x128xf32, #tpu.memory_space<vmem>> -> memref<1x128x128xf32, #tpu.memory_space<vmem>>
    %dma_start3A_56 = tpu.memref_squeeze %dma_start3A_55 : memref<1x128x128xf32, #tpu.memory_space<vmem>> -> memref<128x128xf32, #tpu.memory_space<vmem>>
    %dma_start3A_57 = arith.constant 11904 : i32
    %dma_start3A_58 = tpu.memref_slice %arg6[%dma_start3A_57] : memref<12032xi32, #tpu.memory_space<vmem>> -> memref<128xi32, #tpu.memory_space<vmem>>
    %dma_start3A_59 = arith.constant 0 : i32
    %dma_start3A_60 = arith.constant 0 : i32
    %dma_start3A_61 = tpu.memref_slice %arg2[%arg0, %dma_start3A_59, %dma_start3A_60] : memref<2x10000x128xf32, #tpu.memory_space<hbm>> -> memref<1x10000x128xf32, #tpu.memory_space<hbm>>
    %dma_start3A_62 = tpu.memref_squeeze %dma_start3A_61 : memref<1x10000x128xf32, #tpu.memory_space<hbm>> -> memref<10000x128xf32, #tpu.memory_space<hbm>>
    %dma_start3A_63 = arith.constant 0 : i32
    %dma_start3A_64 = arith.constant 0 : i32
    %dma_start3A_65 = tpu.memref_slice %dma_start3A_62[%dma_start3A_63, %dma_start3A_64] : memref<10000x128xf32, #tpu.memory_space<hbm>> -> memref<10000x128xf32, #tpu.memory_space<hbm>>
    tpu.enqueue_indirect_dma source(%dma_start3A_65 : memref<10000x128xf32, #tpu.memory_space<hbm>>) target(%dma_start3A_56 : memref<128x128xf32, #tpu.memory_space<vmem>>) offsets(%dma_start3A_58 : memref<128xi32, #tpu.memory_space<vmem>>) semaphore(%arg11 : memref<!tpu.dma_semaphore, #tpu.memory_space<semaphore_mem>>)
    %dma_wait3A = arith.constant 0 : i32
    %dma_wait3A_66 = arith.constant 0 : i32
    %dma_wait3A_67 = tpu.memref_slice %arg7[%dma_wait3A, %dma_wait3A_66] : memref<2x128xi32, #tpu.memory_space<vmem>> -> memref<1x128xi32, #tpu.memory_space<vmem>>
    %dma_wait3A_68 = tpu.memref_squeeze %dma_wait3A_67 : memref<1x128xi32, #tpu.memory_space<vmem>> -> memref<128xi32, #tpu.memory_space<vmem>>
    %dma_wait3A_69 = arith.constant 0 : i32
    %dma_wait3A_70 = tpu.memref_slice %arg4[%dma_wait3A_69] : memref<385024xi32, #tpu.memory_space<hbm>> -> memref<128xi32, #tpu.memory_space<hbm>>
    %dma_wait3A_71 = arith.constant 0 : i32
    %dma_wait3A_72 = tpu.memref_slice %arg7[%dma_wait3A, %dma_wait3A_71] : memref<2x128xi32, #tpu.memory_space<vmem>> -> memref<1x128xi32, #tpu.memory_space<vmem>>
    %dma_wait3A_73 = tpu.memref_squeeze %dma_wait3A_72 : memref<1x128xi32, #tpu.memory_space<vmem>> -> memref<128xi32, #tpu.memory_space<vmem>>
    %dma_wait3A_74 = arith.constant 0 : i32
    %dma_wait3A_75 = tpu.memref_slice %arg4[%dma_wait3A_74] : memref<385024xi32, #tpu.memory_space<hbm>> -> memref<128xi32, #tpu.memory_space<hbm>>
    tpu.wait_dma2 semaphore(%arg12 : memref<!tpu.dma_semaphore, #tpu.memory_space<semaphore_mem>>) src(%dma_wait3A_75 : memref<128xi32, #tpu.memory_space<hbm>>) dst(%dma_wait3A_73 : memref<128xi32, #tpu.memory_space<vmem>>)
    %dma_wait3A_76 = arith.constant 0 : i32
    %dma_wait3A_77 = arith.constant 0 : i32
    %dma_wait3A_78 = arith.constant 0 : i32
    %dma_wait3A_79 = tpu.memref_slice %arg8[%dma_wait3A_76, %dma_wait3A_77, %dma_wait3A_78] : memref<2x128x128xf32, #tpu.memory_space<vmem>> -> memref<1x128x128xf32, #tpu.memory_space<vmem>>
    %dma_wait3A_80 = tpu.memref_squeeze %dma_wait3A_79 : memref<1x128x128xf32, #tpu.memory_space<vmem>> -> memref<128x128xf32, #tpu.memory_space<vmem>>
    %dma_wait3A_81 = arith.constant 0 : i32
    %dma_wait3A_82 = arith.constant 0 : i32
    %dma_wait3A_83 = tpu.memref_slice %arg2[%arg0, %dma_wait3A_81, %dma_wait3A_82] : memref<2x10000x128xf32, #tpu.memory_space<hbm>> -> memref<1x10000x128xf32, #tpu.memory_space<hbm>>
    %dma_wait3A_84 = tpu.memref_squeeze %dma_wait3A_83 : memref<1x10000x128xf32, #tpu.memory_space<hbm>> -> memref<10000x128xf32, #tpu.memory_space<hbm>>
    %dma_wait3A_85 = arith.constant 0 : i32
    %dma_wait3A_86 = arith.constant 0 : i32
    %dma_wait3A_87 = tpu.memref_slice %dma_wait3A_84[%dma_wait3A_85, %dma_wait3A_86] : memref<10000x128xf32, #tpu.memory_space<hbm>> -> memref<128x128xf32, #tpu.memory_space<hbm>>
    %dma_wait3A_88 = arith.constant 0 : i32
    %dma_wait3A_89 = arith.constant 0 : i32
    %dma_wait3A_90 = tpu.memref_slice %arg8[%dma_wait3A_76, %dma_wait3A_88, %dma_wait3A_89] : memref<2x128x128xf32, #tpu.memory_space<vmem>> -> memref<1x128x128xf32, #tpu.memory_space<vmem>>
    %dma_wait3A_91 = tpu.memref_squeeze %dma_wait3A_90 : memref<1x128x128xf32, #tpu.memory_space<vmem>> -> memref<128x128xf32, #tpu.memory_space<vmem>>
    %dma_wait3A_92 = arith.constant 0 : i32
    %dma_wait3A_93 = arith.constant 0 : i32
    %dma_wait3A_94 = tpu.memref_slice %arg2[%arg0, %dma_wait3A_92, %dma_wait3A_93] : memref<2x10000x128xf32, #tpu.memory_space<hbm>> -> memref<1x10000x128xf32, #tpu.memory_space<hbm>>
    %dma_wait3A_95 = tpu.memref_squeeze %dma_wait3A_94 : memref<1x10000x128xf32, #tpu.memory_space<hbm>> -> memref<10000x128xf32, #tpu.memory_space<hbm>>
    %dma_wait3A_96 = arith.constant 0 : i32
    %dma_wait3A_97 = arith.constant 0 : i32
    %dma_wait3A_98 = tpu.memref_slice %dma_wait3A_95[%dma_wait3A_96, %dma_wait3A_97] : memref<10000x128xf32, #tpu.memory_space<hbm>> -> memref<128x128xf32, #tpu.memory_space<hbm>>
    tpu.wait_dma2 semaphore(%arg11 : memref<!tpu.dma_semaphore, #tpu.memory_space<semaphore_mem>>) src(%dma_wait3A_98 : memref<128x128xf32, #tpu.memory_space<hbm>>) dst(%dma_wait3A_91 : memref<128x128xf32, #tpu.memory_space<vmem>>)
    %run_scoped3A = arith.constant 0 : i32
    %run_scoped3A_99 = arith.constant 0 : i32
    "tpu.region"() ({
      %run_scoped3A_297 = tpu.sem_alloc : memref<!tpu.dma_semaphore, #tpu.memory_space<semaphore_mem>>
      %dma_start3A_298 = arith.constant 0 : i32
      %dma_start3A_299 = arith.constant 0 : i32
      %dma_start3A_300 = tpu.memref_slice %arg8[%run_scoped3A, %dma_start3A_298, %dma_start3A_299] : memref<2x128x128xf32, #tpu.memory_space<vmem>> -> memref<1x128x128xf32, #tpu.memory_space<vmem>>
      %dma_start3A_301 = tpu.memref_squeeze %dma_start3A_300 : memref<1x128x128xf32, #tpu.memory_space<vmem>> -> memref<128x128xf32, #tpu.memory_space<vmem>>
      %dma_start3A_302 = arith.constant 0 : i32
      %dma_start3A_303 = tpu.memref_slice %arg7[%run_scoped3A_99, %dma_start3A_302] : memref<2x128xi32, #tpu.memory_space<vmem>> -> memref<1x128xi32, #tpu.memory_space<vmem>>
      %dma_start3A_304 = tpu.memref_squeeze %dma_start3A_303 : memref<1x128xi32, #tpu.memory_space<vmem>> -> memref<128xi32, #tpu.memory_space<vmem>>
      %dma_start3A_305 = arith.constant 0 : i32
      %dma_start3A_306 = arith.constant 0 : i32
      %dma_start3A_307 = tpu.memref_slice %arg10[%dma_start3A_305, %dma_start3A_306] : memref<5248x128xf32, #tpu.memory_space<vmem_shared>> -> memref<5248x128xf32, #tpu.memory_space<vmem_shared>>
      tpu.enqueue_indirect_dma source(%dma_start3A_301 : memref<128x128xf32, #tpu.memory_space<vmem>>) target(%dma_start3A_307 : memref<5248x128xf32, #tpu.memory_space<vmem_shared>>) offsets(%dma_start3A_304 : memref<128xi32, #tpu.memory_space<vmem>>) semaphore(%run_scoped3A_297 : memref<!tpu.dma_semaphore, #tpu.memory_space<semaphore_mem>>) {add = true}
      %dma_wait3A_308 = arith.constant 0 : i32
      %dma_wait3A_309 = arith.constant 0 : i32
      %dma_wait3A_310 = tpu.memref_slice %arg8[%run_scoped3A, %dma_wait3A_308, %dma_wait3A_309] : memref<2x128x128xf32, #tpu.memory_space<vmem>> -> memref<1x128x128xf32, #tpu.memory_space<vmem>>
      %dma_wait3A_311 = tpu.memref_squeeze %dma_wait3A_310 : memref<1x128x128xf32, #tpu.memory_space<vmem>> -> memref<128x128xf32, #tpu.memory_space<vmem>>
      %dma_wait3A_312 = arith.constant 0 : i32
      %dma_wait3A_313 = tpu.memref_slice %arg7[%run_scoped3A_99, %dma_wait3A_312] : memref<2x128xi32, #tpu.memory_space<vmem>> -> memref<1x128xi32, #tpu.memory_space<vmem>>
      %dma_wait3A_314 = tpu.memref_squeeze %dma_wait3A_313 : memref<1x128xi32, #tpu.memory_space<vmem>> -> memref<128xi32, #tpu.memory_space<vmem>>
      %dma_wait3A_315 = arith.constant 0 : i32
      %dma_wait3A_316 = arith.constant 0 : i32
      %dma_wait3A_317 = tpu.memref_slice %arg10[%dma_wait3A_315, %dma_wait3A_316] : memref<5248x128xf32, #tpu.memory_space<vmem_shared>> -> memref<5248x128xf32, #tpu.memory_space<vmem_shared>>
      tpu.wait_indirect_dma semaphore(%run_scoped3A_297 : memref<!tpu.dma_semaphore, #tpu.memory_space<semaphore_mem>>) src(%dma_wait3A_311 : memref<128x128xf32, #tpu.memory_space<vmem>>) dst(%dma_wait3A_317 : memref<5248x128xf32, #tpu.memory_space<vmem_shared>>)
      tpu.yield
    }) : () -> ()
    %dma_wait3A_100 = arith.constant 1 : i32
    %dma_wait3A_101 = arith.constant 0 : i32
    %dma_wait3A_102 = tpu.memref_slice %arg7[%dma_wait3A_100, %dma_wait3A_101] : memref<2x128xi32, #tpu.memory_space<vmem>> -> memref<1x128xi32, #tpu.memory_space<vmem>>
    %dma_wait3A_103 = tpu.memref_squeeze %dma_wait3A_102 : memref<1x128xi32, #tpu.memory_space<vmem>> -> memref<128xi32, #tpu.memory_space<vmem>>
    %dma_wait3A_104 = arith.constant 0 : i32
    %dma_wait3A_105 = tpu.memref_slice %arg4[%dma_wait3A_104] : memref<385024xi32, #tpu.memory_space<hbm>> -> memref<128xi32, #tpu.memory_space<hbm>>
    %dma_wait3A_106 = arith.constant 0 : i32
    %dma_wait3A_107 = tpu.memref_slice %arg7[%dma_wait3A_100, %dma_wait3A_106] : memref<2x128xi32, #tpu.memory_space<vmem>> -> memref<1x128xi32, #tpu.memory_space<vmem>>
    %dma_wait3A_108 = tpu.memref_squeeze %dma_wait3A_107 : memref<1x128xi32, #tpu.memory_space<vmem>> -> memref<128xi32, #tpu.memory_space<vmem>>
    %dma_wait3A_109 = arith.constant 0 : i32
    %dma_wait3A_110 = tpu.memref_slice %arg4[%dma_wait3A_109] : memref<385024xi32, #tpu.memory_space<hbm>> -> memref<128xi32, #tpu.memory_space<hbm>>
    tpu.wait_dma2 semaphore(%arg12 : memref<!tpu.dma_semaphore, #tpu.memory_space<semaphore_mem>>) src(%dma_wait3A_110 : memref<128xi32, #tpu.memory_space<hbm>>) dst(%dma_wait3A_108 : memref<128xi32, #tpu.memory_space<vmem>>)
    %dma_wait3A_111 = arith.constant 1 : i32
    %dma_wait3A_112 = arith.constant 0 : i32
    %dma_wait3A_113 = arith.constant 0 : i32
    %dma_wait3A_114 = tpu.memref_slice %arg8[%dma_wait3A_111, %dma_wait3A_112, %dma_wait3A_113] : memref<2x128x128xf32, #tpu.memory_space<vmem>> -> memref<1x128x128xf32, #tpu.memory_space<vmem>>
    %dma_wait3A_115 = tpu.memref_squeeze %dma_wait3A_114 : memref<1x128x128xf32, #tpu.memory_space<vmem>> -> memref<128x128xf32, #tpu.memory_space<vmem>>
    %dma_wait3A_116 = arith.constant 0 : i32
    %dma_wait3A_117 = arith.constant 0 : i32
    %dma_wait3A_118 = tpu.memref_slice %arg2[%arg0, %dma_wait3A_116, %dma_wait3A_117] : memref<2x10000x128xf32, #tpu.memory_space<hbm>> -> memref<1x10000x128xf32, #tpu.memory_space<hbm>>
    %dma_wait3A_119 = tpu.memref_squeeze %dma_wait3A_118 : memref<1x10000x128xf32, #tpu.memory_space<hbm>> -> memref<10000x128xf32, #tpu.memory_space<hbm>>
    %dma_wait3A_120 = arith.constant 0 : i32
    %dma_wait3A_121 = arith.constant 0 : i32
    %dma_wait3A_122 = tpu.memref_slice %dma_wait3A_119[%dma_wait3A_120, %dma_wait3A_121] : memref<10000x128xf32, #tpu.memory_space<hbm>> -> memref<128x128xf32, #tpu.memory_space<hbm>>
    %dma_wait3A_123 = arith.constant 0 : i32
    %dma_wait3A_124 = arith.constant 0 : i32
    %dma_wait3A_125 = tpu.memref_slice %arg8[%dma_wait3A_111, %dma_wait3A_123, %dma_wait3A_124] : memref<2x128x128xf32, #tpu.memory_space<vmem>> -> memref<1x128x128xf32, #tpu.memory_space<vmem>>
    %dma_wait3A_126 = tpu.memref_squeeze %dma_wait3A_125 : memref<1x128x128xf32, #tpu.memory_space<vmem>> -> memref<128x128xf32, #tpu.memory_space<vmem>>
    %dma_wait3A_127 = arith.constant 0 : i32
    %dma_wait3A_128 = arith.constant 0 : i32
    %dma_wait3A_129 = tpu.memref_slice %arg2[%arg0, %dma_wait3A_127, %dma_wait3A_128] : memref<2x10000x128xf32, #tpu.memory_space<hbm>> -> memref<1x10000x128xf32, #tpu.memory_space<hbm>>
    %dma_wait3A_130 = tpu.memref_squeeze %dma_wait3A_129 : memref<1x10000x128xf32, #tpu.memory_space<hbm>> -> memref<10000x128xf32, #tpu.memory_space<hbm>>
    %dma_wait3A_131 = arith.constant 0 : i32
    %dma_wait3A_132 = arith.constant 0 : i32
    %dma_wait3A_133 = tpu.memref_slice %dma_wait3A_130[%dma_wait3A_131, %dma_wait3A_132] : memref<10000x128xf32, #tpu.memory_space<hbm>> -> memref<128x128xf32, #tpu.memory_space<hbm>>
    tpu.wait_dma2 semaphore(%arg11 : memref<!tpu.dma_semaphore, #tpu.memory_space<semaphore_mem>>) src(%dma_wait3A_133 : memref<128x128xf32, #tpu.memory_space<hbm>>) dst(%dma_wait3A_126 : memref<128x128xf32, #tpu.memory_space<vmem>>)
    %run_scoped3A_134 = arith.constant 1 : i32
    %run_scoped3A_135 = arith.constant 1 : i32
    "tpu.region"() ({
      %run_scoped3A_297 = tpu.sem_alloc : memref<!tpu.dma_semaphore, #tpu.memory_space<semaphore_mem>>
      %dma_start3A_298 = arith.constant 0 : i32
      %dma_start3A_299 = arith.constant 0 : i32
      %dma_start3A_300 = tpu.memref_slice %arg8[%run_scoped3A_134, %dma_start3A_298, %dma_start3A_299] : memref<2x128x128xf32, #tpu.memory_space<vmem>> -> memref<1x128x128xf32, #tpu.memory_space<vmem>>
      %dma_start3A_301 = tpu.memref_squeeze %dma_start3A_300 : memref<1x128x128xf32, #tpu.memory_space<vmem>> -> memref<128x128xf32, #tpu.memory_space<vmem>>
      %dma_start3A_302 = arith.constant 0 : i32
      %dma_start3A_303 = tpu.memref_slice %arg7[%run_scoped3A_135, %dma_start3A_302] : memref<2x128xi32, #tpu.memory_space<vmem>> -> memref<1x128xi32, #tpu.memory_space<vmem>>
      %dma_start3A_304 = tpu.memref_squeeze %dma_start3A_303 : memref<1x128xi32, #tpu.memory_space<vmem>> -> memref<128xi32, #tpu.memory_space<vmem>>
      %dma_start3A_305 = arith.constant 0 : i32
      %dma_start3A_306 = arith.constant 0 : i32
      %dma_start3A_307 = tpu.memref_slice %arg10[%dma_start3A_305, %dma_start3A_306] : memref<5248x128xf32, #tpu.memory_space<vmem_shared>> -> memref<5248x128xf32, #tpu.memory_space<vmem_shared>>
      tpu.enqueue_indirect_dma source(%dma_start3A_301 : memref<128x128xf32, #tpu.memory_space<vmem>>) target(%dma_start3A_307 : memref<5248x128xf32, #tpu.memory_space<vmem_shared>>) offsets(%dma_start3A_304 : memref<128xi32, #tpu.memory_space<vmem>>) semaphore(%run_scoped3A_297 : memref<!tpu.dma_semaphore, #tpu.memory_space<semaphore_mem>>) {add = true}
      %dma_wait3A_308 = arith.constant 0 : i32
      %dma_wait3A_309 = arith.constant 0 : i32
      %dma_wait3A_310 = tpu.memref_slice %arg8[%run_scoped3A_134, %dma_wait3A_308, %dma_wait3A_309] : memref<2x128x128xf32, #tpu.memory_space<vmem>> -> memref<1x128x128xf32, #tpu.memory_space<vmem>>
      %dma_wait3A_311 = tpu.memref_squeeze %dma_wait3A_310 : memref<1x128x128xf32, #tpu.memory_space<vmem>> -> memref<128x128xf32, #tpu.memory_space<vmem>>
      %dma_wait3A_312 = arith.constant 0 : i32
      %dma_wait3A_313 = tpu.memref_slice %arg7[%run_scoped3A_135, %dma_wait3A_312] : memref<2x128xi32, #tpu.memory_space<vmem>> -> memref<1x128xi32, #tpu.memory_space<vmem>>
      %dma_wait3A_314 = tpu.memref_squeeze %dma_wait3A_313 : memref<1x128xi32, #tpu.memory_space<vmem>> -> memref<128xi32, #tpu.memory_space<vmem>>
      %dma_wait3A_315 = arith.constant 0 : i32
      %dma_wait3A_316 = arith.constant 0 : i32
      %dma_wait3A_317 = tpu.memref_slice %arg10[%dma_wait3A_315, %dma_wait3A_316] : memref<5248x128xf32, #tpu.memory_space<vmem_shared>> -> memref<5248x128xf32, #tpu.memory_space<vmem_shared>>
      tpu.wait_indirect_dma semaphore(%run_scoped3A_297 : memref<!tpu.dma_semaphore, #tpu.memory_space<semaphore_mem>>) src(%dma_wait3A_311 : memref<128x128xf32, #tpu.memory_space<vmem>>) dst(%dma_wait3A_317 : memref<5248x128xf32, #tpu.memory_space<vmem_shared>>)
      tpu.yield
    }) : () -> ()
    %mul3A_136 = arith.constant 2 : i32
    %mul3A_137 = arith.muli %mul3A_136, %arg1 : i32
    %lt3A = arith.constant 31 : i32
    %lt3A_138 = arith.cmpi slt, %mul3A_137, %lt3A : i32
    %convert_element_type3A = arith.extui %lt3A_138 : i1 to i32
    %cond3A = arith.constant 0 : i32
    %cond3A_139 = arith.cmpi ne, %convert_element_type3A, %cond3A : i32
    scf.if %cond3A_139 {
      %mul3A_297 = arith.constant 328 : i32
      %mul3A_298 = arith.muli %arg1, %mul3A_297 : i32
      %mul3A_299 = arith.constant 320 : i32
      %mul3A_300 = arith.muli %mul3A_137, %mul3A_299 : i32
      "tpu.region"() ({
        %run_scoped3A_301 = tpu.sem_alloc : memref<!tpu.dma_semaphore, #tpu.memory_space<semaphore_mem>>
        %dma_start3A_302 = arith.constant 0 : i32
        %dma_start3A_303 = tpu.memref_slice %arg5[%arg0, %mul3A_300, %dma_start3A_302] : memref<2x10000x128xf32, #tpu.memory_space<hbm>> -> memref<1x320x128xf32, #tpu.memory_space<hbm>>
        %dma_start3A_304 = tpu.memref_squeeze %dma_start3A_303 : memref<1x320x128xf32, #tpu.memory_space<hbm>> -> memref<320x128xf32, #tpu.memory_space<hbm>>
        %dma_start3A_305 = arith.constant 0 : i32
        %dma_start3A_306 = tpu.memref_slice %arg10[%mul3A_298, %dma_start3A_305] : memref<5248x128xf32, #tpu.memory_space<vmem_shared>> -> memref<320x128xf32, #tpu.memory_space<vmem_shared>>
        tpu.enqueue_dma source(%dma_start3A_306 : memref<320x128xf32, #tpu.memory_space<vmem_shared>>) target(%dma_start3A_304 : memref<320x128xf32, #tpu.memory_space<hbm>>) target_semaphore(%run_scoped3A_301 : memref<!tpu.dma_semaphore, #tpu.memory_space<semaphore_mem>>)
        %dma_wait3A_307 = arith.constant 0 : i32
        %dma_wait3A_308 = tpu.memref_slice %arg5[%arg0, %mul3A_300, %dma_wait3A_307] : memref<2x10000x128xf32, #tpu.memory_space<hbm>> -> memref<1x320x128xf32, #tpu.memory_space<hbm>>
        %dma_wait3A_309 = tpu.memref_squeeze %dma_wait3A_308 : memref<1x320x128xf32, #tpu.memory_space<hbm>> -> memref<320x128xf32, #tpu.memory_space<hbm>>
        %dma_wait3A_310 = arith.constant 0 : i32
        %dma_wait3A_311 = tpu.memref_slice %arg10[%mul3A_298, %dma_wait3A_310] : memref<5248x128xf32, #tpu.memory_space<vmem_shared>> -> memref<320x128xf32, #tpu.memory_space<vmem_shared>>
        tpu.wait_dma2 semaphore(%run_scoped3A_301 : memref<!tpu.dma_semaphore, #tpu.memory_space<semaphore_mem>>) src(%dma_wait3A_311 : memref<320x128xf32, #tpu.memory_space<vmem_shared>>) dst(%dma_wait3A_309 : memref<320x128xf32, #tpu.memory_space<hbm>>)
        tpu.yield
      }) : () -> ()
    } else {
    }
    %eq3A = arith.constant 31 : i32
    %eq3A_140 = arith.cmpi eq, %mul3A_137, %eq3A : i32
    %convert_element_type3A_141 = arith.extui %eq3A_140 : i1 to i32
    %cond3A_142 = arith.constant 0 : i32
    %cond3A_143 = arith.cmpi ne, %convert_element_type3A_141, %cond3A_142 : i32
    scf.if %cond3A_143 {
      %mul3A_297 = arith.constant 328 : i32
      %mul3A_298 = arith.muli %arg1, %mul3A_297 : i32
      %mul3A_299 = arith.constant 320 : i32
      %mul3A_300 = arith.muli %mul3A_137, %mul3A_299 : i32
      "tpu.region"() ({
        %run_scoped3A_301 = tpu.sem_alloc : memref<!tpu.dma_semaphore, #tpu.memory_space<semaphore_mem>>
        %dma_start3A_302 = arith.constant 0 : i32
        %dma_start3A_303 = tpu.memref_slice %arg5[%arg0, %mul3A_300, %dma_start3A_302] : memref<2x10000x128xf32, #tpu.memory_space<hbm>> -> memref<1x80x128xf32, #tpu.memory_space<hbm>>
        %dma_start3A_304 = tpu.memref_squeeze %dma_start3A_303 : memref<1x80x128xf32, #tpu.memory_space<hbm>> -> memref<80x128xf32, #tpu.memory_space<hbm>>
        %dma_start3A_305 = arith.constant 0 : i32
        %dma_start3A_306 = tpu.memref_slice %arg10[%mul3A_298, %dma_start3A_305] : memref<5248x128xf32, #tpu.memory_space<vmem_shared>> -> memref<80x128xf32, #tpu.memory_space<vmem_shared>>
        tpu.enqueue_dma source(%dma_start3A_306 : memref<80x128xf32, #tpu.memory_space<vmem_shared>>) target(%dma_start3A_304 : memref<80x128xf32, #tpu.memory_space<hbm>>) target_semaphore(%run_scoped3A_301 : memref<!tpu.dma_semaphore, #tpu.memory_space<semaphore_mem>>)
        %dma_wait3A_307 = arith.constant 0 : i32
        %dma_wait3A_308 = tpu.memref_slice %arg5[%arg0, %mul3A_300, %dma_wait3A_307] : memref<2x10000x128xf32, #tpu.memory_space<hbm>> -> memref<1x80x128xf32, #tpu.memory_space<hbm>>
        %dma_wait3A_309 = tpu.memref_squeeze %dma_wait3A_308 : memref<1x80x128xf32, #tpu.memory_space<hbm>> -> memref<80x128xf32, #tpu.memory_space<hbm>>
        %dma_wait3A_310 = arith.constant 0 : i32
        %dma_wait3A_311 = tpu.memref_slice %arg10[%mul3A_298, %dma_wait3A_310] : memref<5248x128xf32, #tpu.memory_space<vmem_shared>> -> memref<80x128xf32, #tpu.memory_space<vmem_shared>>
        tpu.wait_dma2 semaphore(%run_scoped3A_301 : memref<!tpu.dma_semaphore, #tpu.memory_space<semaphore_mem>>) src(%dma_wait3A_311 : memref<80x128xf32, #tpu.memory_space<vmem_shared>>) dst(%dma_wait3A_309 : memref<80x128xf32, #tpu.memory_space<hbm>>)
        tpu.yield
      }) : () -> ()
    } else {
    }
    %mul3A_144 = arith.constant 2 : i32
    %mul3A_145 = arith.muli %mul3A_144, %arg1 : i32
    %add3A_146 = arith.constant 1 : i32
    %add3A_147 = arith.addi %mul3A_145, %add3A_146 : i32
    %mul3A_148 = arith.constant 328 : i32
    %mul3A_149 = arith.muli %arg1, %mul3A_148 : i32
    "tpu.region"() ({
      %run_scoped3A_297 = tpu.sem_alloc : memref<!tpu.dma_semaphore, #tpu.memory_space<semaphore_mem>>
      %dma_start3A_298 = arith.constant 0 : i32
      %dma_start3A_299 = tpu.memref_slice %arg10[%mul3A_149, %dma_start3A_298] : memref<5248x128xf32, #tpu.memory_space<vmem_shared>> -> memref<328x128xf32, #tpu.memory_space<vmem_shared>>
      %dma_start3A_300 = arith.constant 0 : i32
      %dma_start3A_301 = tpu.memref_slice %arg10[%mul3A_149, %dma_start3A_300] : memref<5248x128xf32, #tpu.memory_space<vmem_shared>> -> memref<328x128xf32, #tpu.memory_space<vmem_shared>>
      tpu.enqueue_dma source(%arg9 : memref<328x128xf32, #tpu.memory_space<vmem>>) target(%dma_start3A_301 : memref<328x128xf32, #tpu.memory_space<vmem_shared>>) target_semaphore(%run_scoped3A_297 : memref<!tpu.dma_semaphore, #tpu.memory_space<semaphore_mem>>)
      %dma_wait3A_302 = arith.constant 0 : i32
      %dma_wait3A_303 = tpu.memref_slice %arg10[%mul3A_149, %dma_wait3A_302] : memref<5248x128xf32, #tpu.memory_space<vmem_shared>> -> memref<328x128xf32, #tpu.memory_space<vmem_shared>>
      %dma_wait3A_304 = arith.constant 0 : i32
      %dma_wait3A_305 = tpu.memref_slice %arg10[%mul3A_149, %dma_wait3A_304] : memref<5248x128xf32, #tpu.memory_space<vmem_shared>> -> memref<328x128xf32, #tpu.memory_space<vmem_shared>>
      tpu.wait_dma2 semaphore(%run_scoped3A_297 : memref<!tpu.dma_semaphore, #tpu.memory_space<semaphore_mem>>) src(%arg9 : memref<328x128xf32, #tpu.memory_space<vmem>>) dst(%dma_wait3A_305 : memref<328x128xf32, #tpu.memory_space<vmem_shared>>)
      tpu.yield
    }) : () -> ()
    %mul3A_150 = arith.constant 12032 : i32
    %mul3A_151 = arith.muli %add3A_147, %mul3A_150 : i32
    "tpu.region"() ({
      %run_scoped3A_297 = tpu.sem_alloc : memref<!tpu.dma_semaphore, #tpu.memory_space<semaphore_mem>>
      %dma_start3A_298 = tpu.memref_slice %arg3[%mul3A_151] : memref<385024xi32, #tpu.memory_space<hbm>> -> memref<12032xi32, #tpu.memory_space<hbm>>
      %dma_start3A_299 = tpu.memref_slice %arg3[%mul3A_151] : memref<385024xi32, #tpu.memory_space<hbm>> -> memref<12032xi32, #tpu.memory_space<hbm>>
      tpu.enqueue_dma source(%dma_start3A_299 : memref<12032xi32, #tpu.memory_space<hbm>>) target(%arg6 : memref<12032xi32, #tpu.memory_space<vmem>>) target_semaphore(%run_scoped3A_297 : memref<!tpu.dma_semaphore, #tpu.memory_space<semaphore_mem>>)
      %dma_wait3A_300 = tpu.memref_slice %arg3[%mul3A_151] : memref<385024xi32, #tpu.memory_space<hbm>> -> memref<12032xi32, #tpu.memory_space<hbm>>
      %dma_wait3A_301 = tpu.memref_slice %arg3[%mul3A_151] : memref<385024xi32, #tpu.memory_space<hbm>> -> memref<12032xi32, #tpu.memory_space<hbm>>
      tpu.wait_dma2 semaphore(%run_scoped3A_297 : memref<!tpu.dma_semaphore, #tpu.memory_space<semaphore_mem>>) src(%dma_wait3A_301 : memref<12032xi32, #tpu.memory_space<hbm>>) dst(%arg6 : memref<12032xi32, #tpu.memory_space<vmem>>)
      tpu.yield
    }) : () -> ()
    %mul3A_152 = arith.constant 12032 : i32
    %mul3A_153 = arith.muli %add3A_147, %mul3A_152 : i32
    %add3A_154 = arith.constant 0 : i32
    %add3A_155 = arith.addi %mul3A_153, %add3A_154 : i32
    %dma_start3A_156 = arith.constant 0 : i32
    %dma_start3A_157 = arith.constant 0 : i32
    %dma_start3A_158 = tpu.memref_slice %arg7[%dma_start3A_156, %dma_start3A_157] : memref<2x128xi32, #tpu.memory_space<vmem>> -> memref<1x128xi32, #tpu.memory_space<vmem>>
    %dma_start3A_159 = tpu.memref_squeeze %dma_start3A_158 : memref<1x128xi32, #tpu.memory_space<vmem>> -> memref<128xi32, #tpu.memory_space<vmem>>
    %dma_start3A_160 = tpu.memref_slice %arg4[%add3A_155] : memref<385024xi32, #tpu.memory_space<hbm>> -> memref<128xi32, #tpu.memory_space<hbm>>
    %dma_start3A_161 = arith.constant 0 : i32
    %dma_start3A_162 = tpu.memref_slice %arg7[%dma_start3A_156, %dma_start3A_161] : memref<2x128xi32, #tpu.memory_space<vmem>> -> memref<1x128xi32, #tpu.memory_space<vmem>>
    %dma_start3A_163 = tpu.memref_squeeze %dma_start3A_162 : memref<1x128xi32, #tpu.memory_space<vmem>> -> memref<128xi32, #tpu.memory_space<vmem>>
    %dma_start3A_164 = tpu.memref_slice %arg4[%add3A_155] : memref<385024xi32, #tpu.memory_space<hbm>> -> memref<128xi32, #tpu.memory_space<hbm>>
    tpu.enqueue_dma source(%dma_start3A_164 : memref<128xi32, #tpu.memory_space<hbm>>) target(%dma_start3A_163 : memref<128xi32, #tpu.memory_space<vmem>>) target_semaphore(%arg12 : memref<!tpu.dma_semaphore, #tpu.memory_space<semaphore_mem>>)
    %dma_start3A_165 = arith.constant 0 : i32
    %dma_start3A_166 = arith.constant 0 : i32
    %dma_start3A_167 = arith.constant 0 : i32
    %dma_start3A_168 = tpu.memref_slice %arg8[%dma_start3A_165, %dma_start3A_166, %dma_start3A_167] : memref<2x128x128xf32, #tpu.memory_space<vmem>> -> memref<1x128x128xf32, #tpu.memory_space<vmem>>
    %dma_start3A_169 = tpu.memref_squeeze %dma_start3A_168 : memref<1x128x128xf32, #tpu.memory_space<vmem>> -> memref<128x128xf32, #tpu.memory_space<vmem>>
    %dma_start3A_170 = arith.constant 0 : i32
    %dma_start3A_171 = tpu.memref_slice %arg6[%dma_start3A_170] : memref<12032xi32, #tpu.memory_space<vmem>> -> memref<128xi32, #tpu.memory_space<vmem>>
    %dma_start3A_172 = arith.constant 0 : i32
    %dma_start3A_173 = arith.constant 0 : i32
    %dma_start3A_174 = tpu.memref_slice %arg2[%arg0, %dma_start3A_172, %dma_start3A_173] : memref<2x10000x128xf32, #tpu.memory_space<hbm>> -> memref<1x10000x128xf32, #tpu.memory_space<hbm>>
    %dma_start3A_175 = tpu.memref_squeeze %dma_start3A_174 : memref<1x10000x128xf32, #tpu.memory_space<hbm>> -> memref<10000x128xf32, #tpu.memory_space<hbm>>
    %dma_start3A_176 = arith.constant 0 : i32
    %dma_start3A_177 = arith.constant 0 : i32
    %dma_start3A_178 = tpu.memref_slice %dma_start3A_175[%dma_start3A_176, %dma_start3A_177] : memref<10000x128xf32, #tpu.memory_space<hbm>> -> memref<10000x128xf32, #tpu.memory_space<hbm>>
    tpu.enqueue_indirect_dma source(%dma_start3A_178 : memref<10000x128xf32, #tpu.memory_space<hbm>>) target(%dma_start3A_169 : memref<128x128xf32, #tpu.memory_space<vmem>>) offsets(%dma_start3A_171 : memref<128xi32, #tpu.memory_space<vmem>>) semaphore(%arg11 : memref<!tpu.dma_semaphore, #tpu.memory_space<semaphore_mem>>)
    %scan3A_179 = arith.constant 0 : i32
    %scan3A_180 = arith.constant 46 : i32
    %scan3A_181 = arith.addi %scan3A_179, %scan3A_180 : i32
    %scan3A_182 = arith.constant 1 : i32
    scf.for %scan3A_297 = %scan3A_179 to %scan3A_181 step %scan3A_182  : i32 {
      %mul3A_298 = arith.constant 2 : i32
      %mul3A_299 = arith.muli %scan3A_297, %mul3A_298 : i32
      %add3A_300 = arith.constant 0 : i32
      %add3A_301 = arith.addi %add3A_300, %mul3A_299 : i32
      %add3A_302 = arith.constant 1 : i32
      %add3A_303 = arith.addi %add3A_301, %add3A_302 : i32
      %mul3A_304 = arith.constant 12032 : i32
      %mul3A_305 = arith.muli %add3A_147, %mul3A_304 : i32
      %mul3A_306 = arith.constant 128 : i32
      %mul3A_307 = arith.muli %add3A_303, %mul3A_306 : i32
      %add3A_308 = arith.addi %mul3A_305, %mul3A_307 : i32
      %dma_start3A_309 = arith.constant 1 : i32
      %dma_start3A_310 = arith.constant 0 : i32
      %dma_start3A_311 = tpu.memref_slice %arg7[%dma_start3A_309, %dma_start3A_310] : memref<2x128xi32, #tpu.memory_space<vmem>> -> memref<1x128xi32, #tpu.memory_space<vmem>>
      %dma_start3A_312 = tpu.memref_squeeze %dma_start3A_311 : memref<1x128xi32, #tpu.memory_space<vmem>> -> memref<128xi32, #tpu.memory_space<vmem>>
      %dma_start3A_313 = tpu.memref_slice %arg4[%add3A_308] : memref<385024xi32, #tpu.memory_space<hbm>> -> memref<128xi32, #tpu.memory_space<hbm>>
      %dma_start3A_314 = arith.constant 0 : i32
      %dma_start3A_315 = tpu.memref_slice %arg7[%dma_start3A_309, %dma_start3A_314] : memref<2x128xi32, #tpu.memory_space<vmem>> -> memref<1x128xi32, #tpu.memory_space<vmem>>
      %dma_start3A_316 = tpu.memref_squeeze %dma_start3A_315 : memref<1x128xi32, #tpu.memory_space<vmem>> -> memref<128xi32, #tpu.memory_space<vmem>>
      %dma_start3A_317 = tpu.memref_slice %arg4[%add3A_308] : memref<385024xi32, #tpu.memory_space<hbm>> -> memref<128xi32, #tpu.memory_space<hbm>>
      tpu.enqueue_dma source(%dma_start3A_317 : memref<128xi32, #tpu.memory_space<hbm>>) target(%dma_start3A_316 : memref<128xi32, #tpu.memory_space<vmem>>) target_semaphore(%arg12 : memref<!tpu.dma_semaphore, #tpu.memory_space<semaphore_mem>>)
      %mul3A_318 = arith.constant 128 : i32
      %mul3A_319 = arith.muli %add3A_303, %mul3A_318 : i32
      %dma_start3A_320 = arith.constant 1 : i32
      %dma_start3A_321 = arith.constant 0 : i32
      %dma_start3A_322 = arith.constant 0 : i32
      %dma_start3A_323 = tpu.memref_slice %arg8[%dma_start3A_320, %dma_start3A_321, %dma_start3A_322] : memref<2x128x128xf32, #tpu.memory_space<vmem>> -> memref<1x128x128xf32, #tpu.memory_space<vmem>>
      %dma_start3A_324 = tpu.memref_squeeze %dma_start3A_323 : memref<1x128x128xf32, #tpu.memory_space<vmem>> -> memref<128x128xf32, #tpu.memory_space<vmem>>
      %dma_start3A_325 = tpu.memref_slice %arg6[%mul3A_319] : memref<12032xi32, #tpu.memory_space<vmem>> -> memref<128xi32, #tpu.memory_space<vmem>>
      %dma_start3A_326 = arith.constant 0 : i32
      %dma_start3A_327 = arith.constant 0 : i32
      %dma_start3A_328 = tpu.memref_slice %arg2[%arg0, %dma_start3A_326, %dma_start3A_327] : memref<2x10000x128xf32, #tpu.memory_space<hbm>> -> memref<1x10000x128xf32, #tpu.memory_space<hbm>>
      %dma_start3A_329 = tpu.memref_squeeze %dma_start3A_328 : memref<1x10000x128xf32, #tpu.memory_space<hbm>> -> memref<10000x128xf32, #tpu.memory_space<hbm>>
      %dma_start3A_330 = arith.constant 0 : i32
      %dma_start3A_331 = arith.constant 0 : i32
      %dma_start3A_332 = tpu.memref_slice %dma_start3A_329[%dma_start3A_330, %dma_start3A_331] : memref<10000x128xf32, #tpu.memory_space<hbm>> -> memref<10000x128xf32, #tpu.memory_space<hbm>>
      tpu.enqueue_indirect_dma source(%dma_start3A_332 : memref<10000x128xf32, #tpu.memory_space<hbm>>) target(%dma_start3A_324 : memref<128x128xf32, #tpu.memory_space<vmem>>) offsets(%dma_start3A_325 : memref<128xi32, #tpu.memory_space<vmem>>) semaphore(%arg11 : memref<!tpu.dma_semaphore, #tpu.memory_space<semaphore_mem>>)
      %dma_wait3A_333 = arith.constant 0 : i32
      %dma_wait3A_334 = arith.constant 0 : i32
      %dma_wait3A_335 = tpu.memref_slice %arg7[%dma_wait3A_333, %dma_wait3A_334] : memref<2x128xi32, #tpu.memory_space<vmem>> -> memref<1x128xi32, #tpu.memory_space<vmem>>
      %dma_wait3A_336 = tpu.memref_squeeze %dma_wait3A_335 : memref<1x128xi32, #tpu.memory_space<vmem>> -> memref<128xi32, #tpu.memory_space<vmem>>
      %dma_wait3A_337 = arith.constant 0 : i32
      %dma_wait3A_338 = tpu.memref_slice %arg4[%dma_wait3A_337] : memref<385024xi32, #tpu.memory_space<hbm>> -> memref<128xi32, #tpu.memory_space<hbm>>
      %dma_wait3A_339 = arith.constant 0 : i32
      %dma_wait3A_340 = tpu.memref_slice %arg7[%dma_wait3A_333, %dma_wait3A_339] : memref<2x128xi32, #tpu.memory_space<vmem>> -> memref<1x128xi32, #tpu.memory_space<vmem>>
      %dma_wait3A_341 = tpu.memref_squeeze %dma_wait3A_340 : memref<1x128xi32, #tpu.memory_space<vmem>> -> memref<128xi32, #tpu.memory_space<vmem>>
      %dma_wait3A_342 = arith.constant 0 : i32
      %dma_wait3A_343 = tpu.memref_slice %arg4[%dma_wait3A_342] : memref<385024xi32, #tpu.memory_space<hbm>> -> memref<128xi32, #tpu.memory_space<hbm>>
      tpu.wait_dma2 semaphore(%arg12 : memref<!tpu.dma_semaphore, #tpu.memory_space<semaphore_mem>>) src(%dma_wait3A_343 : memref<128xi32, #tpu.memory_space<hbm>>) dst(%dma_wait3A_341 : memref<128xi32, #tpu.memory_space<vmem>>)
      %dma_wait3A_344 = arith.constant 0 : i32
      %dma_wait3A_345 = arith.constant 0 : i32
      %dma_wait3A_346 = arith.constant 0 : i32
      %dma_wait3A_347 = tpu.memref_slice %arg8[%dma_wait3A_344, %dma_wait3A_345, %dma_wait3A_346] : memref<2x128x128xf32, #tpu.memory_space<vmem>> -> memref<1x128x128xf32, #tpu.memory_space<vmem>>
      %dma_wait3A_348 = tpu.memref_squeeze %dma_wait3A_347 : memref<1x128x128xf32, #tpu.memory_space<vmem>> -> memref<128x128xf32, #tpu.memory_space<vmem>>
      %dma_wait3A_349 = arith.constant 0 : i32
      %dma_wait3A_350 = arith.constant 0 : i32
      %dma_wait3A_351 = tpu.memref_slice %arg2[%arg0, %dma_wait3A_349, %dma_wait3A_350] : memref<2x10000x128xf32, #tpu.memory_space<hbm>> -> memref<1x10000x128xf32, #tpu.memory_space<hbm>>
      %dma_wait3A_352 = tpu.memref_squeeze %dma_wait3A_351 : memref<1x10000x128xf32, #tpu.memory_space<hbm>> -> memref<10000x128xf32, #tpu.memory_space<hbm>>
      %dma_wait3A_353 = arith.constant 0 : i32
      %dma_wait3A_354 = arith.constant 0 : i32
      %dma_wait3A_355 = tpu.memref_slice %dma_wait3A_352[%dma_wait3A_353, %dma_wait3A_354] : memref<10000x128xf32, #tpu.memory_space<hbm>> -> memref<128x128xf32, #tpu.memory_space<hbm>>
      %dma_wait3A_356 = arith.constant 0 : i32
      %dma_wait3A_357 = arith.constant 0 : i32
      %dma_wait3A_358 = tpu.memref_slice %arg8[%dma_wait3A_344, %dma_wait3A_356, %dma_wait3A_357] : memref<2x128x128xf32, #tpu.memory_space<vmem>> -> memref<1x128x128xf32, #tpu.memory_space<vmem>>
      %dma_wait3A_359 = tpu.memref_squeeze %dma_wait3A_358 : memref<1x128x128xf32, #tpu.memory_space<vmem>> -> memref<128x128xf32, #tpu.memory_space<vmem>>
      %dma_wait3A_360 = arith.constant 0 : i32
      %dma_wait3A_361 = arith.constant 0 : i32
      %dma_wait3A_362 = tpu.memref_slice %arg2[%arg0, %dma_wait3A_360, %dma_wait3A_361] : memref<2x10000x128xf32, #tpu.memory_space<hbm>> -> memref<1x10000x128xf32, #tpu.memory_space<hbm>>
      %dma_wait3A_363 = tpu.memref_squeeze %dma_wait3A_362 : memref<1x10000x128xf32, #tpu.memory_space<hbm>> -> memref<10000x128xf32, #tpu.memory_space<hbm>>
      %dma_wait3A_364 = arith.constant 0 : i32
      %dma_wait3A_365 = arith.constant 0 : i32
      %dma_wait3A_366 = tpu.memref_slice %dma_wait3A_363[%dma_wait3A_364, %dma_wait3A_365] : memref<10000x128xf32, #tpu.memory_space<hbm>> -> memref<128x128xf32, #tpu.memory_space<hbm>>
      tpu.wait_dma2 semaphore(%arg11 : memref<!tpu.dma_semaphore, #tpu.memory_space<semaphore_mem>>) src(%dma_wait3A_366 : memref<128x128xf32, #tpu.memory_space<hbm>>) dst(%dma_wait3A_359 : memref<128x128xf32, #tpu.memory_space<vmem>>)
      %run_scoped3A_367 = arith.constant 0 : i32
      %run_scoped3A_368 = arith.constant 0 : i32
      "tpu.region"() ({
        %run_scoped3A_436 = tpu.sem_alloc : memref<!tpu.dma_semaphore, #tpu.memory_space<semaphore_mem>>
        %dma_start3A_437 = arith.constant 0 : i32
        %dma_start3A_438 = arith.constant 0 : i32
        %dma_start3A_439 = tpu.memref_slice %arg8[%run_scoped3A_367, %dma_start3A_437, %dma_start3A_438] : memref<2x128x128xf32, #tpu.memory_space<vmem>> -> memref<1x128x128xf32, #tpu.memory_space<vmem>>
        %dma_start3A_440 = tpu.memref_squeeze %dma_start3A_439 : memref<1x128x128xf32, #tpu.memory_space<vmem>> -> memref<128x128xf32, #tpu.memory_space<vmem>>
        %dma_start3A_441 = arith.constant 0 : i32
        %dma_start3A_442 = tpu.memref_slice %arg7[%run_scoped3A_368, %dma_start3A_441] : memref<2x128xi32, #tpu.memory_space<vmem>> -> memref<1x128xi32, #tpu.memory_space<vmem>>
        %dma_start3A_443 = tpu.memref_squeeze %dma_start3A_442 : memref<1x128xi32, #tpu.memory_space<vmem>> -> memref<128xi32, #tpu.memory_space<vmem>>
        %dma_start3A_444 = arith.constant 0 : i32
        %dma_start3A_445 = arith.constant 0 : i32
        %dma_start3A_446 = tpu.memref_slice %arg10[%dma_start3A_444, %dma_start3A_445] : memref<5248x128xf32, #tpu.memory_space<vmem_shared>> -> memref<5248x128xf32, #tpu.memory_space<vmem_shared>>
        tpu.enqueue_indirect_dma source(%dma_start3A_440 : memref<128x128xf32, #tpu.memory_space<vmem>>) target(%dma_start3A_446 : memref<5248x128xf32, #tpu.memory_space<vmem_shared>>) offsets(%dma_start3A_443 : memref<128xi32, #tpu.memory_space<vmem>>) semaphore(%run_scoped3A_436 : memref<!tpu.dma_semaphore, #tpu.memory_space<semaphore_mem>>) {add = true}
        %dma_wait3A_447 = arith.constant 0 : i32
        %dma_wait3A_448 = arith.constant 0 : i32
        %dma_wait3A_449 = tpu.memref_slice %arg8[%run_scoped3A_367, %dma_wait3A_447, %dma_wait3A_448] : memref<2x128x128xf32, #tpu.memory_space<vmem>> -> memref<1x128x128xf32, #tpu.memory_space<vmem>>
        %dma_wait3A_450 = tpu.memref_squeeze %dma_wait3A_449 : memref<1x128x128xf32, #tpu.memory_space<vmem>> -> memref<128x128xf32, #tpu.memory_space<vmem>>
        %dma_wait3A_451 = arith.constant 0 : i32
        %dma_wait3A_452 = tpu.memref_slice %arg7[%run_scoped3A_368, %dma_wait3A_451] : memref<2x128xi32, #tpu.memory_space<vmem>> -> memref<1x128xi32, #tpu.memory_space<vmem>>
        %dma_wait3A_453 = tpu.memref_squeeze %dma_wait3A_452 : memref<1x128xi32, #tpu.memory_space<vmem>> -> memref<128xi32, #tpu.memory_space<vmem>>
        %dma_wait3A_454 = arith.constant 0 : i32
        %dma_wait3A_455 = arith.constant 0 : i32
        %dma_wait3A_456 = tpu.memref_slice %arg10[%dma_wait3A_454, %dma_wait3A_455] : memref<5248x128xf32, #tpu.memory_space<vmem_shared>> -> memref<5248x128xf32, #tpu.memory_space<vmem_shared>>
        tpu.wait_indirect_dma semaphore(%run_scoped3A_436 : memref<!tpu.dma_semaphore, #tpu.memory_space<semaphore_mem>>) src(%dma_wait3A_450 : memref<128x128xf32, #tpu.memory_space<vmem>>) dst(%dma_wait3A_456 : memref<5248x128xf32, #tpu.memory_space<vmem_shared>>)
        tpu.yield
      }) : () -> ()
      %add3A_369 = arith.constant 2 : i32
      %add3A_370 = arith.addi %add3A_301, %add3A_369 : i32
      %mul3A_371 = arith.constant 12032 : i32
      %mul3A_372 = arith.muli %add3A_147, %mul3A_371 : i32
      %mul3A_373 = arith.constant 128 : i32
      %mul3A_374 = arith.muli %add3A_370, %mul3A_373 : i32
      %add3A_375 = arith.addi %mul3A_372, %mul3A_374 : i32
      %dma_start3A_376 = arith.constant 0 : i32
      %dma_start3A_377 = arith.constant 0 : i32
      %dma_start3A_378 = tpu.memref_slice %arg7[%dma_start3A_376, %dma_start3A_377] : memref<2x128xi32, #tpu.memory_space<vmem>> -> memref<1x128xi32, #tpu.memory_space<vmem>>
      %dma_start3A_379 = tpu.memref_squeeze %dma_start3A_378 : memref<1x128xi32, #tpu.memory_space<vmem>> -> memref<128xi32, #tpu.memory_space<vmem>>
      %dma_start3A_380 = tpu.memref_slice %arg4[%add3A_375] : memref<385024xi32, #tpu.memory_space<hbm>> -> memref<128xi32, #tpu.memory_space<hbm>>
      %dma_start3A_381 = arith.constant 0 : i32
      %dma_start3A_382 = tpu.memref_slice %arg7[%dma_start3A_376, %dma_start3A_381] : memref<2x128xi32, #tpu.memory_space<vmem>> -> memref<1x128xi32, #tpu.memory_space<vmem>>
      %dma_start3A_383 = tpu.memref_squeeze %dma_start3A_382 : memref<1x128xi32, #tpu.memory_space<vmem>> -> memref<128xi32, #tpu.memory_space<vmem>>
      %dma_start3A_384 = tpu.memref_slice %arg4[%add3A_375] : memref<385024xi32, #tpu.memory_space<hbm>> -> memref<128xi32, #tpu.memory_space<hbm>>
      tpu.enqueue_dma source(%dma_start3A_384 : memref<128xi32, #tpu.memory_space<hbm>>) target(%dma_start3A_383 : memref<128xi32, #tpu.memory_space<vmem>>) target_semaphore(%arg12 : memref<!tpu.dma_semaphore, #tpu.memory_space<semaphore_mem>>)
      %mul3A_385 = arith.constant 128 : i32
      %mul3A_386 = arith.muli %add3A_370, %mul3A_385 : i32
      %dma_start3A_387 = arith.constant 0 : i32
      %dma_start3A_388 = arith.constant 0 : i32
      %dma_start3A_389 = arith.constant 0 : i32
      %dma_start3A_390 = tpu.memref_slice %arg8[%dma_start3A_387, %dma_start3A_388, %dma_start3A_389] : memref<2x128x128xf32, #tpu.memory_space<vmem>> -> memref<1x128x128xf32, #tpu.memory_space<vmem>>
      %dma_start3A_391 = tpu.memref_squeeze %dma_start3A_390 : memref<1x128x128xf32, #tpu.memory_space<vmem>> -> memref<128x128xf32, #tpu.memory_space<vmem>>
      %dma_start3A_392 = tpu.memref_slice %arg6[%mul3A_386] : memref<12032xi32, #tpu.memory_space<vmem>> -> memref<128xi32, #tpu.memory_space<vmem>>
      %dma_start3A_393 = arith.constant 0 : i32
      %dma_start3A_394 = arith.constant 0 : i32
      %dma_start3A_395 = tpu.memref_slice %arg2[%arg0, %dma_start3A_393, %dma_start3A_394] : memref<2x10000x128xf32, #tpu.memory_space<hbm>> -> memref<1x10000x128xf32, #tpu.memory_space<hbm>>
      %dma_start3A_396 = tpu.memref_squeeze %dma_start3A_395 : memref<1x10000x128xf32, #tpu.memory_space<hbm>> -> memref<10000x128xf32, #tpu.memory_space<hbm>>
      %dma_start3A_397 = arith.constant 0 : i32
      %dma_start3A_398 = arith.constant 0 : i32
      %dma_start3A_399 = tpu.memref_slice %dma_start3A_396[%dma_start3A_397, %dma_start3A_398] : memref<10000x128xf32, #tpu.memory_space<hbm>> -> memref<10000x128xf32, #tpu.memory_space<hbm>>
      tpu.enqueue_indirect_dma source(%dma_start3A_399 : memref<10000x128xf32, #tpu.memory_space<hbm>>) target(%dma_start3A_391 : memref<128x128xf32, #tpu.memory_space<vmem>>) offsets(%dma_start3A_392 : memref<128xi32, #tpu.memory_space<vmem>>) semaphore(%arg11 : memref<!tpu.dma_semaphore, #tpu.memory_space<semaphore_mem>>)
      %dma_wait3A_400 = arith.constant 1 : i32
      %dma_wait3A_401 = arith.constant 0 : i32
      %dma_wait3A_402 = tpu.memref_slice %arg7[%dma_wait3A_400, %dma_wait3A_401] : memref<2x128xi32, #tpu.memory_space<vmem>> -> memref<1x128xi32, #tpu.memory_space<vmem>>
      %dma_wait3A_403 = tpu.memref_squeeze %dma_wait3A_402 : memref<1x128xi32, #tpu.memory_space<vmem>> -> memref<128xi32, #tpu.memory_space<vmem>>
      %dma_wait3A_404 = arith.constant 0 : i32
      %dma_wait3A_405 = tpu.memref_slice %arg4[%dma_wait3A_404] : memref<385024xi32, #tpu.memory_space<hbm>> -> memref<128xi32, #tpu.memory_space<hbm>>
      %dma_wait3A_406 = arith.constant 0 : i32
      %dma_wait3A_407 = tpu.memref_slice %arg7[%dma_wait3A_400, %dma_wait3A_406] : memref<2x128xi32, #tpu.memory_space<vmem>> -> memref<1x128xi32, #tpu.memory_space<vmem>>
      %dma_wait3A_408 = tpu.memref_squeeze %dma_wait3A_407 : memref<1x128xi32, #tpu.memory_space<vmem>> -> memref<128xi32, #tpu.memory_space<vmem>>
      %dma_wait3A_409 = arith.constant 0 : i32
      %dma_wait3A_410 = tpu.memref_slice %arg4[%dma_wait3A_409] : memref<385024xi32, #tpu.memory_space<hbm>> -> memref<128xi32, #tpu.memory_space<hbm>>
      tpu.wait_dma2 semaphore(%arg12 : memref<!tpu.dma_semaphore, #tpu.memory_space<semaphore_mem>>) src(%dma_wait3A_410 : memref<128xi32, #tpu.memory_space<hbm>>) dst(%dma_wait3A_408 : memref<128xi32, #tpu.memory_space<vmem>>)
      %dma_wait3A_411 = arith.constant 1 : i32
      %dma_wait3A_412 = arith.constant 0 : i32
      %dma_wait3A_413 = arith.constant 0 : i32
      %dma_wait3A_414 = tpu.memref_slice %arg8[%dma_wait3A_411, %dma_wait3A_412, %dma_wait3A_413] : memref<2x128x128xf32, #tpu.memory_space<vmem>> -> memref<1x128x128xf32, #tpu.memory_space<vmem>>
      %dma_wait3A_415 = tpu.memref_squeeze %dma_wait3A_414 : memref<1x128x128xf32, #tpu.memory_space<vmem>> -> memref<128x128xf32, #tpu.memory_space<vmem>>
      %dma_wait3A_416 = arith.constant 0 : i32
      %dma_wait3A_417 = arith.constant 0 : i32
      %dma_wait3A_418 = tpu.memref_slice %arg2[%arg0, %dma_wait3A_416, %dma_wait3A_417] : memref<2x10000x128xf32, #tpu.memory_space<hbm>> -> memref<1x10000x128xf32, #tpu.memory_space<hbm>>
      %dma_wait3A_419 = tpu.memref_squeeze %dma_wait3A_418 : memref<1x10000x128xf32, #tpu.memory_space<hbm>> -> memref<10000x128xf32, #tpu.memory_space<hbm>>
      %dma_wait3A_420 = arith.constant 0 : i32
      %dma_wait3A_421 = arith.constant 0 : i32
      %dma_wait3A_422 = tpu.memref_slice %dma_wait3A_419[%dma_wait3A_420, %dma_wait3A_421] : memref<10000x128xf32, #tpu.memory_space<hbm>> -> memref<128x128xf32, #tpu.memory_space<hbm>>
      %dma_wait3A_423 = arith.constant 0 : i32
      %dma_wait3A_424 = arith.constant 0 : i32
      %dma_wait3A_425 = tpu.memref_slice %arg8[%dma_wait3A_411, %dma_wait3A_423, %dma_wait3A_424] : memref<2x128x128xf32, #tpu.memory_space<vmem>> -> memref<1x128x128xf32, #tpu.memory_space<vmem>>
      %dma_wait3A_426 = tpu.memref_squeeze %dma_wait3A_425 : memref<1x128x128xf32, #tpu.memory_space<vmem>> -> memref<128x128xf32, #tpu.memory_space<vmem>>
      %dma_wait3A_427 = arith.constant 0 : i32
      %dma_wait3A_428 = arith.constant 0 : i32
      %dma_wait3A_429 = tpu.memref_slice %arg2[%arg0, %dma_wait3A_427, %dma_wait3A_428] : memref<2x10000x128xf32, #tpu.memory_space<hbm>> -> memref<1x10000x128xf32, #tpu.memory_space<hbm>>
      %dma_wait3A_430 = tpu.memref_squeeze %dma_wait3A_429 : memref<1x10000x128xf32, #tpu.memory_space<hbm>> -> memref<10000x128xf32, #tpu.memory_space<hbm>>
      %dma_wait3A_431 = arith.constant 0 : i32
      %dma_wait3A_432 = arith.constant 0 : i32
      %dma_wait3A_433 = tpu.memref_slice %dma_wait3A_430[%dma_wait3A_431, %dma_wait3A_432] : memref<10000x128xf32, #tpu.memory_space<hbm>> -> memref<128x128xf32, #tpu.memory_space<hbm>>
      tpu.wait_dma2 semaphore(%arg11 : memref<!tpu.dma_semaphore, #tpu.memory_space<semaphore_mem>>) src(%dma_wait3A_433 : memref<128x128xf32, #tpu.memory_space<hbm>>) dst(%dma_wait3A_426 : memref<128x128xf32, #tpu.memory_space<vmem>>)
      %run_scoped3A_434 = arith.constant 1 : i32
      %run_scoped3A_435 = arith.constant 1 : i32
      "tpu.region"() ({
        %run_scoped3A_436 = tpu.sem_alloc : memref<!tpu.dma_semaphore, #tpu.memory_space<semaphore_mem>>
        %dma_start3A_437 = arith.constant 0 : i32
        %dma_start3A_438 = arith.constant 0 : i32
        %dma_start3A_439 = tpu.memref_slice %arg8[%run_scoped3A_434, %dma_start3A_437, %dma_start3A_438] : memref<2x128x128xf32, #tpu.memory_space<vmem>> -> memref<1x128x128xf32, #tpu.memory_space<vmem>>
        %dma_start3A_440 = tpu.memref_squeeze %dma_start3A_439 : memref<1x128x128xf32, #tpu.memory_space<vmem>> -> memref<128x128xf32, #tpu.memory_space<vmem>>
        %dma_start3A_441 = arith.constant 0 : i32
        %dma_start3A_442 = tpu.memref_slice %arg7[%run_scoped3A_435, %dma_start3A_441] : memref<2x128xi32, #tpu.memory_space<vmem>> -> memref<1x128xi32, #tpu.memory_space<vmem>>
        %dma_start3A_443 = tpu.memref_squeeze %dma_start3A_442 : memref<1x128xi32, #tpu.memory_space<vmem>> -> memref<128xi32, #tpu.memory_space<vmem>>
        %dma_start3A_444 = arith.constant 0 : i32
        %dma_start3A_445 = arith.constant 0 : i32
        %dma_start3A_446 = tpu.memref_slice %arg10[%dma_start3A_444, %dma_start3A_445] : memref<5248x128xf32, #tpu.memory_space<vmem_shared>> -> memref<5248x128xf32, #tpu.memory_space<vmem_shared>>
        tpu.enqueue_indirect_dma source(%dma_start3A_440 : memref<128x128xf32, #tpu.memory_space<vmem>>) target(%dma_start3A_446 : memref<5248x128xf32, #tpu.memory_space<vmem_shared>>) offsets(%dma_start3A_443 : memref<128xi32, #tpu.memory_space<vmem>>) semaphore(%run_scoped3A_436 : memref<!tpu.dma_semaphore, #tpu.memory_space<semaphore_mem>>) {add = true}
        %dma_wait3A_447 = arith.constant 0 : i32
        %dma_wait3A_448 = arith.constant 0 : i32
        %dma_wait3A_449 = tpu.memref_slice %arg8[%run_scoped3A_434, %dma_wait3A_447, %dma_wait3A_448] : memref<2x128x128xf32, #tpu.memory_space<vmem>> -> memref<1x128x128xf32, #tpu.memory_space<vmem>>
        %dma_wait3A_450 = tpu.memref_squeeze %dma_wait3A_449 : memref<1x128x128xf32, #tpu.memory_space<vmem>> -> memref<128x128xf32, #tpu.memory_space<vmem>>
        %dma_wait3A_451 = arith.constant 0 : i32
        %dma_wait3A_452 = tpu.memref_slice %arg7[%run_scoped3A_435, %dma_wait3A_451] : memref<2x128xi32, #tpu.memory_space<vmem>> -> memref<1x128xi32, #tpu.memory_space<vmem>>
        %dma_wait3A_453 = tpu.memref_squeeze %dma_wait3A_452 : memref<1x128xi32, #tpu.memory_space<vmem>> -> memref<128xi32, #tpu.memory_space<vmem>>
        %dma_wait3A_454 = arith.constant 0 : i32
        %dma_wait3A_455 = arith.constant 0 : i32
        %dma_wait3A_456 = tpu.memref_slice %arg10[%dma_wait3A_454, %dma_wait3A_455] : memref<5248x128xf32, #tpu.memory_space<vmem_shared>> -> memref<5248x128xf32, #tpu.memory_space<vmem_shared>>
        tpu.wait_indirect_dma semaphore(%run_scoped3A_436 : memref<!tpu.dma_semaphore, #tpu.memory_space<semaphore_mem>>) src(%dma_wait3A_450 : memref<128x128xf32, #tpu.memory_space<vmem>>) dst(%dma_wait3A_456 : memref<5248x128xf32, #tpu.memory_space<vmem_shared>>)
        tpu.yield
      }) : () -> ()
    }
    %scan3A_183 = arith.constant 46 : i32
    %mul3A_184 = arith.constant 12032 : i32
    %mul3A_185 = arith.muli %add3A_147, %mul3A_184 : i32
    %add3A_186 = arith.constant 11904 : i32
    %add3A_187 = arith.addi %mul3A_185, %add3A_186 : i32
    %dma_start3A_188 = arith.constant 1 : i32
    %dma_start3A_189 = arith.constant 0 : i32
    %dma_start3A_190 = tpu.memref_slice %arg7[%dma_start3A_188, %dma_start3A_189] : memref<2x128xi32, #tpu.memory_space<vmem>> -> memref<1x128xi32, #tpu.memory_space<vmem>>
    %dma_start3A_191 = tpu.memref_squeeze %dma_start3A_190 : memref<1x128xi32, #tpu.memory_space<vmem>> -> memref<128xi32, #tpu.memory_space<vmem>>
    %dma_start3A_192 = tpu.memref_slice %arg4[%add3A_187] : memref<385024xi32, #tpu.memory_space<hbm>> -> memref<128xi32, #tpu.memory_space<hbm>>
    %dma_start3A_193 = arith.constant 0 : i32
    %dma_start3A_194 = tpu.memref_slice %arg7[%dma_start3A_188, %dma_start3A_193] : memref<2x128xi32, #tpu.memory_space<vmem>> -> memref<1x128xi32, #tpu.memory_space<vmem>>
    %dma_start3A_195 = tpu.memref_squeeze %dma_start3A_194 : memref<1x128xi32, #tpu.memory_space<vmem>> -> memref<128xi32, #tpu.memory_space<vmem>>
    %dma_start3A_196 = tpu.memref_slice %arg4[%add3A_187] : memref<385024xi32, #tpu.memory_space<hbm>> -> memref<128xi32, #tpu.memory_space<hbm>>
    tpu.enqueue_dma source(%dma_start3A_196 : memref<128xi32, #tpu.memory_space<hbm>>) target(%dma_start3A_195 : memref<128xi32, #tpu.memory_space<vmem>>) target_semaphore(%arg12 : memref<!tpu.dma_semaphore, #tpu.memory_space<semaphore_mem>>)
    %dma_start3A_197 = arith.constant 1 : i32
    %dma_start3A_198 = arith.constant 0 : i32
    %dma_start3A_199 = arith.constant 0 : i32
    %dma_start3A_200 = tpu.memref_slice %arg8[%dma_start3A_197, %dma_start3A_198, %dma_start3A_199] : memref<2x128x128xf32, #tpu.memory_space<vmem>> -> memref<1x128x128xf32, #tpu.memory_space<vmem>>
    %dma_start3A_201 = tpu.memref_squeeze %dma_start3A_200 : memref<1x128x128xf32, #tpu.memory_space<vmem>> -> memref<128x128xf32, #tpu.memory_space<vmem>>
    %dma_start3A_202 = arith.constant 11904 : i32
    %dma_start3A_203 = tpu.memref_slice %arg6[%dma_start3A_202] : memref<12032xi32, #tpu.memory_space<vmem>> -> memref<128xi32, #tpu.memory_space<vmem>>
    %dma_start3A_204 = arith.constant 0 : i32
    %dma_start3A_205 = arith.constant 0 : i32
    %dma_start3A_206 = tpu.memref_slice %arg2[%arg0, %dma_start3A_204, %dma_start3A_205] : memref<2x10000x128xf32, #tpu.memory_space<hbm>> -> memref<1x10000x128xf32, #tpu.memory_space<hbm>>
    %dma_start3A_207 = tpu.memref_squeeze %dma_start3A_206 : memref<1x10000x128xf32, #tpu.memory_space<hbm>> -> memref<10000x128xf32, #tpu.memory_space<hbm>>
    %dma_start3A_208 = arith.constant 0 : i32
    %dma_start3A_209 = arith.constant 0 : i32
    %dma_start3A_210 = tpu.memref_slice %dma_start3A_207[%dma_start3A_208, %dma_start3A_209] : memref<10000x128xf32, #tpu.memory_space<hbm>> -> memref<10000x128xf32, #tpu.memory_space<hbm>>
    tpu.enqueue_indirect_dma source(%dma_start3A_210 : memref<10000x128xf32, #tpu.memory_space<hbm>>) target(%dma_start3A_201 : memref<128x128xf32, #tpu.memory_space<vmem>>) offsets(%dma_start3A_203 : memref<128xi32, #tpu.memory_space<vmem>>) semaphore(%arg11 : memref<!tpu.dma_semaphore, #tpu.memory_space<semaphore_mem>>)
    %dma_wait3A_211 = arith.constant 0 : i32
    %dma_wait3A_212 = arith.constant 0 : i32
    %dma_wait3A_213 = tpu.memref_slice %arg7[%dma_wait3A_211, %dma_wait3A_212] : memref<2x128xi32, #tpu.memory_space<vmem>> -> memref<1x128xi32, #tpu.memory_space<vmem>>
    %dma_wait3A_214 = tpu.memref_squeeze %dma_wait3A_213 : memref<1x128xi32, #tpu.memory_space<vmem>> -> memref<128xi32, #tpu.memory_space<vmem>>
    %dma_wait3A_215 = arith.constant 0 : i32
    %dma_wait3A_216 = tpu.memref_slice %arg4[%dma_wait3A_215] : memref<385024xi32, #tpu.memory_space<hbm>> -> memref<128xi32, #tpu.memory_space<hbm>>
    %dma_wait3A_217 = arith.constant 0 : i32
    %dma_wait3A_218 = tpu.memref_slice %arg7[%dma_wait3A_211, %dma_wait3A_217] : memref<2x128xi32, #tpu.memory_space<vmem>> -> memref<1x128xi32, #tpu.memory_space<vmem>>
    %dma_wait3A_219 = tpu.memref_squeeze %dma_wait3A_218 : memref<1x128xi32, #tpu.memory_space<vmem>> -> memref<128xi32, #tpu.memory_space<vmem>>
    %dma_wait3A_220 = arith.constant 0 : i32
    %dma_wait3A_221 = tpu.memref_slice %arg4[%dma_wait3A_220] : memref<385024xi32, #tpu.memory_space<hbm>> -> memref<128xi32, #tpu.memory_space<hbm>>
    tpu.wait_dma2 semaphore(%arg12 : memref<!tpu.dma_semaphore, #tpu.memory_space<semaphore_mem>>) src(%dma_wait3A_221 : memref<128xi32, #tpu.memory_space<hbm>>) dst(%dma_wait3A_219 : memref<128xi32, #tpu.memory_space<vmem>>)
    %dma_wait3A_222 = arith.constant 0 : i32
    %dma_wait3A_223 = arith.constant 0 : i32
    %dma_wait3A_224 = arith.constant 0 : i32
    %dma_wait3A_225 = tpu.memref_slice %arg8[%dma_wait3A_222, %dma_wait3A_223, %dma_wait3A_224] : memref<2x128x128xf32, #tpu.memory_space<vmem>> -> memref<1x128x128xf32, #tpu.memory_space<vmem>>
    %dma_wait3A_226 = tpu.memref_squeeze %dma_wait3A_225 : memref<1x128x128xf32, #tpu.memory_space<vmem>> -> memref<128x128xf32, #tpu.memory_space<vmem>>
    %dma_wait3A_227 = arith.constant 0 : i32
    %dma_wait3A_228 = arith.constant 0 : i32
    %dma_wait3A_229 = tpu.memref_slice %arg2[%arg0, %dma_wait3A_227, %dma_wait3A_228] : memref<2x10000x128xf32, #tpu.memory_space<hbm>> -> memref<1x10000x128xf32, #tpu.memory_space<hbm>>
    %dma_wait3A_230 = tpu.memref_squeeze %dma_wait3A_229 : memref<1x10000x128xf32, #tpu.memory_space<hbm>> -> memref<10000x128xf32, #tpu.memory_space<hbm>>
    %dma_wait3A_231 = arith.constant 0 : i32
    %dma_wait3A_232 = arith.constant 0 : i32
    %dma_wait3A_233 = tpu.memref_slice %dma_wait3A_230[%dma_wait3A_231, %dma_wait3A_232] : memref<10000x128xf32, #tpu.memory_space<hbm>> -> memref<128x128xf32, #tpu.memory_space<hbm>>
    %dma_wait3A_234 = arith.constant 0 : i32
    %dma_wait3A_235 = arith.constant 0 : i32
    %dma_wait3A_236 = tpu.memref_slice %arg8[%dma_wait3A_222, %dma_wait3A_234, %dma_wait3A_235] : memref<2x128x128xf32, #tpu.memory_space<vmem>> -> memref<1x128x128xf32, #tpu.memory_space<vmem>>
    %dma_wait3A_237 = tpu.memref_squeeze %dma_wait3A_236 : memref<1x128x128xf32, #tpu.memory_space<vmem>> -> memref<128x128xf32, #tpu.memory_space<vmem>>
    %dma_wait3A_238 = arith.constant 0 : i32
    %dma_wait3A_239 = arith.constant 0 : i32
    %dma_wait3A_240 = tpu.memref_slice %arg2[%arg0, %dma_wait3A_238, %dma_wait3A_239] : memref<2x10000x128xf32, #tpu.memory_space<hbm>> -> memref<1x10000x128xf32, #tpu.memory_space<hbm>>
    %dma_wait3A_241 = tpu.memref_squeeze %dma_wait3A_240 : memref<1x10000x128xf32, #tpu.memory_space<hbm>> -> memref<10000x128xf32, #tpu.memory_space<hbm>>
    %dma_wait3A_242 = arith.constant 0 : i32
    %dma_wait3A_243 = arith.constant 0 : i32
    %dma_wait3A_244 = tpu.memref_slice %dma_wait3A_241[%dma_wait3A_242, %dma_wait3A_243] : memref<10000x128xf32, #tpu.memory_space<hbm>> -> memref<128x128xf32, #tpu.memory_space<hbm>>
    tpu.wait_dma2 semaphore(%arg11 : memref<!tpu.dma_semaphore, #tpu.memory_space<semaphore_mem>>) src(%dma_wait3A_244 : memref<128x128xf32, #tpu.memory_space<hbm>>) dst(%dma_wait3A_237 : memref<128x128xf32, #tpu.memory_space<vmem>>)
    %run_scoped3A_245 = arith.constant 0 : i32
    %run_scoped3A_246 = arith.constant 0 : i32
    "tpu.region"() ({
      %run_scoped3A_297 = tpu.sem_alloc : memref<!tpu.dma_semaphore, #tpu.memory_space<semaphore_mem>>
      %dma_start3A_298 = arith.constant 0 : i32
      %dma_start3A_299 = arith.constant 0 : i32
      %dma_start3A_300 = tpu.memref_slice %arg8[%run_scoped3A_245, %dma_start3A_298, %dma_start3A_299] : memref<2x128x128xf32, #tpu.memory_space<vmem>> -> memref<1x128x128xf32, #tpu.memory_space<vmem>>
      %dma_start3A_301 = tpu.memref_squeeze %dma_start3A_300 : memref<1x128x128xf32, #tpu.memory_space<vmem>> -> memref<128x128xf32, #tpu.memory_space<vmem>>
      %dma_start3A_302 = arith.constant 0 : i32
      %dma_start3A_303 = tpu.memref_slice %arg7[%run_scoped3A_246, %dma_start3A_302] : memref<2x128xi32, #tpu.memory_space<vmem>> -> memref<1x128xi32, #tpu.memory_space<vmem>>
      %dma_start3A_304 = tpu.memref_squeeze %dma_start3A_303 : memref<1x128xi32, #tpu.memory_space<vmem>> -> memref<128xi32, #tpu.memory_space<vmem>>
      %dma_start3A_305 = arith.constant 0 : i32
      %dma_start3A_306 = arith.constant 0 : i32
      %dma_start3A_307 = tpu.memref_slice %arg10[%dma_start3A_305, %dma_start3A_306] : memref<5248x128xf32, #tpu.memory_space<vmem_shared>> -> memref<5248x128xf32, #tpu.memory_space<vmem_shared>>
      tpu.enqueue_indirect_dma source(%dma_start3A_301 : memref<128x128xf32, #tpu.memory_space<vmem>>) target(%dma_start3A_307 : memref<5248x128xf32, #tpu.memory_space<vmem_shared>>) offsets(%dma_start3A_304 : memref<128xi32, #tpu.memory_space<vmem>>) semaphore(%run_scoped3A_297 : memref<!tpu.dma_semaphore, #tpu.memory_space<semaphore_mem>>) {add = true}
      %dma_wait3A_308 = arith.constant 0 : i32
      %dma_wait3A_309 = arith.constant 0 : i32
      %dma_wait3A_310 = tpu.memref_slice %arg8[%run_scoped3A_245, %dma_wait3A_308, %dma_wait3A_309] : memref<2x128x128xf32, #tpu.memory_space<vmem>> -> memref<1x128x128xf32, #tpu.memory_space<vmem>>
      %dma_wait3A_311 = tpu.memref_squeeze %dma_wait3A_310 : memref<1x128x128xf32, #tpu.memory_space<vmem>> -> memref<128x128xf32, #tpu.memory_space<vmem>>
      %dma_wait3A_312 = arith.constant 0 : i32
      %dma_wait3A_313 = tpu.memref_slice %arg7[%run_scoped3A_246, %dma_wait3A_312] : memref<2x128xi32, #tpu.memory_space<vmem>> -> memref<1x128xi32, #tpu.memory_space<vmem>>
      %dma_wait3A_314 = tpu.memref_squeeze %dma_wait3A_313 : memref<1x128xi32, #tpu.memory_space<vmem>> -> memref<128xi32, #tpu.memory_space<vmem>>
      %dma_wait3A_315 = arith.constant 0 : i32
      %dma_wait3A_316 = arith.constant 0 : i32
      %dma_wait3A_317 = tpu.memref_slice %arg10[%dma_wait3A_315, %dma_wait3A_316] : memref<5248x128xf32, #tpu.memory_space<vmem_shared>> -> memref<5248x128xf32, #tpu.memory_space<vmem_shared>>
      tpu.wait_indirect_dma semaphore(%run_scoped3A_297 : memref<!tpu.dma_semaphore, #tpu.memory_space<semaphore_mem>>) src(%dma_wait3A_311 : memref<128x128xf32, #tpu.memory_space<vmem>>) dst(%dma_wait3A_317 : memref<5248x128xf32, #tpu.memory_space<vmem_shared>>)
      tpu.yield
    }) : () -> ()
    %dma_wait3A_247 = arith.constant 1 : i32
    %dma_wait3A_248 = arith.constant 0 : i32
    %dma_wait3A_249 = tpu.memref_slice %arg7[%dma_wait3A_247, %dma_wait3A_248] : memref<2x128xi32, #tpu.memory_space<vmem>> -> memref<1x128xi32, #tpu.memory_space<vmem>>
    %dma_wait3A_250 = tpu.memref_squeeze %dma_wait3A_249 : memref<1x128xi32, #tpu.memory_space<vmem>> -> memref<128xi32, #tpu.memory_space<vmem>>
    %dma_wait3A_251 = arith.constant 0 : i32
    %dma_wait3A_252 = tpu.memref_slice %arg4[%dma_wait3A_251] : memref<385024xi32, #tpu.memory_space<hbm>> -> memref<128xi32, #tpu.memory_space<hbm>>
    %dma_wait3A_253 = arith.constant 0 : i32
    %dma_wait3A_254 = tpu.memref_slice %arg7[%dma_wait3A_247, %dma_wait3A_253] : memref<2x128xi32, #tpu.memory_space<vmem>> -> memref<1x128xi32, #tpu.memory_space<vmem>>
    %dma_wait3A_255 = tpu.memref_squeeze %dma_wait3A_254 : memref<1x128xi32, #tpu.memory_space<vmem>> -> memref<128xi32, #tpu.memory_space<vmem>>
    %dma_wait3A_256 = arith.constant 0 : i32
    %dma_wait3A_257 = tpu.memref_slice %arg4[%dma_wait3A_256] : memref<385024xi32, #tpu.memory_space<hbm>> -> memref<128xi32, #tpu.memory_space<hbm>>
    tpu.wait_dma2 semaphore(%arg12 : memref<!tpu.dma_semaphore, #tpu.memory_space<semaphore_mem>>) src(%dma_wait3A_257 : memref<128xi32, #tpu.memory_space<hbm>>) dst(%dma_wait3A_255 : memref<128xi32, #tpu.memory_space<vmem>>)
    %dma_wait3A_258 = arith.constant 1 : i32
    %dma_wait3A_259 = arith.constant 0 : i32
    %dma_wait3A_260 = arith.constant 0 : i32
    %dma_wait3A_261 = tpu.memref_slice %arg8[%dma_wait3A_258, %dma_wait3A_259, %dma_wait3A_260] : memref<2x128x128xf32, #tpu.memory_space<vmem>> -> memref<1x128x128xf32, #tpu.memory_space<vmem>>
    %dma_wait3A_262 = tpu.memref_squeeze %dma_wait3A_261 : memref<1x128x128xf32, #tpu.memory_space<vmem>> -> memref<128x128xf32, #tpu.memory_space<vmem>>
    %dma_wait3A_263 = arith.constant 0 : i32
    %dma_wait3A_264 = arith.constant 0 : i32
    %dma_wait3A_265 = tpu.memref_slice %arg2[%arg0, %dma_wait3A_263, %dma_wait3A_264] : memref<2x10000x128xf32, #tpu.memory_space<hbm>> -> memref<1x10000x128xf32, #tpu.memory_space<hbm>>
    %dma_wait3A_266 = tpu.memref_squeeze %dma_wait3A_265 : memref<1x10000x128xf32, #tpu.memory_space<hbm>> -> memref<10000x128xf32, #tpu.memory_space<hbm>>
    %dma_wait3A_267 = arith.constant 0 : i32
    %dma_wait3A_268 = arith.constant 0 : i32
    %dma_wait3A_269 = tpu.memref_slice %dma_wait3A_266[%dma_wait3A_267, %dma_wait3A_268] : memref<10000x128xf32, #tpu.memory_space<hbm>> -> memref<128x128xf32, #tpu.memory_space<hbm>>
    %dma_wait3A_270 = arith.constant 0 : i32
    %dma_wait3A_271 = arith.constant 0 : i32
    %dma_wait3A_272 = tpu.memref_slice %arg8[%dma_wait3A_258, %dma_wait3A_270, %dma_wait3A_271] : memref<2x128x128xf32, #tpu.memory_space<vmem>> -> memref<1x128x128xf32, #tpu.memory_space<vmem>>
    %dma_wait3A_273 = tpu.memref_squeeze %dma_wait3A_272 : memref<1x128x128xf32, #tpu.memory_space<vmem>> -> memref<128x128xf32, #tpu.memory_space<vmem>>
    %dma_wait3A_274 = arith.constant 0 : i32
    %dma_wait3A_275 = arith.constant 0 : i32
    %dma_wait3A_276 = tpu.memref_slice %arg2[%arg0, %dma_wait3A_274, %dma_wait3A_275] : memref<2x10000x128xf32, #tpu.memory_space<hbm>> -> memref<1x10000x128xf32, #tpu.memory_space<hbm>>
    %dma_wait3A_277 = tpu.memref_squeeze %dma_wait3A_276 : memref<1x10000x128xf32, #tpu.memory_space<hbm>> -> memref<10000x128xf32, #tpu.memory_space<hbm>>
    %dma_wait3A_278 = arith.constant 0 : i32
    %dma_wait3A_279 = arith.constant 0 : i32
    %dma_wait3A_280 = tpu.memref_slice %dma_wait3A_277[%dma_wait3A_278, %dma_wait3A_279] : memref<10000x128xf32, #tpu.memory_space<hbm>> -> memref<128x128xf32, #tpu.memory_space<hbm>>
    tpu.wait_dma2 semaphore(%arg11 : memref<!tpu.dma_semaphore, #tpu.memory_space<semaphore_mem>>) src(%dma_wait3A_280 : memref<128x128xf32, #tpu.memory_space<hbm>>) dst(%dma_wait3A_273 : memref<128x128xf32, #tpu.memory_space<vmem>>)
    %run_scoped3A_281 = arith.constant 1 : i32
    %run_scoped3A_282 = arith.constant 1 : i32
    "tpu.region"() ({
      %run_scoped3A_297 = tpu.sem_alloc : memref<!tpu.dma_semaphore, #tpu.memory_space<semaphore_mem>>
      %dma_start3A_298 = arith.constant 0 : i32
      %dma_start3A_299 = arith.constant 0 : i32
      %dma_start3A_300 = tpu.memref_slice %arg8[%run_scoped3A_281, %dma_start3A_298, %dma_start3A_299] : memref<2x128x128xf32, #tpu.memory_space<vmem>> -> memref<1x128x128xf32, #tpu.memory_space<vmem>>
      %dma_start3A_301 = tpu.memref_squeeze %dma_start3A_300 : memref<1x128x128xf32, #tpu.memory_space<vmem>> -> memref<128x128xf32, #tpu.memory_space<vmem>>
      %dma_start3A_302 = arith.constant 0 : i32
      %dma_start3A_303 = tpu.memref_slice %arg7[%run_scoped3A_282, %dma_start3A_302] : memref<2x128xi32, #tpu.memory_space<vmem>> -> memref<1x128xi32, #tpu.memory_space<vmem>>
      %dma_start3A_304 = tpu.memref_squeeze %dma_start3A_303 : memref<1x128xi32, #tpu.memory_space<vmem>> -> memref<128xi32, #tpu.memory_space<vmem>>
      %dma_start3A_305 = arith.constant 0 : i32
      %dma_start3A_306 = arith.constant 0 : i32
      %dma_start3A_307 = tpu.memref_slice %arg10[%dma_start3A_305, %dma_start3A_306] : memref<5248x128xf32, #tpu.memory_space<vmem_shared>> -> memref<5248x128xf32, #tpu.memory_space<vmem_shared>>
      tpu.enqueue_indirect_dma source(%dma_start3A_301 : memref<128x128xf32, #tpu.memory_space<vmem>>) target(%dma_start3A_307 : memref<5248x128xf32, #tpu.memory_space<vmem_shared>>) offsets(%dma_start3A_304 : memref<128xi32, #tpu.memory_space<vmem>>) semaphore(%run_scoped3A_297 : memref<!tpu.dma_semaphore, #tpu.memory_space<semaphore_mem>>) {add = true}
      %dma_wait3A_308 = arith.constant 0 : i32
      %dma_wait3A_309 = arith.constant 0 : i32
      %dma_wait3A_310 = tpu.memref_slice %arg8[%run_scoped3A_281, %dma_wait3A_308, %dma_wait3A_309] : memref<2x128x128xf32, #tpu.memory_space<vmem>> -> memref<1x128x128xf32, #tpu.memory_space<vmem>>
      %dma_wait3A_311 = tpu.memref_squeeze %dma_wait3A_310 : memref<1x128x128xf32, #tpu.memory_space<vmem>> -> memref<128x128xf32, #tpu.memory_space<vmem>>
      %dma_wait3A_312 = arith.constant 0 : i32
      %dma_wait3A_313 = tpu.memref_slice %arg7[%run_scoped3A_282, %dma_wait3A_312] : memref<2x128xi32, #tpu.memory_space<vmem>> -> memref<1x128xi32, #tpu.memory_space<vmem>>
      %dma_wait3A_314 = tpu.memref_squeeze %dma_wait3A_313 : memref<1x128xi32, #tpu.memory_space<vmem>> -> memref<128xi32, #tpu.memory_space<vmem>>
      %dma_wait3A_315 = arith.constant 0 : i32
      %dma_wait3A_316 = arith.constant 0 : i32
      %dma_wait3A_317 = tpu.memref_slice %arg10[%dma_wait3A_315, %dma_wait3A_316] : memref<5248x128xf32, #tpu.memory_space<vmem_shared>> -> memref<5248x128xf32, #tpu.memory_space<vmem_shared>>
      tpu.wait_indirect_dma semaphore(%run_scoped3A_297 : memref<!tpu.dma_semaphore, #tpu.memory_space<semaphore_mem>>) src(%dma_wait3A_311 : memref<128x128xf32, #tpu.memory_space<vmem>>) dst(%dma_wait3A_317 : memref<5248x128xf32, #tpu.memory_space<vmem_shared>>)
      tpu.yield
    }) : () -> ()
    %mul3A_283 = arith.constant 2 : i32
    %mul3A_284 = arith.muli %mul3A_283, %arg1 : i32
    %add3A_285 = arith.constant 1 : i32
    %add3A_286 = arith.addi %mul3A_284, %add3A_285 : i32
    %lt3A_287 = arith.constant 31 : i32
    %lt3A_288 = arith.cmpi slt, %add3A_286, %lt3A_287 : i32
    %convert_element_type3A_289 = arith.extui %lt3A_288 : i1 to i32
    %cond3A_290 = arith.constant 0 : i32
    %cond3A_291 = arith.cmpi ne, %convert_element_type3A_289, %cond3A_290 : i32
    scf.if %cond3A_291 {
      %mul3A_297 = arith.constant 328 : i32
      %mul3A_298 = arith.muli %arg1, %mul3A_297 : i32
      %mul3A_299 = arith.constant 320 : i32
      %mul3A_300 = arith.muli %add3A_286, %mul3A_299 : i32
      "tpu.region"() ({
        %run_scoped3A_301 = tpu.sem_alloc : memref<!tpu.dma_semaphore, #tpu.memory_space<semaphore_mem>>
        %dma_start3A_302 = arith.constant 0 : i32
        %dma_start3A_303 = tpu.memref_slice %arg5[%arg0, %mul3A_300, %dma_start3A_302] : memref<2x10000x128xf32, #tpu.memory_space<hbm>> -> memref<1x320x128xf32, #tpu.memory_space<hbm>>
        %dma_start3A_304 = tpu.memref_squeeze %dma_start3A_303 : memref<1x320x128xf32, #tpu.memory_space<hbm>> -> memref<320x128xf32, #tpu.memory_space<hbm>>
        %dma_start3A_305 = arith.constant 0 : i32
        %dma_start3A_306 = tpu.memref_slice %arg10[%mul3A_298, %dma_start3A_305] : memref<5248x128xf32, #tpu.memory_space<vmem_shared>> -> memref<320x128xf32, #tpu.memory_space<vmem_shared>>
        tpu.enqueue_dma source(%dma_start3A_306 : memref<320x128xf32, #tpu.memory_space<vmem_shared>>) target(%dma_start3A_304 : memref<320x128xf32, #tpu.memory_space<hbm>>) target_semaphore(%run_scoped3A_301 : memref<!tpu.dma_semaphore, #tpu.memory_space<semaphore_mem>>)
        %dma_wait3A_307 = arith.constant 0 : i32
        %dma_wait3A_308 = tpu.memref_slice %arg5[%arg0, %mul3A_300, %dma_wait3A_307] : memref<2x10000x128xf32, #tpu.memory_space<hbm>> -> memref<1x320x128xf32, #tpu.memory_space<hbm>>
        %dma_wait3A_309 = tpu.memref_squeeze %dma_wait3A_308 : memref<1x320x128xf32, #tpu.memory_space<hbm>> -> memref<320x128xf32, #tpu.memory_space<hbm>>
        %dma_wait3A_310 = arith.constant 0 : i32
        %dma_wait3A_311 = tpu.memref_slice %arg10[%mul3A_298, %dma_wait3A_310] : memref<5248x128xf32, #tpu.memory_space<vmem_shared>> -> memref<320x128xf32, #tpu.memory_space<vmem_shared>>
        tpu.wait_dma2 semaphore(%run_scoped3A_301 : memref<!tpu.dma_semaphore, #tpu.memory_space<semaphore_mem>>) src(%dma_wait3A_311 : memref<320x128xf32, #tpu.memory_space<vmem_shared>>) dst(%dma_wait3A_309 : memref<320x128xf32, #tpu.memory_space<hbm>>)
        tpu.yield
      }) : () -> ()
    } else {
    }
    %eq3A_292 = arith.constant 31 : i32
    %eq3A_293 = arith.cmpi eq, %add3A_286, %eq3A_292 : i32
    %convert_element_type3A_294 = arith.extui %eq3A_293 : i1 to i32
    %cond3A_295 = arith.constant 0 : i32
    %cond3A_296 = arith.cmpi ne, %convert_element_type3A_294, %cond3A_295 : i32
    scf.if %cond3A_296 {
      %mul3A_297 = arith.constant 328 : i32
      %mul3A_298 = arith.muli %arg1, %mul3A_297 : i32
      %mul3A_299 = arith.constant 320 : i32
      %mul3A_300 = arith.muli %add3A_286, %mul3A_299 : i32
      "tpu.region"() ({
        %run_scoped3A_301 = tpu.sem_alloc : memref<!tpu.dma_semaphore, #tpu.memory_space<semaphore_mem>>
        %dma_start3A_302 = arith.constant 0 : i32
        %dma_start3A_303 = tpu.memref_slice %arg5[%arg0, %mul3A_300, %dma_start3A_302] : memref<2x10000x128xf32, #tpu.memory_space<hbm>> -> memref<1x80x128xf32, #tpu.memory_space<hbm>>
        %dma_start3A_304 = tpu.memref_squeeze %dma_start3A_303 : memref<1x80x128xf32, #tpu.memory_space<hbm>> -> memref<80x128xf32, #tpu.memory_space<hbm>>
        %dma_start3A_305 = arith.constant 0 : i32
        %dma_start3A_306 = tpu.memref_slice %arg10[%mul3A_298, %dma_start3A_305] : memref<5248x128xf32, #tpu.memory_space<vmem_shared>> -> memref<80x128xf32, #tpu.memory_space<vmem_shared>>
        tpu.enqueue_dma source(%dma_start3A_306 : memref<80x128xf32, #tpu.memory_space<vmem_shared>>) target(%dma_start3A_304 : memref<80x128xf32, #tpu.memory_space<hbm>>) target_semaphore(%run_scoped3A_301 : memref<!tpu.dma_semaphore, #tpu.memory_space<semaphore_mem>>)
        %dma_wait3A_307 = arith.constant 0 : i32
        %dma_wait3A_308 = tpu.memref_slice %arg5[%arg0, %mul3A_300, %dma_wait3A_307] : memref<2x10000x128xf32, #tpu.memory_space<hbm>> -> memref<1x80x128xf32, #tpu.memory_space<hbm>>
        %dma_wait3A_309 = tpu.memref_squeeze %dma_wait3A_308 : memref<1x80x128xf32, #tpu.memory_space<hbm>> -> memref<80x128xf32, #tpu.memory_space<hbm>>
        %dma_wait3A_310 = arith.constant 0 : i32
        %dma_wait3A_311 = tpu.memref_slice %arg10[%mul3A_298, %dma_wait3A_310] : memref<5248x128xf32, #tpu.memory_space<vmem_shared>> -> memref<80x128xf32, #tpu.memory_space<vmem_shared>>
        tpu.wait_dma2 semaphore(%run_scoped3A_301 : memref<!tpu.dma_semaphore, #tpu.memory_space<semaphore_mem>>) src(%dma_wait3A_311 : memref<80x128xf32, #tpu.memory_space<vmem_shared>>) dst(%dma_wait3A_309 : memref<80x128xf32, #tpu.memory_space<hbm>>)
        tpu.yield
      }) : () -> ()
    } else {
    }
    return
  }
}

#map = affine_map<(d0, d1) -> (0, 0)>
#map1 = affine_map<(d0, d1) -> (0)>
module attributes {stable_mosaic.version = 14 : i64} {
  func.func @k(%arg0: i32, %arg1: i32, %arg2: memref<10000x128xf32, #tpu.memory_space<hbm>>, %arg3: memref<385024xi32, #tpu.memory_space<hbm>>, %arg4: memref<385024xi32, #tpu.memory_space<hbm>>, %arg5: memref<10000x128xf32, #tpu.memory_space<hbm>>, %arg6: memref<12032xi32, #tpu.memory_space<vmem>>, %arg7: memref<2x128xi32, #tpu.memory_space<vmem>>, %arg8: memref<2x128x128xf32, #tpu.memory_space<vmem>>, %arg9: memref<328x128xf32, #tpu.memory_space<vmem>>, %arg10: memref<5248x128xf32, #tpu.memory_space<vmem_shared>>, %arg11: memref<!tpu.dma_semaphore, #tpu.memory_space<semaphore_mem>>, %arg12: memref<!tpu.dma_semaphore, #tpu.memory_space<semaphore_mem>>) attributes {dimension_semantics = [#tpu.dimension_semantics<core_parallel>, #tpu.dimension_semantics<subcore_parallel>], iteration_bounds = array<i64: 2, 16>, scalar_prefetch = 0 : i64, scratch_operands = 7 : i64, tpu.core_type = #tpu.core_type<sc_vector_subcore>, window_params = [{transform_indices = #map}, {transform_indices = #map1}, {transform_indices = #map1}, {transform_indices = #map}]} {
    %scan3A = arith.constant 0 : i32
    %scan3A_0 = arith.constant 328 : i32
    %scan3A_1 = arith.addi %scan3A, %scan3A_0 : i32
    %scan3A_2 = arith.constant 1 : i32
    scf.for %scan3A_119 = %scan3A to %scan3A_1 step %scan3A_2  : i32 {
      %mul3A_120 = arith.constant 1 : i32
      %mul3A_121 = arith.muli %scan3A_119, %mul3A_120 : i32
      %add3A_122 = arith.constant 0 : i32
      %add3A_123 = arith.addi %add3A_122, %mul3A_121 : i32
      %broadcast_in_dim3A = arith.constant 0.000000e+00 : f32
      %broadcast_in_dim3A_124 = vector.broadcast %broadcast_in_dim3A : f32 to vector<16xf32>
      %swap3A = arith.index_cast %add3A_123 : i32 to index
      %swap3A_125 = arith.constant 0 : index
      %swap3A_126 = tpu.vector_load %arg9[%swap3A, %swap3A_125] {strides = array<i32>} : memref<328x128xf32, #tpu.memory_space<vmem>>, vector<1x16xf32>,
      %swap3A_127 = vector.shape_cast %swap3A_126 : vector<1x16xf32> to vector<16xf32>
      %swap3A_128 = vector.shape_cast %broadcast_in_dim3A_124 : vector<16xf32> to vector<1x16xf32>
      tpu.vector_store %arg9[%swap3A, %swap3A_125], %swap3A_128 {strides = array<i32>} : memref<328x128xf32, #tpu.memory_space<vmem>>, vector<1x16xf32>,
      %broadcast_in_dim3A_129 = arith.constant 0.000000e+00 : f32
      %broadcast_in_dim3A_130 = vector.broadcast %broadcast_in_dim3A_129 : f32 to vector<16xf32>
      %swap3A_131 = arith.index_cast %add3A_123 : i32 to index
      %swap3A_132 = arith.constant 16 : index
      %swap3A_133 = tpu.vector_load %arg9[%swap3A_131, %swap3A_132] {strides = array<i32>} : memref<328x128xf32, #tpu.memory_space<vmem>>, vector<1x16xf32>,
      %swap3A_134 = vector.shape_cast %swap3A_133 : vector<1x16xf32> to vector<16xf32>
      %swap3A_135 = vector.shape_cast %broadcast_in_dim3A_130 : vector<16xf32> to vector<1x16xf32>
      tpu.vector_store %arg9[%swap3A_131, %swap3A_132], %swap3A_135 {strides = array<i32>} : memref<328x128xf32, #tpu.memory_space<vmem>>, vector<1x16xf32>,
      %broadcast_in_dim3A_136 = arith.constant 0.000000e+00 : f32
      %broadcast_in_dim3A_137 = vector.broadcast %broadcast_in_dim3A_136 : f32 to vector<16xf32>
      %swap3A_138 = arith.index_cast %add3A_123 : i32 to index
      %swap3A_139 = arith.constant 32 : index
      %swap3A_140 = tpu.vector_load %arg9[%swap3A_138, %swap3A_139] {strides = array<i32>} : memref<328x128xf32, #tpu.memory_space<vmem>>, vector<1x16xf32>,
      %swap3A_141 = vector.shape_cast %swap3A_140 : vector<1x16xf32> to vector<16xf32>
      %swap3A_142 = vector.shape_cast %broadcast_in_dim3A_137 : vector<16xf32> to vector<1x16xf32>
      tpu.vector_store %arg9[%swap3A_138, %swap3A_139], %swap3A_142 {strides = array<i32>} : memref<328x128xf32, #tpu.memory_space<vmem>>, vector<1x16xf32>,
      %broadcast_in_dim3A_143 = arith.constant 0.000000e+00 : f32
      %broadcast_in_dim3A_144 = vector.broadcast %broadcast_in_dim3A_143 : f32 to vector<16xf32>
      %swap3A_145 = arith.index_cast %add3A_123 : i32 to index
      %swap3A_146 = arith.constant 48 : index
      %swap3A_147 = tpu.vector_load %arg9[%swap3A_145, %swap3A_146] {strides = array<i32>} : memref<328x128xf32, #tpu.memory_space<vmem>>, vector<1x16xf32>,
      %swap3A_148 = vector.shape_cast %swap3A_147 : vector<1x16xf32> to vector<16xf32>
      %swap3A_149 = vector.shape_cast %broadcast_in_dim3A_144 : vector<16xf32> to vector<1x16xf32>
      tpu.vector_store %arg9[%swap3A_145, %swap3A_146], %swap3A_149 {strides = array<i32>} : memref<328x128xf32, #tpu.memory_space<vmem>>, vector<1x16xf32>,
      %broadcast_in_dim3A_150 = arith.constant 0.000000e+00 : f32
      %broadcast_in_dim3A_151 = vector.broadcast %broadcast_in_dim3A_150 : f32 to vector<16xf32>
      %swap3A_152 = arith.index_cast %add3A_123 : i32 to index
      %swap3A_153 = arith.constant 64 : index
      %swap3A_154 = tpu.vector_load %arg9[%swap3A_152, %swap3A_153] {strides = array<i32>} : memref<328x128xf32, #tpu.memory_space<vmem>>, vector<1x16xf32>,
      %swap3A_155 = vector.shape_cast %swap3A_154 : vector<1x16xf32> to vector<16xf32>
      %swap3A_156 = vector.shape_cast %broadcast_in_dim3A_151 : vector<16xf32> to vector<1x16xf32>
      tpu.vector_store %arg9[%swap3A_152, %swap3A_153], %swap3A_156 {strides = array<i32>} : memref<328x128xf32, #tpu.memory_space<vmem>>, vector<1x16xf32>,
      %broadcast_in_dim3A_157 = arith.constant 0.000000e+00 : f32
      %broadcast_in_dim3A_158 = vector.broadcast %broadcast_in_dim3A_157 : f32 to vector<16xf32>
      %swap3A_159 = arith.index_cast %add3A_123 : i32 to index
      %swap3A_160 = arith.constant 80 : index
      %swap3A_161 = tpu.vector_load %arg9[%swap3A_159, %swap3A_160] {strides = array<i32>} : memref<328x128xf32, #tpu.memory_space<vmem>>, vector<1x16xf32>,
      %swap3A_162 = vector.shape_cast %swap3A_161 : vector<1x16xf32> to vector<16xf32>
      %swap3A_163 = vector.shape_cast %broadcast_in_dim3A_158 : vector<16xf32> to vector<1x16xf32>
      tpu.vector_store %arg9[%swap3A_159, %swap3A_160], %swap3A_163 {strides = array<i32>} : memref<328x128xf32, #tpu.memory_space<vmem>>, vector<1x16xf32>,
      %broadcast_in_dim3A_164 = arith.constant 0.000000e+00 : f32
      %broadcast_in_dim3A_165 = vector.broadcast %broadcast_in_dim3A_164 : f32 to vector<16xf32>
      %swap3A_166 = arith.index_cast %add3A_123 : i32 to index
      %swap3A_167 = arith.constant 96 : index
      %swap3A_168 = tpu.vector_load %arg9[%swap3A_166, %swap3A_167] {strides = array<i32>} : memref<328x128xf32, #tpu.memory_space<vmem>>, vector<1x16xf32>,
      %swap3A_169 = vector.shape_cast %swap3A_168 : vector<1x16xf32> to vector<16xf32>
      %swap3A_170 = vector.shape_cast %broadcast_in_dim3A_165 : vector<16xf32> to vector<1x16xf32>
      tpu.vector_store %arg9[%swap3A_166, %swap3A_167], %swap3A_170 {strides = array<i32>} : memref<328x128xf32, #tpu.memory_space<vmem>>, vector<1x16xf32>,
      %broadcast_in_dim3A_171 = arith.constant 0.000000e+00 : f32
      %broadcast_in_dim3A_172 = vector.broadcast %broadcast_in_dim3A_171 : f32 to vector<16xf32>
      %swap3A_173 = arith.index_cast %add3A_123 : i32 to index
      %swap3A_174 = arith.constant 112 : index
      %swap3A_175 = tpu.vector_load %arg9[%swap3A_173, %swap3A_174] {strides = array<i32>} : memref<328x128xf32, #tpu.memory_space<vmem>>, vector<1x16xf32>,
      %swap3A_176 = vector.shape_cast %swap3A_175 : vector<1x16xf32> to vector<16xf32>
      %swap3A_177 = vector.shape_cast %broadcast_in_dim3A_172 : vector<16xf32> to vector<1x16xf32>
      tpu.vector_store %arg9[%swap3A_173, %swap3A_174], %swap3A_177 {strides = array<i32>} : memref<328x128xf32, #tpu.memory_space<vmem>>, vector<1x16xf32>,
    }
    %scan3A_3 = arith.constant 328 : i32
    %mul3A = arith.constant 2 : i32
    %mul3A_4 = arith.muli %mul3A, %arg1 : i32
    %add3A = arith.addi %mul3A_4, %arg0 : i32
    %mul3A_5 = arith.constant 328 : i32
    %mul3A_6 = arith.muli %arg1, %mul3A_5 : i32
    "tpu.region"() ({
      %run_scoped3A_119 = tpu.sem_alloc : memref<!tpu.dma_semaphore, #tpu.memory_space<semaphore_mem>>
      %dma_start3A_120 = arith.constant 0 : i32
      %dma_start3A_121 = tpu.memref_slice %arg10[%mul3A_6, %dma_start3A_120] : memref<5248x128xf32, #tpu.memory_space<vmem_shared>> -> memref<328x128xf32, #tpu.memory_space<vmem_shared>>
      %dma_start3A_122 = arith.constant 0 : i32
      %dma_start3A_123 = tpu.memref_slice %arg10[%mul3A_6, %dma_start3A_122] : memref<5248x128xf32, #tpu.memory_space<vmem_shared>> -> memref<328x128xf32, #tpu.memory_space<vmem_shared>>
      tpu.enqueue_dma source(%arg9 : memref<328x128xf32, #tpu.memory_space<vmem>>) target(%dma_start3A_123 : memref<328x128xf32, #tpu.memory_space<vmem_shared>>) target_semaphore(%run_scoped3A_119 : memref<!tpu.dma_semaphore, #tpu.memory_space<semaphore_mem>>)
      %dma_wait3A_124 = arith.constant 0 : i32
      %dma_wait3A_125 = tpu.memref_slice %arg10[%mul3A_6, %dma_wait3A_124] : memref<5248x128xf32, #tpu.memory_space<vmem_shared>> -> memref<328x128xf32, #tpu.memory_space<vmem_shared>>
      %dma_wait3A_126 = arith.constant 0 : i32
      %dma_wait3A_127 = tpu.memref_slice %arg10[%mul3A_6, %dma_wait3A_126] : memref<5248x128xf32, #tpu.memory_space<vmem_shared>> -> memref<328x128xf32, #tpu.memory_space<vmem_shared>>
      tpu.wait_dma2 semaphore(%run_scoped3A_119 : memref<!tpu.dma_semaphore, #tpu.memory_space<semaphore_mem>>) src(%arg9 : memref<328x128xf32, #tpu.memory_space<vmem>>) dst(%dma_wait3A_127 : memref<328x128xf32, #tpu.memory_space<vmem_shared>>)
      tpu.yield
    }) : () -> ()
    %mul3A_7 = arith.constant 12032 : i32
    %mul3A_8 = arith.muli %add3A, %mul3A_7 : i32
    "tpu.region"() ({
      %run_scoped3A_119 = tpu.sem_alloc : memref<!tpu.dma_semaphore, #tpu.memory_space<semaphore_mem>>
      %dma_start3A_120 = tpu.memref_slice %arg3[%mul3A_8] : memref<385024xi32, #tpu.memory_space<hbm>> -> memref<12032xi32, #tpu.memory_space<hbm>>
      %dma_start3A_121 = tpu.memref_slice %arg3[%mul3A_8] : memref<385024xi32, #tpu.memory_space<hbm>> -> memref<12032xi32, #tpu.memory_space<hbm>>
      tpu.enqueue_dma source(%dma_start3A_121 : memref<12032xi32, #tpu.memory_space<hbm>>) target(%arg6 : memref<12032xi32, #tpu.memory_space<vmem>>) target_semaphore(%run_scoped3A_119 : memref<!tpu.dma_semaphore, #tpu.memory_space<semaphore_mem>>)
      %dma_wait3A_122 = tpu.memref_slice %arg3[%mul3A_8] : memref<385024xi32, #tpu.memory_space<hbm>> -> memref<12032xi32, #tpu.memory_space<hbm>>
      %dma_wait3A_123 = tpu.memref_slice %arg3[%mul3A_8] : memref<385024xi32, #tpu.memory_space<hbm>> -> memref<12032xi32, #tpu.memory_space<hbm>>
      tpu.wait_dma2 semaphore(%run_scoped3A_119 : memref<!tpu.dma_semaphore, #tpu.memory_space<semaphore_mem>>) src(%dma_wait3A_123 : memref<12032xi32, #tpu.memory_space<hbm>>) dst(%arg6 : memref<12032xi32, #tpu.memory_space<vmem>>)
      tpu.yield
    }) : () -> ()
    %mul3A_9 = arith.constant 12032 : i32
    %mul3A_10 = arith.muli %add3A, %mul3A_9 : i32
    %add3A_11 = arith.constant 0 : i32
    %add3A_12 = arith.addi %mul3A_10, %add3A_11 : i32
    %dma_start3A = arith.constant 0 : i32
    %dma_start3A_13 = arith.constant 0 : i32
    %dma_start3A_14 = tpu.memref_slice %arg7[%dma_start3A, %dma_start3A_13] : memref<2x128xi32, #tpu.memory_space<vmem>> -> memref<1x128xi32, #tpu.memory_space<vmem>>
    %dma_start3A_15 = tpu.memref_squeeze %dma_start3A_14 : memref<1x128xi32, #tpu.memory_space<vmem>> -> memref<128xi32, #tpu.memory_space<vmem>>
    %dma_start3A_16 = tpu.memref_slice %arg4[%add3A_12] : memref<385024xi32, #tpu.memory_space<hbm>> -> memref<128xi32, #tpu.memory_space<hbm>>
    %dma_start3A_17 = arith.constant 0 : i32
    %dma_start3A_18 = tpu.memref_slice %arg7[%dma_start3A, %dma_start3A_17] : memref<2x128xi32, #tpu.memory_space<vmem>> -> memref<1x128xi32, #tpu.memory_space<vmem>>
    %dma_start3A_19 = tpu.memref_squeeze %dma_start3A_18 : memref<1x128xi32, #tpu.memory_space<vmem>> -> memref<128xi32, #tpu.memory_space<vmem>>
    %dma_start3A_20 = tpu.memref_slice %arg4[%add3A_12] : memref<385024xi32, #tpu.memory_space<hbm>> -> memref<128xi32, #tpu.memory_space<hbm>>
    tpu.enqueue_dma source(%dma_start3A_20 : memref<128xi32, #tpu.memory_space<hbm>>) target(%dma_start3A_19 : memref<128xi32, #tpu.memory_space<vmem>>) target_semaphore(%arg12 : memref<!tpu.dma_semaphore, #tpu.memory_space<semaphore_mem>>)
    %dma_start3A_21 = arith.constant 0 : i32
    %dma_start3A_22 = arith.constant 0 : i32
    %dma_start3A_23 = arith.constant 0 : i32
    %dma_start3A_24 = tpu.memref_slice %arg8[%dma_start3A_21, %dma_start3A_22, %dma_start3A_23] : memref<2x128x128xf32, #tpu.memory_space<vmem>> -> memref<1x128x128xf32, #tpu.memory_space<vmem>>
    %dma_start3A_25 = tpu.memref_squeeze %dma_start3A_24 : memref<1x128x128xf32, #tpu.memory_space<vmem>> -> memref<128x128xf32, #tpu.memory_space<vmem>>
    %dma_start3A_26 = arith.constant 0 : i32
    %dma_start3A_27 = tpu.memref_slice %arg6[%dma_start3A_26] : memref<12032xi32, #tpu.memory_space<vmem>> -> memref<128xi32, #tpu.memory_space<vmem>>
    %dma_start3A_28 = arith.constant 0 : i32
    %dma_start3A_29 = arith.constant 0 : i32
    %dma_start3A_30 = tpu.memref_slice %arg2[%dma_start3A_28, %dma_start3A_29] : memref<10000x128xf32, #tpu.memory_space<hbm>> -> memref<10000x128xf32, #tpu.memory_space<hbm>>
    tpu.enqueue_indirect_dma source(%dma_start3A_30 : memref<10000x128xf32, #tpu.memory_space<hbm>>) target(%dma_start3A_25 : memref<128x128xf32, #tpu.memory_space<vmem>>) offsets(%dma_start3A_27 : memref<128xi32, #tpu.memory_space<vmem>>) semaphore(%arg11 : memref<!tpu.dma_semaphore, #tpu.memory_space<semaphore_mem>>)
    %scan3A_31 = arith.constant 0 : i32
    %scan3A_32 = arith.constant 46 : i32
    %scan3A_33 = arith.addi %scan3A_31, %scan3A_32 : i32
    %scan3A_34 = arith.constant 1 : i32
    scf.for %scan3A_119 = %scan3A_31 to %scan3A_33 step %scan3A_34  : i32 {
      %mul3A_120 = arith.constant 2 : i32
      %mul3A_121 = arith.muli %scan3A_119, %mul3A_120 : i32
      %add3A_122 = arith.constant 0 : i32
      %add3A_123 = arith.addi %add3A_122, %mul3A_121 : i32
      %add3A_124 = arith.constant 1 : i32
      %add3A_125 = arith.addi %add3A_123, %add3A_124 : i32
      %mul3A_126 = arith.constant 12032 : i32
      %mul3A_127 = arith.muli %add3A, %mul3A_126 : i32
      %mul3A_128 = arith.constant 128 : i32
      %mul3A_129 = arith.muli %add3A_125, %mul3A_128 : i32
      %add3A_130 = arith.addi %mul3A_127, %mul3A_129 : i32
      %dma_start3A_131 = arith.constant 1 : i32
      %dma_start3A_132 = arith.constant 0 : i32
      %dma_start3A_133 = tpu.memref_slice %arg7[%dma_start3A_131, %dma_start3A_132] : memref<2x128xi32, #tpu.memory_space<vmem>> -> memref<1x128xi32, #tpu.memory_space<vmem>>
      %dma_start3A_134 = tpu.memref_squeeze %dma_start3A_133 : memref<1x128xi32, #tpu.memory_space<vmem>> -> memref<128xi32, #tpu.memory_space<vmem>>
      %dma_start3A_135 = tpu.memref_slice %arg4[%add3A_130] : memref<385024xi32, #tpu.memory_space<hbm>> -> memref<128xi32, #tpu.memory_space<hbm>>
      %dma_start3A_136 = arith.constant 0 : i32
      %dma_start3A_137 = tpu.memref_slice %arg7[%dma_start3A_131, %dma_start3A_136] : memref<2x128xi32, #tpu.memory_space<vmem>> -> memref<1x128xi32, #tpu.memory_space<vmem>>
      %dma_start3A_138 = tpu.memref_squeeze %dma_start3A_137 : memref<1x128xi32, #tpu.memory_space<vmem>> -> memref<128xi32, #tpu.memory_space<vmem>>
      %dma_start3A_139 = tpu.memref_slice %arg4[%add3A_130] : memref<385024xi32, #tpu.memory_space<hbm>> -> memref<128xi32, #tpu.memory_space<hbm>>
      tpu.enqueue_dma source(%dma_start3A_139 : memref<128xi32, #tpu.memory_space<hbm>>) target(%dma_start3A_138 : memref<128xi32, #tpu.memory_space<vmem>>) target_semaphore(%arg12 : memref<!tpu.dma_semaphore, #tpu.memory_space<semaphore_mem>>)
      %mul3A_140 = arith.constant 128 : i32
      %mul3A_141 = arith.muli %add3A_125, %mul3A_140 : i32
      %dma_start3A_142 = arith.constant 1 : i32
      %dma_start3A_143 = arith.constant 0 : i32
      %dma_start3A_144 = arith.constant 0 : i32
      %dma_start3A_145 = tpu.memref_slice %arg8[%dma_start3A_142, %dma_start3A_143, %dma_start3A_144] : memref<2x128x128xf32, #tpu.memory_space<vmem>> -> memref<1x128x128xf32, #tpu.memory_space<vmem>>
      %dma_start3A_146 = tpu.memref_squeeze %dma_start3A_145 : memref<1x128x128xf32, #tpu.memory_space<vmem>> -> memref<128x128xf32, #tpu.memory_space<vmem>>
      %dma_start3A_147 = tpu.memref_slice %arg6[%mul3A_141] : memref<12032xi32, #tpu.memory_space<vmem>> -> memref<128xi32, #tpu.memory_space<vmem>>
      %dma_start3A_148 = arith.constant 0 : i32
      %dma_start3A_149 = arith.constant 0 : i32
      %dma_start3A_150 = tpu.memref_slice %arg2[%dma_start3A_148, %dma_start3A_149] : memref<10000x128xf32, #tpu.memory_space<hbm>> -> memref<10000x128xf32, #tpu.memory_space<hbm>>
      tpu.enqueue_indirect_dma source(%dma_start3A_150 : memref<10000x128xf32, #tpu.memory_space<hbm>>) target(%dma_start3A_146 : memref<128x128xf32, #tpu.memory_space<vmem>>) offsets(%dma_start3A_147 : memref<128xi32, #tpu.memory_space<vmem>>) semaphore(%arg11 : memref<!tpu.dma_semaphore, #tpu.memory_space<semaphore_mem>>)
      %dma_wait3A_151 = arith.constant 0 : i32
      %dma_wait3A_152 = arith.constant 0 : i32
      %dma_wait3A_153 = tpu.memref_slice %arg7[%dma_wait3A_151, %dma_wait3A_152] : memref<2x128xi32, #tpu.memory_space<vmem>> -> memref<1x128xi32, #tpu.memory_space<vmem>>
      %dma_wait3A_154 = tpu.memref_squeeze %dma_wait3A_153 : memref<1x128xi32, #tpu.memory_space<vmem>> -> memref<128xi32, #tpu.memory_space<vmem>>
      %dma_wait3A_155 = arith.constant 0 : i32
      %dma_wait3A_156 = tpu.memref_slice %arg4[%dma_wait3A_155] : memref<385024xi32, #tpu.memory_space<hbm>> -> memref<128xi32, #tpu.memory_space<hbm>>
      %dma_wait3A_157 = arith.constant 0 : i32
      %dma_wait3A_158 = tpu.memref_slice %arg7[%dma_wait3A_151, %dma_wait3A_157] : memref<2x128xi32, #tpu.memory_space<vmem>> -> memref<1x128xi32, #tpu.memory_space<vmem>>
      %dma_wait3A_159 = tpu.memref_squeeze %dma_wait3A_158 : memref<1x128xi32, #tpu.memory_space<vmem>> -> memref<128xi32, #tpu.memory_space<vmem>>
      %dma_wait3A_160 = arith.constant 0 : i32
      %dma_wait3A_161 = tpu.memref_slice %arg4[%dma_wait3A_160] : memref<385024xi32, #tpu.memory_space<hbm>> -> memref<128xi32, #tpu.memory_space<hbm>>
      tpu.wait_dma2 semaphore(%arg12 : memref<!tpu.dma_semaphore, #tpu.memory_space<semaphore_mem>>) src(%dma_wait3A_161 : memref<128xi32, #tpu.memory_space<hbm>>) dst(%dma_wait3A_159 : memref<128xi32, #tpu.memory_space<vmem>>)
      %dma_wait3A_162 = arith.constant 0 : i32
      %dma_wait3A_163 = arith.constant 0 : i32
      %dma_wait3A_164 = arith.constant 0 : i32
      %dma_wait3A_165 = tpu.memref_slice %arg8[%dma_wait3A_162, %dma_wait3A_163, %dma_wait3A_164] : memref<2x128x128xf32, #tpu.memory_space<vmem>> -> memref<1x128x128xf32, #tpu.memory_space<vmem>>
      %dma_wait3A_166 = tpu.memref_squeeze %dma_wait3A_165 : memref<1x128x128xf32, #tpu.memory_space<vmem>> -> memref<128x128xf32, #tpu.memory_space<vmem>>
      %dma_wait3A_167 = arith.constant 0 : i32
      %dma_wait3A_168 = arith.constant 0 : i32
      %dma_wait3A_169 = tpu.memref_slice %arg2[%dma_wait3A_167, %dma_wait3A_168] : memref<10000x128xf32, #tpu.memory_space<hbm>> -> memref<128x128xf32, #tpu.memory_space<hbm>>
      %dma_wait3A_170 = arith.constant 0 : i32
      %dma_wait3A_171 = arith.constant 0 : i32
      %dma_wait3A_172 = tpu.memref_slice %arg8[%dma_wait3A_162, %dma_wait3A_170, %dma_wait3A_171] : memref<2x128x128xf32, #tpu.memory_space<vmem>> -> memref<1x128x128xf32, #tpu.memory_space<vmem>>
      %dma_wait3A_173 = tpu.memref_squeeze %dma_wait3A_172 : memref<1x128x128xf32, #tpu.memory_space<vmem>> -> memref<128x128xf32, #tpu.memory_space<vmem>>
      %dma_wait3A_174 = arith.constant 0 : i32
      %dma_wait3A_175 = arith.constant 0 : i32
      %dma_wait3A_176 = tpu.memref_slice %arg2[%dma_wait3A_174, %dma_wait3A_175] : memref<10000x128xf32, #tpu.memory_space<hbm>> -> memref<128x128xf32, #tpu.memory_space<hbm>>
      tpu.wait_dma2 semaphore(%arg11 : memref<!tpu.dma_semaphore, #tpu.memory_space<semaphore_mem>>) src(%dma_wait3A_176 : memref<128x128xf32, #tpu.memory_space<hbm>>) dst(%dma_wait3A_173 : memref<128x128xf32, #tpu.memory_space<vmem>>)
      %run_scoped3A_177 = arith.constant 0 : i32
      %run_scoped3A_178 = arith.constant 0 : i32
      "tpu.region"() ({
        %run_scoped3A_234 = tpu.sem_alloc : memref<!tpu.dma_semaphore, #tpu.memory_space<semaphore_mem>>
        %dma_start3A_235 = arith.constant 0 : i32
        %dma_start3A_236 = arith.constant 0 : i32
        %dma_start3A_237 = tpu.memref_slice %arg8[%run_scoped3A_177, %dma_start3A_235, %dma_start3A_236] : memref<2x128x128xf32, #tpu.memory_space<vmem>> -> memref<1x128x128xf32, #tpu.memory_space<vmem>>
        %dma_start3A_238 = tpu.memref_squeeze %dma_start3A_237 : memref<1x128x128xf32, #tpu.memory_space<vmem>> -> memref<128x128xf32, #tpu.memory_space<vmem>>
        %dma_start3A_239 = arith.constant 0 : i32
        %dma_start3A_240 = tpu.memref_slice %arg7[%run_scoped3A_178, %dma_start3A_239] : memref<2x128xi32, #tpu.memory_space<vmem>> -> memref<1x128xi32, #tpu.memory_space<vmem>>
        %dma_start3A_241 = tpu.memref_squeeze %dma_start3A_240 : memref<1x128xi32, #tpu.memory_space<vmem>> -> memref<128xi32, #tpu.memory_space<vmem>>
        %dma_start3A_242 = arith.constant 0 : i32
        %dma_start3A_243 = arith.constant 0 : i32
        %dma_start3A_244 = tpu.memref_slice %arg10[%dma_start3A_242, %dma_start3A_243] : memref<5248x128xf32, #tpu.memory_space<vmem_shared>> -> memref<5248x128xf32, #tpu.memory_space<vmem_shared>>
        tpu.enqueue_indirect_dma source(%dma_start3A_238 : memref<128x128xf32, #tpu.memory_space<vmem>>) target(%dma_start3A_244 : memref<5248x128xf32, #tpu.memory_space<vmem_shared>>) offsets(%dma_start3A_241 : memref<128xi32, #tpu.memory_space<vmem>>) semaphore(%run_scoped3A_234 : memref<!tpu.dma_semaphore, #tpu.memory_space<semaphore_mem>>) {add = true}
        %dma_wait3A_245 = arith.constant 0 : i32
        %dma_wait3A_246 = arith.constant 0 : i32
        %dma_wait3A_247 = tpu.memref_slice %arg8[%run_scoped3A_177, %dma_wait3A_245, %dma_wait3A_246] : memref<2x128x128xf32, #tpu.memory_space<vmem>> -> memref<1x128x128xf32, #tpu.memory_space<vmem>>
        %dma_wait3A_248 = tpu.memref_squeeze %dma_wait3A_247 : memref<1x128x128xf32, #tpu.memory_space<vmem>> -> memref<128x128xf32, #tpu.memory_space<vmem>>
        %dma_wait3A_249 = arith.constant 0 : i32
        %dma_wait3A_250 = tpu.memref_slice %arg7[%run_scoped3A_178, %dma_wait3A_249] : memref<2x128xi32, #tpu.memory_space<vmem>> -> memref<1x128xi32, #tpu.memory_space<vmem>>
        %dma_wait3A_251 = tpu.memref_squeeze %dma_wait3A_250 : memref<1x128xi32, #tpu.memory_space<vmem>> -> memref<128xi32, #tpu.memory_space<vmem>>
        %dma_wait3A_252 = arith.constant 0 : i32
        %dma_wait3A_253 = arith.constant 0 : i32
        %dma_wait3A_254 = tpu.memref_slice %arg10[%dma_wait3A_252, %dma_wait3A_253] : memref<5248x128xf32, #tpu.memory_space<vmem_shared>> -> memref<5248x128xf32, #tpu.memory_space<vmem_shared>>
        tpu.wait_indirect_dma semaphore(%run_scoped3A_234 : memref<!tpu.dma_semaphore, #tpu.memory_space<semaphore_mem>>) src(%dma_wait3A_248 : memref<128x128xf32, #tpu.memory_space<vmem>>) dst(%dma_wait3A_254 : memref<5248x128xf32, #tpu.memory_space<vmem_shared>>)
        tpu.yield
      }) : () -> ()
      %add3A_179 = arith.constant 2 : i32
      %add3A_180 = arith.addi %add3A_123, %add3A_179 : i32
      %mul3A_181 = arith.constant 12032 : i32
      %mul3A_182 = arith.muli %add3A, %mul3A_181 : i32
      %mul3A_183 = arith.constant 128 : i32
      %mul3A_184 = arith.muli %add3A_180, %mul3A_183 : i32
      %add3A_185 = arith.addi %mul3A_182, %mul3A_184 : i32
      %dma_start3A_186 = arith.constant 0 : i32
      %dma_start3A_187 = arith.constant 0 : i32
      %dma_start3A_188 = tpu.memref_slice %arg7[%dma_start3A_186, %dma_start3A_187] : memref<2x128xi32, #tpu.memory_space<vmem>> -> memref<1x128xi32, #tpu.memory_space<vmem>>
      %dma_start3A_189 = tpu.memref_squeeze %dma_start3A_188 : memref<1x128xi32, #tpu.memory_space<vmem>> -> memref<128xi32, #tpu.memory_space<vmem>>
      %dma_start3A_190 = tpu.memref_slice %arg4[%add3A_185] : memref<385024xi32, #tpu.memory_space<hbm>> -> memref<128xi32, #tpu.memory_space<hbm>>
      %dma_start3A_191 = arith.constant 0 : i32
      %dma_start3A_192 = tpu.memref_slice %arg7[%dma_start3A_186, %dma_start3A_191] : memref<2x128xi32, #tpu.memory_space<vmem>> -> memref<1x128xi32, #tpu.memory_space<vmem>>
      %dma_start3A_193 = tpu.memref_squeeze %dma_start3A_192 : memref<1x128xi32, #tpu.memory_space<vmem>> -> memref<128xi32, #tpu.memory_space<vmem>>
      %dma_start3A_194 = tpu.memref_slice %arg4[%add3A_185] : memref<385024xi32, #tpu.memory_space<hbm>> -> memref<128xi32, #tpu.memory_space<hbm>>
      tpu.enqueue_dma source(%dma_start3A_194 : memref<128xi32, #tpu.memory_space<hbm>>) target(%dma_start3A_193 : memref<128xi32, #tpu.memory_space<vmem>>) target_semaphore(%arg12 : memref<!tpu.dma_semaphore, #tpu.memory_space<semaphore_mem>>)
      %mul3A_195 = arith.constant 128 : i32
      %mul3A_196 = arith.muli %add3A_180, %mul3A_195 : i32
      %dma_start3A_197 = arith.constant 0 : i32
      %dma_start3A_198 = arith.constant 0 : i32
      %dma_start3A_199 = arith.constant 0 : i32
      %dma_start3A_200 = tpu.memref_slice %arg8[%dma_start3A_197, %dma_start3A_198, %dma_start3A_199] : memref<2x128x128xf32, #tpu.memory_space<vmem>> -> memref<1x128x128xf32, #tpu.memory_space<vmem>>
      %dma_start3A_201 = tpu.memref_squeeze %dma_start3A_200 : memref<1x128x128xf32, #tpu.memory_space<vmem>> -> memref<128x128xf32, #tpu.memory_space<vmem>>
      %dma_start3A_202 = tpu.memref_slice %arg6[%mul3A_196] : memref<12032xi32, #tpu.memory_space<vmem>> -> memref<128xi32, #tpu.memory_space<vmem>>
      %dma_start3A_203 = arith.constant 0 : i32
      %dma_start3A_204 = arith.constant 0 : i32
      %dma_start3A_205 = tpu.memref_slice %arg2[%dma_start3A_203, %dma_start3A_204] : memref<10000x128xf32, #tpu.memory_space<hbm>> -> memref<10000x128xf32, #tpu.memory_space<hbm>>
      tpu.enqueue_indirect_dma source(%dma_start3A_205 : memref<10000x128xf32, #tpu.memory_space<hbm>>) target(%dma_start3A_201 : memref<128x128xf32, #tpu.memory_space<vmem>>) offsets(%dma_start3A_202 : memref<128xi32, #tpu.memory_space<vmem>>) semaphore(%arg11 : memref<!tpu.dma_semaphore, #tpu.memory_space<semaphore_mem>>)
      %dma_wait3A_206 = arith.constant 1 : i32
      %dma_wait3A_207 = arith.constant 0 : i32
      %dma_wait3A_208 = tpu.memref_slice %arg7[%dma_wait3A_206, %dma_wait3A_207] : memref<2x128xi32, #tpu.memory_space<vmem>> -> memref<1x128xi32, #tpu.memory_space<vmem>>
      %dma_wait3A_209 = tpu.memref_squeeze %dma_wait3A_208 : memref<1x128xi32, #tpu.memory_space<vmem>> -> memref<128xi32, #tpu.memory_space<vmem>>
      %dma_wait3A_210 = arith.constant 0 : i32
      %dma_wait3A_211 = tpu.memref_slice %arg4[%dma_wait3A_210] : memref<385024xi32, #tpu.memory_space<hbm>> -> memref<128xi32, #tpu.memory_space<hbm>>
      %dma_wait3A_212 = arith.constant 0 : i32
      %dma_wait3A_213 = tpu.memref_slice %arg7[%dma_wait3A_206, %dma_wait3A_212] : memref<2x128xi32, #tpu.memory_space<vmem>> -> memref<1x128xi32, #tpu.memory_space<vmem>>
      %dma_wait3A_214 = tpu.memref_squeeze %dma_wait3A_213 : memref<1x128xi32, #tpu.memory_space<vmem>> -> memref<128xi32, #tpu.memory_space<vmem>>
      %dma_wait3A_215 = arith.constant 0 : i32
      %dma_wait3A_216 = tpu.memref_slice %arg4[%dma_wait3A_215] : memref<385024xi32, #tpu.memory_space<hbm>> -> memref<128xi32, #tpu.memory_space<hbm>>
      tpu.wait_dma2 semaphore(%arg12 : memref<!tpu.dma_semaphore, #tpu.memory_space<semaphore_mem>>) src(%dma_wait3A_216 : memref<128xi32, #tpu.memory_space<hbm>>) dst(%dma_wait3A_214 : memref<128xi32, #tpu.memory_space<vmem>>)
      %dma_wait3A_217 = arith.constant 1 : i32
      %dma_wait3A_218 = arith.constant 0 : i32
      %dma_wait3A_219 = arith.constant 0 : i32
      %dma_wait3A_220 = tpu.memref_slice %arg8[%dma_wait3A_217, %dma_wait3A_218, %dma_wait3A_219] : memref<2x128x128xf32, #tpu.memory_space<vmem>> -> memref<1x128x128xf32, #tpu.memory_space<vmem>>
      %dma_wait3A_221 = tpu.memref_squeeze %dma_wait3A_220 : memref<1x128x128xf32, #tpu.memory_space<vmem>> -> memref<128x128xf32, #tpu.memory_space<vmem>>
      %dma_wait3A_222 = arith.constant 0 : i32
      %dma_wait3A_223 = arith.constant 0 : i32
      %dma_wait3A_224 = tpu.memref_slice %arg2[%dma_wait3A_222, %dma_wait3A_223] : memref<10000x128xf32, #tpu.memory_space<hbm>> -> memref<128x128xf32, #tpu.memory_space<hbm>>
      %dma_wait3A_225 = arith.constant 0 : i32
      %dma_wait3A_226 = arith.constant 0 : i32
      %dma_wait3A_227 = tpu.memref_slice %arg8[%dma_wait3A_217, %dma_wait3A_225, %dma_wait3A_226] : memref<2x128x128xf32, #tpu.memory_space<vmem>> -> memref<1x128x128xf32, #tpu.memory_space<vmem>>
      %dma_wait3A_228 = tpu.memref_squeeze %dma_wait3A_227 : memref<1x128x128xf32, #tpu.memory_space<vmem>> -> memref<128x128xf32, #tpu.memory_space<vmem>>
      %dma_wait3A_229 = arith.constant 0 : i32
      %dma_wait3A_230 = arith.constant 0 : i32
      %dma_wait3A_231 = tpu.memref_slice %arg2[%dma_wait3A_229, %dma_wait3A_230] : memref<10000x128xf32, #tpu.memory_space<hbm>> -> memref<128x128xf32, #tpu.memory_space<hbm>>
      tpu.wait_dma2 semaphore(%arg11 : memref<!tpu.dma_semaphore, #tpu.memory_space<semaphore_mem>>) src(%dma_wait3A_231 : memref<128x128xf32, #tpu.memory_space<hbm>>) dst(%dma_wait3A_228 : memref<128x128xf32, #tpu.memory_space<vmem>>)
      %run_scoped3A_232 = arith.constant 1 : i32
      %run_scoped3A_233 = arith.constant 1 : i32
      "tpu.region"() ({
        %run_scoped3A_234 = tpu.sem_alloc : memref<!tpu.dma_semaphore, #tpu.memory_space<semaphore_mem>>
        %dma_start3A_235 = arith.constant 0 : i32
        %dma_start3A_236 = arith.constant 0 : i32
        %dma_start3A_237 = tpu.memref_slice %arg8[%run_scoped3A_232, %dma_start3A_235, %dma_start3A_236] : memref<2x128x128xf32, #tpu.memory_space<vmem>> -> memref<1x128x128xf32, #tpu.memory_space<vmem>>
        %dma_start3A_238 = tpu.memref_squeeze %dma_start3A_237 : memref<1x128x128xf32, #tpu.memory_space<vmem>> -> memref<128x128xf32, #tpu.memory_space<vmem>>
        %dma_start3A_239 = arith.constant 0 : i32
        %dma_start3A_240 = tpu.memref_slice %arg7[%run_scoped3A_233, %dma_start3A_239] : memref<2x128xi32, #tpu.memory_space<vmem>> -> memref<1x128xi32, #tpu.memory_space<vmem>>
        %dma_start3A_241 = tpu.memref_squeeze %dma_start3A_240 : memref<1x128xi32, #tpu.memory_space<vmem>> -> memref<128xi32, #tpu.memory_space<vmem>>
        %dma_start3A_242 = arith.constant 0 : i32
        %dma_start3A_243 = arith.constant 0 : i32
        %dma_start3A_244 = tpu.memref_slice %arg10[%dma_start3A_242, %dma_start3A_243] : memref<5248x128xf32, #tpu.memory_space<vmem_shared>> -> memref<5248x128xf32, #tpu.memory_space<vmem_shared>>
        tpu.enqueue_indirect_dma source(%dma_start3A_238 : memref<128x128xf32, #tpu.memory_space<vmem>>) target(%dma_start3A_244 : memref<5248x128xf32, #tpu.memory_space<vmem_shared>>) offsets(%dma_start3A_241 : memref<128xi32, #tpu.memory_space<vmem>>) semaphore(%run_scoped3A_234 : memref<!tpu.dma_semaphore, #tpu.memory_space<semaphore_mem>>) {add = true}
        %dma_wait3A_245 = arith.constant 0 : i32
        %dma_wait3A_246 = arith.constant 0 : i32
        %dma_wait3A_247 = tpu.memref_slice %arg8[%run_scoped3A_232, %dma_wait3A_245, %dma_wait3A_246] : memref<2x128x128xf32, #tpu.memory_space<vmem>> -> memref<1x128x128xf32, #tpu.memory_space<vmem>>
        %dma_wait3A_248 = tpu.memref_squeeze %dma_wait3A_247 : memref<1x128x128xf32, #tpu.memory_space<vmem>> -> memref<128x128xf32, #tpu.memory_space<vmem>>
        %dma_wait3A_249 = arith.constant 0 : i32
        %dma_wait3A_250 = tpu.memref_slice %arg7[%run_scoped3A_233, %dma_wait3A_249] : memref<2x128xi32, #tpu.memory_space<vmem>> -> memref<1x128xi32, #tpu.memory_space<vmem>>
        %dma_wait3A_251 = tpu.memref_squeeze %dma_wait3A_250 : memref<1x128xi32, #tpu.memory_space<vmem>> -> memref<128xi32, #tpu.memory_space<vmem>>
        %dma_wait3A_252 = arith.constant 0 : i32
        %dma_wait3A_253 = arith.constant 0 : i32
        %dma_wait3A_254 = tpu.memref_slice %arg10[%dma_wait3A_252, %dma_wait3A_253] : memref<5248x128xf32, #tpu.memory_space<vmem_shared>> -> memref<5248x128xf32, #tpu.memory_space<vmem_shared>>
        tpu.wait_indirect_dma semaphore(%run_scoped3A_234 : memref<!tpu.dma_semaphore, #tpu.memory_space<semaphore_mem>>) src(%dma_wait3A_248 : memref<128x128xf32, #tpu.memory_space<vmem>>) dst(%dma_wait3A_254 : memref<5248x128xf32, #tpu.memory_space<vmem_shared>>)
        tpu.yield
      }) : () -> ()
    }
    %scan3A_35 = arith.constant 46 : i32
    %mul3A_36 = arith.constant 12032 : i32
    %mul3A_37 = arith.muli %add3A, %mul3A_36 : i32
    %add3A_38 = arith.constant 11904 : i32
    %add3A_39 = arith.addi %mul3A_37, %add3A_38 : i32
    %dma_start3A_40 = arith.constant 1 : i32
    %dma_start3A_41 = arith.constant 0 : i32
    %dma_start3A_42 = tpu.memref_slice %arg7[%dma_start3A_40, %dma_start3A_41] : memref<2x128xi32, #tpu.memory_space<vmem>> -> memref<1x128xi32, #tpu.memory_space<vmem>>
    %dma_start3A_43 = tpu.memref_squeeze %dma_start3A_42 : memref<1x128xi32, #tpu.memory_space<vmem>> -> memref<128xi32, #tpu.memory_space<vmem>>
    %dma_start3A_44 = tpu.memref_slice %arg4[%add3A_39] : memref<385024xi32, #tpu.memory_space<hbm>> -> memref<128xi32, #tpu.memory_space<hbm>>
    %dma_start3A_45 = arith.constant 0 : i32
    %dma_start3A_46 = tpu.memref_slice %arg7[%dma_start3A_40, %dma_start3A_45] : memref<2x128xi32, #tpu.memory_space<vmem>> -> memref<1x128xi32, #tpu.memory_space<vmem>>
    %dma_start3A_47 = tpu.memref_squeeze %dma_start3A_46 : memref<1x128xi32, #tpu.memory_space<vmem>> -> memref<128xi32, #tpu.memory_space<vmem>>
    %dma_start3A_48 = tpu.memref_slice %arg4[%add3A_39] : memref<385024xi32, #tpu.memory_space<hbm>> -> memref<128xi32, #tpu.memory_space<hbm>>
    tpu.enqueue_dma source(%dma_start3A_48 : memref<128xi32, #tpu.memory_space<hbm>>) target(%dma_start3A_47 : memref<128xi32, #tpu.memory_space<vmem>>) target_semaphore(%arg12 : memref<!tpu.dma_semaphore, #tpu.memory_space<semaphore_mem>>)
    %dma_start3A_49 = arith.constant 1 : i32
    %dma_start3A_50 = arith.constant 0 : i32
    %dma_start3A_51 = arith.constant 0 : i32
    %dma_start3A_52 = tpu.memref_slice %arg8[%dma_start3A_49, %dma_start3A_50, %dma_start3A_51] : memref<2x128x128xf32, #tpu.memory_space<vmem>> -> memref<1x128x128xf32, #tpu.memory_space<vmem>>
    %dma_start3A_53 = tpu.memref_squeeze %dma_start3A_52 : memref<1x128x128xf32, #tpu.memory_space<vmem>> -> memref<128x128xf32, #tpu.memory_space<vmem>>
    %dma_start3A_54 = arith.constant 11904 : i32
    %dma_start3A_55 = tpu.memref_slice %arg6[%dma_start3A_54] : memref<12032xi32, #tpu.memory_space<vmem>> -> memref<128xi32, #tpu.memory_space<vmem>>
    %dma_start3A_56 = arith.constant 0 : i32
    %dma_start3A_57 = arith.constant 0 : i32
    %dma_start3A_58 = tpu.memref_slice %arg2[%dma_start3A_56, %dma_start3A_57] : memref<10000x128xf32, #tpu.memory_space<hbm>> -> memref<10000x128xf32, #tpu.memory_space<hbm>>
    tpu.enqueue_indirect_dma source(%dma_start3A_58 : memref<10000x128xf32, #tpu.memory_space<hbm>>) target(%dma_start3A_53 : memref<128x128xf32, #tpu.memory_space<vmem>>) offsets(%dma_start3A_55 : memref<128xi32, #tpu.memory_space<vmem>>) semaphore(%arg11 : memref<!tpu.dma_semaphore, #tpu.memory_space<semaphore_mem>>)
    %dma_wait3A = arith.constant 0 : i32
    %dma_wait3A_59 = arith.constant 0 : i32
    %dma_wait3A_60 = tpu.memref_slice %arg7[%dma_wait3A, %dma_wait3A_59] : memref<2x128xi32, #tpu.memory_space<vmem>> -> memref<1x128xi32, #tpu.memory_space<vmem>>
    %dma_wait3A_61 = tpu.memref_squeeze %dma_wait3A_60 : memref<1x128xi32, #tpu.memory_space<vmem>> -> memref<128xi32, #tpu.memory_space<vmem>>
    %dma_wait3A_62 = arith.constant 0 : i32
    %dma_wait3A_63 = tpu.memref_slice %arg4[%dma_wait3A_62] : memref<385024xi32, #tpu.memory_space<hbm>> -> memref<128xi32, #tpu.memory_space<hbm>>
    %dma_wait3A_64 = arith.constant 0 : i32
    %dma_wait3A_65 = tpu.memref_slice %arg7[%dma_wait3A, %dma_wait3A_64] : memref<2x128xi32, #tpu.memory_space<vmem>> -> memref<1x128xi32, #tpu.memory_space<vmem>>
    %dma_wait3A_66 = tpu.memref_squeeze %dma_wait3A_65 : memref<1x128xi32, #tpu.memory_space<vmem>> -> memref<128xi32, #tpu.memory_space<vmem>>
    %dma_wait3A_67 = arith.constant 0 : i32
    %dma_wait3A_68 = tpu.memref_slice %arg4[%dma_wait3A_67] : memref<385024xi32, #tpu.memory_space<hbm>> -> memref<128xi32, #tpu.memory_space<hbm>>
    tpu.wait_dma2 semaphore(%arg12 : memref<!tpu.dma_semaphore, #tpu.memory_space<semaphore_mem>>) src(%dma_wait3A_68 : memref<128xi32, #tpu.memory_space<hbm>>) dst(%dma_wait3A_66 : memref<128xi32, #tpu.memory_space<vmem>>)
    %dma_wait3A_69 = arith.constant 0 : i32
    %dma_wait3A_70 = arith.constant 0 : i32
    %dma_wait3A_71 = arith.constant 0 : i32
    %dma_wait3A_72 = tpu.memref_slice %arg8[%dma_wait3A_69, %dma_wait3A_70, %dma_wait3A_71] : memref<2x128x128xf32, #tpu.memory_space<vmem>> -> memref<1x128x128xf32, #tpu.memory_space<vmem>>
    %dma_wait3A_73 = tpu.memref_squeeze %dma_wait3A_72 : memref<1x128x128xf32, #tpu.memory_space<vmem>> -> memref<128x128xf32, #tpu.memory_space<vmem>>
    %dma_wait3A_74 = arith.constant 0 : i32
    %dma_wait3A_75 = arith.constant 0 : i32
    %dma_wait3A_76 = tpu.memref_slice %arg2[%dma_wait3A_74, %dma_wait3A_75] : memref<10000x128xf32, #tpu.memory_space<hbm>> -> memref<128x128xf32, #tpu.memory_space<hbm>>
    %dma_wait3A_77 = arith.constant 0 : i32
    %dma_wait3A_78 = arith.constant 0 : i32
    %dma_wait3A_79 = tpu.memref_slice %arg8[%dma_wait3A_69, %dma_wait3A_77, %dma_wait3A_78] : memref<2x128x128xf32, #tpu.memory_space<vmem>> -> memref<1x128x128xf32, #tpu.memory_space<vmem>>
    %dma_wait3A_80 = tpu.memref_squeeze %dma_wait3A_79 : memref<1x128x128xf32, #tpu.memory_space<vmem>> -> memref<128x128xf32, #tpu.memory_space<vmem>>
    %dma_wait3A_81 = arith.constant 0 : i32
    %dma_wait3A_82 = arith.constant 0 : i32
    %dma_wait3A_83 = tpu.memref_slice %arg2[%dma_wait3A_81, %dma_wait3A_82] : memref<10000x128xf32, #tpu.memory_space<hbm>> -> memref<128x128xf32, #tpu.memory_space<hbm>>
    tpu.wait_dma2 semaphore(%arg11 : memref<!tpu.dma_semaphore, #tpu.memory_space<semaphore_mem>>) src(%dma_wait3A_83 : memref<128x128xf32, #tpu.memory_space<hbm>>) dst(%dma_wait3A_80 : memref<128x128xf32, #tpu.memory_space<vmem>>)
    %run_scoped3A = arith.constant 0 : i32
    %run_scoped3A_84 = arith.constant 0 : i32
    "tpu.region"() ({
      %run_scoped3A_119 = tpu.sem_alloc : memref<!tpu.dma_semaphore, #tpu.memory_space<semaphore_mem>>
      %dma_start3A_120 = arith.constant 0 : i32
      %dma_start3A_121 = arith.constant 0 : i32
      %dma_start3A_122 = tpu.memref_slice %arg8[%run_scoped3A, %dma_start3A_120, %dma_start3A_121] : memref<2x128x128xf32, #tpu.memory_space<vmem>> -> memref<1x128x128xf32, #tpu.memory_space<vmem>>
      %dma_start3A_123 = tpu.memref_squeeze %dma_start3A_122 : memref<1x128x128xf32, #tpu.memory_space<vmem>> -> memref<128x128xf32, #tpu.memory_space<vmem>>
      %dma_start3A_124 = arith.constant 0 : i32
      %dma_start3A_125 = tpu.memref_slice %arg7[%run_scoped3A_84, %dma_start3A_124] : memref<2x128xi32, #tpu.memory_space<vmem>> -> memref<1x128xi32, #tpu.memory_space<vmem>>
      %dma_start3A_126 = tpu.memref_squeeze %dma_start3A_125 : memref<1x128xi32, #tpu.memory_space<vmem>> -> memref<128xi32, #tpu.memory_space<vmem>>
      %dma_start3A_127 = arith.constant 0 : i32
      %dma_start3A_128 = arith.constant 0 : i32
      %dma_start3A_129 = tpu.memref_slice %arg10[%dma_start3A_127, %dma_start3A_128] : memref<5248x128xf32, #tpu.memory_space<vmem_shared>> -> memref<5248x128xf32, #tpu.memory_space<vmem_shared>>
      tpu.enqueue_indirect_dma source(%dma_start3A_123 : memref<128x128xf32, #tpu.memory_space<vmem>>) target(%dma_start3A_129 : memref<5248x128xf32, #tpu.memory_space<vmem_shared>>) offsets(%dma_start3A_126 : memref<128xi32, #tpu.memory_space<vmem>>) semaphore(%run_scoped3A_119 : memref<!tpu.dma_semaphore, #tpu.memory_space<semaphore_mem>>) {add = true}
      %dma_wait3A_130 = arith.constant 0 : i32
      %dma_wait3A_131 = arith.constant 0 : i32
      %dma_wait3A_132 = tpu.memref_slice %arg8[%run_scoped3A, %dma_wait3A_130, %dma_wait3A_131] : memref<2x128x128xf32, #tpu.memory_space<vmem>> -> memref<1x128x128xf32, #tpu.memory_space<vmem>>
      %dma_wait3A_133 = tpu.memref_squeeze %dma_wait3A_132 : memref<1x128x128xf32, #tpu.memory_space<vmem>> -> memref<128x128xf32, #tpu.memory_space<vmem>>
      %dma_wait3A_134 = arith.constant 0 : i32
      %dma_wait3A_135 = tpu.memref_slice %arg7[%run_scoped3A_84, %dma_wait3A_134] : memref<2x128xi32, #tpu.memory_space<vmem>> -> memref<1x128xi32, #tpu.memory_space<vmem>>
      %dma_wait3A_136 = tpu.memref_squeeze %dma_wait3A_135 : memref<1x128xi32, #tpu.memory_space<vmem>> -> memref<128xi32, #tpu.memory_space<vmem>>
      %dma_wait3A_137 = arith.constant 0 : i32
      %dma_wait3A_138 = arith.constant 0 : i32
      %dma_wait3A_139 = tpu.memref_slice %arg10[%dma_wait3A_137, %dma_wait3A_138] : memref<5248x128xf32, #tpu.memory_space<vmem_shared>> -> memref<5248x128xf32, #tpu.memory_space<vmem_shared>>
      tpu.wait_indirect_dma semaphore(%run_scoped3A_119 : memref<!tpu.dma_semaphore, #tpu.memory_space<semaphore_mem>>) src(%dma_wait3A_133 : memref<128x128xf32, #tpu.memory_space<vmem>>) dst(%dma_wait3A_139 : memref<5248x128xf32, #tpu.memory_space<vmem_shared>>)
      tpu.yield
    }) : () -> ()
    %dma_wait3A_85 = arith.constant 1 : i32
    %dma_wait3A_86 = arith.constant 0 : i32
    %dma_wait3A_87 = tpu.memref_slice %arg7[%dma_wait3A_85, %dma_wait3A_86] : memref<2x128xi32, #tpu.memory_space<vmem>> -> memref<1x128xi32, #tpu.memory_space<vmem>>
    %dma_wait3A_88 = tpu.memref_squeeze %dma_wait3A_87 : memref<1x128xi32, #tpu.memory_space<vmem>> -> memref<128xi32, #tpu.memory_space<vmem>>
    %dma_wait3A_89 = arith.constant 0 : i32
    %dma_wait3A_90 = tpu.memref_slice %arg4[%dma_wait3A_89] : memref<385024xi32, #tpu.memory_space<hbm>> -> memref<128xi32, #tpu.memory_space<hbm>>
    %dma_wait3A_91 = arith.constant 0 : i32
    %dma_wait3A_92 = tpu.memref_slice %arg7[%dma_wait3A_85, %dma_wait3A_91] : memref<2x128xi32, #tpu.memory_space<vmem>> -> memref<1x128xi32, #tpu.memory_space<vmem>>
    %dma_wait3A_93 = tpu.memref_squeeze %dma_wait3A_92 : memref<1x128xi32, #tpu.memory_space<vmem>> -> memref<128xi32, #tpu.memory_space<vmem>>
    %dma_wait3A_94 = arith.constant 0 : i32
    %dma_wait3A_95 = tpu.memref_slice %arg4[%dma_wait3A_94] : memref<385024xi32, #tpu.memory_space<hbm>> -> memref<128xi32, #tpu.memory_space<hbm>>
    tpu.wait_dma2 semaphore(%arg12 : memref<!tpu.dma_semaphore, #tpu.memory_space<semaphore_mem>>) src(%dma_wait3A_95 : memref<128xi32, #tpu.memory_space<hbm>>) dst(%dma_wait3A_93 : memref<128xi32, #tpu.memory_space<vmem>>)
    %dma_wait3A_96 = arith.constant 1 : i32
    %dma_wait3A_97 = arith.constant 0 : i32
    %dma_wait3A_98 = arith.constant 0 : i32
    %dma_wait3A_99 = tpu.memref_slice %arg8[%dma_wait3A_96, %dma_wait3A_97, %dma_wait3A_98] : memref<2x128x128xf32, #tpu.memory_space<vmem>> -> memref<1x128x128xf32, #tpu.memory_space<vmem>>
    %dma_wait3A_100 = tpu.memref_squeeze %dma_wait3A_99 : memref<1x128x128xf32, #tpu.memory_space<vmem>> -> memref<128x128xf32, #tpu.memory_space<vmem>>
    %dma_wait3A_101 = arith.constant 0 : i32
    %dma_wait3A_102 = arith.constant 0 : i32
    %dma_wait3A_103 = tpu.memref_slice %arg2[%dma_wait3A_101, %dma_wait3A_102] : memref<10000x128xf32, #tpu.memory_space<hbm>> -> memref<128x128xf32, #tpu.memory_space<hbm>>
    %dma_wait3A_104 = arith.constant 0 : i32
    %dma_wait3A_105 = arith.constant 0 : i32
    %dma_wait3A_106 = tpu.memref_slice %arg8[%dma_wait3A_96, %dma_wait3A_104, %dma_wait3A_105] : memref<2x128x128xf32, #tpu.memory_space<vmem>> -> memref<1x128x128xf32, #tpu.memory_space<vmem>>
    %dma_wait3A_107 = tpu.memref_squeeze %dma_wait3A_106 : memref<1x128x128xf32, #tpu.memory_space<vmem>> -> memref<128x128xf32, #tpu.memory_space<vmem>>
    %dma_wait3A_108 = arith.constant 0 : i32
    %dma_wait3A_109 = arith.constant 0 : i32
    %dma_wait3A_110 = tpu.memref_slice %arg2[%dma_wait3A_108, %dma_wait3A_109] : memref<10000x128xf32, #tpu.memory_space<hbm>> -> memref<128x128xf32, #tpu.memory_space<hbm>>
    tpu.wait_dma2 semaphore(%arg11 : memref<!tpu.dma_semaphore, #tpu.memory_space<semaphore_mem>>) src(%dma_wait3A_110 : memref<128x128xf32, #tpu.memory_space<hbm>>) dst(%dma_wait3A_107 : memref<128x128xf32, #tpu.memory_space<vmem>>)
    %run_scoped3A_111 = arith.constant 1 : i32
    %run_scoped3A_112 = arith.constant 1 : i32
    "tpu.region"() ({
      %run_scoped3A_119 = tpu.sem_alloc : memref<!tpu.dma_semaphore, #tpu.memory_space<semaphore_mem>>
      %dma_start3A_120 = arith.constant 0 : i32
      %dma_start3A_121 = arith.constant 0 : i32
      %dma_start3A_122 = tpu.memref_slice %arg8[%run_scoped3A_111, %dma_start3A_120, %dma_start3A_121] : memref<2x128x128xf32, #tpu.memory_space<vmem>> -> memref<1x128x128xf32, #tpu.memory_space<vmem>>
      %dma_start3A_123 = tpu.memref_squeeze %dma_start3A_122 : memref<1x128x128xf32, #tpu.memory_space<vmem>> -> memref<128x128xf32, #tpu.memory_space<vmem>>
      %dma_start3A_124 = arith.constant 0 : i32
      %dma_start3A_125 = tpu.memref_slice %arg7[%run_scoped3A_112, %dma_start3A_124] : memref<2x128xi32, #tpu.memory_space<vmem>> -> memref<1x128xi32, #tpu.memory_space<vmem>>
      %dma_start3A_126 = tpu.memref_squeeze %dma_start3A_125 : memref<1x128xi32, #tpu.memory_space<vmem>> -> memref<128xi32, #tpu.memory_space<vmem>>
      %dma_start3A_127 = arith.constant 0 : i32
      %dma_start3A_128 = arith.constant 0 : i32
      %dma_start3A_129 = tpu.memref_slice %arg10[%dma_start3A_127, %dma_start3A_128] : memref<5248x128xf32, #tpu.memory_space<vmem_shared>> -> memref<5248x128xf32, #tpu.memory_space<vmem_shared>>
      tpu.enqueue_indirect_dma source(%dma_start3A_123 : memref<128x128xf32, #tpu.memory_space<vmem>>) target(%dma_start3A_129 : memref<5248x128xf32, #tpu.memory_space<vmem_shared>>) offsets(%dma_start3A_126 : memref<128xi32, #tpu.memory_space<vmem>>) semaphore(%run_scoped3A_119 : memref<!tpu.dma_semaphore, #tpu.memory_space<semaphore_mem>>) {add = true}
      %dma_wait3A_130 = arith.constant 0 : i32
      %dma_wait3A_131 = arith.constant 0 : i32
      %dma_wait3A_132 = tpu.memref_slice %arg8[%run_scoped3A_111, %dma_wait3A_130, %dma_wait3A_131] : memref<2x128x128xf32, #tpu.memory_space<vmem>> -> memref<1x128x128xf32, #tpu.memory_space<vmem>>
      %dma_wait3A_133 = tpu.memref_squeeze %dma_wait3A_132 : memref<1x128x128xf32, #tpu.memory_space<vmem>> -> memref<128x128xf32, #tpu.memory_space<vmem>>
      %dma_wait3A_134 = arith.constant 0 : i32
      %dma_wait3A_135 = tpu.memref_slice %arg7[%run_scoped3A_112, %dma_wait3A_134] : memref<2x128xi32, #tpu.memory_space<vmem>> -> memref<1x128xi32, #tpu.memory_space<vmem>>
      %dma_wait3A_136 = tpu.memref_squeeze %dma_wait3A_135 : memref<1x128xi32, #tpu.memory_space<vmem>> -> memref<128xi32, #tpu.memory_space<vmem>>
      %dma_wait3A_137 = arith.constant 0 : i32
      %dma_wait3A_138 = arith.constant 0 : i32
      %dma_wait3A_139 = tpu.memref_slice %arg10[%dma_wait3A_137, %dma_wait3A_138] : memref<5248x128xf32, #tpu.memory_space<vmem_shared>> -> memref<5248x128xf32, #tpu.memory_space<vmem_shared>>
      tpu.wait_indirect_dma semaphore(%run_scoped3A_119 : memref<!tpu.dma_semaphore, #tpu.memory_space<semaphore_mem>>) src(%dma_wait3A_133 : memref<128x128xf32, #tpu.memory_space<vmem>>) dst(%dma_wait3A_139 : memref<5248x128xf32, #tpu.memory_space<vmem_shared>>)
      tpu.yield
    }) : () -> ()
    %lt3A = arith.constant 31 : i32
    %lt3A_113 = arith.cmpi slt, %add3A, %lt3A : i32
    %convert_element_type3A = arith.extui %lt3A_113 : i1 to i32
    %cond3A = arith.constant 0 : i32
    %cond3A_114 = arith.cmpi ne, %convert_element_type3A, %cond3A : i32
    scf.if %cond3A_114 {
      %mul3A_119 = arith.constant 328 : i32
      %mul3A_120 = arith.muli %arg1, %mul3A_119 : i32
      %mul3A_121 = arith.constant 320 : i32
      %mul3A_122 = arith.muli %add3A, %mul3A_121 : i32
      "tpu.region"() ({
        %run_scoped3A_123 = tpu.sem_alloc : memref<!tpu.dma_semaphore, #tpu.memory_space<semaphore_mem>>
        %dma_start3A_124 = arith.constant 0 : i32
        %dma_start3A_125 = tpu.memref_slice %arg5[%mul3A_122, %dma_start3A_124] : memref<10000x128xf32, #tpu.memory_space<hbm>> -> memref<320x128xf32, #tpu.memory_space<hbm>>
        %dma_start3A_126 = arith.constant 0 : i32
        %dma_start3A_127 = tpu.memref_slice %arg10[%mul3A_120, %dma_start3A_126] : memref<5248x128xf32, #tpu.memory_space<vmem_shared>> -> memref<320x128xf32, #tpu.memory_space<vmem_shared>>
        tpu.enqueue_dma source(%dma_start3A_127 : memref<320x128xf32, #tpu.memory_space<vmem_shared>>) target(%dma_start3A_125 : memref<320x128xf32, #tpu.memory_space<hbm>>) target_semaphore(%run_scoped3A_123 : memref<!tpu.dma_semaphore, #tpu.memory_space<semaphore_mem>>)
        %dma_wait3A_128 = arith.constant 0 : i32
        %dma_wait3A_129 = tpu.memref_slice %arg5[%mul3A_122, %dma_wait3A_128] : memref<10000x128xf32, #tpu.memory_space<hbm>> -> memref<320x128xf32, #tpu.memory_space<hbm>>
        %dma_wait3A_130 = arith.constant 0 : i32
        %dma_wait3A_131 = tpu.memref_slice %arg10[%mul3A_120, %dma_wait3A_130] : memref<5248x128xf32, #tpu.memory_space<vmem_shared>> -> memref<320x128xf32, #tpu.memory_space<vmem_shared>>
        tpu.wait_dma2 semaphore(%run_scoped3A_123 : memref<!tpu.dma_semaphore, #tpu.memory_space<semaphore_mem>>) src(%dma_wait3A_131 : memref<320x128xf32, #tpu.memory_space<vmem_shared>>) dst(%dma_wait3A_129 : memref<320x128xf32, #tpu.memory_space<hbm>>)
        tpu.yield
      }) : () -> ()
    } else {
    }
    %eq3A = arith.constant 31 : i32
    %eq3A_115 = arith.cmpi eq, %add3A, %eq3A : i32
    %convert_element_type3A_116 = arith.extui %eq3A_115 : i1 to i32
    %cond3A_117 = arith.constant 0 : i32
    %cond3A_118 = arith.cmpi ne, %convert_element_type3A_116, %cond3A_117 : i32
    scf.if %cond3A_118 {
      %mul3A_119 = arith.constant 328 : i32
      %mul3A_120 = arith.muli %arg1, %mul3A_119 : i32
      %mul3A_121 = arith.constant 320 : i32
      %mul3A_122 = arith.muli %add3A, %mul3A_121 : i32
      "tpu.region"() ({
        %run_scoped3A_123 = tpu.sem_alloc : memref<!tpu.dma_semaphore, #tpu.memory_space<semaphore_mem>>
        %dma_start3A_124 = arith.constant 0 : i32
        %dma_start3A_125 = tpu.memref_slice %arg5[%mul3A_122, %dma_start3A_124] : memref<10000x128xf32, #tpu.memory_space<hbm>> -> memref<80x128xf32, #tpu.memory_space<hbm>>
        %dma_start3A_126 = arith.constant 0 : i32
        %dma_start3A_127 = tpu.memref_slice %arg10[%mul3A_120, %dma_start3A_126] : memref<5248x128xf32, #tpu.memory_space<vmem_shared>> -> memref<80x128xf32, #tpu.memory_space<vmem_shared>>
        tpu.enqueue_dma source(%dma_start3A_127 : memref<80x128xf32, #tpu.memory_space<vmem_shared>>) target(%dma_start3A_125 : memref<80x128xf32, #tpu.memory_space<hbm>>) target_semaphore(%run_scoped3A_123 : memref<!tpu.dma_semaphore, #tpu.memory_space<semaphore_mem>>)
        %dma_wait3A_128 = arith.constant 0 : i32
        %dma_wait3A_129 = tpu.memref_slice %arg5[%mul3A_122, %dma_wait3A_128] : memref<10000x128xf32, #tpu.memory_space<hbm>> -> memref<80x128xf32, #tpu.memory_space<hbm>>
        %dma_wait3A_130 = arith.constant 0 : i32
        %dma_wait3A_131 = tpu.memref_slice %arg10[%mul3A_120, %dma_wait3A_130] : memref<5248x128xf32, #tpu.memory_space<vmem_shared>> -> memref<80x128xf32, #tpu.memory_space<vmem_shared>>
        tpu.wait_dma2 semaphore(%run_scoped3A_123 : memref<!tpu.dma_semaphore, #tpu.memory_space<semaphore_mem>>) src(%dma_wait3A_131 : memref<80x128xf32, #tpu.memory_space<vmem_shared>>) dst(%dma_wait3A_129 : memref<80x128xf32, #tpu.memory_space<hbm>>)
        tpu.yield
      }) : () -> ()
    } else {
    }
    return
  }
}

#map = affine_map<(d0, d1) -> (0, 0, 0)>
#map1 = affine_map<(d0, d1) -> (0)>
module attributes {stable_mosaic.version = 14 : i64} {
  func.func @k(%arg0: i32, %arg1: i32, %arg2: memref<2x10000x128xf32, #tpu.memory_space<hbm>>, %arg3: memref<385024xi32, #tpu.memory_space<hbm>>, %arg4: memref<385024xi32, #tpu.memory_space<hbm>>, %arg5: memref<2x10000x128xf32, #tpu.memory_space<hbm>>, %arg6: memref<12032xi32, #tpu.memory_space<vmem>>, %arg7: memref<2x128xi32, #tpu.memory_space<vmem>>, %arg8: memref<2x128x128xf32, #tpu.memory_space<vmem>>, %arg9: memref<328x128xf32, #tpu.memory_space<vmem>>, %arg10: memref<5248x128xf32, #tpu.memory_space<vmem_shared>>, %arg11: memref<!tpu.dma_semaphore, #tpu.memory_space<semaphore_mem>>, %arg12: memref<!tpu.dma_semaphore, #tpu.memory_space<semaphore_mem>>) attributes {dimension_semantics = [#tpu.dimension_semantics<core_parallel>, #tpu.dimension_semantics<subcore_parallel>], iteration_bounds = array<i64: 2, 16>, scalar_prefetch = 0 : i64, scratch_operands = 7 : i64, tpu.core_type = #tpu.core_type<sc_vector_subcore>, window_params = [{transform_indices = #map}, {transform_indices = #map1}, {transform_indices = #map1}, {transform_indices = #map}]} {
    %scan3A = arith.constant 0 : i32
    %scan3A_0 = arith.constant 328 : i32
    %scan3A_1 = arith.addi %scan3A, %scan3A_0 : i32
    %scan3A_2 = arith.constant 1 : i32
    scf.for %scan3A_297 = %scan3A to %scan3A_1 step %scan3A_2  : i32 {
      %mul3A_298 = arith.constant 1 : i32
      %mul3A_299 = arith.muli %scan3A_297, %mul3A_298 : i32
      %add3A_300 = arith.constant 0 : i32
      %add3A_301 = arith.addi %add3A_300, %mul3A_299 : i32
      %broadcast_in_dim3A = arith.constant 0.000000e+00 : f32
      %broadcast_in_dim3A_302 = vector.broadcast %broadcast_in_dim3A : f32 to vector<16xf32>
      %swap3A = arith.index_cast %add3A_301 : i32 to index
      %swap3A_303 = arith.constant 0 : index
      %swap3A_304 = tpu.vector_load %arg9[%swap3A, %swap3A_303] {strides = array<i32>} : memref<328x128xf32, #tpu.memory_space<vmem>>, vector<1x16xf32>,
      %swap3A_305 = vector.shape_cast %swap3A_304 : vector<1x16xf32> to vector<16xf32>
      %swap3A_306 = vector.shape_cast %broadcast_in_dim3A_302 : vector<16xf32> to vector<1x16xf32>
      tpu.vector_store %arg9[%swap3A, %swap3A_303], %swap3A_306 {strides = array<i32>} : memref<328x128xf32, #tpu.memory_space<vmem>>, vector<1x16xf32>,
      %broadcast_in_dim3A_307 = arith.constant 0.000000e+00 : f32
      %broadcast_in_dim3A_308 = vector.broadcast %broadcast_in_dim3A_307 : f32 to vector<16xf32>
      %swap3A_309 = arith.index_cast %add3A_301 : i32 to index
      %swap3A_310 = arith.constant 16 : index
      %swap3A_311 = tpu.vector_load %arg9[%swap3A_309, %swap3A_310] {strides = array<i32>} : memref<328x128xf32, #tpu.memory_space<vmem>>, vector<1x16xf32>,
      %swap3A_312 = vector.shape_cast %swap3A_311 : vector<1x16xf32> to vector<16xf32>
      %swap3A_313 = vector.shape_cast %broadcast_in_dim3A_308 : vector<16xf32> to vector<1x16xf32>
      tpu.vector_store %arg9[%swap3A_309, %swap3A_310], %swap3A_313 {strides = array<i32>} : memref<328x128xf32, #tpu.memory_space<vmem>>, vector<1x16xf32>,
      %broadcast_in_dim3A_314 = arith.constant 0.000000e+00 : f32
      %broadcast_in_dim3A_315 = vector.broadcast %broadcast_in_dim3A_314 : f32 to vector<16xf32>
      %swap3A_316 = arith.index_cast %add3A_301 : i32 to index
      %swap3A_317 = arith.constant 32 : index
      %swap3A_318 = tpu.vector_load %arg9[%swap3A_316, %swap3A_317] {strides = array<i32>} : memref<328x128xf32, #tpu.memory_space<vmem>>, vector<1x16xf32>,
      %swap3A_319 = vector.shape_cast %swap3A_318 : vector<1x16xf32> to vector<16xf32>
      %swap3A_320 = vector.shape_cast %broadcast_in_dim3A_315 : vector<16xf32> to vector<1x16xf32>
      tpu.vector_store %arg9[%swap3A_316, %swap3A_317], %swap3A_320 {strides = array<i32>} : memref<328x128xf32, #tpu.memory_space<vmem>>, vector<1x16xf32>,
      %broadcast_in_dim3A_321 = arith.constant 0.000000e+00 : f32
      %broadcast_in_dim3A_322 = vector.broadcast %broadcast_in_dim3A_321 : f32 to vector<16xf32>
      %swap3A_323 = arith.index_cast %add3A_301 : i32 to index
      %swap3A_324 = arith.constant 48 : index
      %swap3A_325 = tpu.vector_load %arg9[%swap3A_323, %swap3A_324] {strides = array<i32>} : memref<328x128xf32, #tpu.memory_space<vmem>>, vector<1x16xf32>,
      %swap3A_326 = vector.shape_cast %swap3A_325 : vector<1x16xf32> to vector<16xf32>
      %swap3A_327 = vector.shape_cast %broadcast_in_dim3A_322 : vector<16xf32> to vector<1x16xf32>
      tpu.vector_store %arg9[%swap3A_323, %swap3A_324], %swap3A_327 {strides = array<i32>} : memref<328x128xf32, #tpu.memory_space<vmem>>, vector<1x16xf32>,
      %broadcast_in_dim3A_328 = arith.constant 0.000000e+00 : f32
      %broadcast_in_dim3A_329 = vector.broadcast %broadcast_in_dim3A_328 : f32 to vector<16xf32>
      %swap3A_330 = arith.index_cast %add3A_301 : i32 to index
      %swap3A_331 = arith.constant 64 : index
      %swap3A_332 = tpu.vector_load %arg9[%swap3A_330, %swap3A_331] {strides = array<i32>} : memref<328x128xf32, #tpu.memory_space<vmem>>, vector<1x16xf32>,
      %swap3A_333 = vector.shape_cast %swap3A_332 : vector<1x16xf32> to vector<16xf32>
      %swap3A_334 = vector.shape_cast %broadcast_in_dim3A_329 : vector<16xf32> to vector<1x16xf32>
      tpu.vector_store %arg9[%swap3A_330, %swap3A_331], %swap3A_334 {strides = array<i32>} : memref<328x128xf32, #tpu.memory_space<vmem>>, vector<1x16xf32>,
      %broadcast_in_dim3A_335 = arith.constant 0.000000e+00 : f32
      %broadcast_in_dim3A_336 = vector.broadcast %broadcast_in_dim3A_335 : f32 to vector<16xf32>
      %swap3A_337 = arith.index_cast %add3A_301 : i32 to index
      %swap3A_338 = arith.constant 80 : index
      %swap3A_339 = tpu.vector_load %arg9[%swap3A_337, %swap3A_338] {strides = array<i32>} : memref<328x128xf32, #tpu.memory_space<vmem>>, vector<1x16xf32>,
      %swap3A_340 = vector.shape_cast %swap3A_339 : vector<1x16xf32> to vector<16xf32>
      %swap3A_341 = vector.shape_cast %broadcast_in_dim3A_336 : vector<16xf32> to vector<1x16xf32>
      tpu.vector_store %arg9[%swap3A_337, %swap3A_338], %swap3A_341 {strides = array<i32>} : memref<328x128xf32, #tpu.memory_space<vmem>>, vector<1x16xf32>,
      %broadcast_in_dim3A_342 = arith.constant 0.000000e+00 : f32
      %broadcast_in_dim3A_343 = vector.broadcast %broadcast_in_dim3A_342 : f32 to vector<16xf32>
      %swap3A_344 = arith.index_cast %add3A_301 : i32 to index
      %swap3A_345 = arith.constant 96 : index
      %swap3A_346 = tpu.vector_load %arg9[%swap3A_344, %swap3A_345] {strides = array<i32>} : memref<328x128xf32, #tpu.memory_space<vmem>>, vector<1x16xf32>,
      %swap3A_347 = vector.shape_cast %swap3A_346 : vector<1x16xf32> to vector<16xf32>
      %swap3A_348 = vector.shape_cast %broadcast_in_dim3A_343 : vector<16xf32> to vector<1x16xf32>
      tpu.vector_store %arg9[%swap3A_344, %swap3A_345], %swap3A_348 {strides = array<i32>} : memref<328x128xf32, #tpu.memory_space<vmem>>, vector<1x16xf32>,
      %broadcast_in_dim3A_349 = arith.constant 0.000000e+00 : f32
      %broadcast_in_dim3A_350 = vector.broadcast %broadcast_in_dim3A_349 : f32 to vector<16xf32>
      %swap3A_351 = arith.index_cast %add3A_301 : i32 to index
      %swap3A_352 = arith.constant 112 : index
      %swap3A_353 = tpu.vector_load %arg9[%swap3A_351, %swap3A_352] {strides = array<i32>} : memref<328x128xf32, #tpu.memory_space<vmem>>, vector<1x16xf32>,
      %swap3A_354 = vector.shape_cast %swap3A_353 : vector<1x16xf32> to vector<16xf32>
      %swap3A_355 = vector.shape_cast %broadcast_in_dim3A_350 : vector<16xf32> to vector<1x16xf32>
      tpu.vector_store %arg9[%swap3A_351, %swap3A_352], %swap3A_355 {strides = array<i32>} : memref<328x128xf32, #tpu.memory_space<vmem>>, vector<1x16xf32>,
    }
    %scan3A_3 = arith.constant 328 : i32
    %mul3A = arith.constant 2 : i32
    %mul3A_4 = arith.muli %mul3A, %arg1 : i32
    %mul3A_5 = arith.constant 328 : i32
    %mul3A_6 = arith.muli %arg1, %mul3A_5 : i32
    "tpu.region"() ({
      %run_scoped3A_297 = tpu.sem_alloc : memref<!tpu.dma_semaphore, #tpu.memory_space<semaphore_mem>>
      %dma_start3A_298 = arith.constant 0 : i32
      %dma_start3A_299 = tpu.memref_slice %arg10[%mul3A_6, %dma_start3A_298] : memref<5248x128xf32, #tpu.memory_space<vmem_shared>> -> memref<328x128xf32, #tpu.memory_space<vmem_shared>>
      %dma_start3A_300 = arith.constant 0 : i32
      %dma_start3A_301 = tpu.memref_slice %arg10[%mul3A_6, %dma_start3A_300] : memref<5248x128xf32, #tpu.memory_space<vmem_shared>> -> memref<328x128xf32, #tpu.memory_space<vmem_shared>>
      tpu.enqueue_dma source(%arg9 : memref<328x128xf32, #tpu.memory_space<vmem>>) target(%dma_start3A_301 : memref<328x128xf32, #tpu.memory_space<vmem_shared>>) target_semaphore(%run_scoped3A_297 : memref<!tpu.dma_semaphore, #tpu.memory_space<semaphore_mem>>)
      %dma_wait3A_302 = arith.constant 0 : i32
      %dma_wait3A_303 = tpu.memref_slice %arg10[%mul3A_6, %dma_wait3A_302] : memref<5248x128xf32, #tpu.memory_space<vmem_shared>> -> memref<328x128xf32, #tpu.memory_space<vmem_shared>>
      %dma_wait3A_304 = arith.constant 0 : i32
      %dma_wait3A_305 = tpu.memref_slice %arg10[%mul3A_6, %dma_wait3A_304] : memref<5248x128xf32, #tpu.memory_space<vmem_shared>> -> memref<328x128xf32, #tpu.memory_space<vmem_shared>>
      tpu.wait_dma2 semaphore(%run_scoped3A_297 : memref<!tpu.dma_semaphore, #tpu.memory_space<semaphore_mem>>) src(%arg9 : memref<328x128xf32, #tpu.memory_space<vmem>>) dst(%dma_wait3A_305 : memref<328x128xf32, #tpu.memory_space<vmem_shared>>)
      tpu.yield
    }) : () -> ()
    %mul3A_7 = arith.constant 12032 : i32
    %mul3A_8 = arith.muli %mul3A_4, %mul3A_7 : i32
    "tpu.region"() ({
      %run_scoped3A_297 = tpu.sem_alloc : memref<!tpu.dma_semaphore, #tpu.memory_space<semaphore_mem>>
      %dma_start3A_298 = tpu.memref_slice %arg3[%mul3A_8] : memref<385024xi32, #tpu.memory_space<hbm>> -> memref<12032xi32, #tpu.memory_space<hbm>>
      %dma_start3A_299 = tpu.memref_slice %arg3[%mul3A_8] : memref<385024xi32, #tpu.memory_space<hbm>> -> memref<12032xi32, #tpu.memory_space<hbm>>
      tpu.enqueue_dma source(%dma_start3A_299 : memref<12032xi32, #tpu.memory_space<hbm>>) target(%arg6 : memref<12032xi32, #tpu.memory_space<vmem>>) target_semaphore(%run_scoped3A_297 : memref<!tpu.dma_semaphore, #tpu.memory_space<semaphore_mem>>)
      %dma_wait3A_300 = tpu.memref_slice %arg3[%mul3A_8] : memref<385024xi32, #tpu.memory_space<hbm>> -> memref<12032xi32, #tpu.memory_space<hbm>>
      %dma_wait3A_301 = tpu.memref_slice %arg3[%mul3A_8] : memref<385024xi32, #tpu.memory_space<hbm>> -> memref<12032xi32, #tpu.memory_space<hbm>>
      tpu.wait_dma2 semaphore(%run_scoped3A_297 : memref<!tpu.dma_semaphore, #tpu.memory_space<semaphore_mem>>) src(%dma_wait3A_301 : memref<12032xi32, #tpu.memory_space<hbm>>) dst(%arg6 : memref<12032xi32, #tpu.memory_space<vmem>>)
      tpu.yield
    }) : () -> ()
    %mul3A_9 = arith.constant 12032 : i32
    %mul3A_10 = arith.muli %mul3A_4, %mul3A_9 : i32
    %add3A = arith.constant 0 : i32
    %add3A_11 = arith.addi %mul3A_10, %add3A : i32
    %dma_start3A = arith.constant 0 : i32
    %dma_start3A_12 = arith.constant 0 : i32
    %dma_start3A_13 = tpu.memref_slice %arg7[%dma_start3A, %dma_start3A_12] : memref<2x128xi32, #tpu.memory_space<vmem>> -> memref<1x128xi32, #tpu.memory_space<vmem>>
    %dma_start3A_14 = tpu.memref_squeeze %dma_start3A_13 : memref<1x128xi32, #tpu.memory_space<vmem>> -> memref<128xi32, #tpu.memory_space<vmem>>
    %dma_start3A_15 = tpu.memref_slice %arg4[%add3A_11] : memref<385024xi32, #tpu.memory_space<hbm>> -> memref<128xi32, #tpu.memory_space<hbm>>
    %dma_start3A_16 = arith.constant 0 : i32
    %dma_start3A_17 = tpu.memref_slice %arg7[%dma_start3A, %dma_start3A_16] : memref<2x128xi32, #tpu.memory_space<vmem>> -> memref<1x128xi32, #tpu.memory_space<vmem>>
    %dma_start3A_18 = tpu.memref_squeeze %dma_start3A_17 : memref<1x128xi32, #tpu.memory_space<vmem>> -> memref<128xi32, #tpu.memory_space<vmem>>
    %dma_start3A_19 = tpu.memref_slice %arg4[%add3A_11] : memref<385024xi32, #tpu.memory_space<hbm>> -> memref<128xi32, #tpu.memory_space<hbm>>
    tpu.enqueue_dma source(%dma_start3A_19 : memref<128xi32, #tpu.memory_space<hbm>>) target(%dma_start3A_18 : memref<128xi32, #tpu.memory_space<vmem>>) target_semaphore(%arg12 : memref<!tpu.dma_semaphore, #tpu.memory_space<semaphore_mem>>)
    %dma_start3A_20 = arith.constant 0 : i32
    %dma_start3A_21 = arith.constant 0 : i32
    %dma_start3A_22 = arith.constant 0 : i32
    %dma_start3A_23 = tpu.memref_slice %arg8[%dma_start3A_20, %dma_start3A_21, %dma_start3A_22] : memref<2x128x128xf32, #tpu.memory_space<vmem>> -> memref<1x128x128xf32, #tpu.memory_space<vmem>>
    %dma_start3A_24 = tpu.memref_squeeze %dma_start3A_23 : memref<1x128x128xf32, #tpu.memory_space<vmem>> -> memref<128x128xf32, #tpu.memory_space<vmem>>
    %dma_start3A_25 = arith.constant 0 : i32
    %dma_start3A_26 = tpu.memref_slice %arg6[%dma_start3A_25] : memref<12032xi32, #tpu.memory_space<vmem>> -> memref<128xi32, #tpu.memory_space<vmem>>
    %dma_start3A_27 = arith.constant 0 : i32
    %dma_start3A_28 = arith.constant 0 : i32
    %dma_start3A_29 = tpu.memref_slice %arg2[%arg0, %dma_start3A_27, %dma_start3A_28] : memref<2x10000x128xf32, #tpu.memory_space<hbm>> -> memref<1x10000x128xf32, #tpu.memory_space<hbm>>
    %dma_start3A_30 = tpu.memref_squeeze %dma_start3A_29 : memref<1x10000x128xf32, #tpu.memory_space<hbm>> -> memref<10000x128xf32, #tpu.memory_space<hbm>>
    %dma_start3A_31 = arith.constant 0 : i32
    %dma_start3A_32 = arith.constant 0 : i32
    %dma_start3A_33 = tpu.memref_slice %dma_start3A_30[%dma_start3A_31, %dma_start3A_32] : memref<10000x128xf32, #tpu.memory_space<hbm>> -> memref<10000x128xf32, #tpu.memory_space<hbm>>
    tpu.enqueue_indirect_dma source(%dma_start3A_33 : memref<10000x128xf32, #tpu.memory_space<hbm>>) target(%dma_start3A_24 : memref<128x128xf32, #tpu.memory_space<vmem>>) offsets(%dma_start3A_26 : memref<128xi32, #tpu.memory_space<vmem>>) semaphore(%arg11 : memref<!tpu.dma_semaphore, #tpu.memory_space<semaphore_mem>>)
    %scan3A_34 = arith.constant 0 : i32
    %scan3A_35 = arith.constant 46 : i32
    %scan3A_36 = arith.addi %scan3A_34, %scan3A_35 : i32
    %scan3A_37 = arith.constant 1 : i32
    scf.for %scan3A_297 = %scan3A_34 to %scan3A_36 step %scan3A_37  : i32 {
      %mul3A_298 = arith.constant 2 : i32
      %mul3A_299 = arith.muli %scan3A_297, %mul3A_298 : i32
      %add3A_300 = arith.constant 0 : i32
      %add3A_301 = arith.addi %add3A_300, %mul3A_299 : i32
      %add3A_302 = arith.constant 1 : i32
      %add3A_303 = arith.addi %add3A_301, %add3A_302 : i32
      %mul3A_304 = arith.constant 12032 : i32
      %mul3A_305 = arith.muli %mul3A_4, %mul3A_304 : i32
      %mul3A_306 = arith.constant 128 : i32
      %mul3A_307 = arith.muli %add3A_303, %mul3A_306 : i32
      %add3A_308 = arith.addi %mul3A_305, %mul3A_307 : i32
      %dma_start3A_309 = arith.constant 1 : i32
      %dma_start3A_310 = arith.constant 0 : i32
      %dma_start3A_311 = tpu.memref_slice %arg7[%dma_start3A_309, %dma_start3A_310] : memref<2x128xi32, #tpu.memory_space<vmem>> -> memref<1x128xi32, #tpu.memory_space<vmem>>
      %dma_start3A_312 = tpu.memref_squeeze %dma_start3A_311 : memref<1x128xi32, #tpu.memory_space<vmem>> -> memref<128xi32, #tpu.memory_space<vmem>>
      %dma_start3A_313 = tpu.memref_slice %arg4[%add3A_308] : memref<385024xi32, #tpu.memory_space<hbm>> -> memref<128xi32, #tpu.memory_space<hbm>>
      %dma_start3A_314 = arith.constant 0 : i32
      %dma_start3A_315 = tpu.memref_slice %arg7[%dma_start3A_309, %dma_start3A_314] : memref<2x128xi32, #tpu.memory_space<vmem>> -> memref<1x128xi32, #tpu.memory_space<vmem>>
      %dma_start3A_316 = tpu.memref_squeeze %dma_start3A_315 : memref<1x128xi32, #tpu.memory_space<vmem>> -> memref<128xi32, #tpu.memory_space<vmem>>
      %dma_start3A_317 = tpu.memref_slice %arg4[%add3A_308] : memref<385024xi32, #tpu.memory_space<hbm>> -> memref<128xi32, #tpu.memory_space<hbm>>
      tpu.enqueue_dma source(%dma_start3A_317 : memref<128xi32, #tpu.memory_space<hbm>>) target(%dma_start3A_316 : memref<128xi32, #tpu.memory_space<vmem>>) target_semaphore(%arg12 : memref<!tpu.dma_semaphore, #tpu.memory_space<semaphore_mem>>)
      %mul3A_318 = arith.constant 128 : i32
      %mul3A_319 = arith.muli %add3A_303, %mul3A_318 : i32
      %dma_start3A_320 = arith.constant 1 : i32
      %dma_start3A_321 = arith.constant 0 : i32
      %dma_start3A_322 = arith.constant 0 : i32
      %dma_start3A_323 = tpu.memref_slice %arg8[%dma_start3A_320, %dma_start3A_321, %dma_start3A_322] : memref<2x128x128xf32, #tpu.memory_space<vmem>> -> memref<1x128x128xf32, #tpu.memory_space<vmem>>
      %dma_start3A_324 = tpu.memref_squeeze %dma_start3A_323 : memref<1x128x128xf32, #tpu.memory_space<vmem>> -> memref<128x128xf32, #tpu.memory_space<vmem>>
      %dma_start3A_325 = tpu.memref_slice %arg6[%mul3A_319] : memref<12032xi32, #tpu.memory_space<vmem>> -> memref<128xi32, #tpu.memory_space<vmem>>
      %dma_start3A_326 = arith.constant 0 : i32
      %dma_start3A_327 = arith.constant 0 : i32
      %dma_start3A_328 = tpu.memref_slice %arg2[%arg0, %dma_start3A_326, %dma_start3A_327] : memref<2x10000x128xf32, #tpu.memory_space<hbm>> -> memref<1x10000x128xf32, #tpu.memory_space<hbm>>
      %dma_start3A_329 = tpu.memref_squeeze %dma_start3A_328 : memref<1x10000x128xf32, #tpu.memory_space<hbm>> -> memref<10000x128xf32, #tpu.memory_space<hbm>>
      %dma_start3A_330 = arith.constant 0 : i32
      %dma_start3A_331 = arith.constant 0 : i32
      %dma_start3A_332 = tpu.memref_slice %dma_start3A_329[%dma_start3A_330, %dma_start3A_331] : memref<10000x128xf32, #tpu.memory_space<hbm>> -> memref<10000x128xf32, #tpu.memory_space<hbm>>
      tpu.enqueue_indirect_dma source(%dma_start3A_332 : memref<10000x128xf32, #tpu.memory_space<hbm>>) target(%dma_start3A_324 : memref<128x128xf32, #tpu.memory_space<vmem>>) offsets(%dma_start3A_325 : memref<128xi32, #tpu.memory_space<vmem>>) semaphore(%arg11 : memref<!tpu.dma_semaphore, #tpu.memory_space<semaphore_mem>>)
      %dma_wait3A_333 = arith.constant 0 : i32
      %dma_wait3A_334 = arith.constant 0 : i32
      %dma_wait3A_335 = tpu.memref_slice %arg7[%dma_wait3A_333, %dma_wait3A_334] : memref<2x128xi32, #tpu.memory_space<vmem>> -> memref<1x128xi32, #tpu.memory_space<vmem>>
      %dma_wait3A_336 = tpu.memref_squeeze %dma_wait3A_335 : memref<1x128xi32, #tpu.memory_space<vmem>> -> memref<128xi32, #tpu.memory_space<vmem>>
      %dma_wait3A_337 = arith.constant 0 : i32
      %dma_wait3A_338 = tpu.memref_slice %arg4[%dma_wait3A_337] : memref<385024xi32, #tpu.memory_space<hbm>> -> memref<128xi32, #tpu.memory_space<hbm>>
      %dma_wait3A_339 = arith.constant 0 : i32
      %dma_wait3A_340 = tpu.memref_slice %arg7[%dma_wait3A_333, %dma_wait3A_339] : memref<2x128xi32, #tpu.memory_space<vmem>> -> memref<1x128xi32, #tpu.memory_space<vmem>>
      %dma_wait3A_341 = tpu.memref_squeeze %dma_wait3A_340 : memref<1x128xi32, #tpu.memory_space<vmem>> -> memref<128xi32, #tpu.memory_space<vmem>>
      %dma_wait3A_342 = arith.constant 0 : i32
      %dma_wait3A_343 = tpu.memref_slice %arg4[%dma_wait3A_342] : memref<385024xi32, #tpu.memory_space<hbm>> -> memref<128xi32, #tpu.memory_space<hbm>>
      tpu.wait_dma2 semaphore(%arg12 : memref<!tpu.dma_semaphore, #tpu.memory_space<semaphore_mem>>) src(%dma_wait3A_343 : memref<128xi32, #tpu.memory_space<hbm>>) dst(%dma_wait3A_341 : memref<128xi32, #tpu.memory_space<vmem>>)
      %dma_wait3A_344 = arith.constant 0 : i32
      %dma_wait3A_345 = arith.constant 0 : i32
      %dma_wait3A_346 = arith.constant 0 : i32
      %dma_wait3A_347 = tpu.memref_slice %arg8[%dma_wait3A_344, %dma_wait3A_345, %dma_wait3A_346] : memref<2x128x128xf32, #tpu.memory_space<vmem>> -> memref<1x128x128xf32, #tpu.memory_space<vmem>>
      %dma_wait3A_348 = tpu.memref_squeeze %dma_wait3A_347 : memref<1x128x128xf32, #tpu.memory_space<vmem>> -> memref<128x128xf32, #tpu.memory_space<vmem>>
      %dma_wait3A_349 = arith.constant 0 : i32
      %dma_wait3A_350 = arith.constant 0 : i32
      %dma_wait3A_351 = tpu.memref_slice %arg2[%arg0, %dma_wait3A_349, %dma_wait3A_350] : memref<2x10000x128xf32, #tpu.memory_space<hbm>> -> memref<1x10000x128xf32, #tpu.memory_space<hbm>>
      %dma_wait3A_352 = tpu.memref_squeeze %dma_wait3A_351 : memref<1x10000x128xf32, #tpu.memory_space<hbm>> -> memref<10000x128xf32, #tpu.memory_space<hbm>>
      %dma_wait3A_353 = arith.constant 0 : i32
      %dma_wait3A_354 = arith.constant 0 : i32
      %dma_wait3A_355 = tpu.memref_slice %dma_wait3A_352[%dma_wait3A_353, %dma_wait3A_354] : memref<10000x128xf32, #tpu.memory_space<hbm>> -> memref<128x128xf32, #tpu.memory_space<hbm>>
      %dma_wait3A_356 = arith.constant 0 : i32
      %dma_wait3A_357 = arith.constant 0 : i32
      %dma_wait3A_358 = tpu.memref_slice %arg8[%dma_wait3A_344, %dma_wait3A_356, %dma_wait3A_357] : memref<2x128x128xf32, #tpu.memory_space<vmem>> -> memref<1x128x128xf32, #tpu.memory_space<vmem>>
      %dma_wait3A_359 = tpu.memref_squeeze %dma_wait3A_358 : memref<1x128x128xf32, #tpu.memory_space<vmem>> -> memref<128x128xf32, #tpu.memory_space<vmem>>
      %dma_wait3A_360 = arith.constant 0 : i32
      %dma_wait3A_361 = arith.constant 0 : i32
      %dma_wait3A_362 = tpu.memref_slice %arg2[%arg0, %dma_wait3A_360, %dma_wait3A_361] : memref<2x10000x128xf32, #tpu.memory_space<hbm>> -> memref<1x10000x128xf32, #tpu.memory_space<hbm>>
      %dma_wait3A_363 = tpu.memref_squeeze %dma_wait3A_362 : memref<1x10000x128xf32, #tpu.memory_space<hbm>> -> memref<10000x128xf32, #tpu.memory_space<hbm>>
      %dma_wait3A_364 = arith.constant 0 : i32
      %dma_wait3A_365 = arith.constant 0 : i32
      %dma_wait3A_366 = tpu.memref_slice %dma_wait3A_363[%dma_wait3A_364, %dma_wait3A_365] : memref<10000x128xf32, #tpu.memory_space<hbm>> -> memref<128x128xf32, #tpu.memory_space<hbm>>
      tpu.wait_dma2 semaphore(%arg11 : memref<!tpu.dma_semaphore, #tpu.memory_space<semaphore_mem>>) src(%dma_wait3A_366 : memref<128x128xf32, #tpu.memory_space<hbm>>) dst(%dma_wait3A_359 : memref<128x128xf32, #tpu.memory_space<vmem>>)
      %run_scoped3A_367 = arith.constant 0 : i32
      %run_scoped3A_368 = arith.constant 0 : i32
      "tpu.region"() ({
        %run_scoped3A_436 = tpu.sem_alloc : memref<!tpu.dma_semaphore, #tpu.memory_space<semaphore_mem>>
        %dma_start3A_437 = arith.constant 0 : i32
        %dma_start3A_438 = arith.constant 0 : i32
        %dma_start3A_439 = tpu.memref_slice %arg8[%run_scoped3A_367, %dma_start3A_437, %dma_start3A_438] : memref<2x128x128xf32, #tpu.memory_space<vmem>> -> memref<1x128x128xf32, #tpu.memory_space<vmem>>
        %dma_start3A_440 = tpu.memref_squeeze %dma_start3A_439 : memref<1x128x128xf32, #tpu.memory_space<vmem>> -> memref<128x128xf32, #tpu.memory_space<vmem>>
        %dma_start3A_441 = arith.constant 0 : i32
        %dma_start3A_442 = tpu.memref_slice %arg7[%run_scoped3A_368, %dma_start3A_441] : memref<2x128xi32, #tpu.memory_space<vmem>> -> memref<1x128xi32, #tpu.memory_space<vmem>>
        %dma_start3A_443 = tpu.memref_squeeze %dma_start3A_442 : memref<1x128xi32, #tpu.memory_space<vmem>> -> memref<128xi32, #tpu.memory_space<vmem>>
        %dma_start3A_444 = arith.constant 0 : i32
        %dma_start3A_445 = arith.constant 0 : i32
        %dma_start3A_446 = tpu.memref_slice %arg10[%dma_start3A_444, %dma_start3A_445] : memref<5248x128xf32, #tpu.memory_space<vmem_shared>> -> memref<5248x128xf32, #tpu.memory_space<vmem_shared>>
        tpu.enqueue_indirect_dma source(%dma_start3A_440 : memref<128x128xf32, #tpu.memory_space<vmem>>) target(%dma_start3A_446 : memref<5248x128xf32, #tpu.memory_space<vmem_shared>>) offsets(%dma_start3A_443 : memref<128xi32, #tpu.memory_space<vmem>>) semaphore(%run_scoped3A_436 : memref<!tpu.dma_semaphore, #tpu.memory_space<semaphore_mem>>) {add = true}
        %dma_wait3A_447 = arith.constant 0 : i32
        %dma_wait3A_448 = arith.constant 0 : i32
        %dma_wait3A_449 = tpu.memref_slice %arg8[%run_scoped3A_367, %dma_wait3A_447, %dma_wait3A_448] : memref<2x128x128xf32, #tpu.memory_space<vmem>> -> memref<1x128x128xf32, #tpu.memory_space<vmem>>
        %dma_wait3A_450 = tpu.memref_squeeze %dma_wait3A_449 : memref<1x128x128xf32, #tpu.memory_space<vmem>> -> memref<128x128xf32, #tpu.memory_space<vmem>>
        %dma_wait3A_451 = arith.constant 0 : i32
        %dma_wait3A_452 = tpu.memref_slice %arg7[%run_scoped3A_368, %dma_wait3A_451] : memref<2x128xi32, #tpu.memory_space<vmem>> -> memref<1x128xi32, #tpu.memory_space<vmem>>
        %dma_wait3A_453 = tpu.memref_squeeze %dma_wait3A_452 : memref<1x128xi32, #tpu.memory_space<vmem>> -> memref<128xi32, #tpu.memory_space<vmem>>
        %dma_wait3A_454 = arith.constant 0 : i32
        %dma_wait3A_455 = arith.constant 0 : i32
        %dma_wait3A_456 = tpu.memref_slice %arg10[%dma_wait3A_454, %dma_wait3A_455] : memref<5248x128xf32, #tpu.memory_space<vmem_shared>> -> memref<5248x128xf32, #tpu.memory_space<vmem_shared>>
        tpu.wait_indirect_dma semaphore(%run_scoped3A_436 : memref<!tpu.dma_semaphore, #tpu.memory_space<semaphore_mem>>) src(%dma_wait3A_450 : memref<128x128xf32, #tpu.memory_space<vmem>>) dst(%dma_wait3A_456 : memref<5248x128xf32, #tpu.memory_space<vmem_shared>>)
        tpu.yield
      }) : () -> ()
      %add3A_369 = arith.constant 2 : i32
      %add3A_370 = arith.addi %add3A_301, %add3A_369 : i32
      %mul3A_371 = arith.constant 12032 : i32
      %mul3A_372 = arith.muli %mul3A_4, %mul3A_371 : i32
      %mul3A_373 = arith.constant 128 : i32
      %mul3A_374 = arith.muli %add3A_370, %mul3A_373 : i32
      %add3A_375 = arith.addi %mul3A_372, %mul3A_374 : i32
      %dma_start3A_376 = arith.constant 0 : i32
      %dma_start3A_377 = arith.constant 0 : i32
      %dma_start3A_378 = tpu.memref_slice %arg7[%dma_start3A_376, %dma_start3A_377] : memref<2x128xi32, #tpu.memory_space<vmem>> -> memref<1x128xi32, #tpu.memory_space<vmem>>
      %dma_start3A_379 = tpu.memref_squeeze %dma_start3A_378 : memref<1x128xi32, #tpu.memory_space<vmem>> -> memref<128xi32, #tpu.memory_space<vmem>>
      %dma_start3A_380 = tpu.memref_slice %arg4[%add3A_375] : memref<385024xi32, #tpu.memory_space<hbm>> -> memref<128xi32, #tpu.memory_space<hbm>>
      %dma_start3A_381 = arith.constant 0 : i32
      %dma_start3A_382 = tpu.memref_slice %arg7[%dma_start3A_376, %dma_start3A_381] : memref<2x128xi32, #tpu.memory_space<vmem>> -> memref<1x128xi32, #tpu.memory_space<vmem>>
      %dma_start3A_383 = tpu.memref_squeeze %dma_start3A_382 : memref<1x128xi32, #tpu.memory_space<vmem>> -> memref<128xi32, #tpu.memory_space<vmem>>
      %dma_start3A_384 = tpu.memref_slice %arg4[%add3A_375] : memref<385024xi32, #tpu.memory_space<hbm>> -> memref<128xi32, #tpu.memory_space<hbm>>
      tpu.enqueue_dma source(%dma_start3A_384 : memref<128xi32, #tpu.memory_space<hbm>>) target(%dma_start3A_383 : memref<128xi32, #tpu.memory_space<vmem>>) target_semaphore(%arg12 : memref<!tpu.dma_semaphore, #tpu.memory_space<semaphore_mem>>)
      %mul3A_385 = arith.constant 128 : i32
      %mul3A_386 = arith.muli %add3A_370, %mul3A_385 : i32
      %dma_start3A_387 = arith.constant 0 : i32
      %dma_start3A_388 = arith.constant 0 : i32
      %dma_start3A_389 = arith.constant 0 : i32
      %dma_start3A_390 = tpu.memref_slice %arg8[%dma_start3A_387, %dma_start3A_388, %dma_start3A_389] : memref<2x128x128xf32, #tpu.memory_space<vmem>> -> memref<1x128x128xf32, #tpu.memory_space<vmem>>
      %dma_start3A_391 = tpu.memref_squeeze %dma_start3A_390 : memref<1x128x128xf32, #tpu.memory_space<vmem>> -> memref<128x128xf32, #tpu.memory_space<vmem>>
      %dma_start3A_392 = tpu.memref_slice %arg6[%mul3A_386] : memref<12032xi32, #tpu.memory_space<vmem>> -> memref<128xi32, #tpu.memory_space<vmem>>
      %dma_start3A_393 = arith.constant 0 : i32
      %dma_start3A_394 = arith.constant 0 : i32
      %dma_start3A_395 = tpu.memref_slice %arg2[%arg0, %dma_start3A_393, %dma_start3A_394] : memref<2x10000x128xf32, #tpu.memory_space<hbm>> -> memref<1x10000x128xf32, #tpu.memory_space<hbm>>
      %dma_start3A_396 = tpu.memref_squeeze %dma_start3A_395 : memref<1x10000x128xf32, #tpu.memory_space<hbm>> -> memref<10000x128xf32, #tpu.memory_space<hbm>>
      %dma_start3A_397 = arith.constant 0 : i32
      %dma_start3A_398 = arith.constant 0 : i32
      %dma_start3A_399 = tpu.memref_slice %dma_start3A_396[%dma_start3A_397, %dma_start3A_398] : memref<10000x128xf32, #tpu.memory_space<hbm>> -> memref<10000x128xf32, #tpu.memory_space<hbm>>
      tpu.enqueue_indirect_dma source(%dma_start3A_399 : memref<10000x128xf32, #tpu.memory_space<hbm>>) target(%dma_start3A_391 : memref<128x128xf32, #tpu.memory_space<vmem>>) offsets(%dma_start3A_392 : memref<128xi32, #tpu.memory_space<vmem>>) semaphore(%arg11 : memref<!tpu.dma_semaphore, #tpu.memory_space<semaphore_mem>>)
      %dma_wait3A_400 = arith.constant 1 : i32
      %dma_wait3A_401 = arith.constant 0 : i32
      %dma_wait3A_402 = tpu.memref_slice %arg7[%dma_wait3A_400, %dma_wait3A_401] : memref<2x128xi32, #tpu.memory_space<vmem>> -> memref<1x128xi32, #tpu.memory_space<vmem>>
      %dma_wait3A_403 = tpu.memref_squeeze %dma_wait3A_402 : memref<1x128xi32, #tpu.memory_space<vmem>> -> memref<128xi32, #tpu.memory_space<vmem>>
      %dma_wait3A_404 = arith.constant 0 : i32
      %dma_wait3A_405 = tpu.memref_slice %arg4[%dma_wait3A_404] : memref<385024xi32, #tpu.memory_space<hbm>> -> memref<128xi32, #tpu.memory_space<hbm>>
      %dma_wait3A_406 = arith.constant 0 : i32
      %dma_wait3A_407 = tpu.memref_slice %arg7[%dma_wait3A_400, %dma_wait3A_406] : memref<2x128xi32, #tpu.memory_space<vmem>> -> memref<1x128xi32, #tpu.memory_space<vmem>>
      %dma_wait3A_408 = tpu.memref_squeeze %dma_wait3A_407 : memref<1x128xi32, #tpu.memory_space<vmem>> -> memref<128xi32, #tpu.memory_space<vmem>>
      %dma_wait3A_409 = arith.constant 0 : i32
      %dma_wait3A_410 = tpu.memref_slice %arg4[%dma_wait3A_409] : memref<385024xi32, #tpu.memory_space<hbm>> -> memref<128xi32, #tpu.memory_space<hbm>>
      tpu.wait_dma2 semaphore(%arg12 : memref<!tpu.dma_semaphore, #tpu.memory_space<semaphore_mem>>) src(%dma_wait3A_410 : memref<128xi32, #tpu.memory_space<hbm>>) dst(%dma_wait3A_408 : memref<128xi32, #tpu.memory_space<vmem>>)
      %dma_wait3A_411 = arith.constant 1 : i32
      %dma_wait3A_412 = arith.constant 0 : i32
      %dma_wait3A_413 = arith.constant 0 : i32
      %dma_wait3A_414 = tpu.memref_slice %arg8[%dma_wait3A_411, %dma_wait3A_412, %dma_wait3A_413] : memref<2x128x128xf32, #tpu.memory_space<vmem>> -> memref<1x128x128xf32, #tpu.memory_space<vmem>>
      %dma_wait3A_415 = tpu.memref_squeeze %dma_wait3A_414 : memref<1x128x128xf32, #tpu.memory_space<vmem>> -> memref<128x128xf32, #tpu.memory_space<vmem>>
      %dma_wait3A_416 = arith.constant 0 : i32
      %dma_wait3A_417 = arith.constant 0 : i32
      %dma_wait3A_418 = tpu.memref_slice %arg2[%arg0, %dma_wait3A_416, %dma_wait3A_417] : memref<2x10000x128xf32, #tpu.memory_space<hbm>> -> memref<1x10000x128xf32, #tpu.memory_space<hbm>>
      %dma_wait3A_419 = tpu.memref_squeeze %dma_wait3A_418 : memref<1x10000x128xf32, #tpu.memory_space<hbm>> -> memref<10000x128xf32, #tpu.memory_space<hbm>>
      %dma_wait3A_420 = arith.constant 0 : i32
      %dma_wait3A_421 = arith.constant 0 : i32
      %dma_wait3A_422 = tpu.memref_slice %dma_wait3A_419[%dma_wait3A_420, %dma_wait3A_421] : memref<10000x128xf32, #tpu.memory_space<hbm>> -> memref<128x128xf32, #tpu.memory_space<hbm>>
      %dma_wait3A_423 = arith.constant 0 : i32
      %dma_wait3A_424 = arith.constant 0 : i32
      %dma_wait3A_425 = tpu.memref_slice %arg8[%dma_wait3A_411, %dma_wait3A_423, %dma_wait3A_424] : memref<2x128x128xf32, #tpu.memory_space<vmem>> -> memref<1x128x128xf32, #tpu.memory_space<vmem>>
      %dma_wait3A_426 = tpu.memref_squeeze %dma_wait3A_425 : memref<1x128x128xf32, #tpu.memory_space<vmem>> -> memref<128x128xf32, #tpu.memory_space<vmem>>
      %dma_wait3A_427 = arith.constant 0 : i32
      %dma_wait3A_428 = arith.constant 0 : i32
      %dma_wait3A_429 = tpu.memref_slice %arg2[%arg0, %dma_wait3A_427, %dma_wait3A_428] : memref<2x10000x128xf32, #tpu.memory_space<hbm>> -> memref<1x10000x128xf32, #tpu.memory_space<hbm>>
      %dma_wait3A_430 = tpu.memref_squeeze %dma_wait3A_429 : memref<1x10000x128xf32, #tpu.memory_space<hbm>> -> memref<10000x128xf32, #tpu.memory_space<hbm>>
      %dma_wait3A_431 = arith.constant 0 : i32
      %dma_wait3A_432 = arith.constant 0 : i32
      %dma_wait3A_433 = tpu.memref_slice %dma_wait3A_430[%dma_wait3A_431, %dma_wait3A_432] : memref<10000x128xf32, #tpu.memory_space<hbm>> -> memref<128x128xf32, #tpu.memory_space<hbm>>
      tpu.wait_dma2 semaphore(%arg11 : memref<!tpu.dma_semaphore, #tpu.memory_space<semaphore_mem>>) src(%dma_wait3A_433 : memref<128x128xf32, #tpu.memory_space<hbm>>) dst(%dma_wait3A_426 : memref<128x128xf32, #tpu.memory_space<vmem>>)
      %run_scoped3A_434 = arith.constant 1 : i32
      %run_scoped3A_435 = arith.constant 1 : i32
      "tpu.region"() ({
        %run_scoped3A_436 = tpu.sem_alloc : memref<!tpu.dma_semaphore, #tpu.memory_space<semaphore_mem>>
        %dma_start3A_437 = arith.constant 0 : i32
        %dma_start3A_438 = arith.constant 0 : i32
        %dma_start3A_439 = tpu.memref_slice %arg8[%run_scoped3A_434, %dma_start3A_437, %dma_start3A_438] : memref<2x128x128xf32, #tpu.memory_space<vmem>> -> memref<1x128x128xf32, #tpu.memory_space<vmem>>
        %dma_start3A_440 = tpu.memref_squeeze %dma_start3A_439 : memref<1x128x128xf32, #tpu.memory_space<vmem>> -> memref<128x128xf32, #tpu.memory_space<vmem>>
        %dma_start3A_441 = arith.constant 0 : i32
        %dma_start3A_442 = tpu.memref_slice %arg7[%run_scoped3A_435, %dma_start3A_441] : memref<2x128xi32, #tpu.memory_space<vmem>> -> memref<1x128xi32, #tpu.memory_space<vmem>>
        %dma_start3A_443 = tpu.memref_squeeze %dma_start3A_442 : memref<1x128xi32, #tpu.memory_space<vmem>> -> memref<128xi32, #tpu.memory_space<vmem>>
        %dma_start3A_444 = arith.constant 0 : i32
        %dma_start3A_445 = arith.constant 0 : i32
        %dma_start3A_446 = tpu.memref_slice %arg10[%dma_start3A_444, %dma_start3A_445] : memref<5248x128xf32, #tpu.memory_space<vmem_shared>> -> memref<5248x128xf32, #tpu.memory_space<vmem_shared>>
        tpu.enqueue_indirect_dma source(%dma_start3A_440 : memref<128x128xf32, #tpu.memory_space<vmem>>) target(%dma_start3A_446 : memref<5248x128xf32, #tpu.memory_space<vmem_shared>>) offsets(%dma_start3A_443 : memref<128xi32, #tpu.memory_space<vmem>>) semaphore(%run_scoped3A_436 : memref<!tpu.dma_semaphore, #tpu.memory_space<semaphore_mem>>) {add = true}
        %dma_wait3A_447 = arith.constant 0 : i32
        %dma_wait3A_448 = arith.constant 0 : i32
        %dma_wait3A_449 = tpu.memref_slice %arg8[%run_scoped3A_434, %dma_wait3A_447, %dma_wait3A_448] : memref<2x128x128xf32, #tpu.memory_space<vmem>> -> memref<1x128x128xf32, #tpu.memory_space<vmem>>
        %dma_wait3A_450 = tpu.memref_squeeze %dma_wait3A_449 : memref<1x128x128xf32, #tpu.memory_space<vmem>> -> memref<128x128xf32, #tpu.memory_space<vmem>>
        %dma_wait3A_451 = arith.constant 0 : i32
        %dma_wait3A_452 = tpu.memref_slice %arg7[%run_scoped3A_435, %dma_wait3A_451] : memref<2x128xi32, #tpu.memory_space<vmem>> -> memref<1x128xi32, #tpu.memory_space<vmem>>
        %dma_wait3A_453 = tpu.memref_squeeze %dma_wait3A_452 : memref<1x128xi32, #tpu.memory_space<vmem>> -> memref<128xi32, #tpu.memory_space<vmem>>
        %dma_wait3A_454 = arith.constant 0 : i32
        %dma_wait3A_455 = arith.constant 0 : i32
        %dma_wait3A_456 = tpu.memref_slice %arg10[%dma_wait3A_454, %dma_wait3A_455] : memref<5248x128xf32, #tpu.memory_space<vmem_shared>> -> memref<5248x128xf32, #tpu.memory_space<vmem_shared>>
        tpu.wait_indirect_dma semaphore(%run_scoped3A_436 : memref<!tpu.dma_semaphore, #tpu.memory_space<semaphore_mem>>) src(%dma_wait3A_450 : memref<128x128xf32, #tpu.memory_space<vmem>>) dst(%dma_wait3A_456 : memref<5248x128xf32, #tpu.memory_space<vmem_shared>>)
        tpu.yield
      }) : () -> ()
    }
    %scan3A_38 = arith.constant 46 : i32
    %mul3A_39 = arith.constant 12032 : i32
    %mul3A_40 = arith.muli %mul3A_4, %mul3A_39 : i32
    %add3A_41 = arith.constant 11904 : i32
    %add3A_42 = arith.addi %mul3A_40, %add3A_41 : i32
    %dma_start3A_43 = arith.constant 1 : i32
    %dma_start3A_44 = arith.constant 0 : i32
    %dma_start3A_45 = tpu.memref_slice %arg7[%dma_start3A_43, %dma_start3A_44] : memref<2x128xi32, #tpu.memory_space<vmem>> -> memref<1x128xi32, #tpu.memory_space<vmem>>
    %dma_start3A_46 = tpu.memref_squeeze %dma_start3A_45 : memref<1x128xi32, #tpu.memory_space<vmem>> -> memref<128xi32, #tpu.memory_space<vmem>>
    %dma_start3A_47 = tpu.memref_slice %arg4[%add3A_42] : memref<385024xi32, #tpu.memory_space<hbm>> -> memref<128xi32, #tpu.memory_space<hbm>>
    %dma_start3A_48 = arith.constant 0 : i32
    %dma_start3A_49 = tpu.memref_slice %arg7[%dma_start3A_43, %dma_start3A_48] : memref<2x128xi32, #tpu.memory_space<vmem>> -> memref<1x128xi32, #tpu.memory_space<vmem>>
    %dma_start3A_50 = tpu.memref_squeeze %dma_start3A_49 : memref<1x128xi32, #tpu.memory_space<vmem>> -> memref<128xi32, #tpu.memory_space<vmem>>
    %dma_start3A_51 = tpu.memref_slice %arg4[%add3A_42] : memref<385024xi32, #tpu.memory_space<hbm>> -> memref<128xi32, #tpu.memory_space<hbm>>
    tpu.enqueue_dma source(%dma_start3A_51 : memref<128xi32, #tpu.memory_space<hbm>>) target(%dma_start3A_50 : memref<128xi32, #tpu.memory_space<vmem>>) target_semaphore(%arg12 : memref<!tpu.dma_semaphore, #tpu.memory_space<semaphore_mem>>)
    %dma_start3A_52 = arith.constant 1 : i32
    %dma_start3A_53 = arith.constant 0 : i32
    %dma_start3A_54 = arith.constant 0 : i32
    %dma_start3A_55 = tpu.memref_slice %arg8[%dma_start3A_52, %dma_start3A_53, %dma_start3A_54] : memref<2x128x128xf32, #tpu.memory_space<vmem>> -> memref<1x128x128xf32, #tpu.memory_space<vmem>>
    %dma_start3A_56 = tpu.memref_squeeze %dma_start3A_55 : memref<1x128x128xf32, #tpu.memory_space<vmem>> -> memref<128x128xf32, #tpu.memory_space<vmem>>
    %dma_start3A_57 = arith.constant 11904 : i32
    %dma_start3A_58 = tpu.memref_slice %arg6[%dma_start3A_57] : memref<12032xi32, #tpu.memory_space<vmem>> -> memref<128xi32, #tpu.memory_space<vmem>>
    %dma_start3A_59 = arith.constant 0 : i32
    %dma_start3A_60 = arith.constant 0 : i32
    %dma_start3A_61 = tpu.memref_slice %arg2[%arg0, %dma_start3A_59, %dma_start3A_60] : memref<2x10000x128xf32, #tpu.memory_space<hbm>> -> memref<1x10000x128xf32, #tpu.memory_space<hbm>>
    %dma_start3A_62 = tpu.memref_squeeze %dma_start3A_61 : memref<1x10000x128xf32, #tpu.memory_space<hbm>> -> memref<10000x128xf32, #tpu.memory_space<hbm>>
    %dma_start3A_63 = arith.constant 0 : i32
    %dma_start3A_64 = arith.constant 0 : i32
    %dma_start3A_65 = tpu.memref_slice %dma_start3A_62[%dma_start3A_63, %dma_start3A_64] : memref<10000x128xf32, #tpu.memory_space<hbm>> -> memref<10000x128xf32, #tpu.memory_space<hbm>>
    tpu.enqueue_indirect_dma source(%dma_start3A_65 : memref<10000x128xf32, #tpu.memory_space<hbm>>) target(%dma_start3A_56 : memref<128x128xf32, #tpu.memory_space<vmem>>) offsets(%dma_start3A_58 : memref<128xi32, #tpu.memory_space<vmem>>) semaphore(%arg11 : memref<!tpu.dma_semaphore, #tpu.memory_space<semaphore_mem>>)
    %dma_wait3A = arith.constant 0 : i32
    %dma_wait3A_66 = arith.constant 0 : i32
    %dma_wait3A_67 = tpu.memref_slice %arg7[%dma_wait3A, %dma_wait3A_66] : memref<2x128xi32, #tpu.memory_space<vmem>> -> memref<1x128xi32, #tpu.memory_space<vmem>>
    %dma_wait3A_68 = tpu.memref_squeeze %dma_wait3A_67 : memref<1x128xi32, #tpu.memory_space<vmem>> -> memref<128xi32, #tpu.memory_space<vmem>>
    %dma_wait3A_69 = arith.constant 0 : i32
    %dma_wait3A_70 = tpu.memref_slice %arg4[%dma_wait3A_69] : memref<385024xi32, #tpu.memory_space<hbm>> -> memref<128xi32, #tpu.memory_space<hbm>>
    %dma_wait3A_71 = arith.constant 0 : i32
    %dma_wait3A_72 = tpu.memref_slice %arg7[%dma_wait3A, %dma_wait3A_71] : memref<2x128xi32, #tpu.memory_space<vmem>> -> memref<1x128xi32, #tpu.memory_space<vmem>>
    %dma_wait3A_73 = tpu.memref_squeeze %dma_wait3A_72 : memref<1x128xi32, #tpu.memory_space<vmem>> -> memref<128xi32, #tpu.memory_space<vmem>>
    %dma_wait3A_74 = arith.constant 0 : i32
    %dma_wait3A_75 = tpu.memref_slice %arg4[%dma_wait3A_74] : memref<385024xi32, #tpu.memory_space<hbm>> -> memref<128xi32, #tpu.memory_space<hbm>>
    tpu.wait_dma2 semaphore(%arg12 : memref<!tpu.dma_semaphore, #tpu.memory_space<semaphore_mem>>) src(%dma_wait3A_75 : memref<128xi32, #tpu.memory_space<hbm>>) dst(%dma_wait3A_73 : memref<128xi32, #tpu.memory_space<vmem>>)
    %dma_wait3A_76 = arith.constant 0 : i32
    %dma_wait3A_77 = arith.constant 0 : i32
    %dma_wait3A_78 = arith.constant 0 : i32
    %dma_wait3A_79 = tpu.memref_slice %arg8[%dma_wait3A_76, %dma_wait3A_77, %dma_wait3A_78] : memref<2x128x128xf32, #tpu.memory_space<vmem>> -> memref<1x128x128xf32, #tpu.memory_space<vmem>>
    %dma_wait3A_80 = tpu.memref_squeeze %dma_wait3A_79 : memref<1x128x128xf32, #tpu.memory_space<vmem>> -> memref<128x128xf32, #tpu.memory_space<vmem>>
    %dma_wait3A_81 = arith.constant 0 : i32
    %dma_wait3A_82 = arith.constant 0 : i32
    %dma_wait3A_83 = tpu.memref_slice %arg2[%arg0, %dma_wait3A_81, %dma_wait3A_82] : memref<2x10000x128xf32, #tpu.memory_space<hbm>> -> memref<1x10000x128xf32, #tpu.memory_space<hbm>>
    %dma_wait3A_84 = tpu.memref_squeeze %dma_wait3A_83 : memref<1x10000x128xf32, #tpu.memory_space<hbm>> -> memref<10000x128xf32, #tpu.memory_space<hbm>>
    %dma_wait3A_85 = arith.constant 0 : i32
    %dma_wait3A_86 = arith.constant 0 : i32
    %dma_wait3A_87 = tpu.memref_slice %dma_wait3A_84[%dma_wait3A_85, %dma_wait3A_86] : memref<10000x128xf32, #tpu.memory_space<hbm>> -> memref<128x128xf32, #tpu.memory_space<hbm>>
    %dma_wait3A_88 = arith.constant 0 : i32
    %dma_wait3A_89 = arith.constant 0 : i32
    %dma_wait3A_90 = tpu.memref_slice %arg8[%dma_wait3A_76, %dma_wait3A_88, %dma_wait3A_89] : memref<2x128x128xf32, #tpu.memory_space<vmem>> -> memref<1x128x128xf32, #tpu.memory_space<vmem>>
    %dma_wait3A_91 = tpu.memref_squeeze %dma_wait3A_90 : memref<1x128x128xf32, #tpu.memory_space<vmem>> -> memref<128x128xf32, #tpu.memory_space<vmem>>
    %dma_wait3A_92 = arith.constant 0 : i32
    %dma_wait3A_93 = arith.constant 0 : i32
    %dma_wait3A_94 = tpu.memref_slice %arg2[%arg0, %dma_wait3A_92, %dma_wait3A_93] : memref<2x10000x128xf32, #tpu.memory_space<hbm>> -> memref<1x10000x128xf32, #tpu.memory_space<hbm>>
    %dma_wait3A_95 = tpu.memref_squeeze %dma_wait3A_94 : memref<1x10000x128xf32, #tpu.memory_space<hbm>> -> memref<10000x128xf32, #tpu.memory_space<hbm>>
    %dma_wait3A_96 = arith.constant 0 : i32
    %dma_wait3A_97 = arith.constant 0 : i32
    %dma_wait3A_98 = tpu.memref_slice %dma_wait3A_95[%dma_wait3A_96, %dma_wait3A_97] : memref<10000x128xf32, #tpu.memory_space<hbm>> -> memref<128x128xf32, #tpu.memory_space<hbm>>
    tpu.wait_dma2 semaphore(%arg11 : memref<!tpu.dma_semaphore, #tpu.memory_space<semaphore_mem>>) src(%dma_wait3A_98 : memref<128x128xf32, #tpu.memory_space<hbm>>) dst(%dma_wait3A_91 : memref<128x128xf32, #tpu.memory_space<vmem>>)
    %run_scoped3A = arith.constant 0 : i32
    %run_scoped3A_99 = arith.constant 0 : i32
    "tpu.region"() ({
      %run_scoped3A_297 = tpu.sem_alloc : memref<!tpu.dma_semaphore, #tpu.memory_space<semaphore_mem>>
      %dma_start3A_298 = arith.constant 0 : i32
      %dma_start3A_299 = arith.constant 0 : i32
      %dma_start3A_300 = tpu.memref_slice %arg8[%run_scoped3A, %dma_start3A_298, %dma_start3A_299] : memref<2x128x128xf32, #tpu.memory_space<vmem>> -> memref<1x128x128xf32, #tpu.memory_space<vmem>>
      %dma_start3A_301 = tpu.memref_squeeze %dma_start3A_300 : memref<1x128x128xf32, #tpu.memory_space<vmem>> -> memref<128x128xf32, #tpu.memory_space<vmem>>
      %dma_start3A_302 = arith.constant 0 : i32
      %dma_start3A_303 = tpu.memref_slice %arg7[%run_scoped3A_99, %dma_start3A_302] : memref<2x128xi32, #tpu.memory_space<vmem>> -> memref<1x128xi32, #tpu.memory_space<vmem>>
      %dma_start3A_304 = tpu.memref_squeeze %dma_start3A_303 : memref<1x128xi32, #tpu.memory_space<vmem>> -> memref<128xi32, #tpu.memory_space<vmem>>
      %dma_start3A_305 = arith.constant 0 : i32
      %dma_start3A_306 = arith.constant 0 : i32
      %dma_start3A_307 = tpu.memref_slice %arg10[%dma_start3A_305, %dma_start3A_306] : memref<5248x128xf32, #tpu.memory_space<vmem_shared>> -> memref<5248x128xf32, #tpu.memory_space<vmem_shared>>
      tpu.enqueue_indirect_dma source(%dma_start3A_301 : memref<128x128xf32, #tpu.memory_space<vmem>>) target(%dma_start3A_307 : memref<5248x128xf32, #tpu.memory_space<vmem_shared>>) offsets(%dma_start3A_304 : memref<128xi32, #tpu.memory_space<vmem>>) semaphore(%run_scoped3A_297 : memref<!tpu.dma_semaphore, #tpu.memory_space<semaphore_mem>>) {add = true}
      %dma_wait3A_308 = arith.constant 0 : i32
      %dma_wait3A_309 = arith.constant 0 : i32
      %dma_wait3A_310 = tpu.memref_slice %arg8[%run_scoped3A, %dma_wait3A_308, %dma_wait3A_309] : memref<2x128x128xf32, #tpu.memory_space<vmem>> -> memref<1x128x128xf32, #tpu.memory_space<vmem>>
      %dma_wait3A_311 = tpu.memref_squeeze %dma_wait3A_310 : memref<1x128x128xf32, #tpu.memory_space<vmem>> -> memref<128x128xf32, #tpu.memory_space<vmem>>
      %dma_wait3A_312 = arith.constant 0 : i32
      %dma_wait3A_313 = tpu.memref_slice %arg7[%run_scoped3A_99, %dma_wait3A_312] : memref<2x128xi32, #tpu.memory_space<vmem>> -> memref<1x128xi32, #tpu.memory_space<vmem>>
      %dma_wait3A_314 = tpu.memref_squeeze %dma_wait3A_313 : memref<1x128xi32, #tpu.memory_space<vmem>> -> memref<128xi32, #tpu.memory_space<vmem>>
      %dma_wait3A_315 = arith.constant 0 : i32
      %dma_wait3A_316 = arith.constant 0 : i32
      %dma_wait3A_317 = tpu.memref_slice %arg10[%dma_wait3A_315, %dma_wait3A_316] : memref<5248x128xf32, #tpu.memory_space<vmem_shared>> -> memref<5248x128xf32, #tpu.memory_space<vmem_shared>>
      tpu.wait_indirect_dma semaphore(%run_scoped3A_297 : memref<!tpu.dma_semaphore, #tpu.memory_space<semaphore_mem>>) src(%dma_wait3A_311 : memref<128x128xf32, #tpu.memory_space<vmem>>) dst(%dma_wait3A_317 : memref<5248x128xf32, #tpu.memory_space<vmem_shared>>)
      tpu.yield
    }) : () -> ()
    %dma_wait3A_100 = arith.constant 1 : i32
    %dma_wait3A_101 = arith.constant 0 : i32
    %dma_wait3A_102 = tpu.memref_slice %arg7[%dma_wait3A_100, %dma_wait3A_101] : memref<2x128xi32, #tpu.memory_space<vmem>> -> memref<1x128xi32, #tpu.memory_space<vmem>>
    %dma_wait3A_103 = tpu.memref_squeeze %dma_wait3A_102 : memref<1x128xi32, #tpu.memory_space<vmem>> -> memref<128xi32, #tpu.memory_space<vmem>>
    %dma_wait3A_104 = arith.constant 0 : i32
    %dma_wait3A_105 = tpu.memref_slice %arg4[%dma_wait3A_104] : memref<385024xi32, #tpu.memory_space<hbm>> -> memref<128xi32, #tpu.memory_space<hbm>>
    %dma_wait3A_106 = arith.constant 0 : i32
    %dma_wait3A_107 = tpu.memref_slice %arg7[%dma_wait3A_100, %dma_wait3A_106] : memref<2x128xi32, #tpu.memory_space<vmem>> -> memref<1x128xi32, #tpu.memory_space<vmem>>
    %dma_wait3A_108 = tpu.memref_squeeze %dma_wait3A_107 : memref<1x128xi32, #tpu.memory_space<vmem>> -> memref<128xi32, #tpu.memory_space<vmem>>
    %dma_wait3A_109 = arith.constant 0 : i32
    %dma_wait3A_110 = tpu.memref_slice %arg4[%dma_wait3A_109] : memref<385024xi32, #tpu.memory_space<hbm>> -> memref<128xi32, #tpu.memory_space<hbm>>
    tpu.wait_dma2 semaphore(%arg12 : memref<!tpu.dma_semaphore, #tpu.memory_space<semaphore_mem>>) src(%dma_wait3A_110 : memref<128xi32, #tpu.memory_space<hbm>>) dst(%dma_wait3A_108 : memref<128xi32, #tpu.memory_space<vmem>>)
    %dma_wait3A_111 = arith.constant 1 : i32
    %dma_wait3A_112 = arith.constant 0 : i32
    %dma_wait3A_113 = arith.constant 0 : i32
    %dma_wait3A_114 = tpu.memref_slice %arg8[%dma_wait3A_111, %dma_wait3A_112, %dma_wait3A_113] : memref<2x128x128xf32, #tpu.memory_space<vmem>> -> memref<1x128x128xf32, #tpu.memory_space<vmem>>
    %dma_wait3A_115 = tpu.memref_squeeze %dma_wait3A_114 : memref<1x128x128xf32, #tpu.memory_space<vmem>> -> memref<128x128xf32, #tpu.memory_space<vmem>>
    %dma_wait3A_116 = arith.constant 0 : i32
    %dma_wait3A_117 = arith.constant 0 : i32
    %dma_wait3A_118 = tpu.memref_slice %arg2[%arg0, %dma_wait3A_116, %dma_wait3A_117] : memref<2x10000x128xf32, #tpu.memory_space<hbm>> -> memref<1x10000x128xf32, #tpu.memory_space<hbm>>
    %dma_wait3A_119 = tpu.memref_squeeze %dma_wait3A_118 : memref<1x10000x128xf32, #tpu.memory_space<hbm>> -> memref<10000x128xf32, #tpu.memory_space<hbm>>
    %dma_wait3A_120 = arith.constant 0 : i32
    %dma_wait3A_121 = arith.constant 0 : i32
    %dma_wait3A_122 = tpu.memref_slice %dma_wait3A_119[%dma_wait3A_120, %dma_wait3A_121] : memref<10000x128xf32, #tpu.memory_space<hbm>> -> memref<128x128xf32, #tpu.memory_space<hbm>>
    %dma_wait3A_123 = arith.constant 0 : i32
    %dma_wait3A_124 = arith.constant 0 : i32
    %dma_wait3A_125 = tpu.memref_slice %arg8[%dma_wait3A_111, %dma_wait3A_123, %dma_wait3A_124] : memref<2x128x128xf32, #tpu.memory_space<vmem>> -> memref<1x128x128xf32, #tpu.memory_space<vmem>>
    %dma_wait3A_126 = tpu.memref_squeeze %dma_wait3A_125 : memref<1x128x128xf32, #tpu.memory_space<vmem>> -> memref<128x128xf32, #tpu.memory_space<vmem>>
    %dma_wait3A_127 = arith.constant 0 : i32
    %dma_wait3A_128 = arith.constant 0 : i32
    %dma_wait3A_129 = tpu.memref_slice %arg2[%arg0, %dma_wait3A_127, %dma_wait3A_128] : memref<2x10000x128xf32, #tpu.memory_space<hbm>> -> memref<1x10000x128xf32, #tpu.memory_space<hbm>>
    %dma_wait3A_130 = tpu.memref_squeeze %dma_wait3A_129 : memref<1x10000x128xf32, #tpu.memory_space<hbm>> -> memref<10000x128xf32, #tpu.memory_space<hbm>>
    %dma_wait3A_131 = arith.constant 0 : i32
    %dma_wait3A_132 = arith.constant 0 : i32
    %dma_wait3A_133 = tpu.memref_slice %dma_wait3A_130[%dma_wait3A_131, %dma_wait3A_132] : memref<10000x128xf32, #tpu.memory_space<hbm>> -> memref<128x128xf32, #tpu.memory_space<hbm>>
    tpu.wait_dma2 semaphore(%arg11 : memref<!tpu.dma_semaphore, #tpu.memory_space<semaphore_mem>>) src(%dma_wait3A_133 : memref<128x128xf32, #tpu.memory_space<hbm>>) dst(%dma_wait3A_126 : memref<128x128xf32, #tpu.memory_space<vmem>>)
    %run_scoped3A_134 = arith.constant 1 : i32
    %run_scoped3A_135 = arith.constant 1 : i32
    "tpu.region"() ({
      %run_scoped3A_297 = tpu.sem_alloc : memref<!tpu.dma_semaphore, #tpu.memory_space<semaphore_mem>>
      %dma_start3A_298 = arith.constant 0 : i32
      %dma_start3A_299 = arith.constant 0 : i32
      %dma_start3A_300 = tpu.memref_slice %arg8[%run_scoped3A_134, %dma_start3A_298, %dma_start3A_299] : memref<2x128x128xf32, #tpu.memory_space<vmem>> -> memref<1x128x128xf32, #tpu.memory_space<vmem>>
      %dma_start3A_301 = tpu.memref_squeeze %dma_start3A_300 : memref<1x128x128xf32, #tpu.memory_space<vmem>> -> memref<128x128xf32, #tpu.memory_space<vmem>>
      %dma_start3A_302 = arith.constant 0 : i32
      %dma_start3A_303 = tpu.memref_slice %arg7[%run_scoped3A_135, %dma_start3A_302] : memref<2x128xi32, #tpu.memory_space<vmem>> -> memref<1x128xi32, #tpu.memory_space<vmem>>
      %dma_start3A_304 = tpu.memref_squeeze %dma_start3A_303 : memref<1x128xi32, #tpu.memory_space<vmem>> -> memref<128xi32, #tpu.memory_space<vmem>>
      %dma_start3A_305 = arith.constant 0 : i32
      %dma_start3A_306 = arith.constant 0 : i32
      %dma_start3A_307 = tpu.memref_slice %arg10[%dma_start3A_305, %dma_start3A_306] : memref<5248x128xf32, #tpu.memory_space<vmem_shared>> -> memref<5248x128xf32, #tpu.memory_space<vmem_shared>>
      tpu.enqueue_indirect_dma source(%dma_start3A_301 : memref<128x128xf32, #tpu.memory_space<vmem>>) target(%dma_start3A_307 : memref<5248x128xf32, #tpu.memory_space<vmem_shared>>) offsets(%dma_start3A_304 : memref<128xi32, #tpu.memory_space<vmem>>) semaphore(%run_scoped3A_297 : memref<!tpu.dma_semaphore, #tpu.memory_space<semaphore_mem>>) {add = true}
      %dma_wait3A_308 = arith.constant 0 : i32
      %dma_wait3A_309 = arith.constant 0 : i32
      %dma_wait3A_310 = tpu.memref_slice %arg8[%run_scoped3A_134, %dma_wait3A_308, %dma_wait3A_309] : memref<2x128x128xf32, #tpu.memory_space<vmem>> -> memref<1x128x128xf32, #tpu.memory_space<vmem>>
      %dma_wait3A_311 = tpu.memref_squeeze %dma_wait3A_310 : memref<1x128x128xf32, #tpu.memory_space<vmem>> -> memref<128x128xf32, #tpu.memory_space<vmem>>
      %dma_wait3A_312 = arith.constant 0 : i32
      %dma_wait3A_313 = tpu.memref_slice %arg7[%run_scoped3A_135, %dma_wait3A_312] : memref<2x128xi32, #tpu.memory_space<vmem>> -> memref<1x128xi32, #tpu.memory_space<vmem>>
      %dma_wait3A_314 = tpu.memref_squeeze %dma_wait3A_313 : memref<1x128xi32, #tpu.memory_space<vmem>> -> memref<128xi32, #tpu.memory_space<vmem>>
      %dma_wait3A_315 = arith.constant 0 : i32
      %dma_wait3A_316 = arith.constant 0 : i32
      %dma_wait3A_317 = tpu.memref_slice %arg10[%dma_wait3A_315, %dma_wait3A_316] : memref<5248x128xf32, #tpu.memory_space<vmem_shared>> -> memref<5248x128xf32, #tpu.memory_space<vmem_shared>>
      tpu.wait_indirect_dma semaphore(%run_scoped3A_297 : memref<!tpu.dma_semaphore, #tpu.memory_space<semaphore_mem>>) src(%dma_wait3A_311 : memref<128x128xf32, #tpu.memory_space<vmem>>) dst(%dma_wait3A_317 : memref<5248x128xf32, #tpu.memory_space<vmem_shared>>)
      tpu.yield
    }) : () -> ()
    %mul3A_136 = arith.constant 2 : i32
    %mul3A_137 = arith.muli %mul3A_136, %arg1 : i32
    %lt3A = arith.constant 31 : i32
    %lt3A_138 = arith.cmpi slt, %mul3A_137, %lt3A : i32
    %convert_element_type3A = arith.extui %lt3A_138 : i1 to i32
    %cond3A = arith.constant 0 : i32
    %cond3A_139 = arith.cmpi ne, %convert_element_type3A, %cond3A : i32
    scf.if %cond3A_139 {
      %mul3A_297 = arith.constant 328 : i32
      %mul3A_298 = arith.muli %arg1, %mul3A_297 : i32
      %mul3A_299 = arith.constant 320 : i32
      %mul3A_300 = arith.muli %mul3A_137, %mul3A_299 : i32
      "tpu.region"() ({
        %run_scoped3A_301 = tpu.sem_alloc : memref<!tpu.dma_semaphore, #tpu.memory_space<semaphore_mem>>
        %dma_start3A_302 = arith.constant 0 : i32
        %dma_start3A_303 = tpu.memref_slice %arg5[%arg0, %mul3A_300, %dma_start3A_302] : memref<2x10000x128xf32, #tpu.memory_space<hbm>> -> memref<1x320x128xf32, #tpu.memory_space<hbm>>
        %dma_start3A_304 = tpu.memref_squeeze %dma_start3A_303 : memref<1x320x128xf32, #tpu.memory_space<hbm>> -> memref<320x128xf32, #tpu.memory_space<hbm>>
        %dma_start3A_305 = arith.constant 0 : i32
        %dma_start3A_306 = tpu.memref_slice %arg10[%mul3A_298, %dma_start3A_305] : memref<5248x128xf32, #tpu.memory_space<vmem_shared>> -> memref<320x128xf32, #tpu.memory_space<vmem_shared>>
        tpu.enqueue_dma source(%dma_start3A_306 : memref<320x128xf32, #tpu.memory_space<vmem_shared>>) target(%dma_start3A_304 : memref<320x128xf32, #tpu.memory_space<hbm>>) target_semaphore(%run_scoped3A_301 : memref<!tpu.dma_semaphore, #tpu.memory_space<semaphore_mem>>)
        %dma_wait3A_307 = arith.constant 0 : i32
        %dma_wait3A_308 = tpu.memref_slice %arg5[%arg0, %mul3A_300, %dma_wait3A_307] : memref<2x10000x128xf32, #tpu.memory_space<hbm>> -> memref<1x320x128xf32, #tpu.memory_space<hbm>>
        %dma_wait3A_309 = tpu.memref_squeeze %dma_wait3A_308 : memref<1x320x128xf32, #tpu.memory_space<hbm>> -> memref<320x128xf32, #tpu.memory_space<hbm>>
        %dma_wait3A_310 = arith.constant 0 : i32
        %dma_wait3A_311 = tpu.memref_slice %arg10[%mul3A_298, %dma_wait3A_310] : memref<5248x128xf32, #tpu.memory_space<vmem_shared>> -> memref<320x128xf32, #tpu.memory_space<vmem_shared>>
        tpu.wait_dma2 semaphore(%run_scoped3A_301 : memref<!tpu.dma_semaphore, #tpu.memory_space<semaphore_mem>>) src(%dma_wait3A_311 : memref<320x128xf32, #tpu.memory_space<vmem_shared>>) dst(%dma_wait3A_309 : memref<320x128xf32, #tpu.memory_space<hbm>>)
        tpu.yield
      }) : () -> ()
    } else {
    }
    %eq3A = arith.constant 31 : i32
    %eq3A_140 = arith.cmpi eq, %mul3A_137, %eq3A : i32
    %convert_element_type3A_141 = arith.extui %eq3A_140 : i1 to i32
    %cond3A_142 = arith.constant 0 : i32
    %cond3A_143 = arith.cmpi ne, %convert_element_type3A_141, %cond3A_142 : i32
    scf.if %cond3A_143 {
      %mul3A_297 = arith.constant 328 : i32
      %mul3A_298 = arith.muli %arg1, %mul3A_297 : i32
      %mul3A_299 = arith.constant 320 : i32
      %mul3A_300 = arith.muli %mul3A_137, %mul3A_299 : i32
      "tpu.region"() ({
        %run_scoped3A_301 = tpu.sem_alloc : memref<!tpu.dma_semaphore, #tpu.memory_space<semaphore_mem>>
        %dma_start3A_302 = arith.constant 0 : i32
        %dma_start3A_303 = tpu.memref_slice %arg5[%arg0, %mul3A_300, %dma_start3A_302] : memref<2x10000x128xf32, #tpu.memory_space<hbm>> -> memref<1x80x128xf32, #tpu.memory_space<hbm>>
        %dma_start3A_304 = tpu.memref_squeeze %dma_start3A_303 : memref<1x80x128xf32, #tpu.memory_space<hbm>> -> memref<80x128xf32, #tpu.memory_space<hbm>>
        %dma_start3A_305 = arith.constant 0 : i32
        %dma_start3A_306 = tpu.memref_slice %arg10[%mul3A_298, %dma_start3A_305] : memref<5248x128xf32, #tpu.memory_space<vmem_shared>> -> memref<80x128xf32, #tpu.memory_space<vmem_shared>>
        tpu.enqueue_dma source(%dma_start3A_306 : memref<80x128xf32, #tpu.memory_space<vmem_shared>>) target(%dma_start3A_304 : memref<80x128xf32, #tpu.memory_space<hbm>>) target_semaphore(%run_scoped3A_301 : memref<!tpu.dma_semaphore, #tpu.memory_space<semaphore_mem>>)
        %dma_wait3A_307 = arith.constant 0 : i32
        %dma_wait3A_308 = tpu.memref_slice %arg5[%arg0, %mul3A_300, %dma_wait3A_307] : memref<2x10000x128xf32, #tpu.memory_space<hbm>> -> memref<1x80x128xf32, #tpu.memory_space<hbm>>
        %dma_wait3A_309 = tpu.memref_squeeze %dma_wait3A_308 : memref<1x80x128xf32, #tpu.memory_space<hbm>> -> memref<80x128xf32, #tpu.memory_space<hbm>>
        %dma_wait3A_310 = arith.constant 0 : i32
        %dma_wait3A_311 = tpu.memref_slice %arg10[%mul3A_298, %dma_wait3A_310] : memref<5248x128xf32, #tpu.memory_space<vmem_shared>> -> memref<80x128xf32, #tpu.memory_space<vmem_shared>>
        tpu.wait_dma2 semaphore(%run_scoped3A_301 : memref<!tpu.dma_semaphore, #tpu.memory_space<semaphore_mem>>) src(%dma_wait3A_311 : memref<80x128xf32, #tpu.memory_space<vmem_shared>>) dst(%dma_wait3A_309 : memref<80x128xf32, #tpu.memory_space<hbm>>)
        tpu.yield
      }) : () -> ()
    } else {
    }
    %mul3A_144 = arith.constant 2 : i32
    %mul3A_145 = arith.muli %mul3A_144, %arg1 : i32
    %add3A_146 = arith.constant 1 : i32
    %add3A_147 = arith.addi %mul3A_145, %add3A_146 : i32
    %mul3A_148 = arith.constant 328 : i32
    %mul3A_149 = arith.muli %arg1, %mul3A_148 : i32
    "tpu.region"() ({
      %run_scoped3A_297 = tpu.sem_alloc : memref<!tpu.dma_semaphore, #tpu.memory_space<semaphore_mem>>
      %dma_start3A_298 = arith.constant 0 : i32
      %dma_start3A_299 = tpu.memref_slice %arg10[%mul3A_149, %dma_start3A_298] : memref<5248x128xf32, #tpu.memory_space<vmem_shared>> -> memref<328x128xf32, #tpu.memory_space<vmem_shared>>
      %dma_start3A_300 = arith.constant 0 : i32
      %dma_start3A_301 = tpu.memref_slice %arg10[%mul3A_149, %dma_start3A_300] : memref<5248x128xf32, #tpu.memory_space<vmem_shared>> -> memref<328x128xf32, #tpu.memory_space<vmem_shared>>
      tpu.enqueue_dma source(%arg9 : memref<328x128xf32, #tpu.memory_space<vmem>>) target(%dma_start3A_301 : memref<328x128xf32, #tpu.memory_space<vmem_shared>>) target_semaphore(%run_scoped3A_297 : memref<!tpu.dma_semaphore, #tpu.memory_space<semaphore_mem>>)
      %dma_wait3A_302 = arith.constant 0 : i32
      %dma_wait3A_303 = tpu.memref_slice %arg10[%mul3A_149, %dma_wait3A_302] : memref<5248x128xf32, #tpu.memory_space<vmem_shared>> -> memref<328x128xf32, #tpu.memory_space<vmem_shared>>
      %dma_wait3A_304 = arith.constant 0 : i32
      %dma_wait3A_305 = tpu.memref_slice %arg10[%mul3A_149, %dma_wait3A_304] : memref<5248x128xf32, #tpu.memory_space<vmem_shared>> -> memref<328x128xf32, #tpu.memory_space<vmem_shared>>
      tpu.wait_dma2 semaphore(%run_scoped3A_297 : memref<!tpu.dma_semaphore, #tpu.memory_space<semaphore_mem>>) src(%arg9 : memref<328x128xf32, #tpu.memory_space<vmem>>) dst(%dma_wait3A_305 : memref<328x128xf32, #tpu.memory_space<vmem_shared>>)
      tpu.yield
    }) : () -> ()
    %mul3A_150 = arith.constant 12032 : i32
    %mul3A_151 = arith.muli %add3A_147, %mul3A_150 : i32
    "tpu.region"() ({
      %run_scoped3A_297 = tpu.sem_alloc : memref<!tpu.dma_semaphore, #tpu.memory_space<semaphore_mem>>
      %dma_start3A_298 = tpu.memref_slice %arg3[%mul3A_151] : memref<385024xi32, #tpu.memory_space<hbm>> -> memref<12032xi32, #tpu.memory_space<hbm>>
      %dma_start3A_299 = tpu.memref_slice %arg3[%mul3A_151] : memref<385024xi32, #tpu.memory_space<hbm>> -> memref<12032xi32, #tpu.memory_space<hbm>>
      tpu.enqueue_dma source(%dma_start3A_299 : memref<12032xi32, #tpu.memory_space<hbm>>) target(%arg6 : memref<12032xi32, #tpu.memory_space<vmem>>) target_semaphore(%run_scoped3A_297 : memref<!tpu.dma_semaphore, #tpu.memory_space<semaphore_mem>>)
      %dma_wait3A_300 = tpu.memref_slice %arg3[%mul3A_151] : memref<385024xi32, #tpu.memory_space<hbm>> -> memref<12032xi32, #tpu.memory_space<hbm>>
      %dma_wait3A_301 = tpu.memref_slice %arg3[%mul3A_151] : memref<385024xi32, #tpu.memory_space<hbm>> -> memref<12032xi32, #tpu.memory_space<hbm>>
      tpu.wait_dma2 semaphore(%run_scoped3A_297 : memref<!tpu.dma_semaphore, #tpu.memory_space<semaphore_mem>>) src(%dma_wait3A_301 : memref<12032xi32, #tpu.memory_space<hbm>>) dst(%arg6 : memref<12032xi32, #tpu.memory_space<vmem>>)
      tpu.yield
    }) : () -> ()
    %mul3A_152 = arith.constant 12032 : i32
    %mul3A_153 = arith.muli %add3A_147, %mul3A_152 : i32
    %add3A_154 = arith.constant 0 : i32
    %add3A_155 = arith.addi %mul3A_153, %add3A_154 : i32
    %dma_start3A_156 = arith.constant 0 : i32
    %dma_start3A_157 = arith.constant 0 : i32
    %dma_start3A_158 = tpu.memref_slice %arg7[%dma_start3A_156, %dma_start3A_157] : memref<2x128xi32, #tpu.memory_space<vmem>> -> memref<1x128xi32, #tpu.memory_space<vmem>>
    %dma_start3A_159 = tpu.memref_squeeze %dma_start3A_158 : memref<1x128xi32, #tpu.memory_space<vmem>> -> memref<128xi32, #tpu.memory_space<vmem>>
    %dma_start3A_160 = tpu.memref_slice %arg4[%add3A_155] : memref<385024xi32, #tpu.memory_space<hbm>> -> memref<128xi32, #tpu.memory_space<hbm>>
    %dma_start3A_161 = arith.constant 0 : i32
    %dma_start3A_162 = tpu.memref_slice %arg7[%dma_start3A_156, %dma_start3A_161] : memref<2x128xi32, #tpu.memory_space<vmem>> -> memref<1x128xi32, #tpu.memory_space<vmem>>
    %dma_start3A_163 = tpu.memref_squeeze %dma_start3A_162 : memref<1x128xi32, #tpu.memory_space<vmem>> -> memref<128xi32, #tpu.memory_space<vmem>>
    %dma_start3A_164 = tpu.memref_slice %arg4[%add3A_155] : memref<385024xi32, #tpu.memory_space<hbm>> -> memref<128xi32, #tpu.memory_space<hbm>>
    tpu.enqueue_dma source(%dma_start3A_164 : memref<128xi32, #tpu.memory_space<hbm>>) target(%dma_start3A_163 : memref<128xi32, #tpu.memory_space<vmem>>) target_semaphore(%arg12 : memref<!tpu.dma_semaphore, #tpu.memory_space<semaphore_mem>>)
    %dma_start3A_165 = arith.constant 0 : i32
    %dma_start3A_166 = arith.constant 0 : i32
    %dma_start3A_167 = arith.constant 0 : i32
    %dma_start3A_168 = tpu.memref_slice %arg8[%dma_start3A_165, %dma_start3A_166, %dma_start3A_167] : memref<2x128x128xf32, #tpu.memory_space<vmem>> -> memref<1x128x128xf32, #tpu.memory_space<vmem>>
    %dma_start3A_169 = tpu.memref_squeeze %dma_start3A_168 : memref<1x128x128xf32, #tpu.memory_space<vmem>> -> memref<128x128xf32, #tpu.memory_space<vmem>>
    %dma_start3A_170 = arith.constant 0 : i32
    %dma_start3A_171 = tpu.memref_slice %arg6[%dma_start3A_170] : memref<12032xi32, #tpu.memory_space<vmem>> -> memref<128xi32, #tpu.memory_space<vmem>>
    %dma_start3A_172 = arith.constant 0 : i32
    %dma_start3A_173 = arith.constant 0 : i32
    %dma_start3A_174 = tpu.memref_slice %arg2[%arg0, %dma_start3A_172, %dma_start3A_173] : memref<2x10000x128xf32, #tpu.memory_space<hbm>> -> memref<1x10000x128xf32, #tpu.memory_space<hbm>>
    %dma_start3A_175 = tpu.memref_squeeze %dma_start3A_174 : memref<1x10000x128xf32, #tpu.memory_space<hbm>> -> memref<10000x128xf32, #tpu.memory_space<hbm>>
    %dma_start3A_176 = arith.constant 0 : i32
    %dma_start3A_177 = arith.constant 0 : i32
    %dma_start3A_178 = tpu.memref_slice %dma_start3A_175[%dma_start3A_176, %dma_start3A_177] : memref<10000x128xf32, #tpu.memory_space<hbm>> -> memref<10000x128xf32, #tpu.memory_space<hbm>>
    tpu.enqueue_indirect_dma source(%dma_start3A_178 : memref<10000x128xf32, #tpu.memory_space<hbm>>) target(%dma_start3A_169 : memref<128x128xf32, #tpu.memory_space<vmem>>) offsets(%dma_start3A_171 : memref<128xi32, #tpu.memory_space<vmem>>) semaphore(%arg11 : memref<!tpu.dma_semaphore, #tpu.memory_space<semaphore_mem>>)
    %scan3A_179 = arith.constant 0 : i32
    %scan3A_180 = arith.constant 46 : i32
    %scan3A_181 = arith.addi %scan3A_179, %scan3A_180 : i32
    %scan3A_182 = arith.constant 1 : i32
    scf.for %scan3A_297 = %scan3A_179 to %scan3A_181 step %scan3A_182  : i32 {
      %mul3A_298 = arith.constant 2 : i32
      %mul3A_299 = arith.muli %scan3A_297, %mul3A_298 : i32
      %add3A_300 = arith.constant 0 : i32
      %add3A_301 = arith.addi %add3A_300, %mul3A_299 : i32
      %add3A_302 = arith.constant 1 : i32
      %add3A_303 = arith.addi %add3A_301, %add3A_302 : i32
      %mul3A_304 = arith.constant 12032 : i32
      %mul3A_305 = arith.muli %add3A_147, %mul3A_304 : i32
      %mul3A_306 = arith.constant 128 : i32
      %mul3A_307 = arith.muli %add3A_303, %mul3A_306 : i32
      %add3A_308 = arith.addi %mul3A_305, %mul3A_307 : i32
      %dma_start3A_309 = arith.constant 1 : i32
      %dma_start3A_310 = arith.constant 0 : i32
      %dma_start3A_311 = tpu.memref_slice %arg7[%dma_start3A_309, %dma_start3A_310] : memref<2x128xi32, #tpu.memory_space<vmem>> -> memref<1x128xi32, #tpu.memory_space<vmem>>
      %dma_start3A_312 = tpu.memref_squeeze %dma_start3A_311 : memref<1x128xi32, #tpu.memory_space<vmem>> -> memref<128xi32, #tpu.memory_space<vmem>>
      %dma_start3A_313 = tpu.memref_slice %arg4[%add3A_308] : memref<385024xi32, #tpu.memory_space<hbm>> -> memref<128xi32, #tpu.memory_space<hbm>>
      %dma_start3A_314 = arith.constant 0 : i32
      %dma_start3A_315 = tpu.memref_slice %arg7[%dma_start3A_309, %dma_start3A_314] : memref<2x128xi32, #tpu.memory_space<vmem>> -> memref<1x128xi32, #tpu.memory_space<vmem>>
      %dma_start3A_316 = tpu.memref_squeeze %dma_start3A_315 : memref<1x128xi32, #tpu.memory_space<vmem>> -> memref<128xi32, #tpu.memory_space<vmem>>
      %dma_start3A_317 = tpu.memref_slice %arg4[%add3A_308] : memref<385024xi32, #tpu.memory_space<hbm>> -> memref<128xi32, #tpu.memory_space<hbm>>
      tpu.enqueue_dma source(%dma_start3A_317 : memref<128xi32, #tpu.memory_space<hbm>>) target(%dma_start3A_316 : memref<128xi32, #tpu.memory_space<vmem>>) target_semaphore(%arg12 : memref<!tpu.dma_semaphore, #tpu.memory_space<semaphore_mem>>)
      %mul3A_318 = arith.constant 128 : i32
      %mul3A_319 = arith.muli %add3A_303, %mul3A_318 : i32
      %dma_start3A_320 = arith.constant 1 : i32
      %dma_start3A_321 = arith.constant 0 : i32
      %dma_start3A_322 = arith.constant 0 : i32
      %dma_start3A_323 = tpu.memref_slice %arg8[%dma_start3A_320, %dma_start3A_321, %dma_start3A_322] : memref<2x128x128xf32, #tpu.memory_space<vmem>> -> memref<1x128x128xf32, #tpu.memory_space<vmem>>
      %dma_start3A_324 = tpu.memref_squeeze %dma_start3A_323 : memref<1x128x128xf32, #tpu.memory_space<vmem>> -> memref<128x128xf32, #tpu.memory_space<vmem>>
      %dma_start3A_325 = tpu.memref_slice %arg6[%mul3A_319] : memref<12032xi32, #tpu.memory_space<vmem>> -> memref<128xi32, #tpu.memory_space<vmem>>
      %dma_start3A_326 = arith.constant 0 : i32
      %dma_start3A_327 = arith.constant 0 : i32
      %dma_start3A_328 = tpu.memref_slice %arg2[%arg0, %dma_start3A_326, %dma_start3A_327] : memref<2x10000x128xf32, #tpu.memory_space<hbm>> -> memref<1x10000x128xf32, #tpu.memory_space<hbm>>
      %dma_start3A_329 = tpu.memref_squeeze %dma_start3A_328 : memref<1x10000x128xf32, #tpu.memory_space<hbm>> -> memref<10000x128xf32, #tpu.memory_space<hbm>>
      %dma_start3A_330 = arith.constant 0 : i32
      %dma_start3A_331 = arith.constant 0 : i32
      %dma_start3A_332 = tpu.memref_slice %dma_start3A_329[%dma_start3A_330, %dma_start3A_331] : memref<10000x128xf32, #tpu.memory_space<hbm>> -> memref<10000x128xf32, #tpu.memory_space<hbm>>
      tpu.enqueue_indirect_dma source(%dma_start3A_332 : memref<10000x128xf32, #tpu.memory_space<hbm>>) target(%dma_start3A_324 : memref<128x128xf32, #tpu.memory_space<vmem>>) offsets(%dma_start3A_325 : memref<128xi32, #tpu.memory_space<vmem>>) semaphore(%arg11 : memref<!tpu.dma_semaphore, #tpu.memory_space<semaphore_mem>>)
      %dma_wait3A_333 = arith.constant 0 : i32
      %dma_wait3A_334 = arith.constant 0 : i32
      %dma_wait3A_335 = tpu.memref_slice %arg7[%dma_wait3A_333, %dma_wait3A_334] : memref<2x128xi32, #tpu.memory_space<vmem>> -> memref<1x128xi32, #tpu.memory_space<vmem>>
      %dma_wait3A_336 = tpu.memref_squeeze %dma_wait3A_335 : memref<1x128xi32, #tpu.memory_space<vmem>> -> memref<128xi32, #tpu.memory_space<vmem>>
      %dma_wait3A_337 = arith.constant 0 : i32
      %dma_wait3A_338 = tpu.memref_slice %arg4[%dma_wait3A_337] : memref<385024xi32, #tpu.memory_space<hbm>> -> memref<128xi32, #tpu.memory_space<hbm>>
      %dma_wait3A_339 = arith.constant 0 : i32
      %dma_wait3A_340 = tpu.memref_slice %arg7[%dma_wait3A_333, %dma_wait3A_339] : memref<2x128xi32, #tpu.memory_space<vmem>> -> memref<1x128xi32, #tpu.memory_space<vmem>>
      %dma_wait3A_341 = tpu.memref_squeeze %dma_wait3A_340 : memref<1x128xi32, #tpu.memory_space<vmem>> -> memref<128xi32, #tpu.memory_space<vmem>>
      %dma_wait3A_342 = arith.constant 0 : i32
      %dma_wait3A_343 = tpu.memref_slice %arg4[%dma_wait3A_342] : memref<385024xi32, #tpu.memory_space<hbm>> -> memref<128xi32, #tpu.memory_space<hbm>>
      tpu.wait_dma2 semaphore(%arg12 : memref<!tpu.dma_semaphore, #tpu.memory_space<semaphore_mem>>) src(%dma_wait3A_343 : memref<128xi32, #tpu.memory_space<hbm>>) dst(%dma_wait3A_341 : memref<128xi32, #tpu.memory_space<vmem>>)
      %dma_wait3A_344 = arith.constant 0 : i32
      %dma_wait3A_345 = arith.constant 0 : i32
      %dma_wait3A_346 = arith.constant 0 : i32
      %dma_wait3A_347 = tpu.memref_slice %arg8[%dma_wait3A_344, %dma_wait3A_345, %dma_wait3A_346] : memref<2x128x128xf32, #tpu.memory_space<vmem>> -> memref<1x128x128xf32, #tpu.memory_space<vmem>>
      %dma_wait3A_348 = tpu.memref_squeeze %dma_wait3A_347 : memref<1x128x128xf32, #tpu.memory_space<vmem>> -> memref<128x128xf32, #tpu.memory_space<vmem>>
      %dma_wait3A_349 = arith.constant 0 : i32
      %dma_wait3A_350 = arith.constant 0 : i32
      %dma_wait3A_351 = tpu.memref_slice %arg2[%arg0, %dma_wait3A_349, %dma_wait3A_350] : memref<2x10000x128xf32, #tpu.memory_space<hbm>> -> memref<1x10000x128xf32, #tpu.memory_space<hbm>>
      %dma_wait3A_352 = tpu.memref_squeeze %dma_wait3A_351 : memref<1x10000x128xf32, #tpu.memory_space<hbm>> -> memref<10000x128xf32, #tpu.memory_space<hbm>>
      %dma_wait3A_353 = arith.constant 0 : i32
      %dma_wait3A_354 = arith.constant 0 : i32
      %dma_wait3A_355 = tpu.memref_slice %dma_wait3A_352[%dma_wait3A_353, %dma_wait3A_354] : memref<10000x128xf32, #tpu.memory_space<hbm>> -> memref<128x128xf32, #tpu.memory_space<hbm>>
      %dma_wait3A_356 = arith.constant 0 : i32
      %dma_wait3A_357 = arith.constant 0 : i32
      %dma_wait3A_358 = tpu.memref_slice %arg8[%dma_wait3A_344, %dma_wait3A_356, %dma_wait3A_357] : memref<2x128x128xf32, #tpu.memory_space<vmem>> -> memref<1x128x128xf32, #tpu.memory_space<vmem>>
      %dma_wait3A_359 = tpu.memref_squeeze %dma_wait3A_358 : memref<1x128x128xf32, #tpu.memory_space<vmem>> -> memref<128x128xf32, #tpu.memory_space<vmem>>
      %dma_wait3A_360 = arith.constant 0 : i32
      %dma_wait3A_361 = arith.constant 0 : i32
      %dma_wait3A_362 = tpu.memref_slice %arg2[%arg0, %dma_wait3A_360, %dma_wait3A_361] : memref<2x10000x128xf32, #tpu.memory_space<hbm>> -> memref<1x10000x128xf32, #tpu.memory_space<hbm>>
      %dma_wait3A_363 = tpu.memref_squeeze %dma_wait3A_362 : memref<1x10000x128xf32, #tpu.memory_space<hbm>> -> memref<10000x128xf32, #tpu.memory_space<hbm>>
      %dma_wait3A_364 = arith.constant 0 : i32
      %dma_wait3A_365 = arith.constant 0 : i32
      %dma_wait3A_366 = tpu.memref_slice %dma_wait3A_363[%dma_wait3A_364, %dma_wait3A_365] : memref<10000x128xf32, #tpu.memory_space<hbm>> -> memref<128x128xf32, #tpu.memory_space<hbm>>
      tpu.wait_dma2 semaphore(%arg11 : memref<!tpu.dma_semaphore, #tpu.memory_space<semaphore_mem>>) src(%dma_wait3A_366 : memref<128x128xf32, #tpu.memory_space<hbm>>) dst(%dma_wait3A_359 : memref<128x128xf32, #tpu.memory_space<vmem>>)
      %run_scoped3A_367 = arith.constant 0 : i32
      %run_scoped3A_368 = arith.constant 0 : i32
      "tpu.region"() ({
        %run_scoped3A_436 = tpu.sem_alloc : memref<!tpu.dma_semaphore, #tpu.memory_space<semaphore_mem>>
        %dma_start3A_437 = arith.constant 0 : i32
        %dma_start3A_438 = arith.constant 0 : i32
        %dma_start3A_439 = tpu.memref_slice %arg8[%run_scoped3A_367, %dma_start3A_437, %dma_start3A_438] : memref<2x128x128xf32, #tpu.memory_space<vmem>> -> memref<1x128x128xf32, #tpu.memory_space<vmem>>
        %dma_start3A_440 = tpu.memref_squeeze %dma_start3A_439 : memref<1x128x128xf32, #tpu.memory_space<vmem>> -> memref<128x128xf32, #tpu.memory_space<vmem>>
        %dma_start3A_441 = arith.constant 0 : i32
        %dma_start3A_442 = tpu.memref_slice %arg7[%run_scoped3A_368, %dma_start3A_441] : memref<2x128xi32, #tpu.memory_space<vmem>> -> memref<1x128xi32, #tpu.memory_space<vmem>>
        %dma_start3A_443 = tpu.memref_squeeze %dma_start3A_442 : memref<1x128xi32, #tpu.memory_space<vmem>> -> memref<128xi32, #tpu.memory_space<vmem>>
        %dma_start3A_444 = arith.constant 0 : i32
        %dma_start3A_445 = arith.constant 0 : i32
        %dma_start3A_446 = tpu.memref_slice %arg10[%dma_start3A_444, %dma_start3A_445] : memref<5248x128xf32, #tpu.memory_space<vmem_shared>> -> memref<5248x128xf32, #tpu.memory_space<vmem_shared>>
        tpu.enqueue_indirect_dma source(%dma_start3A_440 : memref<128x128xf32, #tpu.memory_space<vmem>>) target(%dma_start3A_446 : memref<5248x128xf32, #tpu.memory_space<vmem_shared>>) offsets(%dma_start3A_443 : memref<128xi32, #tpu.memory_space<vmem>>) semaphore(%run_scoped3A_436 : memref<!tpu.dma_semaphore, #tpu.memory_space<semaphore_mem>>) {add = true}
        %dma_wait3A_447 = arith.constant 0 : i32
        %dma_wait3A_448 = arith.constant 0 : i32
        %dma_wait3A_449 = tpu.memref_slice %arg8[%run_scoped3A_367, %dma_wait3A_447, %dma_wait3A_448] : memref<2x128x128xf32, #tpu.memory_space<vmem>> -> memref<1x128x128xf32, #tpu.memory_space<vmem>>
        %dma_wait3A_450 = tpu.memref_squeeze %dma_wait3A_449 : memref<1x128x128xf32, #tpu.memory_space<vmem>> -> memref<128x128xf32, #tpu.memory_space<vmem>>
        %dma_wait3A_451 = arith.constant 0 : i32
        %dma_wait3A_452 = tpu.memref_slice %arg7[%run_scoped3A_368, %dma_wait3A_451] : memref<2x128xi32, #tpu.memory_space<vmem>> -> memref<1x128xi32, #tpu.memory_space<vmem>>
        %dma_wait3A_453 = tpu.memref_squeeze %dma_wait3A_452 : memref<1x128xi32, #tpu.memory_space<vmem>> -> memref<128xi32, #tpu.memory_space<vmem>>
        %dma_wait3A_454 = arith.constant 0 : i32
        %dma_wait3A_455 = arith.constant 0 : i32
        %dma_wait3A_456 = tpu.memref_slice %arg10[%dma_wait3A_454, %dma_wait3A_455] : memref<5248x128xf32, #tpu.memory_space<vmem_shared>> -> memref<5248x128xf32, #tpu.memory_space<vmem_shared>>
        tpu.wait_indirect_dma semaphore(%run_scoped3A_436 : memref<!tpu.dma_semaphore, #tpu.memory_space<semaphore_mem>>) src(%dma_wait3A_450 : memref<128x128xf32, #tpu.memory_space<vmem>>) dst(%dma_wait3A_456 : memref<5248x128xf32, #tpu.memory_space<vmem_shared>>)
        tpu.yield
      }) : () -> ()
      %add3A_369 = arith.constant 2 : i32
      %add3A_370 = arith.addi %add3A_301, %add3A_369 : i32
      %mul3A_371 = arith.constant 12032 : i32
      %mul3A_372 = arith.muli %add3A_147, %mul3A_371 : i32
      %mul3A_373 = arith.constant 128 : i32
      %mul3A_374 = arith.muli %add3A_370, %mul3A_373 : i32
      %add3A_375 = arith.addi %mul3A_372, %mul3A_374 : i32
      %dma_start3A_376 = arith.constant 0 : i32
      %dma_start3A_377 = arith.constant 0 : i32
      %dma_start3A_378 = tpu.memref_slice %arg7[%dma_start3A_376, %dma_start3A_377] : memref<2x128xi32, #tpu.memory_space<vmem>> -> memref<1x128xi32, #tpu.memory_space<vmem>>
      %dma_start3A_379 = tpu.memref_squeeze %dma_start3A_378 : memref<1x128xi32, #tpu.memory_space<vmem>> -> memref<128xi32, #tpu.memory_space<vmem>>
      %dma_start3A_380 = tpu.memref_slice %arg4[%add3A_375] : memref<385024xi32, #tpu.memory_space<hbm>> -> memref<128xi32, #tpu.memory_space<hbm>>
      %dma_start3A_381 = arith.constant 0 : i32
      %dma_start3A_382 = tpu.memref_slice %arg7[%dma_start3A_376, %dma_start3A_381] : memref<2x128xi32, #tpu.memory_space<vmem>> -> memref<1x128xi32, #tpu.memory_space<vmem>>
      %dma_start3A_383 = tpu.memref_squeeze %dma_start3A_382 : memref<1x128xi32, #tpu.memory_space<vmem>> -> memref<128xi32, #tpu.memory_space<vmem>>
      %dma_start3A_384 = tpu.memref_slice %arg4[%add3A_375] : memref<385024xi32, #tpu.memory_space<hbm>> -> memref<128xi32, #tpu.memory_space<hbm>>
      tpu.enqueue_dma source(%dma_start3A_384 : memref<128xi32, #tpu.memory_space<hbm>>) target(%dma_start3A_383 : memref<128xi32, #tpu.memory_space<vmem>>) target_semaphore(%arg12 : memref<!tpu.dma_semaphore, #tpu.memory_space<semaphore_mem>>)
      %mul3A_385 = arith.constant 128 : i32
      %mul3A_386 = arith.muli %add3A_370, %mul3A_385 : i32
      %dma_start3A_387 = arith.constant 0 : i32
      %dma_start3A_388 = arith.constant 0 : i32
      %dma_start3A_389 = arith.constant 0 : i32
      %dma_start3A_390 = tpu.memref_slice %arg8[%dma_start3A_387, %dma_start3A_388, %dma_start3A_389] : memref<2x128x128xf32, #tpu.memory_space<vmem>> -> memref<1x128x128xf32, #tpu.memory_space<vmem>>
      %dma_start3A_391 = tpu.memref_squeeze %dma_start3A_390 : memref<1x128x128xf32, #tpu.memory_space<vmem>> -> memref<128x128xf32, #tpu.memory_space<vmem>>
      %dma_start3A_392 = tpu.memref_slice %arg6[%mul3A_386] : memref<12032xi32, #tpu.memory_space<vmem>> -> memref<128xi32, #tpu.memory_space<vmem>>
      %dma_start3A_393 = arith.constant 0 : i32
      %dma_start3A_394 = arith.constant 0 : i32
      %dma_start3A_395 = tpu.memref_slice %arg2[%arg0, %dma_start3A_393, %dma_start3A_394] : memref<2x10000x128xf32, #tpu.memory_space<hbm>> -> memref<1x10000x128xf32, #tpu.memory_space<hbm>>
      %dma_start3A_396 = tpu.memref_squeeze %dma_start3A_395 : memref<1x10000x128xf32, #tpu.memory_space<hbm>> -> memref<10000x128xf32, #tpu.memory_space<hbm>>
      %dma_start3A_397 = arith.constant 0 : i32
      %dma_start3A_398 = arith.constant 0 : i32
      %dma_start3A_399 = tpu.memref_slice %dma_start3A_396[%dma_start3A_397, %dma_start3A_398] : memref<10000x128xf32, #tpu.memory_space<hbm>> -> memref<10000x128xf32, #tpu.memory_space<hbm>>
      tpu.enqueue_indirect_dma source(%dma_start3A_399 : memref<10000x128xf32, #tpu.memory_space<hbm>>) target(%dma_start3A_391 : memref<128x128xf32, #tpu.memory_space<vmem>>) offsets(%dma_start3A_392 : memref<128xi32, #tpu.memory_space<vmem>>) semaphore(%arg11 : memref<!tpu.dma_semaphore, #tpu.memory_space<semaphore_mem>>)
      %dma_wait3A_400 = arith.constant 1 : i32
      %dma_wait3A_401 = arith.constant 0 : i32
      %dma_wait3A_402 = tpu.memref_slice %arg7[%dma_wait3A_400, %dma_wait3A_401] : memref<2x128xi32, #tpu.memory_space<vmem>> -> memref<1x128xi32, #tpu.memory_space<vmem>>
      %dma_wait3A_403 = tpu.memref_squeeze %dma_wait3A_402 : memref<1x128xi32, #tpu.memory_space<vmem>> -> memref<128xi32, #tpu.memory_space<vmem>>
      %dma_wait3A_404 = arith.constant 0 : i32
      %dma_wait3A_405 = tpu.memref_slice %arg4[%dma_wait3A_404] : memref<385024xi32, #tpu.memory_space<hbm>> -> memref<128xi32, #tpu.memory_space<hbm>>
      %dma_wait3A_406 = arith.constant 0 : i32
      %dma_wait3A_407 = tpu.memref_slice %arg7[%dma_wait3A_400, %dma_wait3A_406] : memref<2x128xi32, #tpu.memory_space<vmem>> -> memref<1x128xi32, #tpu.memory_space<vmem>>
      %dma_wait3A_408 = tpu.memref_squeeze %dma_wait3A_407 : memref<1x128xi32, #tpu.memory_space<vmem>> -> memref<128xi32, #tpu.memory_space<vmem>>
      %dma_wait3A_409 = arith.constant 0 : i32
      %dma_wait3A_410 = tpu.memref_slice %arg4[%dma_wait3A_409] : memref<385024xi32, #tpu.memory_space<hbm>> -> memref<128xi32, #tpu.memory_space<hbm>>
      tpu.wait_dma2 semaphore(%arg12 : memref<!tpu.dma_semaphore, #tpu.memory_space<semaphore_mem>>) src(%dma_wait3A_410 : memref<128xi32, #tpu.memory_space<hbm>>) dst(%dma_wait3A_408 : memref<128xi32, #tpu.memory_space<vmem>>)
      %dma_wait3A_411 = arith.constant 1 : i32
      %dma_wait3A_412 = arith.constant 0 : i32
      %dma_wait3A_413 = arith.constant 0 : i32
      %dma_wait3A_414 = tpu.memref_slice %arg8[%dma_wait3A_411, %dma_wait3A_412, %dma_wait3A_413] : memref<2x128x128xf32, #tpu.memory_space<vmem>> -> memref<1x128x128xf32, #tpu.memory_space<vmem>>
      %dma_wait3A_415 = tpu.memref_squeeze %dma_wait3A_414 : memref<1x128x128xf32, #tpu.memory_space<vmem>> -> memref<128x128xf32, #tpu.memory_space<vmem>>
      %dma_wait3A_416 = arith.constant 0 : i32
      %dma_wait3A_417 = arith.constant 0 : i32
      %dma_wait3A_418 = tpu.memref_slice %arg2[%arg0, %dma_wait3A_416, %dma_wait3A_417] : memref<2x10000x128xf32, #tpu.memory_space<hbm>> -> memref<1x10000x128xf32, #tpu.memory_space<hbm>>
      %dma_wait3A_419 = tpu.memref_squeeze %dma_wait3A_418 : memref<1x10000x128xf32, #tpu.memory_space<hbm>> -> memref<10000x128xf32, #tpu.memory_space<hbm>>
      %dma_wait3A_420 = arith.constant 0 : i32
      %dma_wait3A_421 = arith.constant 0 : i32
      %dma_wait3A_422 = tpu.memref_slice %dma_wait3A_419[%dma_wait3A_420, %dma_wait3A_421] : memref<10000x128xf32, #tpu.memory_space<hbm>> -> memref<128x128xf32, #tpu.memory_space<hbm>>
      %dma_wait3A_423 = arith.constant 0 : i32
      %dma_wait3A_424 = arith.constant 0 : i32
      %dma_wait3A_425 = tpu.memref_slice %arg8[%dma_wait3A_411, %dma_wait3A_423, %dma_wait3A_424] : memref<2x128x128xf32, #tpu.memory_space<vmem>> -> memref<1x128x128xf32, #tpu.memory_space<vmem>>
      %dma_wait3A_426 = tpu.memref_squeeze %dma_wait3A_425 : memref<1x128x128xf32, #tpu.memory_space<vmem>> -> memref<128x128xf32, #tpu.memory_space<vmem>>
      %dma_wait3A_427 = arith.constant 0 : i32
      %dma_wait3A_428 = arith.constant 0 : i32
      %dma_wait3A_429 = tpu.memref_slice %arg2[%arg0, %dma_wait3A_427, %dma_wait3A_428] : memref<2x10000x128xf32, #tpu.memory_space<hbm>> -> memref<1x10000x128xf32, #tpu.memory_space<hbm>>
      %dma_wait3A_430 = tpu.memref_squeeze %dma_wait3A_429 : memref<1x10000x128xf32, #tpu.memory_space<hbm>> -> memref<10000x128xf32, #tpu.memory_space<hbm>>
      %dma_wait3A_431 = arith.constant 0 : i32
      %dma_wait3A_432 = arith.constant 0 : i32
      %dma_wait3A_433 = tpu.memref_slice %dma_wait3A_430[%dma_wait3A_431, %dma_wait3A_432] : memref<10000x128xf32, #tpu.memory_space<hbm>> -> memref<128x128xf32, #tpu.memory_space<hbm>>
      tpu.wait_dma2 semaphore(%arg11 : memref<!tpu.dma_semaphore, #tpu.memory_space<semaphore_mem>>) src(%dma_wait3A_433 : memref<128x128xf32, #tpu.memory_space<hbm>>) dst(%dma_wait3A_426 : memref<128x128xf32, #tpu.memory_space<vmem>>)
      %run_scoped3A_434 = arith.constant 1 : i32
      %run_scoped3A_435 = arith.constant 1 : i32
      "tpu.region"() ({
        %run_scoped3A_436 = tpu.sem_alloc : memref<!tpu.dma_semaphore, #tpu.memory_space<semaphore_mem>>
        %dma_start3A_437 = arith.constant 0 : i32
        %dma_start3A_438 = arith.constant 0 : i32
        %dma_start3A_439 = tpu.memref_slice %arg8[%run_scoped3A_434, %dma_start3A_437, %dma_start3A_438] : memref<2x128x128xf32, #tpu.memory_space<vmem>> -> memref<1x128x128xf32, #tpu.memory_space<vmem>>
        %dma_start3A_440 = tpu.memref_squeeze %dma_start3A_439 : memref<1x128x128xf32, #tpu.memory_space<vmem>> -> memref<128x128xf32, #tpu.memory_space<vmem>>
        %dma_start3A_441 = arith.constant 0 : i32
        %dma_start3A_442 = tpu.memref_slice %arg7[%run_scoped3A_435, %dma_start3A_441] : memref<2x128xi32, #tpu.memory_space<vmem>> -> memref<1x128xi32, #tpu.memory_space<vmem>>
        %dma_start3A_443 = tpu.memref_squeeze %dma_start3A_442 : memref<1x128xi32, #tpu.memory_space<vmem>> -> memref<128xi32, #tpu.memory_space<vmem>>
        %dma_start3A_444 = arith.constant 0 : i32
        %dma_start3A_445 = arith.constant 0 : i32
        %dma_start3A_446 = tpu.memref_slice %arg10[%dma_start3A_444, %dma_start3A_445] : memref<5248x128xf32, #tpu.memory_space<vmem_shared>> -> memref<5248x128xf32, #tpu.memory_space<vmem_shared>>
        tpu.enqueue_indirect_dma source(%dma_start3A_440 : memref<128x128xf32, #tpu.memory_space<vmem>>) target(%dma_start3A_446 : memref<5248x128xf32, #tpu.memory_space<vmem_shared>>) offsets(%dma_start3A_443 : memref<128xi32, #tpu.memory_space<vmem>>) semaphore(%run_scoped3A_436 : memref<!tpu.dma_semaphore, #tpu.memory_space<semaphore_mem>>) {add = true}
        %dma_wait3A_447 = arith.constant 0 : i32
        %dma_wait3A_448 = arith.constant 0 : i32
        %dma_wait3A_449 = tpu.memref_slice %arg8[%run_scoped3A_434, %dma_wait3A_447, %dma_wait3A_448] : memref<2x128x128xf32, #tpu.memory_space<vmem>> -> memref<1x128x128xf32, #tpu.memory_space<vmem>>
        %dma_wait3A_450 = tpu.memref_squeeze %dma_wait3A_449 : memref<1x128x128xf32, #tpu.memory_space<vmem>> -> memref<128x128xf32, #tpu.memory_space<vmem>>
        %dma_wait3A_451 = arith.constant 0 : i32
        %dma_wait3A_452 = tpu.memref_slice %arg7[%run_scoped3A_435, %dma_wait3A_451] : memref<2x128xi32, #tpu.memory_space<vmem>> -> memref<1x128xi32, #tpu.memory_space<vmem>>
        %dma_wait3A_453 = tpu.memref_squeeze %dma_wait3A_452 : memref<1x128xi32, #tpu.memory_space<vmem>> -> memref<128xi32, #tpu.memory_space<vmem>>
        %dma_wait3A_454 = arith.constant 0 : i32
        %dma_wait3A_455 = arith.constant 0 : i32
        %dma_wait3A_456 = tpu.memref_slice %arg10[%dma_wait3A_454, %dma_wait3A_455] : memref<5248x128xf32, #tpu.memory_space<vmem_shared>> -> memref<5248x128xf32, #tpu.memory_space<vmem_shared>>
        tpu.wait_indirect_dma semaphore(%run_scoped3A_436 : memref<!tpu.dma_semaphore, #tpu.memory_space<semaphore_mem>>) src(%dma_wait3A_450 : memref<128x128xf32, #tpu.memory_space<vmem>>) dst(%dma_wait3A_456 : memref<5248x128xf32, #tpu.memory_space<vmem_shared>>)
        tpu.yield
      }) : () -> ()
    }
    %scan3A_183 = arith.constant 46 : i32
    %mul3A_184 = arith.constant 12032 : i32
    %mul3A_185 = arith.muli %add3A_147, %mul3A_184 : i32
    %add3A_186 = arith.constant 11904 : i32
    %add3A_187 = arith.addi %mul3A_185, %add3A_186 : i32
    %dma_start3A_188 = arith.constant 1 : i32
    %dma_start3A_189 = arith.constant 0 : i32
    %dma_start3A_190 = tpu.memref_slice %arg7[%dma_start3A_188, %dma_start3A_189] : memref<2x128xi32, #tpu.memory_space<vmem>> -> memref<1x128xi32, #tpu.memory_space<vmem>>
    %dma_start3A_191 = tpu.memref_squeeze %dma_start3A_190 : memref<1x128xi32, #tpu.memory_space<vmem>> -> memref<128xi32, #tpu.memory_space<vmem>>
    %dma_start3A_192 = tpu.memref_slice %arg4[%add3A_187] : memref<385024xi32, #tpu.memory_space<hbm>> -> memref<128xi32, #tpu.memory_space<hbm>>
    %dma_start3A_193 = arith.constant 0 : i32
    %dma_start3A_194 = tpu.memref_slice %arg7[%dma_start3A_188, %dma_start3A_193] : memref<2x128xi32, #tpu.memory_space<vmem>> -> memref<1x128xi32, #tpu.memory_space<vmem>>
    %dma_start3A_195 = tpu.memref_squeeze %dma_start3A_194 : memref<1x128xi32, #tpu.memory_space<vmem>> -> memref<128xi32, #tpu.memory_space<vmem>>
    %dma_start3A_196 = tpu.memref_slice %arg4[%add3A_187] : memref<385024xi32, #tpu.memory_space<hbm>> -> memref<128xi32, #tpu.memory_space<hbm>>
    tpu.enqueue_dma source(%dma_start3A_196 : memref<128xi32, #tpu.memory_space<hbm>>) target(%dma_start3A_195 : memref<128xi32, #tpu.memory_space<vmem>>) target_semaphore(%arg12 : memref<!tpu.dma_semaphore, #tpu.memory_space<semaphore_mem>>)
    %dma_start3A_197 = arith.constant 1 : i32
    %dma_start3A_198 = arith.constant 0 : i32
    %dma_start3A_199 = arith.constant 0 : i32
    %dma_start3A_200 = tpu.memref_slice %arg8[%dma_start3A_197, %dma_start3A_198, %dma_start3A_199] : memref<2x128x128xf32, #tpu.memory_space<vmem>> -> memref<1x128x128xf32, #tpu.memory_space<vmem>>
    %dma_start3A_201 = tpu.memref_squeeze %dma_start3A_200 : memref<1x128x128xf32, #tpu.memory_space<vmem>> -> memref<128x128xf32, #tpu.memory_space<vmem>>
    %dma_start3A_202 = arith.constant 11904 : i32
    %dma_start3A_203 = tpu.memref_slice %arg6[%dma_start3A_202] : memref<12032xi32, #tpu.memory_space<vmem>> -> memref<128xi32, #tpu.memory_space<vmem>>
    %dma_start3A_204 = arith.constant 0 : i32
    %dma_start3A_205 = arith.constant 0 : i32
    %dma_start3A_206 = tpu.memref_slice %arg2[%arg0, %dma_start3A_204, %dma_start3A_205] : memref<2x10000x128xf32, #tpu.memory_space<hbm>> -> memref<1x10000x128xf32, #tpu.memory_space<hbm>>
    %dma_start3A_207 = tpu.memref_squeeze %dma_start3A_206 : memref<1x10000x128xf32, #tpu.memory_space<hbm>> -> memref<10000x128xf32, #tpu.memory_space<hbm>>
    %dma_start3A_208 = arith.constant 0 : i32
    %dma_start3A_209 = arith.constant 0 : i32
    %dma_start3A_210 = tpu.memref_slice %dma_start3A_207[%dma_start3A_208, %dma_start3A_209] : memref<10000x128xf32, #tpu.memory_space<hbm>> -> memref<10000x128xf32, #tpu.memory_space<hbm>>
    tpu.enqueue_indirect_dma source(%dma_start3A_210 : memref<10000x128xf32, #tpu.memory_space<hbm>>) target(%dma_start3A_201 : memref<128x128xf32, #tpu.memory_space<vmem>>) offsets(%dma_start3A_203 : memref<128xi32, #tpu.memory_space<vmem>>) semaphore(%arg11 : memref<!tpu.dma_semaphore, #tpu.memory_space<semaphore_mem>>)
    %dma_wait3A_211 = arith.constant 0 : i32
    %dma_wait3A_212 = arith.constant 0 : i32
    %dma_wait3A_213 = tpu.memref_slice %arg7[%dma_wait3A_211, %dma_wait3A_212] : memref<2x128xi32, #tpu.memory_space<vmem>> -> memref<1x128xi32, #tpu.memory_space<vmem>>
    %dma_wait3A_214 = tpu.memref_squeeze %dma_wait3A_213 : memref<1x128xi32, #tpu.memory_space<vmem>> -> memref<128xi32, #tpu.memory_space<vmem>>
    %dma_wait3A_215 = arith.constant 0 : i32
    %dma_wait3A_216 = tpu.memref_slice %arg4[%dma_wait3A_215] : memref<385024xi32, #tpu.memory_space<hbm>> -> memref<128xi32, #tpu.memory_space<hbm>>
    %dma_wait3A_217 = arith.constant 0 : i32
    %dma_wait3A_218 = tpu.memref_slice %arg7[%dma_wait3A_211, %dma_wait3A_217] : memref<2x128xi32, #tpu.memory_space<vmem>> -> memref<1x128xi32, #tpu.memory_space<vmem>>
    %dma_wait3A_219 = tpu.memref_squeeze %dma_wait3A_218 : memref<1x128xi32, #tpu.memory_space<vmem>> -> memref<128xi32, #tpu.memory_space<vmem>>
    %dma_wait3A_220 = arith.constant 0 : i32
    %dma_wait3A_221 = tpu.memref_slice %arg4[%dma_wait3A_220] : memref<385024xi32, #tpu.memory_space<hbm>> -> memref<128xi32, #tpu.memory_space<hbm>>
    tpu.wait_dma2 semaphore(%arg12 : memref<!tpu.dma_semaphore, #tpu.memory_space<semaphore_mem>>) src(%dma_wait3A_221 : memref<128xi32, #tpu.memory_space<hbm>>) dst(%dma_wait3A_219 : memref<128xi32, #tpu.memory_space<vmem>>)
    %dma_wait3A_222 = arith.constant 0 : i32
    %dma_wait3A_223 = arith.constant 0 : i32
    %dma_wait3A_224 = arith.constant 0 : i32
    %dma_wait3A_225 = tpu.memref_slice %arg8[%dma_wait3A_222, %dma_wait3A_223, %dma_wait3A_224] : memref<2x128x128xf32, #tpu.memory_space<vmem>> -> memref<1x128x128xf32, #tpu.memory_space<vmem>>
    %dma_wait3A_226 = tpu.memref_squeeze %dma_wait3A_225 : memref<1x128x128xf32, #tpu.memory_space<vmem>> -> memref<128x128xf32, #tpu.memory_space<vmem>>
    %dma_wait3A_227 = arith.constant 0 : i32
    %dma_wait3A_228 = arith.constant 0 : i32
    %dma_wait3A_229 = tpu.memref_slice %arg2[%arg0, %dma_wait3A_227, %dma_wait3A_228] : memref<2x10000x128xf32, #tpu.memory_space<hbm>> -> memref<1x10000x128xf32, #tpu.memory_space<hbm>>
    %dma_wait3A_230 = tpu.memref_squeeze %dma_wait3A_229 : memref<1x10000x128xf32, #tpu.memory_space<hbm>> -> memref<10000x128xf32, #tpu.memory_space<hbm>>
    %dma_wait3A_231 = arith.constant 0 : i32
    %dma_wait3A_232 = arith.constant 0 : i32
    %dma_wait3A_233 = tpu.memref_slice %dma_wait3A_230[%dma_wait3A_231, %dma_wait3A_232] : memref<10000x128xf32, #tpu.memory_space<hbm>> -> memref<128x128xf32, #tpu.memory_space<hbm>>
    %dma_wait3A_234 = arith.constant 0 : i32
    %dma_wait3A_235 = arith.constant 0 : i32
    %dma_wait3A_236 = tpu.memref_slice %arg8[%dma_wait3A_222, %dma_wait3A_234, %dma_wait3A_235] : memref<2x128x128xf32, #tpu.memory_space<vmem>> -> memref<1x128x128xf32, #tpu.memory_space<vmem>>
    %dma_wait3A_237 = tpu.memref_squeeze %dma_wait3A_236 : memref<1x128x128xf32, #tpu.memory_space<vmem>> -> memref<128x128xf32, #tpu.memory_space<vmem>>
    %dma_wait3A_238 = arith.constant 0 : i32
    %dma_wait3A_239 = arith.constant 0 : i32
    %dma_wait3A_240 = tpu.memref_slice %arg2[%arg0, %dma_wait3A_238, %dma_wait3A_239] : memref<2x10000x128xf32, #tpu.memory_space<hbm>> -> memref<1x10000x128xf32, #tpu.memory_space<hbm>>
    %dma_wait3A_241 = tpu.memref_squeeze %dma_wait3A_240 : memref<1x10000x128xf32, #tpu.memory_space<hbm>> -> memref<10000x128xf32, #tpu.memory_space<hbm>>
    %dma_wait3A_242 = arith.constant 0 : i32
    %dma_wait3A_243 = arith.constant 0 : i32
    %dma_wait3A_244 = tpu.memref_slice %dma_wait3A_241[%dma_wait3A_242, %dma_wait3A_243] : memref<10000x128xf32, #tpu.memory_space<hbm>> -> memref<128x128xf32, #tpu.memory_space<hbm>>
    tpu.wait_dma2 semaphore(%arg11 : memref<!tpu.dma_semaphore, #tpu.memory_space<semaphore_mem>>) src(%dma_wait3A_244 : memref<128x128xf32, #tpu.memory_space<hbm>>) dst(%dma_wait3A_237 : memref<128x128xf32, #tpu.memory_space<vmem>>)
    %run_scoped3A_245 = arith.constant 0 : i32
    %run_scoped3A_246 = arith.constant 0 : i32
    "tpu.region"() ({
      %run_scoped3A_297 = tpu.sem_alloc : memref<!tpu.dma_semaphore, #tpu.memory_space<semaphore_mem>>
      %dma_start3A_298 = arith.constant 0 : i32
      %dma_start3A_299 = arith.constant 0 : i32
      %dma_start3A_300 = tpu.memref_slice %arg8[%run_scoped3A_245, %dma_start3A_298, %dma_start3A_299] : memref<2x128x128xf32, #tpu.memory_space<vmem>> -> memref<1x128x128xf32, #tpu.memory_space<vmem>>
      %dma_start3A_301 = tpu.memref_squeeze %dma_start3A_300 : memref<1x128x128xf32, #tpu.memory_space<vmem>> -> memref<128x128xf32, #tpu.memory_space<vmem>>
      %dma_start3A_302 = arith.constant 0 : i32
      %dma_start3A_303 = tpu.memref_slice %arg7[%run_scoped3A_246, %dma_start3A_302] : memref<2x128xi32, #tpu.memory_space<vmem>> -> memref<1x128xi32, #tpu.memory_space<vmem>>
      %dma_start3A_304 = tpu.memref_squeeze %dma_start3A_303 : memref<1x128xi32, #tpu.memory_space<vmem>> -> memref<128xi32, #tpu.memory_space<vmem>>
      %dma_start3A_305 = arith.constant 0 : i32
      %dma_start3A_306 = arith.constant 0 : i32
      %dma_start3A_307 = tpu.memref_slice %arg10[%dma_start3A_305, %dma_start3A_306] : memref<5248x128xf32, #tpu.memory_space<vmem_shared>> -> memref<5248x128xf32, #tpu.memory_space<vmem_shared>>
      tpu.enqueue_indirect_dma source(%dma_start3A_301 : memref<128x128xf32, #tpu.memory_space<vmem>>) target(%dma_start3A_307 : memref<5248x128xf32, #tpu.memory_space<vmem_shared>>) offsets(%dma_start3A_304 : memref<128xi32, #tpu.memory_space<vmem>>) semaphore(%run_scoped3A_297 : memref<!tpu.dma_semaphore, #tpu.memory_space<semaphore_mem>>) {add = true}
      %dma_wait3A_308 = arith.constant 0 : i32
      %dma_wait3A_309 = arith.constant 0 : i32
      %dma_wait3A_310 = tpu.memref_slice %arg8[%run_scoped3A_245, %dma_wait3A_308, %dma_wait3A_309] : memref<2x128x128xf32, #tpu.memory_space<vmem>> -> memref<1x128x128xf32, #tpu.memory_space<vmem>>
      %dma_wait3A_311 = tpu.memref_squeeze %dma_wait3A_310 : memref<1x128x128xf32, #tpu.memory_space<vmem>> -> memref<128x128xf32, #tpu.memory_space<vmem>>
      %dma_wait3A_312 = arith.constant 0 : i32
      %dma_wait3A_313 = tpu.memref_slice %arg7[%run_scoped3A_246, %dma_wait3A_312] : memref<2x128xi32, #tpu.memory_space<vmem>> -> memref<1x128xi32, #tpu.memory_space<vmem>>
      %dma_wait3A_314 = tpu.memref_squeeze %dma_wait3A_313 : memref<1x128xi32, #tpu.memory_space<vmem>> -> memref<128xi32, #tpu.memory_space<vmem>>
      %dma_wait3A_315 = arith.constant 0 : i32
      %dma_wait3A_316 = arith.constant 0 : i32
      %dma_wait3A_317 = tpu.memref_slice %arg10[%dma_wait3A_315, %dma_wait3A_316] : memref<5248x128xf32, #tpu.memory_space<vmem_shared>> -> memref<5248x128xf32, #tpu.memory_space<vmem_shared>>
      tpu.wait_indirect_dma semaphore(%run_scoped3A_297 : memref<!tpu.dma_semaphore, #tpu.memory_space<semaphore_mem>>) src(%dma_wait3A_311 : memref<128x128xf32, #tpu.memory_space<vmem>>) dst(%dma_wait3A_317 : memref<5248x128xf32, #tpu.memory_space<vmem_shared>>)
      tpu.yield
    }) : () -> ()
    %dma_wait3A_247 = arith.constant 1 : i32
    %dma_wait3A_248 = arith.constant 0 : i32
    %dma_wait3A_249 = tpu.memref_slice %arg7[%dma_wait3A_247, %dma_wait3A_248] : memref<2x128xi32, #tpu.memory_space<vmem>> -> memref<1x128xi32, #tpu.memory_space<vmem>>
    %dma_wait3A_250 = tpu.memref_squeeze %dma_wait3A_249 : memref<1x128xi32, #tpu.memory_space<vmem>> -> memref<128xi32, #tpu.memory_space<vmem>>
    %dma_wait3A_251 = arith.constant 0 : i32
    %dma_wait3A_252 = tpu.memref_slice %arg4[%dma_wait3A_251] : memref<385024xi32, #tpu.memory_space<hbm>> -> memref<128xi32, #tpu.memory_space<hbm>>
    %dma_wait3A_253 = arith.constant 0 : i32
    %dma_wait3A_254 = tpu.memref_slice %arg7[%dma_wait3A_247, %dma_wait3A_253] : memref<2x128xi32, #tpu.memory_space<vmem>> -> memref<1x128xi32, #tpu.memory_space<vmem>>
    %dma_wait3A_255 = tpu.memref_squeeze %dma_wait3A_254 : memref<1x128xi32, #tpu.memory_space<vmem>> -> memref<128xi32, #tpu.memory_space<vmem>>
    %dma_wait3A_256 = arith.constant 0 : i32
    %dma_wait3A_257 = tpu.memref_slice %arg4[%dma_wait3A_256] : memref<385024xi32, #tpu.memory_space<hbm>> -> memref<128xi32, #tpu.memory_space<hbm>>
    tpu.wait_dma2 semaphore(%arg12 : memref<!tpu.dma_semaphore, #tpu.memory_space<semaphore_mem>>) src(%dma_wait3A_257 : memref<128xi32, #tpu.memory_space<hbm>>) dst(%dma_wait3A_255 : memref<128xi32, #tpu.memory_space<vmem>>)
    %dma_wait3A_258 = arith.constant 1 : i32
    %dma_wait3A_259 = arith.constant 0 : i32
    %dma_wait3A_260 = arith.constant 0 : i32
    %dma_wait3A_261 = tpu.memref_slice %arg8[%dma_wait3A_258, %dma_wait3A_259, %dma_wait3A_260] : memref<2x128x128xf32, #tpu.memory_space<vmem>> -> memref<1x128x128xf32, #tpu.memory_space<vmem>>
    %dma_wait3A_262 = tpu.memref_squeeze %dma_wait3A_261 : memref<1x128x128xf32, #tpu.memory_space<vmem>> -> memref<128x128xf32, #tpu.memory_space<vmem>>
    %dma_wait3A_263 = arith.constant 0 : i32
    %dma_wait3A_264 = arith.constant 0 : i32
    %dma_wait3A_265 = tpu.memref_slice %arg2[%arg0, %dma_wait3A_263, %dma_wait3A_264] : memref<2x10000x128xf32, #tpu.memory_space<hbm>> -> memref<1x10000x128xf32, #tpu.memory_space<hbm>>
    %dma_wait3A_266 = tpu.memref_squeeze %dma_wait3A_265 : memref<1x10000x128xf32, #tpu.memory_space<hbm>> -> memref<10000x128xf32, #tpu.memory_space<hbm>>
    %dma_wait3A_267 = arith.constant 0 : i32
    %dma_wait3A_268 = arith.constant 0 : i32
    %dma_wait3A_269 = tpu.memref_slice %dma_wait3A_266[%dma_wait3A_267, %dma_wait3A_268] : memref<10000x128xf32, #tpu.memory_space<hbm>> -> memref<128x128xf32, #tpu.memory_space<hbm>>
    %dma_wait3A_270 = arith.constant 0 : i32
    %dma_wait3A_271 = arith.constant 0 : i32
    %dma_wait3A_272 = tpu.memref_slice %arg8[%dma_wait3A_258, %dma_wait3A_270, %dma_wait3A_271] : memref<2x128x128xf32, #tpu.memory_space<vmem>> -> memref<1x128x128xf32, #tpu.memory_space<vmem>>
    %dma_wait3A_273 = tpu.memref_squeeze %dma_wait3A_272 : memref<1x128x128xf32, #tpu.memory_space<vmem>> -> memref<128x128xf32, #tpu.memory_space<vmem>>
    %dma_wait3A_274 = arith.constant 0 : i32
    %dma_wait3A_275 = arith.constant 0 : i32
    %dma_wait3A_276 = tpu.memref_slice %arg2[%arg0, %dma_wait3A_274, %dma_wait3A_275] : memref<2x10000x128xf32, #tpu.memory_space<hbm>> -> memref<1x10000x128xf32, #tpu.memory_space<hbm>>
    %dma_wait3A_277 = tpu.memref_squeeze %dma_wait3A_276 : memref<1x10000x128xf32, #tpu.memory_space<hbm>> -> memref<10000x128xf32, #tpu.memory_space<hbm>>
    %dma_wait3A_278 = arith.constant 0 : i32
    %dma_wait3A_279 = arith.constant 0 : i32
    %dma_wait3A_280 = tpu.memref_slice %dma_wait3A_277[%dma_wait3A_278, %dma_wait3A_279] : memref<10000x128xf32, #tpu.memory_space<hbm>> -> memref<128x128xf32, #tpu.memory_space<hbm>>
    tpu.wait_dma2 semaphore(%arg11 : memref<!tpu.dma_semaphore, #tpu.memory_space<semaphore_mem>>) src(%dma_wait3A_280 : memref<128x128xf32, #tpu.memory_space<hbm>>) dst(%dma_wait3A_273 : memref<128x128xf32, #tpu.memory_space<vmem>>)
    %run_scoped3A_281 = arith.constant 1 : i32
    %run_scoped3A_282 = arith.constant 1 : i32
    "tpu.region"() ({
      %run_scoped3A_297 = tpu.sem_alloc : memref<!tpu.dma_semaphore, #tpu.memory_space<semaphore_mem>>
      %dma_start3A_298 = arith.constant 0 : i32
      %dma_start3A_299 = arith.constant 0 : i32
      %dma_start3A_300 = tpu.memref_slice %arg8[%run_scoped3A_281, %dma_start3A_298, %dma_start3A_299] : memref<2x128x128xf32, #tpu.memory_space<vmem>> -> memref<1x128x128xf32, #tpu.memory_space<vmem>>
      %dma_start3A_301 = tpu.memref_squeeze %dma_start3A_300 : memref<1x128x128xf32, #tpu.memory_space<vmem>> -> memref<128x128xf32, #tpu.memory_space<vmem>>
      %dma_start3A_302 = arith.constant 0 : i32
      %dma_start3A_303 = tpu.memref_slice %arg7[%run_scoped3A_282, %dma_start3A_302] : memref<2x128xi32, #tpu.memory_space<vmem>> -> memref<1x128xi32, #tpu.memory_space<vmem>>
      %dma_start3A_304 = tpu.memref_squeeze %dma_start3A_303 : memref<1x128xi32, #tpu.memory_space<vmem>> -> memref<128xi32, #tpu.memory_space<vmem>>
      %dma_start3A_305 = arith.constant 0 : i32
      %dma_start3A_306 = arith.constant 0 : i32
      %dma_start3A_307 = tpu.memref_slice %arg10[%dma_start3A_305, %dma_start3A_306] : memref<5248x128xf32, #tpu.memory_space<vmem_shared>> -> memref<5248x128xf32, #tpu.memory_space<vmem_shared>>
      tpu.enqueue_indirect_dma source(%dma_start3A_301 : memref<128x128xf32, #tpu.memory_space<vmem>>) target(%dma_start3A_307 : memref<5248x128xf32, #tpu.memory_space<vmem_shared>>) offsets(%dma_start3A_304 : memref<128xi32, #tpu.memory_space<vmem>>) semaphore(%run_scoped3A_297 : memref<!tpu.dma_semaphore, #tpu.memory_space<semaphore_mem>>) {add = true}
      %dma_wait3A_308 = arith.constant 0 : i32
      %dma_wait3A_309 = arith.constant 0 : i32
      %dma_wait3A_310 = tpu.memref_slice %arg8[%run_scoped3A_281, %dma_wait3A_308, %dma_wait3A_309] : memref<2x128x128xf32, #tpu.memory_space<vmem>> -> memref<1x128x128xf32, #tpu.memory_space<vmem>>
      %dma_wait3A_311 = tpu.memref_squeeze %dma_wait3A_310 : memref<1x128x128xf32, #tpu.memory_space<vmem>> -> memref<128x128xf32, #tpu.memory_space<vmem>>
      %dma_wait3A_312 = arith.constant 0 : i32
      %dma_wait3A_313 = tpu.memref_slice %arg7[%run_scoped3A_282, %dma_wait3A_312] : memref<2x128xi32, #tpu.memory_space<vmem>> -> memref<1x128xi32, #tpu.memory_space<vmem>>
      %dma_wait3A_314 = tpu.memref_squeeze %dma_wait3A_313 : memref<1x128xi32, #tpu.memory_space<vmem>> -> memref<128xi32, #tpu.memory_space<vmem>>
      %dma_wait3A_315 = arith.constant 0 : i32
      %dma_wait3A_316 = arith.constant 0 : i32
      %dma_wait3A_317 = tpu.memref_slice %arg10[%dma_wait3A_315, %dma_wait3A_316] : memref<5248x128xf32, #tpu.memory_space<vmem_shared>> -> memref<5248x128xf32, #tpu.memory_space<vmem_shared>>
      tpu.wait_indirect_dma semaphore(%run_scoped3A_297 : memref<!tpu.dma_semaphore, #tpu.memory_space<semaphore_mem>>) src(%dma_wait3A_311 : memref<128x128xf32, #tpu.memory_space<vmem>>) dst(%dma_wait3A_317 : memref<5248x128xf32, #tpu.memory_space<vmem_shared>>)
      tpu.yield
    }) : () -> ()
    %mul3A_283 = arith.constant 2 : i32
    %mul3A_284 = arith.muli %mul3A_283, %arg1 : i32
    %add3A_285 = arith.constant 1 : i32
    %add3A_286 = arith.addi %mul3A_284, %add3A_285 : i32
    %lt3A_287 = arith.constant 31 : i32
    %lt3A_288 = arith.cmpi slt, %add3A_286, %lt3A_287 : i32
    %convert_element_type3A_289 = arith.extui %lt3A_288 : i1 to i32
    %cond3A_290 = arith.constant 0 : i32
    %cond3A_291 = arith.cmpi ne, %convert_element_type3A_289, %cond3A_290 : i32
    scf.if %cond3A_291 {
      %mul3A_297 = arith.constant 328 : i32
      %mul3A_298 = arith.muli %arg1, %mul3A_297 : i32
      %mul3A_299 = arith.constant 320 : i32
      %mul3A_300 = arith.muli %add3A_286, %mul3A_299 : i32
      "tpu.region"() ({
        %run_scoped3A_301 = tpu.sem_alloc : memref<!tpu.dma_semaphore, #tpu.memory_space<semaphore_mem>>
        %dma_start3A_302 = arith.constant 0 : i32
        %dma_start3A_303 = tpu.memref_slice %arg5[%arg0, %mul3A_300, %dma_start3A_302] : memref<2x10000x128xf32, #tpu.memory_space<hbm>> -> memref<1x320x128xf32, #tpu.memory_space<hbm>>
        %dma_start3A_304 = tpu.memref_squeeze %dma_start3A_303 : memref<1x320x128xf32, #tpu.memory_space<hbm>> -> memref<320x128xf32, #tpu.memory_space<hbm>>
        %dma_start3A_305 = arith.constant 0 : i32
        %dma_start3A_306 = tpu.memref_slice %arg10[%mul3A_298, %dma_start3A_305] : memref<5248x128xf32, #tpu.memory_space<vmem_shared>> -> memref<320x128xf32, #tpu.memory_space<vmem_shared>>
        tpu.enqueue_dma source(%dma_start3A_306 : memref<320x128xf32, #tpu.memory_space<vmem_shared>>) target(%dma_start3A_304 : memref<320x128xf32, #tpu.memory_space<hbm>>) target_semaphore(%run_scoped3A_301 : memref<!tpu.dma_semaphore, #tpu.memory_space<semaphore_mem>>)
        %dma_wait3A_307 = arith.constant 0 : i32
        %dma_wait3A_308 = tpu.memref_slice %arg5[%arg0, %mul3A_300, %dma_wait3A_307] : memref<2x10000x128xf32, #tpu.memory_space<hbm>> -> memref<1x320x128xf32, #tpu.memory_space<hbm>>
        %dma_wait3A_309 = tpu.memref_squeeze %dma_wait3A_308 : memref<1x320x128xf32, #tpu.memory_space<hbm>> -> memref<320x128xf32, #tpu.memory_space<hbm>>
        %dma_wait3A_310 = arith.constant 0 : i32
        %dma_wait3A_311 = tpu.memref_slice %arg10[%mul3A_298, %dma_wait3A_310] : memref<5248x128xf32, #tpu.memory_space<vmem_shared>> -> memref<320x128xf32, #tpu.memory_space<vmem_shared>>
        tpu.wait_dma2 semaphore(%run_scoped3A_301 : memref<!tpu.dma_semaphore, #tpu.memory_space<semaphore_mem>>) src(%dma_wait3A_311 : memref<320x128xf32, #tpu.memory_space<vmem_shared>>) dst(%dma_wait3A_309 : memref<320x128xf32, #tpu.memory_space<hbm>>)
        tpu.yield
      }) : () -> ()
    } else {
    }
    %eq3A_292 = arith.constant 31 : i32
    %eq3A_293 = arith.cmpi eq, %add3A_286, %eq3A_292 : i32
    %convert_element_type3A_294 = arith.extui %eq3A_293 : i1 to i32
    %cond3A_295 = arith.constant 0 : i32
    %cond3A_296 = arith.cmpi ne, %convert_element_type3A_294, %cond3A_295 : i32
    scf.if %cond3A_296 {
      %mul3A_297 = arith.constant 328 : i32
      %mul3A_298 = arith.muli %arg1, %mul3A_297 : i32
      %mul3A_299 = arith.constant 320 : i32
      %mul3A_300 = arith.muli %add3A_286, %mul3A_299 : i32
      "tpu.region"() ({
        %run_scoped3A_301 = tpu.sem_alloc : memref<!tpu.dma_semaphore, #tpu.memory_space<semaphore_mem>>
        %dma_start3A_302 = arith.constant 0 : i32
        %dma_start3A_303 = tpu.memref_slice %arg5[%arg0, %mul3A_300, %dma_start3A_302] : memref<2x10000x128xf32, #tpu.memory_space<hbm>> -> memref<1x80x128xf32, #tpu.memory_space<hbm>>
        %dma_start3A_304 = tpu.memref_squeeze %dma_start3A_303 : memref<1x80x128xf32, #tpu.memory_space<hbm>> -> memref<80x128xf32, #tpu.memory_space<hbm>>
        %dma_start3A_305 = arith.constant 0 : i32
        %dma_start3A_306 = tpu.memref_slice %arg10[%mul3A_298, %dma_start3A_305] : memref<5248x128xf32, #tpu.memory_space<vmem_shared>> -> memref<80x128xf32, #tpu.memory_space<vmem_shared>>
        tpu.enqueue_dma source(%dma_start3A_306 : memref<80x128xf32, #tpu.memory_space<vmem_shared>>) target(%dma_start3A_304 : memref<80x128xf32, #tpu.memory_space<hbm>>) target_semaphore(%run_scoped3A_301 : memref<!tpu.dma_semaphore, #tpu.memory_space<semaphore_mem>>)
        %dma_wait3A_307 = arith.constant 0 : i32
        %dma_wait3A_308 = tpu.memref_slice %arg5[%arg0, %mul3A_300, %dma_wait3A_307] : memref<2x10000x128xf32, #tpu.memory_space<hbm>> -> memref<1x80x128xf32, #tpu.memory_space<hbm>>
        %dma_wait3A_309 = tpu.memref_squeeze %dma_wait3A_308 : memref<1x80x128xf32, #tpu.memory_space<hbm>> -> memref<80x128xf32, #tpu.memory_space<hbm>>
        %dma_wait3A_310 = arith.constant 0 : i32
        %dma_wait3A_311 = tpu.memref_slice %arg10[%mul3A_298, %dma_wait3A_310] : memref<5248x128xf32, #tpu.memory_space<vmem_shared>> -> memref<80x128xf32, #tpu.memory_space<vmem_shared>>
        tpu.wait_dma2 semaphore(%run_scoped3A_301 : memref<!tpu.dma_semaphore, #tpu.memory_space<semaphore_mem>>) src(%dma_wait3A_311 : memref<80x128xf32, #tpu.memory_space<vmem_shared>>) dst(%dma_wait3A_309 : memref<80x128xf32, #tpu.memory_space<hbm>>)
        tpu.yield
      }) : () -> ()
    } else {
    }
    return
  }
}

module attributes {stable_mosaic.version = 14 : i64} {
  func.func @body(%arg0: i32, %arg1: i32, %arg2: memref<1000x128xf32, #tpu.memory_space<vmem>>, %arg3: memref<1000x128xf32, #tpu.memory_space<vmem>>, %arg4: memref<256x128xf32, #tpu.memory_space<vmem>>, %arg5: memref<1x256xf32, #tpu.memory_space<vmem>>, %arg6: memref<256x256xf32, #tpu.memory_space<vmem>>, %arg7: memref<1x256xf32, #tpu.memory_space<vmem>>, %arg8: memref<1x256xf32, #tpu.memory_space<vmem>>, %arg9: memref<1x256xf32, #tpu.memory_space<vmem>>, %arg10: memref<2x1000x128xf32, #tpu.memory_space<vmem>>, %arg11: memref<10000x256xf32, #tpu.memory_space<vmem>>, %arg12: memref<1x256xf32, #tpu.memory_space<vmem>>, %arg13: memref<1x256xf32, #tpu.memory_space<vmem>>) attributes {dimension_semantics = [#tpu.dimension_semantics<arbitrary>, #tpu.dimension_semantics<arbitrary>], iteration_bounds = array<i64: 3, 10>, scalar_prefetch = 0 : i64, scratch_operands = 3 : i64, tpu.core_type = #tpu.core_type<tc>, window_params = [{transform_indices = @transform_0, window_bounds = array<i64: 1000, 128>}, {transform_indices = @transform_1, window_bounds = array<i64: 1000, 128>}, {pipeline_mode = #tpu.pipeline_mode<synchronous>, transform_indices = @transform_2, window_bounds = array<i64: 256, 128>}, {pipeline_mode = #tpu.pipeline_mode<synchronous>, transform_indices = @transform_3, window_bounds = array<i64: 1, 256>}, {pipeline_mode = #tpu.pipeline_mode<synchronous>, transform_indices = @transform_4, window_bounds = array<i64: 256, 256>}, {pipeline_mode = #tpu.pipeline_mode<synchronous>, transform_indices = @transform_5, window_bounds = array<i64: 1, 256>}, {pipeline_mode = #tpu.pipeline_mode<synchronous>, transform_indices = @transform_6, window_bounds = array<i64: 1, 256>}, {pipeline_mode = #tpu.pipeline_mode<synchronous>, transform_indices = @transform_7, window_bounds = array<i64: 1, 256>}, {transform_indices = @transform_8, window_bounds = array<i64: 2, 1000, 128>}]} {
    %eq3A = arith.constant 0 : i32
    %eq3A_0 = arith.cmpi eq, %arg0, %eq3A : i32
    %convert_element_type3A = arith.extui %eq3A_0 : i1 to i32
    %cond3A = arith.constant 0 : i32
    %cond3A_1 = arith.cmpi ne, %convert_element_type3A, %cond3A : i32
    scf.if %cond3A_1 {
      %get3A = arith.constant 0 : index
      %get3A_12 = arith.constant 0 : index
      %get3A_13 = vector.load %arg2[%get3A, %get3A_12] : memref<1000x128xf32, #tpu.memory_space<vmem>>, vector<1000x128xf32>
      %get3A_14 = arith.constant 0 : index
      %get3A_15 = arith.constant 0 : index
      %get3A_16 = vector.load %arg3[%get3A_14, %get3A_15] : memref<1000x128xf32, #tpu.memory_space<vmem>>, vector<1000x128xf32>
      %add3A = arith.addf %get3A_13, %get3A_16 : vector<1000x128xf32>
      %get3A_17 = arith.constant 0 : index
      %get3A_18 = arith.constant 0 : index
      %get3A_19 = vector.load %arg4[%get3A_17, %get3A_18] : memref<256x128xf32, #tpu.memory_space<vmem>>, vector<256x128xf32>
      %convert_element_type3A_20 = arith.truncf %add3A : vector<1000x128xf32> to vector<1000x128xbf16>
      %convert_element_type3A_21 = arith.truncf %get3A_19 : vector<256x128xf32> to vector<256x128xbf16>
      %dot_general3A = arith.constant dense<0.000000e+00> : vector<1000x256xf32>
      %dot_general3A_22 = tpu.matmul %convert_element_type3A_20, %convert_element_type3A_21, %dot_general3A {dimension_numbers = #tpu.dot_dimension_numbers<[1], [1], [0], [0], [0, 0, 1, 0], [], []>, transpose_lhs_hint = false} : vector<1000x128xbf16>, vector<256x128xbf16>, vector<1000x256xf32> -> vector<1000x256xf32>
      %get3A_23 = arith.constant 0 : index
      %get3A_24 = arith.constant 0 : index
      %get3A_25 = vector.load %arg5[%get3A_23, %get3A_24] : memref<1x256xf32, #tpu.memory_space<vmem>>, vector<1x256xf32>
      %add3A_26 = vector.broadcast %get3A_25 : vector<1x256xf32> to vector<1000x256xf32>
      %add3A_27 = arith.addf %dot_general3A_22, %add3A_26 : vector<1000x256xf32>
      %max3A = arith.constant 0.000000e+00 : f32
      %max3A_28 = vector.broadcast %max3A : f32 to vector<1000x256xf32>
      %max3A_29 = arith.maximumf %add3A_27, %max3A_28 : vector<1000x256xf32>
      %get3A_30 = arith.constant 0 : index
      %get3A_31 = arith.constant 0 : index
      %get3A_32 = vector.load %arg6[%get3A_30, %get3A_31] : memref<256x256xf32, #tpu.memory_space<vmem>>, vector<256x256xf32>
      %convert_element_type3A_33 = arith.truncf %max3A_29 : vector<1000x256xf32> to vector<1000x256xbf16>
      %convert_element_type3A_34 = arith.truncf %get3A_32 : vector<256x256xf32> to vector<256x256xbf16>
      %dot_general3A_35 = arith.constant dense<0.000000e+00> : vector<1000x256xf32>
      %dot_general3A_36 = tpu.matmul %convert_element_type3A_33, %convert_element_type3A_34, %dot_general3A_35 {dimension_numbers = #tpu.dot_dimension_numbers<[1], [1], [0], [0], [0, 0, 1, 0], [], []>, transpose_lhs_hint = false} : vector<1000x256xbf16>, vector<256x256xbf16>, vector<1000x256xf32> -> vector<1000x256xf32>
      %get3A_37 = arith.constant 0 : index
      %get3A_38 = arith.constant 0 : index
      %get3A_39 = vector.load %arg7[%get3A_37, %get3A_38] : memref<1x256xf32, #tpu.memory_space<vmem>>, vector<1x256xf32>
      %add3A_40 = vector.broadcast %get3A_39 : vector<1x256xf32> to vector<1000x256xf32>
      %add3A_41 = arith.addf %dot_general3A_36, %add3A_40 : vector<1000x256xf32>
      %max3A_42 = arith.constant 0.000000e+00 : f32
      %max3A_43 = vector.broadcast %max3A_42 : f32 to vector<1000x256xf32>
      %max3A_44 = arith.maximumf %add3A_41, %max3A_43 : vector<1000x256xf32>
      %mul3A = arith.constant 1000 : i32
      %mul3A_45 = arith.muli %arg1, %mul3A : i32
      %swap3A = arith.index_cast %mul3A_45 : i32 to index
      %swap3A_46 = arith.constant 0 : index
      %swap3A_47 = vector.load %arg11[%swap3A, %swap3A_46] : memref<10000x256xf32, #tpu.memory_space<vmem>>, vector<1000x256xf32>
      tpu.vector_store %arg11[%swap3A, %swap3A_46], %max3A_44 {strides = array<i32>} : memref<10000x256xf32, #tpu.memory_space<vmem>>, vector<1000x256xf32>,
      %reduce_sum3A = arith.constant dense<0.000000e+00> : vector<256xf32>
      %reduce_sum3A_48 = vector.multi_reduction <add>, %max3A_44, %reduce_sum3A [0] : vector<1000x256xf32> to vector<256xf32>
      %broadcast_in_dim3A = vector.shape_cast %reduce_sum3A_48 : vector<256xf32> to vector<1x256xf32>
      %eq3A_49 = arith.constant 0 : i32
      %eq3A_50 = arith.cmpi eq, %arg1, %eq3A_49 : i32
      %convert_element_type3A_51 = arith.extui %eq3A_50 : i1 to i32
      %cond3A_52 = arith.constant 0 : i32
      %cond3A_53 = arith.cmpi ne, %convert_element_type3A_51, %cond3A_52 : i32
      scf.if %cond3A_53 {
        %swap3A_58 = arith.constant 0 : index
        %swap3A_59 = arith.constant 0 : index
        %swap3A_60 = vector.load %arg12[%swap3A_58, %swap3A_59] : memref<1x256xf32, #tpu.memory_space<vmem>>, vector<1x256xf32>
        tpu.vector_store %arg12[%swap3A_58, %swap3A_59], %broadcast_in_dim3A {strides = array<i32>} : memref<1x256xf32, #tpu.memory_space<vmem>>, vector<1x256xf32>,
      } else {
      }
      %gt3A = arith.constant 0 : i32
      %gt3A_54 = arith.cmpi sgt, %arg1, %gt3A : i32
      %convert_element_type3A_55 = arith.extui %gt3A_54 : i1 to i32
      %cond3A_56 = arith.constant 0 : i32
      %cond3A_57 = arith.cmpi ne, %convert_element_type3A_55, %cond3A_56 : i32
      scf.if %cond3A_57 {
        %get3A_58 = arith.constant 0 : index
        %get3A_59 = arith.constant 0 : index
        %get3A_60 = vector.load %arg12[%get3A_58, %get3A_59] : memref<1x256xf32, #tpu.memory_space<vmem>>, vector<1x256xf32>
        %add3A_61 = arith.addf %get3A_60, %broadcast_in_dim3A : vector<1x256xf32>
        %swap3A_62 = arith.constant 0 : index
        %swap3A_63 = arith.constant 0 : index
        %swap3A_64 = vector.load %arg12[%swap3A_62, %swap3A_63] : memref<1x256xf32, #tpu.memory_space<vmem>>, vector<1x256xf32>
        tpu.vector_store %arg12[%swap3A_62, %swap3A_63], %add3A_61 {strides = array<i32>} : memref<1x256xf32, #tpu.memory_space<vmem>>, vector<1x256xf32>,
      } else {
      }
    } else {
    }
    %eq3A_2 = arith.constant 1 : i32
    %eq3A_3 = arith.cmpi eq, %arg0, %eq3A_2 : i32
    %convert_element_type3A_4 = arith.extui %eq3A_3 : i1 to i32
    %cond3A_5 = arith.constant 0 : i32
    %cond3A_6 = arith.cmpi ne, %convert_element_type3A_4, %cond3A_5 : i32
    scf.if %cond3A_6 {
      %get3A = arith.constant 0 : index
      %get3A_12 = arith.constant 0 : index
      %get3A_13 = vector.load %arg12[%get3A, %get3A_12] : memref<1x256xf32, #tpu.memory_space<vmem>>, vector<1x256xf32>
      %mul3A = arith.constant 9.99999974E-5 : f32
      %mul3A_14 = vector.broadcast %mul3A : f32 to vector<1x256xf32>
      %mul3A_15 = arith.mulf %get3A_13, %mul3A_14 : vector<1x256xf32>
      %mul3A_16 = arith.constant 1000 : i32
      %mul3A_17 = arith.muli %arg1, %mul3A_16 : i32
      %get3A_18 = arith.index_cast %mul3A_17 : i32 to index
      %get3A_19 = arith.constant 0 : index
      %get3A_20 = vector.load %arg11[%get3A_18, %get3A_19] : memref<10000x256xf32, #tpu.memory_space<vmem>>, vector<1000x256xf32>
      %sub3A = vector.broadcast %mul3A_15 : vector<1x256xf32> to vector<1000x256xf32>
      %sub3A_21 = arith.subf %get3A_20, %sub3A : vector<1000x256xf32>
      %mul3A_22 = arith.mulf %sub3A_21, %sub3A_21 : vector<1000x256xf32>
      %reduce_sum3A = arith.constant dense<0.000000e+00> : vector<256xf32>
      %reduce_sum3A_23 = vector.multi_reduction <add>, %mul3A_22, %reduce_sum3A [0] : vector<1000x256xf32> to vector<256xf32>
      %broadcast_in_dim3A = vector.shape_cast %reduce_sum3A_23 : vector<256xf32> to vector<1x256xf32>
      %eq3A_24 = arith.constant 0 : i32
      %eq3A_25 = arith.cmpi eq, %arg1, %eq3A_24 : i32
      %convert_element_type3A_26 = arith.extui %eq3A_25 : i1 to i32
      %cond3A_27 = arith.constant 0 : i32
      %cond3A_28 = arith.cmpi ne, %convert_element_type3A_26, %cond3A_27 : i32
      scf.if %cond3A_28 {
        %swap3A = arith.constant 0 : index
        %swap3A_33 = arith.constant 0 : index
        %swap3A_34 = vector.load %arg13[%swap3A, %swap3A_33] : memref<1x256xf32, #tpu.memory_space<vmem>>, vector<1x256xf32>
        tpu.vector_store %arg13[%swap3A, %swap3A_33], %broadcast_in_dim3A {strides = array<i32>} : memref<1x256xf32, #tpu.memory_space<vmem>>, vector<1x256xf32>,
      } else {
      }
      %gt3A = arith.constant 0 : i32
      %gt3A_29 = arith.cmpi sgt, %arg1, %gt3A : i32
      %convert_element_type3A_30 = arith.extui %gt3A_29 : i1 to i32
      %cond3A_31 = arith.constant 0 : i32
      %cond3A_32 = arith.cmpi ne, %convert_element_type3A_30, %cond3A_31 : i32
      scf.if %cond3A_32 {
        %get3A_33 = arith.constant 0 : index
        %get3A_34 = arith.constant 0 : index
        %get3A_35 = vector.load %arg13[%get3A_33, %get3A_34] : memref<1x256xf32, #tpu.memory_space<vmem>>, vector<1x256xf32>
        %add3A = arith.addf %get3A_35, %broadcast_in_dim3A : vector<1x256xf32>
        %swap3A = arith.constant 0 : index
        %swap3A_36 = arith.constant 0 : index
        %swap3A_37 = vector.load %arg13[%swap3A, %swap3A_36] : memref<1x256xf32, #tpu.memory_space<vmem>>, vector<1x256xf32>
        tpu.vector_store %arg13[%swap3A, %swap3A_36], %add3A {strides = array<i32>} : memref<1x256xf32, #tpu.memory_space<vmem>>, vector<1x256xf32>,
      } else {
      }
    } else {
    }
    %eq3A_7 = arith.constant 2 : i32
    %eq3A_8 = arith.cmpi eq, %arg0, %eq3A_7 : i32
    %convert_element_type3A_9 = arith.extui %eq3A_8 : i1 to i32
    %cond3A_10 = arith.constant 0 : i32
    %cond3A_11 = arith.cmpi ne, %convert_element_type3A_9, %cond3A_10 : i32
    scf.if %cond3A_11 {
      %get3A = arith.constant 0 : index
      %get3A_12 = arith.constant 0 : index
      %get3A_13 = vector.load %arg12[%get3A, %get3A_12] : memref<1x256xf32, #tpu.memory_space<vmem>>, vector<1x256xf32>
      %mul3A = arith.constant 9.99999974E-5 : f32
      %mul3A_14 = vector.broadcast %mul3A : f32 to vector<1x256xf32>
      %mul3A_15 = arith.mulf %get3A_13, %mul3A_14 : vector<1x256xf32>
      %get3A_16 = arith.constant 0 : index
      %get3A_17 = arith.constant 0 : index
      %get3A_18 = vector.load %arg13[%get3A_16, %get3A_17] : memref<1x256xf32, #tpu.memory_space<vmem>>, vector<1x256xf32>
      %mul3A_19 = arith.constant 9.99999974E-5 : f32
      %mul3A_20 = vector.broadcast %mul3A_19 : f32 to vector<1x256xf32>
      %mul3A_21 = arith.mulf %get3A_18, %mul3A_20 : vector<1x256xf32>
      %mul3A_22 = arith.constant 1000 : i32
      %mul3A_23 = arith.muli %arg1, %mul3A_22 : i32
      %get3A_24 = arith.index_cast %mul3A_23 : i32 to index
      %get3A_25 = arith.constant 0 : index
      %get3A_26 = vector.load %arg11[%get3A_24, %get3A_25] : memref<10000x256xf32, #tpu.memory_space<vmem>>, vector<1000x256xf32>
      %get3A_27 = arith.constant 0 : index
      %get3A_28 = arith.constant 0 : index
      %get3A_29 = vector.load %arg8[%get3A_27, %get3A_28] : memref<1x256xf32, #tpu.memory_space<vmem>>, vector<1x256xf32>
      %sub3A = vector.broadcast %mul3A_15 : vector<1x256xf32> to vector<1000x256xf32>
      %sub3A_30 = arith.subf %get3A_26, %sub3A : vector<1000x256xf32>
      %mul3A_31 = vector.broadcast %get3A_29 : vector<1x256xf32> to vector<1000x256xf32>
      %mul3A_32 = arith.mulf %mul3A_31, %sub3A_30 : vector<1000x256xf32>
      %add3A = arith.constant 9.99999974E-6 : f32
      %add3A_33 = vector.broadcast %add3A : f32 to vector<1x256xf32>
      %add3A_34 = arith.addf %mul3A_21, %add3A_33 : vector<1x256xf32>
      %sqrt3A = math.sqrt %add3A_34 : vector<1x256xf32>
      %div3A = vector.broadcast %sqrt3A : vector<1x256xf32> to vector<1000x256xf32>
      %div3A_35 = arith.divf %mul3A_32, %div3A : vector<1000x256xf32>
      %get3A_36 = arith.constant 0 : index
      %get3A_37 = arith.constant 0 : index
      %get3A_38 = vector.load %arg9[%get3A_36, %get3A_37] : memref<1x256xf32, #tpu.memory_space<vmem>>, vector<1x256xf32>
      %add3A_39 = vector.broadcast %get3A_38 : vector<1x256xf32> to vector<1000x256xf32>
      %add3A_40 = arith.addf %div3A_35, %add3A_39 : vector<1000x256xf32>
      %slice3A = vector.extract_strided_slice %add3A_40 {offsets = [0, 0], sizes = [1000, 128], strides = [1, 1]} : vector<1000x256xf32> to vector<1000x128xf32>
      %swap3A = arith.constant 0 : index
      %swap3A_41 = arith.constant 0 : index
      %swap3A_42 = arith.constant 0 : index
      %swap3A_43 = vector.load %arg10[%swap3A, %swap3A_41, %swap3A_42] : memref<2x1000x128xf32, #tpu.memory_space<vmem>>, vector<1x1000x128xf32>
      %swap3A_44 = vector.shape_cast %swap3A_43 : vector<1x1000x128xf32> to vector<1000x128xf32>
      %swap3A_45 = vector.shape_cast %slice3A : vector<1000x128xf32> to vector<1x1000x128xf32>
      tpu.vector_store %arg10[%swap3A, %swap3A_41, %swap3A_42], %swap3A_45 {strides = array<i32>} : memref<2x1000x128xf32, #tpu.memory_space<vmem>>, vector<1x1000x128xf32>,
      %slice3A_46 = vector.extract_strided_slice %add3A_40 {offsets = [0, 128], sizes = [1000, 128], strides = [1, 1]} : vector<1000x256xf32> to vector<1000x128xf32>
      %swap3A_47 = arith.constant 1 : index
      %swap3A_48 = arith.constant 0 : index
      %swap3A_49 = arith.constant 0 : index
      %swap3A_50 = vector.load %arg10[%swap3A_47, %swap3A_48, %swap3A_49] : memref<2x1000x128xf32, #tpu.memory_space<vmem>>, vector<1x1000x128xf32>
      %swap3A_51 = vector.shape_cast %swap3A_50 : vector<1x1000x128xf32> to vector<1000x128xf32>
      %swap3A_52 = vector.shape_cast %slice3A_46 : vector<1000x128xf32> to vector<1x1000x128xf32>
      tpu.vector_store %arg10[%swap3A_47, %swap3A_48, %swap3A_49], %swap3A_52 {strides = array<i32>} : memref<2x1000x128xf32, #tpu.memory_space<vmem>>, vector<1x1000x128xf32>,
    } else {
    }
    return
  }
  func.func @transform_0(%arg0: i32, %arg1: i32) -> (i32, i32) {
    %c0_i32 = arith.constant 0 : i32
    %c0_i32_0 = arith.constant 0 : i32
    return %arg1, %c0_i32 : i32, i32
  }
  func.func @transform_1(%arg0: i32, %arg1: i32) -> (i32, i32) {
    %c0_i32 = arith.constant 0 : i32
    %c0_i32_0 = arith.constant 0 : i32
    return %arg1, %c0_i32 : i32, i32
  }
  func.func @transform_2(%arg0: i32, %arg1: i32) -> (i32, i32) {
    %c0_i32 = arith.constant 0 : i32
    %c0_i32_0 = arith.constant 0 : i32
    %c0_i32_1 = arith.constant 0 : i32
    return %c0_i32, %c0_i32_0 : i32, i32
  }
  func.func @transform_3(%arg0: i32, %arg1: i32) -> (i32, i32) {
    %c0_i32 = arith.constant 0 : i32
    %c0_i32_0 = arith.constant 0 : i32
    %c0_i32_1 = arith.constant 0 : i32
    return %c0_i32, %c0_i32_0 : i32, i32
  }
  func.func @transform_4(%arg0: i32, %arg1: i32) -> (i32, i32) {
    %c0_i32 = arith.constant 0 : i32
    %c0_i32_0 = arith.constant 0 : i32
    %c0_i32_1 = arith.constant 0 : i32
    return %c0_i32, %c0_i32_0 : i32, i32
  }
  func.func @transform_5(%arg0: i32, %arg1: i32) -> (i32, i32) {
    %c0_i32 = arith.constant 0 : i32
    %c0_i32_0 = arith.constant 0 : i32
    %c0_i32_1 = arith.constant 0 : i32
    return %c0_i32, %c0_i32_0 : i32, i32
  }
  func.func @transform_6(%arg0: i32, %arg1: i32) -> (i32, i32) {
    %c0_i32 = arith.constant 0 : i32
    %c0_i32_0 = arith.constant 0 : i32
    %c0_i32_1 = arith.constant 0 : i32
    return %c0_i32, %c0_i32_0 : i32, i32
  }
  func.func @transform_7(%arg0: i32, %arg1: i32) -> (i32, i32) {
    %c0_i32 = arith.constant 0 : i32
    %c0_i32_0 = arith.constant 0 : i32
    %c0_i32_1 = arith.constant 0 : i32
    return %c0_i32, %c0_i32_0 : i32, i32
  }
  func.func @transform_8(%arg0: i32, %arg1: i32) -> (i32, i32, i32) {
    %c0_i32 = arith.constant 0 : i32
    %c0_i32_0 = arith.constant 0 : i32
    %c0_i32_1 = arith.constant 0 : i32
    return %c0_i32, %arg1, %c0_i32_0 : i32, i32, i32
  }
}

module attributes {stable_mosaic.version = 14 : i64} {
  func.func @body(%arg0: i32, %arg1: i32, %arg2: memref<2x1000x128xf32, #tpu.memory_space<vmem>>, %arg3: memref<2x1000x128xf32, #tpu.memory_space<vmem>>, %arg4: memref<256x256xf32, #tpu.memory_space<vmem>>, %arg5: memref<1x256xf32, #tpu.memory_space<vmem>>, %arg6: memref<256x256xf32, #tpu.memory_space<vmem>>, %arg7: memref<1x256xf32, #tpu.memory_space<vmem>>, %arg8: memref<1x256xf32, #tpu.memory_space<vmem>>, %arg9: memref<1x256xf32, #tpu.memory_space<vmem>>, %arg10: memref<2x1000x128xf32, #tpu.memory_space<vmem>>, %arg11: memref<10000x256xf32, #tpu.memory_space<vmem>>, %arg12: memref<1x256xf32, #tpu.memory_space<vmem>>, %arg13: memref<1x256xf32, #tpu.memory_space<vmem>>) attributes {dimension_semantics = [#tpu.dimension_semantics<arbitrary>, #tpu.dimension_semantics<arbitrary>], iteration_bounds = array<i64: 3, 10>, scalar_prefetch = 0 : i64, scratch_operands = 3 : i64, tpu.core_type = #tpu.core_type<tc>, window_params = [{transform_indices = @transform_0, window_bounds = array<i64: 2, 1000, 128>}, {transform_indices = @transform_1, window_bounds = array<i64: 2, 1000, 128>}, {pipeline_mode = #tpu.pipeline_mode<synchronous>, transform_indices = @transform_2, window_bounds = array<i64: 256, 256>}, {pipeline_mode = #tpu.pipeline_mode<synchronous>, transform_indices = @transform_3, window_bounds = array<i64: 1, 256>}, {pipeline_mode = #tpu.pipeline_mode<synchronous>, transform_indices = @transform_4, window_bounds = array<i64: 256, 256>}, {pipeline_mode = #tpu.pipeline_mode<synchronous>, transform_indices = @transform_5, window_bounds = array<i64: 1, 256>}, {pipeline_mode = #tpu.pipeline_mode<synchronous>, transform_indices = @transform_6, window_bounds = array<i64: 1, 256>}, {pipeline_mode = #tpu.pipeline_mode<synchronous>, transform_indices = @transform_7, window_bounds = array<i64: 1, 256>}, {transform_indices = @transform_8, window_bounds = array<i64: 2, 1000, 128>}]} {
    %eq3A = arith.constant 0 : i32
    %eq3A_0 = arith.cmpi eq, %arg0, %eq3A : i32
    %convert_element_type3A = arith.extui %eq3A_0 : i1 to i32
    %cond3A = arith.constant 0 : i32
    %cond3A_1 = arith.cmpi ne, %convert_element_type3A, %cond3A : i32
    scf.if %cond3A_1 {
      %get3A = arith.constant 0 : index
      %get3A_12 = arith.constant 0 : index
      %get3A_13 = arith.constant 0 : index
      %get3A_14 = vector.load %arg2[%get3A, %get3A_12, %get3A_13] : memref<2x1000x128xf32, #tpu.memory_space<vmem>>, vector<1x1000x128xf32>
      %get3A_15 = vector.shape_cast %get3A_14 : vector<1x1000x128xf32> to vector<1000x128xf32>
      %get3A_16 = arith.constant 1 : index
      %get3A_17 = arith.constant 0 : index
      %get3A_18 = arith.constant 0 : index
      %get3A_19 = vector.load %arg2[%get3A_16, %get3A_17, %get3A_18] : memref<2x1000x128xf32, #tpu.memory_space<vmem>>, vector<1x1000x128xf32>
      %get3A_20 = vector.shape_cast %get3A_19 : vector<1x1000x128xf32> to vector<1000x128xf32>
      %concatenate3A = tpu.concatenate %get3A_15, %get3A_20 in 1 : vector<1000x128xf32>, vector<1000x128xf32> -> vector<1000x256xf32>
      %get3A_21 = arith.constant 0 : index
      %get3A_22 = arith.constant 0 : index
      %get3A_23 = arith.constant 0 : index
      %get3A_24 = vector.load %arg3[%get3A_21, %get3A_22, %get3A_23] : memref<2x1000x128xf32, #tpu.memory_space<vmem>>, vector<1x1000x128xf32>
      %get3A_25 = vector.shape_cast %get3A_24 : vector<1x1000x128xf32> to vector<1000x128xf32>
      %get3A_26 = arith.constant 1 : index
      %get3A_27 = arith.constant 0 : index
      %get3A_28 = arith.constant 0 : index
      %get3A_29 = vector.load %arg3[%get3A_26, %get3A_27, %get3A_28] : memref<2x1000x128xf32, #tpu.memory_space<vmem>>, vector<1x1000x128xf32>
      %get3A_30 = vector.shape_cast %get3A_29 : vector<1x1000x128xf32> to vector<1000x128xf32>
      %concatenate3A_31 = tpu.concatenate %get3A_25, %get3A_30 in 1 : vector<1000x128xf32>, vector<1000x128xf32> -> vector<1000x256xf32>
      %add3A = arith.addf %concatenate3A, %concatenate3A_31 : vector<1000x256xf32>
      %get3A_32 = arith.constant 0 : index
      %get3A_33 = arith.constant 0 : index
      %get3A_34 = vector.load %arg4[%get3A_32, %get3A_33] : memref<256x256xf32, #tpu.memory_space<vmem>>, vector<256x256xf32>
      %convert_element_type3A_35 = arith.truncf %add3A : vector<1000x256xf32> to vector<1000x256xbf16>
      %convert_element_type3A_36 = arith.truncf %get3A_34 : vector<256x256xf32> to vector<256x256xbf16>
      %dot_general3A = arith.constant dense<0.000000e+00> : vector<1000x256xf32>
      %dot_general3A_37 = tpu.matmul %convert_element_type3A_35, %convert_element_type3A_36, %dot_general3A {dimension_numbers = #tpu.dot_dimension_numbers<[1], [1], [0], [0], [0, 0, 1, 0], [], []>, transpose_lhs_hint = false} : vector<1000x256xbf16>, vector<256x256xbf16>, vector<1000x256xf32> -> vector<1000x256xf32>
      %get3A_38 = arith.constant 0 : index
      %get3A_39 = arith.constant 0 : index
      %get3A_40 = vector.load %arg5[%get3A_38, %get3A_39] : memref<1x256xf32, #tpu.memory_space<vmem>>, vector<1x256xf32>
      %add3A_41 = vector.broadcast %get3A_40 : vector<1x256xf32> to vector<1000x256xf32>
      %add3A_42 = arith.addf %dot_general3A_37, %add3A_41 : vector<1000x256xf32>
      %max3A = arith.constant 0.000000e+00 : f32
      %max3A_43 = vector.broadcast %max3A : f32 to vector<1000x256xf32>
      %max3A_44 = arith.maximumf %add3A_42, %max3A_43 : vector<1000x256xf32>
      %get3A_45 = arith.constant 0 : index
      %get3A_46 = arith.constant 0 : index
      %get3A_47 = vector.load %arg6[%get3A_45, %get3A_46] : memref<256x256xf32, #tpu.memory_space<vmem>>, vector<256x256xf32>
      %convert_element_type3A_48 = arith.truncf %max3A_44 : vector<1000x256xf32> to vector<1000x256xbf16>
      %convert_element_type3A_49 = arith.truncf %get3A_47 : vector<256x256xf32> to vector<256x256xbf16>
      %dot_general3A_50 = arith.constant dense<0.000000e+00> : vector<1000x256xf32>
      %dot_general3A_51 = tpu.matmul %convert_element_type3A_48, %convert_element_type3A_49, %dot_general3A_50 {dimension_numbers = #tpu.dot_dimension_numbers<[1], [1], [0], [0], [0, 0, 1, 0], [], []>, transpose_lhs_hint = false} : vector<1000x256xbf16>, vector<256x256xbf16>, vector<1000x256xf32> -> vector<1000x256xf32>
      %get3A_52 = arith.constant 0 : index
      %get3A_53 = arith.constant 0 : index
      %get3A_54 = vector.load %arg7[%get3A_52, %get3A_53] : memref<1x256xf32, #tpu.memory_space<vmem>>, vector<1x256xf32>
      %add3A_55 = vector.broadcast %get3A_54 : vector<1x256xf32> to vector<1000x256xf32>
      %add3A_56 = arith.addf %dot_general3A_51, %add3A_55 : vector<1000x256xf32>
      %max3A_57 = arith.constant 0.000000e+00 : f32
      %max3A_58 = vector.broadcast %max3A_57 : f32 to vector<1000x256xf32>
      %max3A_59 = arith.maximumf %add3A_56, %max3A_58 : vector<1000x256xf32>
      %mul3A = arith.constant 1000 : i32
      %mul3A_60 = arith.muli %arg1, %mul3A : i32
      %swap3A = arith.index_cast %mul3A_60 : i32 to index
      %swap3A_61 = arith.constant 0 : index
      %swap3A_62 = vector.load %arg11[%swap3A, %swap3A_61] : memref<10000x256xf32, #tpu.memory_space<vmem>>, vector<1000x256xf32>
      tpu.vector_store %arg11[%swap3A, %swap3A_61], %max3A_59 {strides = array<i32>} : memref<10000x256xf32, #tpu.memory_space<vmem>>, vector<1000x256xf32>,
      %reduce_sum3A = arith.constant dense<0.000000e+00> : vector<256xf32>
      %reduce_sum3A_63 = vector.multi_reduction <add>, %max3A_59, %reduce_sum3A [0] : vector<1000x256xf32> to vector<256xf32>
      %broadcast_in_dim3A = vector.shape_cast %reduce_sum3A_63 : vector<256xf32> to vector<1x256xf32>
      %eq3A_64 = arith.constant 0 : i32
      %eq3A_65 = arith.cmpi eq, %arg1, %eq3A_64 : i32
      %convert_element_type3A_66 = arith.extui %eq3A_65 : i1 to i32
      %cond3A_67 = arith.constant 0 : i32
      %cond3A_68 = arith.cmpi ne, %convert_element_type3A_66, %cond3A_67 : i32
      scf.if %cond3A_68 {
        %swap3A_73 = arith.constant 0 : index
        %swap3A_74 = arith.constant 0 : index
        %swap3A_75 = vector.load %arg12[%swap3A_73, %swap3A_74] : memref<1x256xf32, #tpu.memory_space<vmem>>, vector<1x256xf32>
        tpu.vector_store %arg12[%swap3A_73, %swap3A_74], %broadcast_in_dim3A {strides = array<i32>} : memref<1x256xf32, #tpu.memory_space<vmem>>, vector<1x256xf32>,
      } else {
      }
      %gt3A = arith.constant 0 : i32
      %gt3A_69 = arith.cmpi sgt, %arg1, %gt3A : i32
      %convert_element_type3A_70 = arith.extui %gt3A_69 : i1 to i32
      %cond3A_71 = arith.constant 0 : i32
      %cond3A_72 = arith.cmpi ne, %convert_element_type3A_70, %cond3A_71 : i32
      scf.if %cond3A_72 {
        %get3A_73 = arith.constant 0 : index
        %get3A_74 = arith.constant 0 : index
        %get3A_75 = vector.load %arg12[%get3A_73, %get3A_74] : memref<1x256xf32, #tpu.memory_space<vmem>>, vector<1x256xf32>
        %add3A_76 = arith.addf %get3A_75, %broadcast_in_dim3A : vector<1x256xf32>
        %swap3A_77 = arith.constant 0 : index
        %swap3A_78 = arith.constant 0 : index
        %swap3A_79 = vector.load %arg12[%swap3A_77, %swap3A_78] : memref<1x256xf32, #tpu.memory_space<vmem>>, vector<1x256xf32>
        tpu.vector_store %arg12[%swap3A_77, %swap3A_78], %add3A_76 {strides = array<i32>} : memref<1x256xf32, #tpu.memory_space<vmem>>, vector<1x256xf32>,
      } else {
      }
    } else {
    }
    %eq3A_2 = arith.constant 1 : i32
    %eq3A_3 = arith.cmpi eq, %arg0, %eq3A_2 : i32
    %convert_element_type3A_4 = arith.extui %eq3A_3 : i1 to i32
    %cond3A_5 = arith.constant 0 : i32
    %cond3A_6 = arith.cmpi ne, %convert_element_type3A_4, %cond3A_5 : i32
    scf.if %cond3A_6 {
      %get3A = arith.constant 0 : index
      %get3A_12 = arith.constant 0 : index
      %get3A_13 = vector.load %arg12[%get3A, %get3A_12] : memref<1x256xf32, #tpu.memory_space<vmem>>, vector<1x256xf32>
      %mul3A = arith.constant 9.99999974E-5 : f32
      %mul3A_14 = vector.broadcast %mul3A : f32 to vector<1x256xf32>
      %mul3A_15 = arith.mulf %get3A_13, %mul3A_14 : vector<1x256xf32>
      %mul3A_16 = arith.constant 1000 : i32
      %mul3A_17 = arith.muli %arg1, %mul3A_16 : i32
      %get3A_18 = arith.index_cast %mul3A_17 : i32 to index
      %get3A_19 = arith.constant 0 : index
      %get3A_20 = vector.load %arg11[%get3A_18, %get3A_19] : memref<10000x256xf32, #tpu.memory_space<vmem>>, vector<1000x256xf32>
      %sub3A = vector.broadcast %mul3A_15 : vector<1x256xf32> to vector<1000x256xf32>
      %sub3A_21 = arith.subf %get3A_20, %sub3A : vector<1000x256xf32>
      %mul3A_22 = arith.mulf %sub3A_21, %sub3A_21 : vector<1000x256xf32>
      %reduce_sum3A = arith.constant dense<0.000000e+00> : vector<256xf32>
      %reduce_sum3A_23 = vector.multi_reduction <add>, %mul3A_22, %reduce_sum3A [0] : vector<1000x256xf32> to vector<256xf32>
      %broadcast_in_dim3A = vector.shape_cast %reduce_sum3A_23 : vector<256xf32> to vector<1x256xf32>
      %eq3A_24 = arith.constant 0 : i32
      %eq3A_25 = arith.cmpi eq, %arg1, %eq3A_24 : i32
      %convert_element_type3A_26 = arith.extui %eq3A_25 : i1 to i32
      %cond3A_27 = arith.constant 0 : i32
      %cond3A_28 = arith.cmpi ne, %convert_element_type3A_26, %cond3A_27 : i32
      scf.if %cond3A_28 {
        %swap3A = arith.constant 0 : index
        %swap3A_33 = arith.constant 0 : index
        %swap3A_34 = vector.load %arg13[%swap3A, %swap3A_33] : memref<1x256xf32, #tpu.memory_space<vmem>>, vector<1x256xf32>
        tpu.vector_store %arg13[%swap3A, %swap3A_33], %broadcast_in_dim3A {strides = array<i32>} : memref<1x256xf32, #tpu.memory_space<vmem>>, vector<1x256xf32>,
      } else {
      }
      %gt3A = arith.constant 0 : i32
      %gt3A_29 = arith.cmpi sgt, %arg1, %gt3A : i32
      %convert_element_type3A_30 = arith.extui %gt3A_29 : i1 to i32
      %cond3A_31 = arith.constant 0 : i32
      %cond3A_32 = arith.cmpi ne, %convert_element_type3A_30, %cond3A_31 : i32
      scf.if %cond3A_32 {
        %get3A_33 = arith.constant 0 : index
        %get3A_34 = arith.constant 0 : index
        %get3A_35 = vector.load %arg13[%get3A_33, %get3A_34] : memref<1x256xf32, #tpu.memory_space<vmem>>, vector<1x256xf32>
        %add3A = arith.addf %get3A_35, %broadcast_in_dim3A : vector<1x256xf32>
        %swap3A = arith.constant 0 : index
        %swap3A_36 = arith.constant 0 : index
        %swap3A_37 = vector.load %arg13[%swap3A, %swap3A_36] : memref<1x256xf32, #tpu.memory_space<vmem>>, vector<1x256xf32>
        tpu.vector_store %arg13[%swap3A, %swap3A_36], %add3A {strides = array<i32>} : memref<1x256xf32, #tpu.memory_space<vmem>>, vector<1x256xf32>,
      } else {
      }
    } else {
    }
    %eq3A_7 = arith.constant 2 : i32
    %eq3A_8 = arith.cmpi eq, %arg0, %eq3A_7 : i32
    %convert_element_type3A_9 = arith.extui %eq3A_8 : i1 to i32
    %cond3A_10 = arith.constant 0 : i32
    %cond3A_11 = arith.cmpi ne, %convert_element_type3A_9, %cond3A_10 : i32
    scf.if %cond3A_11 {
      %get3A = arith.constant 0 : index
      %get3A_12 = arith.constant 0 : index
      %get3A_13 = vector.load %arg12[%get3A, %get3A_12] : memref<1x256xf32, #tpu.memory_space<vmem>>, vector<1x256xf32>
      %mul3A = arith.constant 9.99999974E-5 : f32
      %mul3A_14 = vector.broadcast %mul3A : f32 to vector<1x256xf32>
      %mul3A_15 = arith.mulf %get3A_13, %mul3A_14 : vector<1x256xf32>
      %get3A_16 = arith.constant 0 : index
      %get3A_17 = arith.constant 0 : index
      %get3A_18 = vector.load %arg13[%get3A_16, %get3A_17] : memref<1x256xf32, #tpu.memory_space<vmem>>, vector<1x256xf32>
      %mul3A_19 = arith.constant 9.99999974E-5 : f32
      %mul3A_20 = vector.broadcast %mul3A_19 : f32 to vector<1x256xf32>
      %mul3A_21 = arith.mulf %get3A_18, %mul3A_20 : vector<1x256xf32>
      %mul3A_22 = arith.constant 1000 : i32
      %mul3A_23 = arith.muli %arg1, %mul3A_22 : i32
      %get3A_24 = arith.index_cast %mul3A_23 : i32 to index
      %get3A_25 = arith.constant 0 : index
      %get3A_26 = vector.load %arg11[%get3A_24, %get3A_25] : memref<10000x256xf32, #tpu.memory_space<vmem>>, vector<1000x256xf32>
      %get3A_27 = arith.constant 0 : index
      %get3A_28 = arith.constant 0 : index
      %get3A_29 = vector.load %arg8[%get3A_27, %get3A_28] : memref<1x256xf32, #tpu.memory_space<vmem>>, vector<1x256xf32>
      %sub3A = vector.broadcast %mul3A_15 : vector<1x256xf32> to vector<1000x256xf32>
      %sub3A_30 = arith.subf %get3A_26, %sub3A : vector<1000x256xf32>
      %mul3A_31 = vector.broadcast %get3A_29 : vector<1x256xf32> to vector<1000x256xf32>
      %mul3A_32 = arith.mulf %mul3A_31, %sub3A_30 : vector<1000x256xf32>
      %add3A = arith.constant 9.99999974E-6 : f32
      %add3A_33 = vector.broadcast %add3A : f32 to vector<1x256xf32>
      %add3A_34 = arith.addf %mul3A_21, %add3A_33 : vector<1x256xf32>
      %sqrt3A = math.sqrt %add3A_34 : vector<1x256xf32>
      %div3A = vector.broadcast %sqrt3A : vector<1x256xf32> to vector<1000x256xf32>
      %div3A_35 = arith.divf %mul3A_32, %div3A : vector<1000x256xf32>
      %get3A_36 = arith.constant 0 : index
      %get3A_37 = arith.constant 0 : index
      %get3A_38 = vector.load %arg9[%get3A_36, %get3A_37] : memref<1x256xf32, #tpu.memory_space<vmem>>, vector<1x256xf32>
      %add3A_39 = vector.broadcast %get3A_38 : vector<1x256xf32> to vector<1000x256xf32>
      %add3A_40 = arith.addf %div3A_35, %add3A_39 : vector<1000x256xf32>
      %slice3A = vector.extract_strided_slice %add3A_40 {offsets = [0, 0], sizes = [1000, 128], strides = [1, 1]} : vector<1000x256xf32> to vector<1000x128xf32>
      %swap3A = arith.constant 0 : index
      %swap3A_41 = arith.constant 0 : index
      %swap3A_42 = arith.constant 0 : index
      %swap3A_43 = vector.load %arg10[%swap3A, %swap3A_41, %swap3A_42] : memref<2x1000x128xf32, #tpu.memory_space<vmem>>, vector<1x1000x128xf32>
      %swap3A_44 = vector.shape_cast %swap3A_43 : vector<1x1000x128xf32> to vector<1000x128xf32>
      %swap3A_45 = vector.shape_cast %slice3A : vector<1000x128xf32> to vector<1x1000x128xf32>
      tpu.vector_store %arg10[%swap3A, %swap3A_41, %swap3A_42], %swap3A_45 {strides = array<i32>} : memref<2x1000x128xf32, #tpu.memory_space<vmem>>, vector<1x1000x128xf32>,
      %slice3A_46 = vector.extract_strided_slice %add3A_40 {offsets = [0, 128], sizes = [1000, 128], strides = [1, 1]} : vector<1000x256xf32> to vector<1000x128xf32>
      %swap3A_47 = arith.constant 1 : index
      %swap3A_48 = arith.constant 0 : index
      %swap3A_49 = arith.constant 0 : index
      %swap3A_50 = vector.load %arg10[%swap3A_47, %swap3A_48, %swap3A_49] : memref<2x1000x128xf32, #tpu.memory_space<vmem>>, vector<1x1000x128xf32>
      %swap3A_51 = vector.shape_cast %swap3A_50 : vector<1x1000x128xf32> to vector<1000x128xf32>
      %swap3A_52 = vector.shape_cast %slice3A_46 : vector<1000x128xf32> to vector<1x1000x128xf32>
      tpu.vector_store %arg10[%swap3A_47, %swap3A_48, %swap3A_49], %swap3A_52 {strides = array<i32>} : memref<2x1000x128xf32, #tpu.memory_space<vmem>>, vector<1x1000x128xf32>,
    } else {
    }
    return
  }
  func.func @transform_0(%arg0: i32, %arg1: i32) -> (i32, i32, i32) {
    %c0_i32 = arith.constant 0 : i32
    %c0_i32_0 = arith.constant 0 : i32
    %c0_i32_1 = arith.constant 0 : i32
    return %c0_i32, %arg1, %c0_i32_0 : i32, i32, i32
  }
  func.func @transform_1(%arg0: i32, %arg1: i32) -> (i32, i32, i32) {
    %c0_i32 = arith.constant 0 : i32
    %c0_i32_0 = arith.constant 0 : i32
    %c0_i32_1 = arith.constant 0 : i32
    return %c0_i32, %arg1, %c0_i32_0 : i32, i32, i32
  }
  func.func @transform_2(%arg0: i32, %arg1: i32) -> (i32, i32) {
    %c0_i32 = arith.constant 0 : i32
    %c0_i32_0 = arith.constant 0 : i32
    %c0_i32_1 = arith.constant 0 : i32
    return %c0_i32, %c0_i32_0 : i32, i32
  }
  func.func @transform_3(%arg0: i32, %arg1: i32) -> (i32, i32) {
    %c0_i32 = arith.constant 0 : i32
    %c0_i32_0 = arith.constant 0 : i32
    %c0_i32_1 = arith.constant 0 : i32
    return %c0_i32, %c0_i32_0 : i32, i32
  }
  func.func @transform_4(%arg0: i32, %arg1: i32) -> (i32, i32) {
    %c0_i32 = arith.constant 0 : i32
    %c0_i32_0 = arith.constant 0 : i32
    %c0_i32_1 = arith.constant 0 : i32
    return %c0_i32, %c0_i32_0 : i32, i32
  }
  func.func @transform_5(%arg0: i32, %arg1: i32) -> (i32, i32) {
    %c0_i32 = arith.constant 0 : i32
    %c0_i32_0 = arith.constant 0 : i32
    %c0_i32_1 = arith.constant 0 : i32
    return %c0_i32, %c0_i32_0 : i32, i32
  }
  func.func @transform_6(%arg0: i32, %arg1: i32) -> (i32, i32) {
    %c0_i32 = arith.constant 0 : i32
    %c0_i32_0 = arith.constant 0 : i32
    %c0_i32_1 = arith.constant 0 : i32
    return %c0_i32, %c0_i32_0 : i32, i32
  }
  func.func @transform_7(%arg0: i32, %arg1: i32) -> (i32, i32) {
    %c0_i32 = arith.constant 0 : i32
    %c0_i32_0 = arith.constant 0 : i32
    %c0_i32_1 = arith.constant 0 : i32
    return %c0_i32, %c0_i32_0 : i32, i32
  }
  func.func @transform_8(%arg0: i32, %arg1: i32) -> (i32, i32, i32) {
    %c0_i32 = arith.constant 0 : i32
    %c0_i32_0 = arith.constant 0 : i32
    %c0_i32_1 = arith.constant 0 : i32
    return %c0_i32, %arg1, %c0_i32_0 : i32, i32, i32
  }
}

module attributes {stable_mosaic.version = 14 : i64} {
  func.func @body(%arg0: i32, %arg1: i32, %arg2: memref<2x1000x128xf32, #tpu.memory_space<vmem>>, %arg3: memref<1x1x1000xi32, #tpu.memory_space<vmem>>, %arg4: memref<1x256xf32, #tpu.memory_space<vmem>>, %arg5: memref<1x1xf32, #tpu.memory_space<vmem>>, %arg6: memref<64x256xf32, #tpu.memory_space<vmem>>, %arg7: memref<1x64xf32, #tpu.memory_space<vmem>>, %arg8: memref<1x64xf32, #tpu.memory_space<vmem>>, %arg9: memref<1x64xf32, #tpu.memory_space<vmem>>, %arg10: memref<2x64xf32, #tpu.memory_space<vmem>>, %arg11: memref<1x2xf32, #tpu.memory_space<vmem>>, %arg12: memref<64x2xf32, #tpu.memory_space<vmem>>, %arg13: memref<64x256xf32, #tpu.memory_space<vmem>>, %arg14: memref<64x1xf32, #tpu.memory_space<vmem>>, %arg15: memref<64x1xf32, #tpu.memory_space<vmem>>) attributes {dimension_semantics = [#tpu.dimension_semantics<arbitrary>, #tpu.dimension_semantics<arbitrary>], iteration_bounds = array<i64: 3, 10>, scalar_prefetch = 0 : i64, scratch_operands = 3 : i64, tpu.core_type = #tpu.core_type<tc>, window_params = [{transform_indices = @transform_0, window_bounds = array<i64: 2, 1000, 128>}, {transform_indices = @transform_1, window_bounds = array<i64: 1, 1, 1000>}, {pipeline_mode = #tpu.pipeline_mode<synchronous>, transform_indices = @transform_2, window_bounds = array<i64: 1, 256>}, {pipeline_mode = #tpu.pipeline_mode<synchronous>, transform_indices = @transform_3, window_bounds = array<i64: 1, 1>}, {pipeline_mode = #tpu.pipeline_mode<synchronous>, transform_indices = @transform_4, window_bounds = array<i64: 64, 256>}, {pipeline_mode = #tpu.pipeline_mode<synchronous>, transform_indices = @transform_5, window_bounds = array<i64: 1, 64>}, {pipeline_mode = #tpu.pipeline_mode<synchronous>, transform_indices = @transform_6, window_bounds = array<i64: 1, 64>}, {pipeline_mode = #tpu.pipeline_mode<synchronous>, transform_indices = @transform_7, window_bounds = array<i64: 1, 64>}, {pipeline_mode = #tpu.pipeline_mode<synchronous>, transform_indices = @transform_8, window_bounds = array<i64: 2, 64>}, {pipeline_mode = #tpu.pipeline_mode<synchronous>, transform_indices = @transform_9, window_bounds = array<i64: 1, 2>}, {pipeline_mode = #tpu.pipeline_mode<synchronous>, transform_indices = @transform_10, window_bounds = array<i64: 64, 2>}]} {
    %get3A = arith.constant 0 : index
    %get3A_0 = arith.constant 0 : index
    %get3A_1 = arith.constant 0 : index
    %get3A_2 = vector.load %arg2[%get3A, %get3A_0, %get3A_1] : memref<2x1000x128xf32, #tpu.memory_space<vmem>>, vector<1x1000x128xf32>
    %get3A_3 = vector.shape_cast %get3A_2 : vector<1x1000x128xf32> to vector<1000x128xf32>
    %get3A_4 = arith.constant 1 : index
    %get3A_5 = arith.constant 0 : index
    %get3A_6 = arith.constant 0 : index
    %get3A_7 = vector.load %arg2[%get3A_4, %get3A_5, %get3A_6] : memref<2x1000x128xf32, #tpu.memory_space<vmem>>, vector<1x1000x128xf32>
    %get3A_8 = vector.shape_cast %get3A_7 : vector<1x1000x128xf32> to vector<1000x128xf32>
    %concatenate3A = tpu.concatenate %get3A_3, %get3A_8 in 1 : vector<1000x128xf32>, vector<1000x128xf32> -> vector<1000x256xf32>
    %get3A_9 = arith.constant 0 : index
    %get3A_10 = arith.constant 0 : index
    %get3A_11 = vector.load %arg4[%get3A_9, %get3A_10] : memref<1x256xf32, #tpu.memory_space<vmem>>, vector<1x256xf32>
    %convert_element_type3A = arith.truncf %get3A_11 : vector<1x256xf32> to vector<1x256xbf16>
    %convert_element_type3A_12 = arith.truncf %concatenate3A : vector<1000x256xf32> to vector<1000x256xbf16>
    %dot_general3A = arith.constant dense<0.000000e+00> : vector<1x1000xf32>
    %dot_general3A_13 = tpu.matmul %convert_element_type3A, %convert_element_type3A_12, %dot_general3A {dimension_numbers = #tpu.dot_dimension_numbers<[1], [1], [0], [0], [0, 0, 1, 0], [], []>, transpose_lhs_hint = false} : vector<1x256xbf16>, vector<1000x256xbf16>, vector<1x1000xf32> -> vector<1x1000xf32>
    %get3A_14 = arith.constant 0 : index
    %get3A_15 = arith.constant 0 : index
    %get3A_16 = vector.load %arg5[%get3A_14, %get3A_15] : memref<1x1xf32, #tpu.memory_space<vmem>>, vector<1x1xf32>
    %get3A_17 = vector.extract %get3A_16[0, 0] : f32 from vector<1x1xf32>
    %add3A = vector.broadcast %get3A_17 : f32 to vector<1x1000xf32>
    %add3A_18 = arith.addf %dot_general3A_13, %add3A : vector<1x1000xf32>
    %iota3A = tpu.iota {dimensions = array<i32: 0>} : vector<64x1000xi32>
    %get3A_19 = arith.constant 0 : index
    %get3A_20 = arith.constant 0 : index
    %get3A_21 = arith.constant 0 : index
    %get3A_22 = vector.load %arg3[%get3A_19, %get3A_20, %get3A_21] : memref<1x1x1000xi32, #tpu.memory_space<vmem>>, vector<1x1x1000xi32>
    %get3A_23 = vector.shape_cast %get3A_22 : vector<1x1x1000xi32> to vector<1x1000xi32>
    %eq3A = vector.broadcast %get3A_23 : vector<1x1000xi32> to vector<64x1000xi32>
    %eq3A_24 = arith.cmpi eq, %eq3A, %iota3A : vector<64x1000xi32>
    %eq3A_25 = arith.constant 0 : i32
    %eq3A_26 = arith.cmpi eq, %arg0, %eq3A_25 : i32
    %convert_element_type3A_27 = arith.extui %eq3A_26 : i1 to i32
    %cond3A = arith.constant 0xFF800000 : f32
    %cond3A_28 = arith.constant 0 : i32
    %cond3A_29 = arith.cmpi ne, %convert_element_type3A_27, %cond3A_28 : i32
    scf.if %cond3A_29 {
      %broadcast_in_dim3A = vector.shape_cast %add3A_18 : vector<1x1000xf32> to vector<1x1000xf32>
      %broadcast_in_dim3A_42 = vector.broadcast %broadcast_in_dim3A : vector<1x1000xf32> to vector<64x1000xf32>
      %broadcast_in_dim3A_43 = vector.broadcast %cond3A : f32 to vector<64x1000xf32>
      %select_n3A = arith.select %eq3A_24, %broadcast_in_dim3A_42, %broadcast_in_dim3A_43 : vector<64x1000xi1>, vector<64x1000xf32>
      %reduce_max3A = arith.constant dense<0xFF800000> : vector<64xf32>
      %reduce_max3A_44 = vector.multi_reduction <maximumf>, %select_n3A, %reduce_max3A [1] : vector<64x1000xf32> to vector<64xf32>
      %broadcast_in_dim3A_45 = vector.shape_cast %reduce_max3A_44 : vector<64xf32> to vector<64x1xf32>
      %eq3A_46 = arith.constant 0 : i32
      %eq3A_47 = arith.cmpi eq, %arg1, %eq3A_46 : i32
      %convert_element_type3A_48 = arith.extui %eq3A_47 : i1 to i32
      %cond3A_49 = arith.constant 0 : i32
      %cond3A_50 = arith.cmpi ne, %convert_element_type3A_48, %cond3A_49 : i32
      scf.if %cond3A_50 {
        %swap3A = arith.constant 0 : index
        %swap3A_55 = arith.constant 0 : index
        %swap3A_56 = vector.load %arg15[%swap3A, %swap3A_55] : memref<64x1xf32, #tpu.memory_space<vmem>>, vector<64x1xf32>
        tpu.vector_store %arg15[%swap3A, %swap3A_55], %broadcast_in_dim3A_45 {strides = array<i32>} : memref<64x1xf32, #tpu.memory_space<vmem>>, vector<64x1xf32>,
      } else {
      }
      %gt3A = arith.constant 0 : i32
      %gt3A_51 = arith.cmpi sgt, %arg1, %gt3A : i32
      %convert_element_type3A_52 = arith.extui %gt3A_51 : i1 to i32
      %cond3A_53 = arith.constant 0 : i32
      %cond3A_54 = arith.cmpi ne, %convert_element_type3A_52, %cond3A_53 : i32
      scf.if %cond3A_54 {
        %get3A_55 = arith.constant 0 : index
        %get3A_56 = arith.constant 0 : index
        %get3A_57 = vector.load %arg15[%get3A_55, %get3A_56] : memref<64x1xf32, #tpu.memory_space<vmem>>, vector<64x1xf32>
        %max3A = arith.maximumf %get3A_57, %broadcast_in_dim3A_45 : vector<64x1xf32>
        %swap3A = arith.constant 0 : index
        %swap3A_58 = arith.constant 0 : index
        %swap3A_59 = vector.load %arg15[%swap3A, %swap3A_58] : memref<64x1xf32, #tpu.memory_space<vmem>>, vector<64x1xf32>
        tpu.vector_store %arg15[%swap3A, %swap3A_58], %max3A {strides = array<i32>} : memref<64x1xf32, #tpu.memory_space<vmem>>, vector<64x1xf32>,
      } else {
      }
    } else {
    }
    %eq3A_30 = arith.constant 1 : i32
    %eq3A_31 = arith.cmpi eq, %arg0, %eq3A_30 : i32
    %convert_element_type3A_32 = arith.extui %eq3A_31 : i1 to i32
    %cond3A_33 = arith.constant 0xFF800000 : f32
    %cond3A_34 = arith.constant 0 : i32
    %cond3A_35 = arith.cmpi ne, %convert_element_type3A_32, %cond3A_34 : i32
    scf.if %cond3A_35 {
      %get3A_42 = arith.constant 0 : index
      %get3A_43 = arith.constant 0 : index
      %get3A_44 = vector.load %arg15[%get3A_42, %get3A_43] : memref<64x1xf32, #tpu.memory_space<vmem>>, vector<64x1xf32>
      %broadcast_in_dim3A = vector.shape_cast %get3A_44 : vector<64x1xf32> to vector<64x1xf32>
      %broadcast_in_dim3A_45 = vector.broadcast %broadcast_in_dim3A : vector<64x1xf32> to vector<64x1000xf32>
      %broadcast_in_dim3A_46 = vector.broadcast %cond3A_33 : f32 to vector<64x1000xf32>
      %select_n3A = arith.select %eq3A_24, %broadcast_in_dim3A_45, %broadcast_in_dim3A_46 : vector<64x1000xi1>, vector<64x1000xf32>
      %reduce_max3A = arith.constant dense<0xFF800000> : vector<1000xf32>
      %reduce_max3A_47 = vector.multi_reduction <maximumf>, %select_n3A, %reduce_max3A [0] : vector<64x1000xf32> to vector<1000xf32>
      %broadcast_in_dim3A_48 = vector.shape_cast %reduce_max3A_47 : vector<1000xf32> to vector<1x1000xf32>
      %sub3A = arith.subf %add3A_18, %broadcast_in_dim3A_48 : vector<1x1000xf32>
      %exp3A = math.exp %sub3A : vector<1x1000xf32>
      %broadcast_in_dim3A_49 = vector.shape_cast %exp3A : vector<1x1000xf32> to vector<1x1000xf32>
      %broadcast_in_dim3A_50 = vector.broadcast %broadcast_in_dim3A_49 : vector<1x1000xf32> to vector<64x1000xf32>
      %jit3A = arith.constant 0.000000e+00 : f32
      %broadcast_in_dim3A_51 = vector.broadcast %jit3A : f32 to vector<64x1000xf32>
      %select_n3A_52 = arith.select %eq3A_24, %broadcast_in_dim3A_50, %broadcast_in_dim3A_51 : vector<64x1000xi1>, vector<64x1000xf32>
      %reduce_sum3A = arith.constant dense<0.000000e+00> : vector<64xf32>
      %reduce_sum3A_53 = vector.multi_reduction <add>, %select_n3A_52, %reduce_sum3A [1] : vector<64x1000xf32> to vector<64xf32>
      %broadcast_in_dim3A_54 = vector.shape_cast %reduce_sum3A_53 : vector<64xf32> to vector<64x1xf32>
      %eq3A_55 = arith.constant 0 : i32
      %eq3A_56 = arith.cmpi eq, %arg1, %eq3A_55 : i32
      %convert_element_type3A_57 = arith.extui %eq3A_56 : i1 to i32
      %cond3A_58 = arith.constant 0 : i32
      %cond3A_59 = arith.cmpi ne, %convert_element_type3A_57, %cond3A_58 : i32
      scf.if %cond3A_59 {
        %swap3A = arith.constant 0 : index
        %swap3A_64 = arith.constant 0 : index
        %swap3A_65 = vector.load %arg14[%swap3A, %swap3A_64] : memref<64x1xf32, #tpu.memory_space<vmem>>, vector<64x1xf32>
        tpu.vector_store %arg14[%swap3A, %swap3A_64], %broadcast_in_dim3A_54 {strides = array<i32>} : memref<64x1xf32, #tpu.memory_space<vmem>>, vector<64x1xf32>,
      } else {
      }
      %gt3A = arith.constant 0 : i32
      %gt3A_60 = arith.cmpi sgt, %arg1, %gt3A : i32
      %convert_element_type3A_61 = arith.extui %gt3A_60 : i1 to i32
      %cond3A_62 = arith.constant 0 : i32
      %cond3A_63 = arith.cmpi ne, %convert_element_type3A_61, %cond3A_62 : i32
      scf.if %cond3A_63 {
        %get3A_64 = arith.constant 0 : index
        %get3A_65 = arith.constant 0 : index
        %get3A_66 = vector.load %arg14[%get3A_64, %get3A_65] : memref<64x1xf32, #tpu.memory_space<vmem>>, vector<64x1xf32>
        %add3A_67 = arith.addf %get3A_66, %broadcast_in_dim3A_54 : vector<64x1xf32>
        %swap3A = arith.constant 0 : index
        %swap3A_68 = arith.constant 0 : index
        %swap3A_69 = vector.load %arg14[%swap3A, %swap3A_68] : memref<64x1xf32, #tpu.memory_space<vmem>>, vector<64x1xf32>
        tpu.vector_store %arg14[%swap3A, %swap3A_68], %add3A_67 {strides = array<i32>} : memref<64x1xf32, #tpu.memory_space<vmem>>, vector<64x1xf32>,
      } else {
      }
    } else {
    }
    %eq3A_36 = arith.constant 2 : i32
    %eq3A_37 = arith.cmpi eq, %arg0, %eq3A_36 : i32
    %convert_element_type3A_38 = arith.extui %eq3A_37 : i1 to i32
    %cond3A_39 = arith.constant 0xFF800000 : f32
    %cond3A_40 = arith.constant 0 : i32
    %cond3A_41 = arith.cmpi ne, %convert_element_type3A_38, %cond3A_40 : i32
    scf.if %cond3A_41 {
      %get3A_42 = arith.constant 0 : index
      %get3A_43 = arith.constant 0 : index
      %get3A_44 = vector.load %arg15[%get3A_42, %get3A_43] : memref<64x1xf32, #tpu.memory_space<vmem>>, vector<64x1xf32>
      %broadcast_in_dim3A = vector.shape_cast %get3A_44 : vector<64x1xf32> to vector<64x1xf32>
      %broadcast_in_dim3A_45 = vector.broadcast %broadcast_in_dim3A : vector<64x1xf32> to vector<64x1000xf32>
      %broadcast_in_dim3A_46 = vector.broadcast %cond3A_39 : f32 to vector<64x1000xf32>
      %select_n3A = arith.select %eq3A_24, %broadcast_in_dim3A_45, %broadcast_in_dim3A_46 : vector<64x1000xi1>, vector<64x1000xf32>
      %reduce_max3A = arith.constant dense<0xFF800000> : vector<1000xf32>
      %reduce_max3A_47 = vector.multi_reduction <maximumf>, %select_n3A, %reduce_max3A [0] : vector<64x1000xf32> to vector<1000xf32>
      %broadcast_in_dim3A_48 = vector.shape_cast %reduce_max3A_47 : vector<1000xf32> to vector<1x1000xf32>
      %get3A_49 = arith.constant 0 : index
      %get3A_50 = arith.constant 0 : index
      %get3A_51 = vector.load %arg14[%get3A_49, %get3A_50] : memref<64x1xf32, #tpu.memory_space<vmem>>, vector<64x1xf32>
      %broadcast_in_dim3A_52 = vector.shape_cast %get3A_51 : vector<64x1xf32> to vector<64x1xf32>
      %broadcast_in_dim3A_53 = vector.broadcast %broadcast_in_dim3A_52 : vector<64x1xf32> to vector<64x1000xf32>
      %broadcast_in_dim3A_54 = vector.broadcast %cond3A_39 : f32 to vector<64x1000xf32>
      %select_n3A_55 = arith.select %eq3A_24, %broadcast_in_dim3A_53, %broadcast_in_dim3A_54 : vector<64x1000xi1>, vector<64x1000xf32>
      %reduce_max3A_56 = arith.constant dense<0xFF800000> : vector<1000xf32>
      %reduce_max3A_57 = vector.multi_reduction <maximumf>, %select_n3A_55, %reduce_max3A_56 [0] : vector<64x1000xf32> to vector<1000xf32>
      %broadcast_in_dim3A_58 = vector.shape_cast %reduce_max3A_57 : vector<1000xf32> to vector<1x1000xf32>
      %sub3A = arith.subf %add3A_18, %broadcast_in_dim3A_48 : vector<1x1000xf32>
      %exp3A = math.exp %sub3A : vector<1x1000xf32>
      %div3A = arith.divf %exp3A, %broadcast_in_dim3A_58 : vector<1x1000xf32>
      %broadcast_in_dim3A_59 = vector.shape_cast %div3A : vector<1x1000xf32> to vector<1x1000xf32>
      %broadcast_in_dim3A_60 = vector.broadcast %broadcast_in_dim3A_59 : vector<1x1000xf32> to vector<64x1000xf32>
      %jit3A = arith.constant 0.000000e+00 : f32
      %broadcast_in_dim3A_61 = vector.broadcast %jit3A : f32 to vector<64x1000xf32>
      %select_n3A_62 = arith.select %eq3A_24, %broadcast_in_dim3A_60, %broadcast_in_dim3A_61 : vector<64x1000xi1>, vector<64x1000xf32>
      %dot_general3A_63 = arith.constant dense<0.000000e+00> : vector<64x256xf32>
      %dot_general3A_64 = tpu.matmul %select_n3A_62, %concatenate3A, %dot_general3A_63 {dimension_numbers = #tpu.dot_dimension_numbers<[1], [0], [0], [1], [0, 0, 1, 1], [], []>, precision = #tpu.contract_precision<fp32>, transpose_lhs_hint = false} : vector<64x1000xf32>, vector<1000x256xf32>, vector<64x256xf32> -> vector<64x256xf32>
      %eq3A_65 = arith.constant 0 : i32
      %eq3A_66 = arith.cmpi eq, %arg1, %eq3A_65 : i32
      %convert_element_type3A_67 = arith.extui %eq3A_66 : i1 to i32
      %cond3A_68 = arith.constant 0 : i32
      %cond3A_69 = arith.cmpi ne, %convert_element_type3A_67, %cond3A_68 : i32
      scf.if %cond3A_69 {
        %swap3A = arith.constant 0 : index
        %swap3A_79 = arith.constant 0 : index
        %swap3A_80 = vector.load %arg13[%swap3A, %swap3A_79] : memref<64x256xf32, #tpu.memory_space<vmem>>, vector<64x256xf32>
        tpu.vector_store %arg13[%swap3A, %swap3A_79], %dot_general3A_64 {strides = array<i32>} : memref<64x256xf32, #tpu.memory_space<vmem>>, vector<64x256xf32>,
      } else {
      }
      %gt3A = arith.constant 0 : i32
      %gt3A_70 = arith.cmpi sgt, %arg1, %gt3A : i32
      %convert_element_type3A_71 = arith.extui %gt3A_70 : i1 to i32
      %cond3A_72 = arith.constant 0 : i32
      %cond3A_73 = arith.cmpi ne, %convert_element_type3A_71, %cond3A_72 : i32
      scf.if %cond3A_73 {
        %get3A_79 = arith.constant 0 : index
        %get3A_80 = arith.constant 0 : index
        %get3A_81 = vector.load %arg13[%get3A_79, %get3A_80] : memref<64x256xf32, #tpu.memory_space<vmem>>, vector<64x256xf32>
        %add3A_82 = arith.addf %get3A_81, %dot_general3A_64 : vector<64x256xf32>
        %swap3A = arith.constant 0 : index
        %swap3A_83 = arith.constant 0 : index
        %swap3A_84 = vector.load %arg13[%swap3A, %swap3A_83] : memref<64x256xf32, #tpu.memory_space<vmem>>, vector<64x256xf32>
        tpu.vector_store %arg13[%swap3A, %swap3A_83], %add3A_82 {strides = array<i32>} : memref<64x256xf32, #tpu.memory_space<vmem>>, vector<64x256xf32>,
      } else {
      }
      %eq3A_74 = arith.constant 9 : i32
      %eq3A_75 = arith.cmpi eq, %arg1, %eq3A_74 : i32
      %convert_element_type3A_76 = arith.extui %eq3A_75 : i1 to i32
      %cond3A_77 = arith.constant 0 : i32
      %cond3A_78 = arith.cmpi ne, %convert_element_type3A_76, %cond3A_77 : i32
      scf.if %cond3A_78 {
        %get3A_79 = arith.constant 0 : index
        %get3A_80 = arith.constant 0 : index
        %get3A_81 = vector.load %arg13[%get3A_79, %get3A_80] : memref<64x256xf32, #tpu.memory_space<vmem>>, vector<64x256xf32>
        %get3A_82 = arith.constant 0 : index
        %get3A_83 = arith.constant 0 : index
        %get3A_84 = vector.load %arg6[%get3A_82, %get3A_83] : memref<64x256xf32, #tpu.memory_space<vmem>>, vector<64x256xf32>
        %convert_element_type3A_85 = arith.truncf %get3A_81 : vector<64x256xf32> to vector<64x256xbf16>
        %convert_element_type3A_86 = arith.truncf %get3A_84 : vector<64x256xf32> to vector<64x256xbf16>
        %dot_general3A_87 = arith.constant dense<0.000000e+00> : vector<64x64xf32>
        %dot_general3A_88 = tpu.matmul %convert_element_type3A_85, %convert_element_type3A_86, %dot_general3A_87 {dimension_numbers = #tpu.dot_dimension_numbers<[1], [1], [0], [0], [0, 0, 1, 0], [], []>, transpose_lhs_hint = false} : vector<64x256xbf16>, vector<64x256xbf16>, vector<64x64xf32> -> vector<64x64xf32>
        %get3A_89 = arith.constant 0 : index
        %get3A_90 = arith.constant 0 : index
        %get3A_91 = vector.load %arg7[%get3A_89, %get3A_90] : memref<1x64xf32, #tpu.memory_space<vmem>>, vector<1x64xf32>
        %add3A_92 = vector.broadcast %get3A_91 : vector<1x64xf32> to vector<64x64xf32>
        %add3A_93 = arith.addf %dot_general3A_88, %add3A_92 : vector<64x64xf32>
        %max3A = arith.constant 0.000000e+00 : f32
        %max3A_94 = vector.broadcast %max3A : f32 to vector<64x64xf32>
        %max3A_95 = arith.maximumf %add3A_93, %max3A_94 : vector<64x64xf32>
        %reduce_sum3A = arith.constant dense<0.000000e+00> : vector<64xf32>
        %reduce_sum3A_96 = vector.multi_reduction <add>, %max3A_95, %reduce_sum3A [0] : vector<64x64xf32> to vector<64xf32>
        %broadcast_in_dim3A_97 = vector.shape_cast %reduce_sum3A_96 : vector<64xf32> to vector<1x64xf32>
        %div3A_98 = arith.constant 6.400000e+01 : f32
        %div3A_99 = vector.broadcast %div3A_98 : f32 to vector<1x64xf32>
        %div3A_100 = arith.divf %broadcast_in_dim3A_97, %div3A_99 : vector<1x64xf32>
        %sub3A_101 = vector.broadcast %div3A_100 : vector<1x64xf32> to vector<64x64xf32>
        %sub3A_102 = arith.subf %max3A_95, %sub3A_101 : vector<64x64xf32>
        %mul3A = arith.mulf %sub3A_102, %sub3A_102 : vector<64x64xf32>
        %reduce_sum3A_103 = arith.constant dense<0.000000e+00> : vector<64xf32>
        %reduce_sum3A_104 = vector.multi_reduction <add>, %mul3A, %reduce_sum3A_103 [0] : vector<64x64xf32> to vector<64xf32>
        %broadcast_in_dim3A_105 = vector.shape_cast %reduce_sum3A_104 : vector<64xf32> to vector<1x64xf32>
        %div3A_106 = arith.constant 6.400000e+01 : f32
        %div3A_107 = vector.broadcast %div3A_106 : f32 to vector<1x64xf32>
        %div3A_108 = arith.divf %broadcast_in_dim3A_105, %div3A_107 : vector<1x64xf32>
        %get3A_109 = arith.constant 0 : index
        %get3A_110 = arith.constant 0 : index
        %get3A_111 = vector.load %arg8[%get3A_109, %get3A_110] : memref<1x64xf32, #tpu.memory_space<vmem>>, vector<1x64xf32>
        %mul3A_112 = vector.broadcast %get3A_111 : vector<1x64xf32> to vector<64x64xf32>
        %mul3A_113 = arith.mulf %mul3A_112, %sub3A_102 : vector<64x64xf32>
        %add3A_114 = arith.constant 9.99999974E-6 : f32
        %add3A_115 = vector.broadcast %add3A_114 : f32 to vector<1x64xf32>
        %add3A_116 = arith.addf %div3A_108, %add3A_115 : vector<1x64xf32>
        %sqrt3A = math.sqrt %add3A_116 : vector<1x64xf32>
        %div3A_117 = vector.broadcast %sqrt3A : vector<1x64xf32> to vector<64x64xf32>
        %div3A_118 = arith.divf %mul3A_113, %div3A_117 : vector<64x64xf32>
        %get3A_119 = arith.constant 0 : index
        %get3A_120 = arith.constant 0 : index
        %get3A_121 = vector.load %arg9[%get3A_119, %get3A_120] : memref<1x64xf32, #tpu.memory_space<vmem>>, vector<1x64xf32>
        %add3A_122 = vector.broadcast %get3A_121 : vector<1x64xf32> to vector<64x64xf32>
        %add3A_123 = arith.addf %div3A_118, %add3A_122 : vector<64x64xf32>
        %get3A_124 = arith.constant 0 : index
        %get3A_125 = arith.constant 0 : index
        %get3A_126 = vector.load %arg10[%get3A_124, %get3A_125] : memref<2x64xf32, #tpu.memory_space<vmem>>, vector<2x64xf32>
        %convert_element_type3A_127 = arith.truncf %add3A_123 : vector<64x64xf32> to vector<64x64xbf16>
        %convert_element_type3A_128 = arith.truncf %get3A_126 : vector<2x64xf32> to vector<2x64xbf16>
        %dot_general3A_129 = arith.constant dense<0.000000e+00> : vector<64x2xf32>
        %dot_general3A_130 = tpu.matmul %convert_element_type3A_127, %convert_element_type3A_128, %dot_general3A_129 {dimension_numbers = #tpu.dot_dimension_numbers<[1], [1], [0], [0], [0, 0, 1, 0], [], []>, transpose_lhs_hint = false} : vector<64x64xbf16>, vector<2x64xbf16>, vector<64x2xf32> -> vector<64x2xf32>
        %get3A_131 = arith.constant 0 : index
        %get3A_132 = arith.constant 0 : index
        %get3A_133 = vector.load %arg11[%get3A_131, %get3A_132] : memref<1x2xf32, #tpu.memory_space<vmem>>, vector<1x2xf32>
        %add3A_134 = vector.broadcast %get3A_133 : vector<1x2xf32> to vector<64x2xf32>
        %add3A_135 = arith.addf %dot_general3A_130, %add3A_134 : vector<64x2xf32>
        %swap3A = arith.constant 0 : index
        %swap3A_136 = arith.constant 0 : index
        %swap3A_137 = vector.load %arg12[%swap3A, %swap3A_136] : memref<64x2xf32, #tpu.memory_space<vmem>>, vector<64x2xf32>
        tpu.vector_store %arg12[%swap3A, %swap3A_136], %add3A_135 {strides = array<i32>} : memref<64x2xf32, #tpu.memory_space<vmem>>, vector<64x2xf32>,
      } else {
      }
    } else {
    }
    return
  }
  func.func @transform_0(%arg0: i32, %arg1: i32) -> (i32, i32, i32) {
    %c0_i32 = arith.constant 0 : i32
    %c0_i32_0 = arith.constant 0 : i32
    %c0_i32_1 = arith.constant 0 : i32
    return %c0_i32, %arg1, %c0_i32_0 : i32, i32, i32
  }
  func.func @transform_1(%arg0: i32, %arg1: i32) -> (i32, i32, i32) {
    %c0_i32 = arith.constant 0 : i32
    %c0_i32_0 = arith.constant 0 : i32
    %c0_i32_1 = arith.constant 0 : i32
    return %arg1, %c0_i32, %c0_i32_0 : i32, i32, i32
  }
  func.func @transform_2(%arg0: i32, %arg1: i32) -> (i32, i32) {
    %c0_i32 = arith.constant 0 : i32
    %c0_i32_0 = arith.constant 0 : i32
    %c0_i32_1 = arith.constant 0 : i32
    return %c0_i32, %c0_i32_0 : i32, i32
  }
  func.func @transform_3(%arg0: i32, %arg1: i32) -> (i32, i32) {
    %c0_i32 = arith.constant 0 : i32
    %c0_i32_0 = arith.constant 0 : i32
    %c0_i32_1 = arith.constant 0 : i32
    return %c0_i32, %c0_i32_0 : i32, i32
  }
  func.func @transform_4(%arg0: i32, %arg1: i32) -> (i32, i32) {
    %c0_i32 = arith.constant 0 : i32
    %c0_i32_0 = arith.constant 0 : i32
    %c0_i32_1 = arith.constant 0 : i32
    return %c0_i32, %c0_i32_0 : i32, i32
  }
  func.func @transform_5(%arg0: i32, %arg1: i32) -> (i32, i32) {
    %c0_i32 = arith.constant 0 : i32
    %c0_i32_0 = arith.constant 0 : i32
    %c0_i32_1 = arith.constant 0 : i32
    return %c0_i32, %c0_i32_0 : i32, i32
  }
  func.func @transform_6(%arg0: i32, %arg1: i32) -> (i32, i32) {
    %c0_i32 = arith.constant 0 : i32
    %c0_i32_0 = arith.constant 0 : i32
    %c0_i32_1 = arith.constant 0 : i32
    return %c0_i32, %c0_i32_0 : i32, i32
  }
  func.func @transform_7(%arg0: i32, %arg1: i32) -> (i32, i32) {
    %c0_i32 = arith.constant 0 : i32
    %c0_i32_0 = arith.constant 0 : i32
    %c0_i32_1 = arith.constant 0 : i32
    return %c0_i32, %c0_i32_0 : i32, i32
  }
  func.func @transform_8(%arg0: i32, %arg1: i32) -> (i32, i32) {
    %c0_i32 = arith.constant 0 : i32
    %c0_i32_0 = arith.constant 0 : i32
    %c0_i32_1 = arith.constant 0 : i32
    return %c0_i32, %c0_i32_0 : i32, i32
  }
  func.func @transform_9(%arg0: i32, %arg1: i32) -> (i32, i32) {
    %c0_i32 = arith.constant 0 : i32
    %c0_i32_0 = arith.constant 0 : i32
    %c0_i32_1 = arith.constant 0 : i32
    return %c0_i32, %c0_i32_0 : i32, i32
  }
  func.func @transform_10(%arg0: i32, %arg1: i32) -> (i32, i32) {
    %c0_i32 = arith.constant 0 : i32
    %c0_i32_0 = arith.constant 0 : i32
    %c0_i32_1 = arith.constant 0 : i32
    return %c0_i32, %c0_i32_0 : i32, i32
  }
}

</mosaic_0001>

<sc_bundles>
// kernel: gather_offload_async_start
scs
__scs_entry_jumppad:
0x0: {  	(pc) =	sbr.rel $0x88, $3  }
0x1: {  	(tag) =	ssettag $0x0;
	lr =	simm.s32 $0x1  }
0x2: {  	[smem:$0x3F84] =	sst lr;
	_ =	strace $0xD0000000  }
0x3: {  	_ = 	snop  }
0x4: {  	_ = 	snop  }
0x5: {  	_ = 	snop  }
0x6: {  	_ = 	snop  }
0x7: {  	_ = 	snop  }
__scs_overlays_trampoline_lowered:
0x8: {  	[smem:$0x3F93] =	sst s0  }
0x9: {  	[smem:$0x3F94] =	sst s1  }
0xa: {  	[smem:$0x3F95] =	sst s2  }
0xb: {  	[smem:$0x3F96] =	sst s3  }
0xc: {  	[smem:$0x3F97] =	sst s4  }
0xd: {  	[smem:$0x3F98] =	sst s5  }
0xe: {  	[smem:$0x3F99] =	sst s6  }
0xf: {  	[smem:$0x3F9A] =	sst s7  }
0x10: {  	[smem:$0x3F9B] =	sst s8  }
0x11: {  	[smem:$0x3F9C] =	sst s9;
	s0 =	simm.s32 @!p0 $0x0  }
0x12: {  	s1 =	sld [smem:$0x3F82];
	s0 =	simm.s32 @p0 $0x1  }
0x13: {  	[smem:$0x3F9D] =	sst s0;
	s0 =	simm.s32 @!p1 $0x0  }
0x14: {  	s2 =	sld [smem:$0x3F81];
	s0 =	simm.s32 @p1 $0x1  }
0x15: {  	[smem:$0x3F9E] =	sst s0;
	s0 =	simm.s32 @!p2 $0x0  }
0x16: {  	s3 =	sld [smem:$0x3FDB];
	s0 =	simm.s32 @p2 $0x1  }
0x17: {  	s4 =	simm.s32 $0x1BF5;
	[smem:$0x3FA0] =	sst s0  }
0x18: {  	s0 =	sld [smem:$0x3F83];
	_ =	swait.ge [sflag:s4], $0x0  }
0x19: {  	s7 =	sld [smem:$0x3F84]  }
0x1a: {  	s8 =	sadd.s32 $0xFFFFE003, lr  }
0x1b: {  	s9 =	sadd.s32 $0xFFFFFEF7, lr;
	s5 =	simm.s32 $0xFFFFFFFF;
	p2 =	slt.u32 s8, $0xFFFFF086  }
0x1c: {  	p1 =	slt.u32 s9, $0xF7A;
	s5 =	simm.s32 @!p2 $0x0  }
0x1d: {  	s5 =	simm.s32 @p1 $0x1;
	p0 =	seq.s32 s7, s2  }
0x1e: {  	s7 =	smul.u32 @!p0 $0xF7A, s2;
	p2 =	seq.s32 @!p0 s5, $0x0  }
0x1f: {  	s9 =	smul.u32 $0xF7A, s1;
	s8 =	simm.s32 @!p0 $0x1BF5;
	p2 =	por !p2, p0  }
0x20: {  	[sflag:s8] =	ssyncset.s32 @!p0 $0xFFFFF086;
	s6 =	sadd.s32 @!p0 s3, s7;
	s7 =	simm.s32 @!p0 $0x108  }
0x21: {  	s3 =	sadd.s32 s3, s9;
	s6 =	sadd.s32 @!p0 $0x88, s6;
	s7 =	simm.s32 @p2 $0x1082  }
0x22: {  	[simem:s7], [sflag:s8] =	dma.local @!p0 [hbm:s6], $0xF7A  }
0x23: {  	s9 =	sor.u32 $0xD0000000, s2;
	s6 =	simm.s32 $0x108;
	_ =	swait.ge @!p0 [sflag:s8], $0x0  }
0x24: {  	s3 =	sadd.s32 $0x88, s3;
	s6 =	simm.s32 @!p1 $0x1082;
	[sflag:s4] =	ssyncset.s32 $0xFFFFF086  }
0x25: {  	[simem:s6], [sflag:s4] =	dma.local [hbm:s3], $0xF7A  }
0x26: {  	[smem:$0x3F84] =	sst s1;
	(tag) =	ssettag s2;
	_ =	strace s9  }
0x27: {  	s1 =	sld [smem:$0x3F94]  }
0x28: {  	s2 =	sld [smem:$0x3F95]  }
0x29: {  	s4 =	sld [smem:$0x3F97]  }
0x2a: {  	p0 =	seq.s32 s5, $0x0;
	s5 =	sld [smem:$0x3F98]  }
0x2b: {  	s6 =	sld [smem:$0x3F99]  }
0x2c: {  	s7 =	sld [smem:$0x3F9A]  }
0x2d: {  	s3 =	simm.s32 $0x108;
	s8 =	sld [smem:$0x3F9B]  }
0x2e: {  	s3 =	simm.s32 @!p0 $0x1082;
	s9 =	sld [smem:$0x3F9C]  }
0x2f: {  	lr =	sadd.s32 s0, s3;
	s0 =	sld [smem:$0x3F93]  }
0x30: {  	s3 =	sld [smem:$0x3F96]  }
0x31: {  	[smem:$0x3F9F] =	sst s10  }
0x32: {  	s10 =	sld [smem:$0x3F9D];
	_ =	sdelay $0x3  }
0x33: {  	p0 =	seq.s32 s10, $0x1;
	s10 =	sld [smem:$0x3F9F];
	_ =	sdelay $0x3  }
0x34: {  	[smem:$0x3F9F] =	sst s10  }
0x35: {  	s10 =	sld [smem:$0x3F9E];
	_ =	sdelay $0x3  }
0x36: {  	p1 =	seq.s32 s10, $0x1;
	s10 =	sld [smem:$0x3F9F];
	_ =	sdelay $0x3  }
0x37: {  	[smem:$0x3F9F] =	sst s10  }
0x38: {  	s10 =	sld [smem:$0x3FA0]  }
0x39: {  	_ = 	snop;
	(pc) =	sbr.ind lr, $3  }
0x3a: {  	_ = 	snop  }
0x3b: {  	_ = 	snop  }
0x3c: {  	p2 =	seq.s32 s10, $0x1;
	s10 =	sld [smem:$0x3F9F]  }
0x3d: {  	_ =	shalt  }
0x3e: {  	_ =	shalt  }
0x3f: {  	_ =	shalt  }
0x40: {  	_ =	shalt  }
0x41: {  	_ =	shalt  }
0x42: {  	_ =	shalt  }
0x43: {  	_ =	shalt  }
0x44: {  	_ =	shalt  }
0x45: {  	_ =	shalt  }
0x46: {  	_ =	shalt  }
0x47: {  	_ =	shalt  }
0x48: {  	_ =	shalt  }
0x49: {  	_ =	shalt  }
0x4a: {  	_ =	shalt  }
0x4b: {  	_ =	shalt  }
0x4c: {  	_ =	shalt  }
0x4d: {  	_ =	shalt  }
0x4e: {  	_ =	shalt  }
0x4f: {  	_ =	shalt  }
0x50: {  	_ =	shalt  }
0x51: {  	_ =	shalt  }
0x52: {  	_ =	shalt  }
0x53: {  	_ =	shalt  }
0x54: {  	_ =	shalt  }
0x55: {  	_ =	shalt  }
0x56: {  	_ =	shalt  }
0x57: {  	_ =	shalt  }
0x58: {  	_ =	shalt  }
0x59: {  	_ =	shalt  }
0x5a: {  	_ =	shalt  }
0x5b: {  	_ =	shalt  }
0x5c: {  	_ =	shalt  }
0x5d: {  	_ =	shalt  }
0x5e: {  	_ =	shalt  }
0x5f: {  	_ =	shalt  }
0x60: {  	_ =	shalt  }
0x61: {  	_ =	shalt  }
0x62: {  	_ =	shalt  }
0x63: {  	_ =	shalt  }
0x64: {  	_ =	shalt  }
0x65: {  	_ =	shalt  }
0x66: {  	_ =	shalt  }
0x67: {  	_ =	shalt  }
0x68: {  	_ =	shalt  }
0x69: {  	_ =	shalt  }
0x6a: {  	_ =	shalt  }
0x6b: {  	_ =	shalt  }
0x6c: {  	_ =	shalt  }
0x6d: {  	_ =	shalt  }
0x6e: {  	_ =	shalt  }
0x6f: {  	_ =	shalt  }
0x70: {  	_ =	shalt  }
0x71: {  	_ =	shalt  }
0x72: {  	_ =	shalt  }
0x73: {  	_ =	shalt  }
0x74: {  	_ =	shalt  }
0x75: {  	_ =	shalt  }
0x76: {  	_ =	shalt  }
0x77: {  	_ =	shalt  }
0x78: {  	_ =	shalt  }
0x79: {  	_ =	shalt  }
0x7a: {  	_ =	shalt  }
0x7b: {  	_ =	shalt  }
0x7c: {  	_ =	shalt  }
0x7d: {  	_ =	shalt  }
0x7e: {  	_ =	shalt  }
0x7f: {  	_ =	shalt  }
0x80: {  	_ =	shalt  }
0x81: {  	_ =	shalt  }
0x82: {  	_ =	shalt  }
0x83: {  	_ =	shalt  }
0x84: {  	_ =	shalt  }
0x85: {  	_ =	shalt  }
0x86: {  	_ =	shalt  }
0x87: {  	_ =	shalt  }
.Lfunc_end0:
.L_simem_size_0:
called_computation.2_lowered:
.L_overlay_start_0:
0x88: {  	s2 =	sld [smem:$0x3FD9]  }
0x89: {  	s3 =	sld [smem:$0x3FFE];
	_ =	sdelay $0x1  }
0x8a: {  	s1 =	srdreg.scid  }
0x8b: {  	s0 =	sand.u32 $0x1, s1  }
0x8c: {  	s16 =	sshll.u32 s0, $0xA;
	s2 =	sadd.s32 s3, s2  }
0x8d: {  	s2 =	sadd.s32 s2, s16  }
0x8e: {  	[smem:$0x3FAB] =	sst s2  }
0x8f: {  	_ = 	snop  }
0x90: {  	(tm) =	ssettm $0x1  }
0x91: {  	s17 =	sld [smem:$0x3FFB];
	_ =	sdelay $0x3  }
0x92: {  	_ =	strace s17  }
0x93: {  	s2 =	sld [smem:$0x3FFC];
	_ =	sdelay $0x3  }
0x94: {  	_ =	strace s2  }
0x95: {  	s2 =	sld [smem:$0x3FFD];
	_ =	sdelay $0x3  }
0x96: {  	_ =	strace s2  }
0x97: {  	_ =	strace $0x8FFFFFFF  }
0x98: {  	s18 =	sld [smem:$0x3FDB];
	_ =	sdelay $0x1  }
0x99: {  	s19 =	simm.s32 $_scs_section_size  }
0x9a: {  	s4 =	simm.s32 $_size__tile_overlayer_lowered;
	s5 =	simm.s32 $_tile_overlayer_lowered  }
0x9b: {  	s22 =	simm.s32 $0x1BFF;
	s21 =	sshll.u32 s5, $0x1;
	s2 =	sadd.s32 s19, s18  }
0x9c: {  	s6 =	simm.s32 $0x0;
	s20 =	sshll.u32 s4, $0x1;
	s4 =	sadd.s32 s21, s2  }
0x9d: {  	[timem:s6], [sflag:s22] =	dma.local [hbm:s4], s20  }
0x9e: {  	_ =	swait.ge [sflag:s22], s20  }
0x9f: {  	s3 =	ssub.s32 $0x0, s20;
	[sflag:s22] =	ssyncset.done $0x0  }
0xa0: {  	[sflag:s22] =	ssyncadd.s32 s3;
	_ =	sdelay $0x1  }
0xa1: {  	s23 =	simm.s32 $0x1B8B  }
0xa2: {  	_ =	swait.ge [sflag:s23], $0x1  }
0xa3: {  	[sflag:s23] =	ssyncset.done $0x0  }
0xa4: {  	s25 =	simm.s32 $0x1B8E;
	s24 =	sld [smem:$0x3FFE];
	[sflag:s23] =	ssyncadd.s32 $0xFFFFFFFF  }
0xa5: {  	s26 =	simm.s32 $execute0_lowered;
	[smem:$0x3FD2] =	sst s25  }
0xa6: {  	s4 =	sshll.u32 s26, $0x1;
	_ =	strace $0x8000004C;
	[dreg:$0x1] =	wrdreg $0xFFFFFFFF  }
0xa7: {  	s28 =	simm.s32 $_size_execute0_lowered;
	s2 =	sadd.s32 s2, s4;
	[dreg:$0x0] =	wrdreg $0x0  }
0xa8: {  	s4 =	sshll.u32 s28, $0x1;
	[dreg:$0x2] =	wrdreg s2  }
0xa9: {  	[dreg:$0x3] =	wrdreg s4  }
0xaa: {  	[dreg:$0x4] =	wrdreg $0xC0  }
0xab: {  	_ =	task [dreg:s6], $0x5FFFF  }
0xac: {  	[dreg:$0x1] =	wrdreg $0xFFFFFFFF  }
0xad: {  	[dreg:$0x0] =	wrdreg $0x60  }
0xae: {  	[dreg:$0x2] =	wrdreg s24  }
0xaf: {  	[dreg:$0x3] =	wrdreg $0x9  }
0xb0: {  	_ =	task.clear_ibuf [dreg:s6], $0x4FFFF;
	_ =	strace $0x9000004C  }
0xb1: {  	s29 =	simm.s32 $0x9;
	_ =	strace $0x8000004E  }
0xb2: {  	_ =	swait.ge [sflag:s29], $0x1  }
0xb3: {  	[sflag:s29] =	ssyncadd.s32 $0xFFFFFFFF  }
0xb4: {  	_ =	strace $0x9000004E  }
0xb5: {  	_ =	sfence  }
0xb6: {  	s30 =	sld [smem:$0x0];
	_ =	sdelay $0x2  }
0xb7: {  	s31 =	sshll.u32 s1, $0xD;
	s1 =	sshrl.u32 s1, $0x2  }
0xb8: {  	s3 =	sand.u32 $0x4000, s31;
	s1 =	sadd.s32 s1, s30  }
0xb9: {  	s0 =	sor.u32 s3, s0;
	s1 =	sshll.u32 s1, $0x11  }
0xba: {  	s0 =	sor.u32 s1, s0  }
0xbb: {  	s0 =	sadd.s32 $0x8F2B, s0  }
0xbc: {  	[sflag:s0] =	ssyncadd.remote.s32 $0x1  }
0xbd: {  	_ =	sfence.sel $0xFFFF  }
0xbe: {  	[dreg:$0x0] =	wrdreg $0xFFFFFFFF;
	(pc) =	sbr.abs _section_cstart, $3  }
0xbf: {  	[dreg:$0x1] =	wrdreg $0xFFFFFFFF  }
0xc0: {  	_ =	task.clear_ibuf [dreg:s6], $0x2FFFF;
	_ =	strace $0x9FFFFFFF  }
0xc1: {  	(tm) =	ssettm $0x7FFFFFFF  }
tec
execute0_lowered:
.L_overlay_start_1:
0x0: {  	(tag) =	ssettag $0x1  }
0x1: {  	s8 =	rddreg [dreg:$0x0]  }
0x2: {  	s0 =	rddreg [dreg:$0x1];
	_ =	strace $0x8000004D;
	s1 =	stileid.u32  }
0x3: {  	s3 =	srdreg.scid;
	s4 =	simm.s32 $0x1;
	s7 =	simm.s32 $0x1  }
0x4: {  	s9 =	simm.s32 $0x1;
	s10 =	simm.s32 $0x3;
	s13 =	simm.s32 $0x0  }
0x5: {  	s12 =	simm.s32 $0x0;
	s5 =	sand.u32 $0x1, s3;
	s6 =	sshll.u32 s1, $0x1  }
0x6: {  	s2 =	sadd.s32 $0x17400, s8;
	s3 =	sadd.s32 $0x2BB800, s8;
	s5 =	sor.u32 s6, s5  }
.Ltmp0:
0x7: {  	[sflag:s4] =	ssyncpa.u1 $0x0;
	p0 =	slt.u32 s5, $0x9;
	(pc) =	sbr.rel .LBB2_1-.Ltmp0, $4  }
0x8: {  	s6 =	simm.s32 $0x2;
	s7 =	simm.s32 @!p0 $0x0;
	p0 =	sne.s32 s5, $0x8  }
0x9: {  	[sflag:s6] =	ssyncpa.u1 $0x0;
	s5 =	smul.u32 $0x1F40, s5;
	s9 =	simm.s32 @!p0 $0x0  }
0xa: {  	s8 =	sadd.s32 $0x14FC00, s8;
	[sflag:s10] =	ssyncpa.u1 $0x0;
	s7 =	sadd.s32 s9, s7  }
0xb: {  	vm0 =	vmmov $0xffff;
	s10 =	simm.s32 $0x0;
	s11 =	smov.u32 s5;
	s9 =	sadd.s32 $0x1, s7  }
.LBB2_4:
0xc: {  	vm2 =	veq.s32 v2, $0x80000000;
	v4 =	vand.u32 $0x1F, v4;
	v5 =	vor.u32 v6, v5  }
0xd: {  	v1 =	vand.u32 $0x7FFFF, v1;
	v7 =	vshrl.u32 v2, $0x13;
	v56 =	vand.u32 $0x7FFFF, v2  }
0xe: {  	v4 =	vsel vm1, $0xFFFFFFFF, v4;
	v3 =	vor.u32 v3, v5;
	v1 =	vsel vm1, $0xFFFFFFFF, v1  }
0xf: {  	vm1 =	vmmov vm2;
	v7 =	vand.u32 $0x1F, v7;
	v54 =	vshrl.u32 v4, $0x3  }
0x10: {  	v4 =	vshll.u32 v4, $0x7;
	v55 =	vshll.u32 v1, $0x3;
	v57 =	vsel vm1, $0xFFFFFFFF, v7  }
0x11: {  	v2 =	vsel vm1, $0xFFFFFFFF, v56;
	v1 =	vand.u32 $0x7F, v1;
	v5 =	vmul.u32 $0x271000, v54  }
0x12: {  	v6 =	vand.u32 $0xFFFFFC00, v55;
	v4 =	vand.u32 $0x380, v4;
	v7 =	vshrl.u32 v57, $0x3  }
0x13: {  	v59 =	vshll.u32 v2, $0x3;
	v58 =	vmul.u32 $0x271000, v7;
	v5 =	vadd.s32 v6, v5  }
0x14: {  	v7 =	vand.u32 $0xFFFFFC00, v59;
	v6 =	vshll.u32 v57, $0x7;
	v4 =	vor.u32 v4, v5  }
0x15: {  	v60 =	vadd.s32 v7, v58;
	v61 =	vand.u32 $0x380, v6;
	v1 =	vor.u32 v1, v4  }
0x16: {  	[tilespmem:s16], [sflag:$0x1] =	stream.indirect_vreg.gather [hbm4b:s2+s10], $0x1, v0, vm0, $0x4038;
	v62 =	vand.u32 $0x7F, v2;
	v63 =	vor.u32 v61, v60;
	[tilespmem:$0x7D00] =	vst v63  }
0x17: {  	(ifvalue) =	ssetifvalue $0x7FFFFFFF;
	v0 =	vor.u32 v62, v63  }
0x18: {  	[tilespmem:s15], [sflag:$0x1] =	stream.indirect_vreg.gather [hbm4b:s2+s10], $0x1, v3, vm0, $0x4038;
	[tilespmem:$0x7D00] =	vst v63  }
0x19: {  	s29 =	sadd.s32 $0x10, s15;
	(ifvalue) =	ssetifvalue $0x7FFFFFFF  }
0x1a: {  	[tilespmem:s29], [sflag:$0x1] =	stream.indirect_vreg.gather [hbm4b:s2+s10], $0x1, v1, vm0, $0x4038;
	[tilespmem:$0x7D00] =	vst v63  }
0x1b: {  	s15 =	sadd.s32 $0x10, s29;
	(ifvalue) =	ssetifvalue $0x7FFFFFFF  }
0x1c: {  	[tilespmem:s15], [sflag:$0x1] =	stream.indirect_vreg.gather [hbm4b:s2+s10], $0x1, v0, vm0, $0x4038;
	[tilespmem:$0x7D00] =	vst v63  }
0x1d: {  	_ =	swait.ge [sflag:s4], $0x1F40  }
0x1e: {  	s30 =	sshrl.u32 s13, $0x3;
	[sflag:s4] =	ssyncset.done $0x0  }
0x1f: {  	s31 =	sand.u32 $0x7, s13;
	s15 =	sadd.s32 s8, s30;
	[sflag:s4] =	ssyncadd.s32 $0xFFFFE0C0  }
0x20: {  	[hbm4b:s15+s31] =	stream.linear.scatter [tilespmem:s14], [sflag:$0x3], $0x1F40, $0x38;
	[tilespmem:$0x7D00] =	vst v63  }
.LBB2_5:
0x21: {  	s15 =	sadd.s32 $0x3E800, s11  }
0x22: {  	p1 =	sgt.s32 s15, $0x4E1FF  }
0x23: {  	s15 =	smov.u32 @p1 s5;
	p1 =	sne.s32 s12, s9  }
.Ltmp1:
0x24: {  	p0 =	slt.u32 s12, $0x2;
	(pc) =	sbr.rel @!p1 .LBB2_6-.Ltmp1, $4  }
0x25: {  	s14 =	simm.s32 @!p0 $0x3  }
0x26: {  	_ =	swait.ge @!p0 [sflag:s14], $0x1F40  }
0x27: {  	s16 =	sadd.s32 $0x1, s12;
	s13 =	smov.u32 s11;
	[sflag:s14] =	ssyncset.done @!p0 $0x0  }
0x28: {  	s12 =	smov.u32 s16;
	s11 =	smov.u32 s15;
	[sflag:s14] =	ssyncadd.s32 @!p0 $0xFFFFE0C0  }
.LBB2_1:
0x29: {  	p0 =	sge.u32 s12, s7  }
0x2a: {  	s14 =	sxor.u32 @!p0 $0x1, s12  }
0x2b: {  	s14 =	smul.u32 @!p0 $0x7D00, s14  }
0x2c: {  	s31 =	sadd.s32 $0xFFFFFFFF, s12;
	s15 =	sshrl.u32 @!p0 s11, $0x3  }
0x2d: {  	s16 =	sand.u32 @!p0 $0x7, s11;
	s15 =	sadd.s32 @!p0 s3, s15;
	s14 =	sshra.s32 @!p0 s14, $0x2  }
0x2e: {  	[tilespmem:s14], [sflag:$0x2] =	stream.linear.gather @!p0 [hbm4b:s15+s16], $0x1F40, $0x38;
	[tilespmem:$0x7D00] =	vst v63  }
0x2f: {  	p0 =	sge.u32 s31, s7  }
.Ltmp2:
0x30: {  	_ = 	snop;
	(pc) =	sbr.rel @p0 .LBB2_5-.Ltmp2, $1  }
0x31: {  	_ =	sdelay $0x3  }
0x32: {  	s14 =	sand.u32 $0x1, s12  }
0x33: {  	_ =	swait.ge [sflag:s6], $0x1F40;
	p0 =	seq.s32 s14, $0x1;
	s14 =	simm.s32 $0x1F40  }
0x34: {  	[sflag:s6] =	ssyncset.done $0x0;
	s14 =	simm.s32 @!p0 $0x0  }
0x35: {  	[sflag:s6] =	ssyncadd.s32 $0xFFFFE0C0;
	(ifvalue) =	ssetifvalue $0x7FFFFFFF;
	v0 =	vld.msk [tilespmem:s14+$0x0 ss:$0x1], $0xffff;
	_ =	sdelay $0x2  }
0x36: {  	s15 =	sadd.s32 $0x10, s14  }
0x37: {  	v2 =	vld.msk [tilespmem:s15+$0x0 ss:$0x1], $0xffff  }
0x38: {  	vm1 =	veq.s32 v0, $0x80000000;
	v1 =	vshrl.u32 v0, $0x13  }
0x39: {  	vm1 =	vmmov vm1;
	v3 =	vand.u32 $0x1F, v1  }
0x3a: {  	v0 =	vand.u32 $0x7FFFF, v0;
	v3 =	vsel vm1, $0xFFFFFFFF, v3  }
0x3b: {  	s15 =	sadd.s32 $0x10, s15;
	v0 =	vsel vm1, $0xFFFFFFFF, v0;
	v4 =	vshrl.u32 v3, $0x3  }
0x3c: {  	v1 =	vld.msk [tilespmem:s15+$0x0 ss:$0x1], $0xffff;
	v6 =	vshrl.u32 v2, $0x13;
	v5 =	vshll.u32 v0, $0x3;
	v4 =	vmul.u32 $0x271000, v4  }
0x3d: {  	vm1 =	veq.s32 v2, $0x80000000;
	v3 =	vshll.u32 v3, $0x7;
	v5 =	vand.u32 $0xFFFFFC00, v5  }
0x3e: {  	v0 =	vand.u32 $0x7F, v0;
	v3 =	vand.u32 $0x380, v3;
	v4 =	vadd.s32 v5, v4  }
0x3f: {  	vm1 =	vmmov vm1;
	v5 =	vand.u32 $0x1F, v6;
	v3 =	vor.u32 v3, v4  }
0x40: {  	v2 =	vand.u32 $0x7FFFF, v2;
	v4 =	vsel vm1, $0xFFFFFFFF, v5;
	v0 =	vor.u32 v0, v3  }
0x41: {  	s15 =	sadd.s32 $0x10, s15;
	vm2 =	veq.s32 v1, $0x80000000;
	v3 =	vsel vm1, $0xFFFFFFFF, v2;
	v2 =	vshrl.u32 v4, $0x3  }
0x42: {  	s14 =	sadd.s32 $0x3E80, s14;
	v6 =	vshll.u32 v4, $0x7;
	v5 =	vmul.u32 $0x271000, v2;
	v4 =	vshll.u32 v3, $0x3;
	v2 =	vld.msk [tilespmem:s15+$0x0 ss:$0x1], $0xffff  }
0x43: {  	s17 =	simm.s32 $0x30;
	s16 =	smov.u32 s14;
	vm1 =	vmmov vm2;
	v3 =	vand.u32 $0x7F, v3;
	v7 =	vand.u32 $0xFFFFFC00, v4  }
0x44: {  	s18 =	sadd.s32 $0x10, s15;
	v6 =	vand.u32 $0x380, v6;
	(ifvalue) =	ssetifvalue $0x7FFFFFFF;
	s15 =	sadd.s32 $0x10, s14;
	v4 =	vshrl.u32 v1, $0x13;
	v5 =	vadd.s32 v7, v5  }
.LBB2_3:
0x45: {  	[tilespmem:s16], [sflag:$0x1] =	stream.indirect_vreg.gather [hbm4b:s2+s10], $0x1, v0, vm0, $0x4038;
	[tilespmem:$0x7D00] =	vst v63  }
0x46: {  	s17 =	sadd.s32 $0x10, s17  }
0x47: {  	vm2 =	veq.s32 v2, $0x80000000;
	v4 =	vand.u32 $0x1F, v4;
	v5 =	vor.u32 v6, v5;
	v6 =	vmovc v2;
	v2 =	vld.msk [tilespmem:s18+$0x0 ss:$0x1], $0xffff;
	p0 =	slt.u32 s17, $0x1F30  }
.Ltmp3:
0x48: {  	v7 =	vand.u32 $0x7FFFF, v1;
	s16 =	smov.u32 s15;
	v4 =	vsel vm1, $0xFFFFFFFF, v4;
	v0 =	vor.u32 v3, v5;
	v1 =	vmovc v6;
	(pc) =	sbr.rel @p0 .LBB2_3-.Ltmp3, $4  }
0x49: {  	v5 =	vsel vm1, $0xFFFFFFFF, v7;
	v6 =	vshrl.u32 v4, $0x3;
	v7 =	vshll.u32 v4, $0x7  }
0x4a: {  	v3 =	vand.u32 $0x7F, v5;
	v4 =	vshll.u32 v5, $0x3;
	v6 =	vmul.u32 $0x271000, v6  }
0x4b: {  	vm1 =	vmmov vm2;
	v5 =	vand.u32 $0xFFFFFC00, v4  }
0x4c: {  	s18 =	sadd.s32 $0x10, s18;
	s15 =	sadd.s32 $0x10, s15;
	v4 =	vshrl.u32 v1, $0x13;
	v5 =	vadd.s32 v5, v6;
	v6 =	vand.u32 $0x380, v7;
	(ifvalue) =	ssetifvalue $0x7FFFFFFF  }
.Ltmp4:
0x4d: {  	_ = 	snop;
	(pc) =	sbr.rel .LBB2_4-.Ltmp4, $1  }
0x4e: {  	_ =	sdelay $0x3  }
.LBB2_6:
0x4f: {  	_ =	sfence.sel $0x180000  }
0x50: {  	s2 =	simm.s32 $0x2;
	[bflag:$0x0] =	sbarrier.arrive $0xFFFF  }
0x51: {  	s30 =	simm.s32 $0x3;
	[sflag:s2] =	ssyncpa.u1 $0x1  }
0x52: {  	s31 =	simm.s32 $0x1;
	[sflag:s30] =	ssyncpa.u1 $0x1  }
0x53: {  	[sflag:s31] =	ssyncpa.u1 $0x1  }
0x54: {  	p0 =	sne.s32 s1, $0x0;
	_ =	strace $0x9000004D  }
0x55: {  	s0 =	sadd.s32 @!p0 $0x100000, s0;
	[bflag:$0x2] =	sbarrier.arrive $0xFFFF  }
0x56: {  	[sflag:s0] =	ssyncadd.tile.s32 @!p0 $0x1;
	_ =	shalt  }
.Lfunc_end2:
_tile_overlayer_lowered:
.L_overlay_start_2:
0x57: {  	(tag) =	ssettag $0x2  }
0x58: {  	s0 =	rddreg [dreg:$0x0];
	s2 =	stileid.u32  }
0x59: {  	s1 =	rddreg [dreg:$0x1];
	p0 =	sne.s32 s2, $0x0  }
0x5a: {  	s3 =	rddreg [dreg:$0x2];
	[bflag:$0x3] =	sbarrier.arrive $0xFFFF;
	s2 =	simm.s32 @!p0 $0x1C01  }
0x5b: {  	[timem:s3], [sflag:s2] =	dma.local @!p0 [hbm:s0], s1  }
0x5c: {  	s0 =	simm.s32 @!p0 $0x1  }
0x5d: {  	_ =	swait.ge @!p0 [sflag:s0], s1  }
0x5e: {  	s1 =	ssub.s32 @!p0 $0x0, s1;
	[sflag:s0] =	ssyncset.done @!p0 $0x0  }
0x5f: {  	[sflag:s0] =	ssyncadd.s32 @!p0 s1  }
0x60: {  	[bflag:$0x3] =	sbarrier.arrive $0xFFFF  }
0x61: {  	_ =	shalt  }

// kernel: kernel.12.cloned.1.call-start
scs
__scs_entry_jumppad:
0x0: {  	(pc) =	sbr.rel $0x88, $3  }
0x1: {  	(tag) =	ssettag $0x0;
	lr =	simm.s32 $0x1  }
0x2: {  	[smem:$0x3F84] =	sst lr;
	_ =	strace $0xD0000000  }
0x3: {  	_ = 	snop  }
0x4: {  	_ = 	snop  }
0x5: {  	_ = 	snop  }
0x6: {  	_ = 	snop  }
0x7: {  	_ = 	snop  }
__scs_overlays_trampoline_lowered:
0x8: {  	[smem:$0x3F93] =	sst s0  }
0x9: {  	[smem:$0x3F94] =	sst s1  }
0xa: {  	[smem:$0x3F95] =	sst s2  }
0xb: {  	[smem:$0x3F96] =	sst s3  }
0xc: {  	[smem:$0x3F97] =	sst s4  }
0xd: {  	[smem:$0x3F98] =	sst s5  }
0xe: {  	[smem:$0x3F99] =	sst s6  }
0xf: {  	[smem:$0x3F9A] =	sst s7  }
0x10: {  	[smem:$0x3F9B] =	sst s8  }
0x11: {  	[smem:$0x3F9C] =	sst s9;
	s0 =	simm.s32 @!p0 $0x0  }
0x12: {  	s1 =	sld [smem:$0x3F82];
	s0 =	simm.s32 @p0 $0x1  }
0x13: {  	[smem:$0x3F9D] =	sst s0;
	s0 =	simm.s32 @!p1 $0x0  }
0x14: {  	s2 =	sld [smem:$0x3F81];
	s0 =	simm.s32 @p1 $0x1  }
0x15: {  	[smem:$0x3F9E] =	sst s0;
	s0 =	simm.s32 @!p2 $0x0  }
0x16: {  	s3 =	sld [smem:$0x3FDB];
	s0 =	simm.s32 @p2 $0x1  }
0x17: {  	s4 =	simm.s32 $0x1BF5;
	[smem:$0x3FA0] =	sst s0  }
0x18: {  	s0 =	sld [smem:$0x3F83];
	_ =	swait.ge [sflag:s4], $0x0  }
0x19: {  	s7 =	sld [smem:$0x3F84]  }
0x1a: {  	s8 =	sadd.s32 $0xFFFFE003, lr  }
0x1b: {  	s9 =	sadd.s32 $0xFFFFFEF7, lr;
	s5 =	simm.s32 $0xFFFFFFFF;
	p2 =	slt.u32 s8, $0xFFFFF086  }
0x1c: {  	p1 =	slt.u32 s9, $0xF7A;
	s5 =	simm.s32 @!p2 $0x0  }
0x1d: {  	s5 =	simm.s32 @p1 $0x1;
	p0 =	seq.s32 s7, s2  }
0x1e: {  	s7 =	smul.u32 @!p0 $0xF7A, s2;
	p2 =	seq.s32 @!p0 s5, $0x0  }
0x1f: {  	s9 =	smul.u32 $0xF7A, s1;
	s8 =	simm.s32 @!p0 $0x1BF5;
	p2 =	por !p2, p0  }
0x20: {  	[sflag:s8] =	ssyncset.s32 @!p0 $0xFFFFF086;
	s6 =	sadd.s32 @!p0 s3, s7;
	s7 =	simm.s32 @!p0 $0x108  }
0x21: {  	s3 =	sadd.s32 s3, s9;
	s6 =	sadd.s32 @!p0 $0x88, s6;
	s7 =	simm.s32 @p2 $0x1082  }
0x22: {  	[simem:s7], [sflag:s8] =	dma.local @!p0 [hbm:s6], $0xF7A  }
0x23: {  	s9 =	sor.u32 $0xD0000000, s2;
	s6 =	simm.s32 $0x108;
	_ =	swait.ge @!p0 [sflag:s8], $0x0  }
0x24: {  	s3 =	sadd.s32 $0x88, s3;
	s6 =	simm.s32 @!p1 $0x1082;
	[sflag:s4] =	ssyncset.s32 $0xFFFFF086  }
0x25: {  	[simem:s6], [sflag:s4] =	dma.local [hbm:s3], $0xF7A  }
0x26: {  	[smem:$0x3F84] =	sst s1;
	(tag) =	ssettag s2;
	_ =	strace s9  }
0x27: {  	s1 =	sld [smem:$0x3F94]  }
0x28: {  	s2 =	sld [smem:$0x3F95]  }
0x29: {  	s4 =	sld [smem:$0x3F97]  }
0x2a: {  	p0 =	seq.s32 s5, $0x0;
	s5 =	sld [smem:$0x3F98]  }
0x2b: {  	s6 =	sld [smem:$0x3F99]  }
0x2c: {  	s7 =	sld [smem:$0x3F9A]  }
0x2d: {  	s3 =	simm.s32 $0x108;
	s8 =	sld [smem:$0x3F9B]  }
0x2e: {  	s3 =	simm.s32 @!p0 $0x1082;
	s9 =	sld [smem:$0x3F9C]  }
0x2f: {  	lr =	sadd.s32 s0, s3;
	s0 =	sld [smem:$0x3F93]  }
0x30: {  	s3 =	sld [smem:$0x3F96]  }
0x31: {  	[smem:$0x3F9F] =	sst s10  }
0x32: {  	s10 =	sld [smem:$0x3F9D];
	_ =	sdelay $0x3  }
0x33: {  	p0 =	seq.s32 s10, $0x1;
	s10 =	sld [smem:$0x3F9F];
	_ =	sdelay $0x3  }
0x34: {  	[smem:$0x3F9F] =	sst s10  }
0x35: {  	s10 =	sld [smem:$0x3F9E];
	_ =	sdelay $0x3  }
0x36: {  	p1 =	seq.s32 s10, $0x1;
	s10 =	sld [smem:$0x3F9F];
	_ =	sdelay $0x3  }
0x37: {  	[smem:$0x3F9F] =	sst s10  }
0x38: {  	s10 =	sld [smem:$0x3FA0]  }
0x39: {  	_ = 	snop;
	(pc) =	sbr.ind lr, $3  }
0x3a: {  	_ = 	snop  }
0x3b: {  	_ = 	snop  }
0x3c: {  	p2 =	seq.s32 s10, $0x1;
	s10 =	sld [smem:$0x3F9F]  }
0x3d: {  	_ =	shalt  }
0x3e: {  	_ =	shalt  }
0x3f: {  	_ =	shalt  }
0x40: {  	_ =	shalt  }
0x41: {  	_ =	shalt  }
0x42: {  	_ =	shalt  }
0x43: {  	_ =	shalt  }
0x44: {  	_ =	shalt  }
0x45: {  	_ =	shalt  }
0x46: {  	_ =	shalt  }
0x47: {  	_ =	shalt  }
0x48: {  	_ =	shalt  }
0x49: {  	_ =	shalt  }
0x4a: {  	_ =	shalt  }
0x4b: {  	_ =	shalt  }
0x4c: {  	_ =	shalt  }
0x4d: {  	_ =	shalt  }
0x4e: {  	_ =	shalt  }
0x4f: {  	_ =	shalt  }
0x50: {  	_ =	shalt  }
0x51: {  	_ =	shalt  }
0x52: {  	_ =	shalt  }
0x53: {  	_ =	shalt  }
0x54: {  	_ =	shalt  }
0x55: {  	_ =	shalt  }
0x56: {  	_ =	shalt  }
0x57: {  	_ =	shalt  }
0x58: {  	_ =	shalt  }
0x59: {  	_ =	shalt  }
0x5a: {  	_ =	shalt  }
0x5b: {  	_ =	shalt  }
0x5c: {  	_ =	shalt  }
0x5d: {  	_ =	shalt  }
0x5e: {  	_ =	shalt  }
0x5f: {  	_ =	shalt  }
0x60: {  	_ =	shalt  }
0x61: {  	_ =	shalt  }
0x62: {  	_ =	shalt  }
0x63: {  	_ =	shalt  }
0x64: {  	_ =	shalt  }
0x65: {  	_ =	shalt  }
0x66: {  	_ =	shalt  }
0x67: {  	_ =	shalt  }
0x68: {  	_ =	shalt  }
0x69: {  	_ =	shalt  }
0x6a: {  	_ =	shalt  }
0x6b: {  	_ =	shalt  }
0x6c: {  	_ =	shalt  }
0x6d: {  	_ =	shalt  }
0x6e: {  	_ =	shalt  }
0x6f: {  	_ =	shalt  }
0x70: {  	_ =	shalt  }
0x71: {  	_ =	shalt  }
0x72: {  	_ =	shalt  }
0x73: {  	_ =	shalt  }
0x74: {  	_ =	shalt  }
0x75: {  	_ =	shalt  }
0x76: {  	_ =	shalt  }
0x77: {  	_ =	shalt  }
0x78: {  	_ =	shalt  }
0x79: {  	_ =	shalt  }
0x7a: {  	_ =	shalt  }
0x7b: {  	_ =	shalt  }
0x7c: {  	_ =	shalt  }
0x7d: {  	_ =	shalt  }
0x7e: {  	_ =	shalt  }
0x7f: {  	_ =	shalt  }
0x80: {  	_ =	shalt  }
0x81: {  	_ =	shalt  }
0x82: {  	_ =	shalt  }
0x83: {  	_ =	shalt  }
0x84: {  	_ =	shalt  }
0x85: {  	_ =	shalt  }
0x86: {  	_ =	shalt  }
0x87: {  	_ =	shalt  }
.Lfunc_end0:
.L_simem_size_0:
called_computation.4_lowered:
.L_overlay_start_0:
0x88: {  	s2 =	sld [smem:$0x3FD9]  }
0x89: {  	s3 =	sld [smem:$0x3FFE];
	_ =	sdelay $0x1  }
0x8a: {  	s1 =	srdreg.scid  }
0x8b: {  	s0 =	sand.u32 $0x1, s1  }
0x8c: {  	s16 =	sshll.u32 s0, $0xA;
	s2 =	sadd.s32 s3, s2  }
0x8d: {  	s2 =	sadd.s32 s2, s16  }
0x8e: {  	[smem:$0x3FAB] =	sst s2  }
0x8f: {  	_ = 	snop  }
0x90: {  	(tm) =	ssettm $0x1  }
0x91: {  	s17 =	sld [smem:$0x3FFB];
	_ =	sdelay $0x3  }
0x92: {  	_ =	strace s17  }
0x93: {  	s2 =	sld [smem:$0x3FFC];
	_ =	sdelay $0x3  }
0x94: {  	_ =	strace s2  }
0x95: {  	s2 =	sld [smem:$0x3FFD];
	_ =	sdelay $0x3  }
0x96: {  	_ =	strace s2  }
0x97: {  	_ =	strace $0x8FFFFFFF  }
0x98: {  	s18 =	sld [smem:$0x3FDB];
	_ =	sdelay $0x1  }
0x99: {  	s19 =	simm.s32 $_scs_section_size  }
0x9a: {  	s4 =	simm.s32 $_size__tile_overlayer_lowered;
	s5 =	simm.s32 $_tile_overlayer_lowered  }
0x9b: {  	s22 =	simm.s32 $0x1BFF;
	s21 =	sshll.u32 s5, $0x1;
	s2 =	sadd.s32 s19, s18  }
0x9c: {  	s6 =	simm.s32 $0x0;
	s20 =	sshll.u32 s4, $0x1;
	s4 =	sadd.s32 s21, s2  }
0x9d: {  	[timem:s6], [sflag:s22] =	dma.local [hbm:s4], s20  }
0x9e: {  	_ =	swait.ge [sflag:s22], s20  }
0x9f: {  	s3 =	ssub.s32 $0x0, s20;
	[sflag:s22] =	ssyncset.done $0x0  }
0xa0: {  	[sflag:s22] =	ssyncadd.s32 s3;
	_ =	sdelay $0x1  }
0xa1: {  	s23 =	simm.s32 $0x1B8B  }
0xa2: {  	_ =	swait.ge [sflag:s23], $0x1  }
0xa3: {  	[sflag:s23] =	ssyncset.done $0x0  }
0xa4: {  	s25 =	simm.s32 $0x1B8E;
	s24 =	sld [smem:$0x3FFE];
	[sflag:s23] =	ssyncadd.s32 $0xFFFFFFFF  }
0xa5: {  	s26 =	simm.s32 $execute0_lowered;
	[smem:$0x3FD2] =	sst s25  }
0xa6: {  	s4 =	sshll.u32 s26, $0x1;
	_ =	strace $0x80000052;
	[dreg:$0x1] =	wrdreg $0xFFFFFFFF  }
0xa7: {  	s28 =	simm.s32 $_size_execute0_lowered;
	s2 =	sadd.s32 s2, s4;
	[dreg:$0x0] =	wrdreg $0x0  }
0xa8: {  	s4 =	sshll.u32 s28, $0x1;
	[dreg:$0x2] =	wrdreg s2  }
0xa9: {  	[dreg:$0x3] =	wrdreg s4  }
0xaa: {  	[dreg:$0x4] =	wrdreg $0xC0  }
0xab: {  	_ =	task [dreg:s6], $0x5FFFF  }
0xac: {  	[dreg:$0x1] =	wrdreg $0xFFFFFFFF  }
0xad: {  	[dreg:$0x0] =	wrdreg $0x60  }
0xae: {  	[dreg:$0x2] =	wrdreg s24  }
0xaf: {  	[dreg:$0x3] =	wrdreg $0x154000  }
0xb0: {  	[dreg:$0x4] =	wrdreg $0x9  }
0xb1: {  	_ =	task.clear_ibuf [dreg:s6], $0x5FFFF;
	_ =	strace $0x90000052  }
0xb2: {  	s29 =	simm.s32 $0x9;
	_ =	strace $0x80000054  }
0xb3: {  	_ =	swait.ge [sflag:s29], $0x1  }
0xb4: {  	[sflag:s29] =	ssyncadd.s32 $0xFFFFFFFF  }
0xb5: {  	_ =	strace $0x90000054  }
0xb6: {  	_ =	sfence  }
0xb7: {  	s30 =	sld [smem:$0x0];
	_ =	sdelay $0x2  }
0xb8: {  	s31 =	sshll.u32 s1, $0xD;
	s1 =	sshrl.u32 s1, $0x2  }
0xb9: {  	s3 =	sand.u32 $0x4000, s31;
	s1 =	sadd.s32 s1, s30  }
0xba: {  	s0 =	sor.u32 s3, s0;
	s1 =	sshll.u32 s1, $0x11  }
0xbb: {  	s0 =	sor.u32 s1, s0  }
0xbc: {  	s0 =	sadd.s32 $0x8F2B, s0  }
0xbd: {  	[sflag:s0] =	ssyncadd.remote.s32 $0x1  }
0xbe: {  	_ =	sfence.sel $0xFFFF  }
0xbf: {  	[dreg:$0x0] =	wrdreg $0xFFFFFFFF;
	(pc) =	sbr.abs _section_cstart, $3  }
0xc0: {  	[dreg:$0x1] =	wrdreg $0xFFFFFFFF  }
0xc1: {  	_ =	task.clear_ibuf [dreg:s6], $0x2FFFF;
	_ =	strace $0x9FFFFFFF  }
0xc2: {  	(tm) =	ssettm $0x7FFFFFFF  }
0xc3: {  	_ =	shalt  }
tec
execute0_lowered:
.L_overlay_start_1:
0x0: {  	(tag) =	ssettag $0x1  }
0x1: {  	s3 =	rddreg [dreg:$0x0]  }
0x2: {  	s0 =	srdreg.scid;
	s1 =	rddreg [dreg:$0x1];
	s2 =	simm.s32 $0x0  }
0x3: {  	s26 =	stileid.u32;
	s18 =	simm.s32 $0xB000;
	s19 =	simm.s32 $0x3  }
0x4: {  	s20 =	simm.s32 $0x2F00;
	s21 =	simm.s32 $0x80;
	s4 =	smul.u32 $0x29000, s26  }
0x5: {  	s22 =	simm.s32 $0x3000;
	s28 =	simm.s32 $0x2E80;
	s6 =	smul.u32 $0x5E00, s26  }
0x6: {  	s29 =	simm.s32 $0x0;
	s0 =	sand.u32 $0x1, s0;
	s8 =	smul.u32 $0x14000, s26  }
0x7: {  	[smem:$0x7FF] =	sst s2;
	s10 =	sadd.s32 $0x2AFC00, s3;
	s30 =	smul.u32 $0xBC0, s26  }
0x8: {  	s15 =	sadd.s32 $0x29A200, s3;
	s9 =	sshllo.u32 s26, $0x1;
	s12 =	smul.u32 $0x138800, s0  }
0x9: {  	p0 =	seq.s32 s26, $0xF;
	s26 =	simm.s32 $0x1;
	s11 =	smul.u32 $0x2F00, s9  }
0xa: {  	_ =	strace $0x80000053;
	s0 =	ssub.s32 $0x2, s0;
	s16 =	smul.u32 $0xA000, s9  }
0xb: {  	s5 =	sshrl.u32 s0, $0x1;
	s4 =	sshrl.u32 s4, $0x2;
	s6 =	sshrl.u32 s6, $0x3  }
0xc: {  	s31 =	sadd.s32 s30, s15;
	s13 =	sshrl.u32 s12, $0x3;
	s0 =	ssub.s32 s0, s5  }
0xd: {  	s4 =	sadd.s32 s4, s1;
	s23 =	sadd.s32 s10, s6;
	s6 =	sadd.s32 s15, s6  }
0xe: {  	s8 =	sadd.s32 s8, s12;
	s11 =	sshrl.u32 s11, $0x3;
	s25 =	sadd.s32 s12, s16  }
0xf: {  	s16 =	sadd.s32 $0x20, s31;
	s7 =	sadd.s32 s13, s3;
	s3 =	sadd.s32 $0x51A00, s3  }
0x10: {  	[dreg:$0x3] =	wrdreg s23;
	s14 =	sshrl.u32 s8, $0x3;
	s24 =	sadd.s32 $0x5D0, s6  }
0x11: {  	s10 =	sadd.s32 s10, s11;
	s11 =	sadd.s32 s15, s11;
	s15 =	smax.u32 s0, $0x1  }
0x12: {  	s23 =	simm.s32 $0x2F80;
	s7 =	sadd.s32 $0x3800, s7;
	[dreg:$0x4] =	wrdreg s24  }
0x13: {  	s9 =	sadd.s32 s3, s14;
	s12 =	sadd.s32 $0x5D0, s11;
	s14 =	sshrl.u32 s25, $0x3  }
0x14: {  	s17 =	sadd.s32 s3, s13;
	s24 =	simm.s32 $0x7000;
	s25 =	simm.s32 $0x2  }
0x15: {  	v0 =	vimm.f32 $0.0e+00;
	s13 =	sadd.s32 s3, s14;
	s14 =	sadd.s32 $0x26C00, s17;
	s17 =	sadd.s32 $0x600, s31  }
.LBB2_1:
0x16: {  	s0 =	simm.s32 $0x0;
	s3 =	simm.s32 $0x200  }
.LBB2_2:
0x17: {  	p1 =	sne.s32 s3, $0x28E00;
	[tilespmem:s0+$0xB070] =	vst v0  }
0x18: {  	[tilespmem:s0+$0xB000] =	vst v0  }
0x19: {  	[tilespmem:s0+$0xB010] =	vst v0  }
.Ltmp0:
0x1a: {  	[tilespmem:s0+$0xB020] =	vst v0;
	(pc) =	sbr.rel @p1 .LBB2_2-.Ltmp0, $4  }
0x1b: {  	[tilespmem:s0+$0xB030] =	vst v0  }
0x1c: {  	[tilespmem:s0+$0xB040] =	vst v0  }
0x1d: {  	[tilespmem:s0+$0xB050] =	vst v0  }
0x1e: {  	[tilespmem:s0+$0xB060] =	vst v0;
	s0 =	sshra.s32 s3, $0x2;
	s3 =	sadd.s32 $0x200, s3  }
0x1f: {  	[tilespmem:s0+$0xB070] =	vst v0  }
0x20: {  	[tilespmem:s0+$0xB000] =	vst v0  }
0x21: {  	[tilespmem:s0+$0xB010] =	vst v0  }
0x22: {  	[tilespmem:s0+$0xB020] =	vst v0  }
0x23: {  	[tilespmem:s0+$0xB030] =	vst v0  }
0x24: {  	[tilespmem:s0+$0xB040] =	vst v0  }
0x25: {  	[tilespmem:s0+$0xB050] =	vst v0  }
0x26: {  	[tilespmem:s0+$0xB060] =	vst v0  }
0x27: {  	[spmem:s4] =	stream.linear.scatter [tilespmem:s18], [sflag:$0x3], $0xA400, $0x38;
	[tilespmem:$0x1F800] =	vst v63  }
0x28: {  	_ =	swait.ge [sflag:s19], $0xA400  }
0x29: {  	[sflag:s19] =	ssyncset.done $0x0  }
0x2a: {  	s8 =	rddreg [dreg:$0x3];
	[sflag:s19] =	ssyncadd.s32 $0xFFFF5C00  }
0x2b: {  	[tilespmem:s2], [sflag:$0x3] =	stream.linear.gather [hbm4b:s8+s2], $0x2F00, $0x38;
	[tilespmem:$0x1F800] =	vst v63  }
0x2c: {  	_ =	swait.ge [sflag:s19], $0x2F00  }
0x2d: {  	[sflag:s19] =	ssyncset.done $0x0  }
0x2e: {  	[sflag:s19] =	ssyncadd.s32 $0xFFFFD100  }
0x2f: {  	[tilespmem:s20], [sflag:$0x2] =	stream.linear.gather [hbm4b:s6+s2], $0x80, $0x38;
	[tilespmem:$0x1F800] =	vst v63  }
0x30: {  	_ = 	snop  }
0x31: {  	[tilespmem:s22], [sflag:$0x1] =	stream.indirect.gather [hbm4b:s7+s21], $0x80, s2, s21, $0xb8;
	[tilespmem:$0x1F800] =	vst v63  }
0x32: {  	s3 =	sadd.s32 $0xFFFFFFF0, s16  }
0x33: {  	[tilespmem:s23], [sflag:$0x2] =	stream.linear.gather [hbm4b:s3+s2], $0x80, $0x38;
	[tilespmem:$0x1F800] =	vst v63  }
0x34: {  	s5 =	simm.s32 $0x80  }
0x35: {  	[tilespmem:s24], [sflag:$0x1] =	stream.indirect.gather [hbm4b:s7+s21], $0x80, s5, s21, $0xb8;
	[tilespmem:$0x1F800] =	vst v63  }
0x36: {  	_ =	swait.ge [sflag:s25], $0x80  }
0x37: {  	[sflag:s25] =	ssyncset.done $0x0  }
0x38: {  	[sflag:s25] =	ssyncadd.s32 $0xFFFFFF80  }
0x39: {  	_ =	swait.ge [sflag:s26], $0x4000  }
0x3a: {  	[sflag:s26] =	ssyncset.done $0x0  }
0x3b: {  	[sflag:s26] =	ssyncadd.s32 $0xFFFFC000  }
0x3c: {  	[spmem:s1] =	stream.indirect.scatter.add.f32 [tilespmem:s22], [sflag:$0x3], $0x80, s20, s21, $0xb8;
	[tilespmem:$0x1F800] =	vst v63  }
0x3d: {  	_ =	swait.ge [sflag:s19], $0x4000  }
0x3e: {  	[sflag:s19] =	ssyncset.done $0x0  }
0x3f: {  	[sflag:s19] =	ssyncadd.s32 $0xFFFFC000  }
0x40: {  	[tilespmem:s20], [sflag:$0x2] =	stream.linear.gather [hbm4b:s16+s2], $0x80, $0x38;
	[tilespmem:$0x1F800] =	vst v63  }
0x41: {  	s8 =	simm.s32 $0x100  }
0x42: {  	[tilespmem:s22], [sflag:$0x1] =	stream.indirect.gather [hbm4b:s7+s21], $0x80, s8, s21, $0xb8;
	[tilespmem:$0x1F800] =	vst v63  }
0x43: {  	_ =	swait.ge [sflag:s25], $0x80  }
0x44: {  	[sflag:s25] =	ssyncset.done $0x0  }
0x45: {  	[sflag:s25] =	ssyncadd.s32 $0xFFFFFF80  }
0x46: {  	_ =	swait.ge [sflag:s26], $0x4000  }
0x47: {  	[sflag:s26] =	ssyncset.done $0x0  }
0x48: {  	[sflag:s26] =	ssyncadd.s32 $0xFFFFC000  }
0x49: {  	[spmem:s1] =	stream.indirect.scatter.add.f32 [tilespmem:s24], [sflag:$0x3], $0x80, s23, s21, $0xb8;
	[tilespmem:$0x1F800] =	vst v63  }
0x4a: {  	s31 =	simm.s32 $0xFFFF4C00;
	_ =	swait.ge [sflag:s19], $0x4000  }
0x4b: {  	s0 =	simm.s32 $0xFFFF5000;
	s30 =	sadd.s32 $0x20, s16;
	[sflag:s19] =	ssyncset.done $0x0  }
.LBB2_4:
0x4c: {  	s3 =	sadd.s32 $0xFFFFFFF0, s30  }
0x4d: {  	s5 =	sshra.s32 s31, $0x2;
	[sflag:s19] =	ssyncadd.s32 $0xFFFFC000;
	s31 =	smov.u32 s0  }
0x4e: {  	[tilespmem:s23], [sflag:$0x2] =	stream.linear.gather [hbm4b:s3+s2], $0x80, $0x38;
	[tilespmem:$0x1F800] =	vst v63  }
0x4f: {  	p1 =	sne.s32 s0, $0xFFFFFC00;
	s0 =	sadd.s32 $0x400, s0;
	s3 =	sadd.s32 $0x2E80, s5  }
0x50: {  	[tilespmem:s24], [sflag:$0x1] =	stream.indirect.gather [hbm4b:s7+s21], $0x80, s3, s21, $0xb8;
	[tilespmem:$0x1F800] =	vst v63  }
0x51: {  	_ =	swait.ge [sflag:s25], $0x80  }
0x52: {  	[sflag:s25] =	ssyncset.done $0x0  }
0x53: {  	[sflag:s25] =	ssyncadd.s32 $0xFFFFFF80  }
0x54: {  	_ =	swait.ge [sflag:s26], $0x4000  }
0x55: {  	[sflag:s26] =	ssyncset.done $0x0  }
0x56: {  	[sflag:s26] =	ssyncadd.s32 $0xFFFFC000  }
0x57: {  	[spmem:s1] =	stream.indirect.scatter.add.f32 [tilespmem:s22], [sflag:$0x3], $0x80, s20, s21, $0xb8;
	[tilespmem:$0x1F800] =	vst v63  }
0x58: {  	_ =	swait.ge [sflag:s19], $0x4000  }
0x59: {  	[sflag:s19] =	ssyncset.done $0x0  }
0x5a: {  	[sflag:s19] =	ssyncadd.s32 $0xFFFFC000  }
0x5b: {  	[tilespmem:s20], [sflag:$0x2] =	stream.linear.gather [hbm4b:s30+s2], $0x80, $0x38;
	[tilespmem:$0x1F800] =	vst v63  }
0x5c: {  	s3 =	sadd.s32 $0x2F00, s5  }
0x5d: {  	[tilespmem:s22], [sflag:$0x1] =	stream.indirect.gather [hbm4b:s7+s21], $0x80, s3, s21, $0xb8;
	[tilespmem:$0x1F800] =	vst v63  }
0x5e: {  	_ =	swait.ge [sflag:s25], $0x80  }
0x5f: {  	[sflag:s25] =	ssyncset.done $0x0  }
0x60: {  	[sflag:s25] =	ssyncadd.s32 $0xFFFFFF80  }
0x61: {  	_ =	swait.ge [sflag:s26], $0x4000  }
.Ltmp1:
0x62: {  	[sflag:s26] =	ssyncset.done $0x0;
	(pc) =	sbr.rel @p1 .LBB2_4-.Ltmp1, $4  }
0x63: {  	[sflag:s26] =	ssyncadd.s32 $0xFFFFC000  }
0x64: {  	[spmem:s1] =	stream.indirect.scatter.add.f32 [tilespmem:s24], [sflag:$0x3], $0x80, s23, s21, $0xb8;
	[tilespmem:$0x1F800] =	vst v63  }
0x65: {  	_ =	swait.ge [sflag:s19], $0x4000  }
0x66: {  	s30 =	sadd.s32 $0x20, s30;
	[sflag:s19] =	ssyncset.done $0x0  }
0x67: {  	s0 =	sadd.s32 $0xFFFFFFF0, s30;
	s3 =	sshra.s32 s31, $0x2;
	[sflag:s19] =	ssyncadd.s32 $0xFFFFC000  }
0x68: {  	[tilespmem:s23], [sflag:$0x2] =	stream.linear.gather [hbm4b:s0+s2], $0x80, $0x38;
	[tilespmem:$0x1F800] =	vst v63  }
0x69: {  	s5 =	sadd.s32 $0x2E80, s3  }
0x6a: {  	[tilespmem:s24], [sflag:$0x1] =	stream.indirect.gather [hbm4b:s7+s21], $0x80, s5, s21, $0xb8;
	[tilespmem:$0x1F800] =	vst v63  }
0x6b: {  	_ =	swait.ge [sflag:s25], $0x80  }
0x6c: {  	[sflag:s25] =	ssyncset.done $0x0  }
0x6d: {  	[sflag:s25] =	ssyncadd.s32 $0xFFFFFF80  }
0x6e: {  	_ =	swait.ge [sflag:s26], $0x4000  }
0x6f: {  	[sflag:s26] =	ssyncset.done $0x0  }
0x70: {  	[sflag:s26] =	ssyncadd.s32 $0xFFFFC000  }
0x71: {  	[spmem:s1] =	stream.indirect.scatter.add.f32 [tilespmem:s22], [sflag:$0x3], $0x80, s20, s21, $0xb8;
	[tilespmem:$0x1F800] =	vst v63  }
0x72: {  	_ =	swait.ge [sflag:s19], $0x4000  }
0x73: {  	[sflag:s19] =	ssyncset.done $0x0  }
0x74: {  	[sflag:s19] =	ssyncadd.s32 $0xFFFFC000  }
0x75: {  	[tilespmem:s20], [sflag:$0x2] =	stream.linear.gather [hbm4b:s30+s2], $0x80, $0x38;
	[tilespmem:$0x1F800] =	vst v63  }
0x76: {  	s8 =	sadd.s32 $0x2F00, s3  }
0x77: {  	[tilespmem:s22], [sflag:$0x1] =	stream.indirect.gather [hbm4b:s7+s21], $0x80, s8, s21, $0xb8;
	[tilespmem:$0x1F800] =	vst v63  }
0x78: {  	_ =	swait.ge [sflag:s25], $0x80  }
0x79: {  	[sflag:s25] =	ssyncset.done $0x0  }
0x7a: {  	[sflag:s25] =	ssyncadd.s32 $0xFFFFFF80  }
0x7b: {  	_ =	swait.ge [sflag:s26], $0x4000  }
0x7c: {  	[sflag:s26] =	ssyncset.done $0x0  }
0x7d: {  	[sflag:s26] =	ssyncadd.s32 $0xFFFFC000  }
0x7e: {  	[spmem:s1] =	stream.indirect.scatter.add.f32 [tilespmem:s24], [sflag:$0x3], $0x80, s23, s21, $0xb8;
	[tilespmem:$0x1F800] =	vst v63  }
0x7f: {  	_ =	swait.ge [sflag:s19], $0x4000  }
0x80: {  	[sflag:s19] =	ssyncset.done $0x0  }
0x81: {  	s3 =	rddreg [dreg:$0x4];
	[sflag:s19] =	ssyncadd.s32 $0xFFFFC000  }
0x82: {  	[tilespmem:s23], [sflag:$0x2] =	stream.linear.gather [hbm4b:s3+s2], $0x80, $0x38;
	[tilespmem:$0x1F800] =	vst v63  }
0x83: {  	_ = 	snop  }
0x84: {  	[tilespmem:s24], [sflag:$0x1] =	stream.indirect.gather [hbm4b:s7+s21], $0x80, s28, s21, $0xb8;
	[tilespmem:$0x1F800] =	vst v63  }
0x85: {  	_ =	swait.ge [sflag:s25], $0x80  }
0x86: {  	[sflag:s25] =	ssyncset.done $0x0  }
0x87: {  	[sflag:s25] =	ssyncadd.s32 $0xFFFFFF80  }
0x88: {  	_ =	swait.ge [sflag:s26], $0x4000  }
0x89: {  	[sflag:s26] =	ssyncset.done $0x0  }
0x8a: {  	[sflag:s26] =	ssyncadd.s32 $0xFFFFC000  }
0x8b: {  	[spmem:s1] =	stream.indirect.scatter.add.f32 [tilespmem:s22], [sflag:$0x3], $0x80, s20, s21, $0xb8;
	[tilespmem:$0x1F800] =	vst v63  }
0x8c: {  	_ =	swait.ge [sflag:s19], $0x4000  }
0x8d: {  	[sflag:s19] =	ssyncset.done $0x0  }
0x8e: {  	[sflag:s19] =	ssyncadd.s32 $0xFFFFC000  }
0x8f: {  	_ =	swait.ge [sflag:s25], $0x80  }
0x90: {  	[sflag:s25] =	ssyncset.done $0x0  }
0x91: {  	[sflag:s25] =	ssyncadd.s32 $0xFFFFFF80  }
0x92: {  	_ =	swait.ge [sflag:s26], $0x4000  }
0x93: {  	[sflag:s26] =	ssyncset.done $0x0  }
0x94: {  	[sflag:s26] =	ssyncadd.s32 $0xFFFFC000  }
0x95: {  	[spmem:s1] =	stream.indirect.scatter.add.f32 [tilespmem:s24], [sflag:$0x3], $0x80, s23, s21, $0xb8;
	[tilespmem:$0x1F800] =	vst v63  }
0x96: {  	s5 =	stileid.u32;
	_ =	swait.ge [sflag:s19], $0x4000  }
0x97: {  	s0 =	sshll.u32 s5, $0x6;
	[sflag:s19] =	ssyncset.done $0x0  }
0x98: {  	s30 =	sor.u32 $0x1C03, s0;
	s8 =	sshrl.u32 s4, $0x3;
	[sflag:s19] =	ssyncadd.s32 $0xFFFFC000  }
0x99: {  	[hbm:s9], [sflag:s30] =	dma.local [spmem:s8], $0x1400  }
0x9a: {  	_ =	swait.ge [sflag:s19], $0x1400  }
0x9b: {  	[sflag:s19] =	ssyncset.done $0x0  }
0x9c: {  	[sflag:s19] =	ssyncadd.s32 $0xFFFFEC00  }
0x9d: {  	[spmem:s4] =	stream.linear.scatter [tilespmem:s18], [sflag:$0x3], $0xA400, $0x38;
	[tilespmem:$0x1F800] =	vst v63  }
0x9e: {  	_ =	swait.ge [sflag:s19], $0xA400  }
0x9f: {  	[sflag:s19] =	ssyncset.done $0x0  }
0xa0: {  	[sflag:s19] =	ssyncadd.s32 $0xFFFF5C00  }
0xa1: {  	[tilespmem:s2], [sflag:$0x3] =	stream.linear.gather [hbm4b:s10+s2], $0x2F00, $0x38;
	[tilespmem:$0x1F800] =	vst v63  }
0xa2: {  	_ =	swait.ge [sflag:s19], $0x2F00  }
0xa3: {  	[sflag:s19] =	ssyncset.done $0x0  }
0xa4: {  	[sflag:s19] =	ssyncadd.s32 $0xFFFFD100  }
0xa5: {  	[tilespmem:s20], [sflag:$0x2] =	stream.linear.gather [hbm4b:s11+s2], $0x80, $0x38;
	[tilespmem:$0x1F800] =	vst v63  }
0xa6: {  	_ = 	snop  }
0xa7: {  	[tilespmem:s22], [sflag:$0x1] =	stream.indirect.gather [hbm4b:s7+s21], $0x80, s2, s21, $0xb8;
	[tilespmem:$0x1F800] =	vst v63  }
0xa8: {  	s3 =	sadd.s32 $0xFFFFFFF0, s17  }
0xa9: {  	[tilespmem:s23], [sflag:$0x2] =	stream.linear.gather [hbm4b:s3+s2], $0x80, $0x38;
	[tilespmem:$0x1F800] =	vst v63  }
0xaa: {  	s5 =	simm.s32 $0x80  }
0xab: {  	[tilespmem:s24], [sflag:$0x1] =	stream.indirect.gather [hbm4b:s7+s21], $0x80, s5, s21, $0xb8;
	[tilespmem:$0x1F800] =	vst v63  }
0xac: {  	_ =	swait.ge [sflag:s25], $0x80  }
0xad: {  	[sflag:s25] =	ssyncset.done $0x0  }
0xae: {  	[sflag:s25] =	ssyncadd.s32 $0xFFFFFF80  }
0xaf: {  	_ =	swait.ge [sflag:s26], $0x4000  }
0xb0: {  	[sflag:s26] =	ssyncset.done $0x0  }
0xb1: {  	[sflag:s26] =	ssyncadd.s32 $0xFFFFC000  }
0xb2: {  	[spmem:s1] =	stream.indirect.scatter.add.f32 [tilespmem:s22], [sflag:$0x3], $0x80, s20, s21, $0xb8;
	[tilespmem:$0x1F800] =	vst v63  }
0xb3: {  	_ =	swait.ge [sflag:s19], $0x4000  }
0xb4: {  	[sflag:s19] =	ssyncset.done $0x0  }
0xb5: {  	[sflag:s19] =	ssyncadd.s32 $0xFFFFC000  }
0xb6: {  	[tilespmem:s20], [sflag:$0x2] =	stream.linear.gather [hbm4b:s17+s2], $0x80, $0x38;
	[tilespmem:$0x1F800] =	vst v63  }
0xb7: {  	s8 =	simm.s32 $0x100  }
0xb8: {  	[tilespmem:s22], [sflag:$0x1] =	stream.indirect.gather [hbm4b:s7+s21], $0x80, s8, s21, $0xb8;
	[tilespmem:$0x1F800] =	vst v63  }
0xb9: {  	_ =	swait.ge [sflag:s25], $0x80  }
0xba: {  	[sflag:s25] =	ssyncset.done $0x0  }
0xbb: {  	[sflag:s25] =	ssyncadd.s32 $0xFFFFFF80  }
0xbc: {  	_ =	swait.ge [sflag:s26], $0x4000  }
0xbd: {  	[sflag:s26] =	ssyncset.done $0x0  }
0xbe: {  	[sflag:s26] =	ssyncadd.s32 $0xFFFFC000  }
0xbf: {  	[spmem:s1] =	stream.indirect.scatter.add.f32 [tilespmem:s24], [sflag:$0x3], $0x80, s23, s21, $0xb8;
	[tilespmem:$0x1F800] =	vst v63  }
0xc0: {  	s31 =	sadd.s32 $0x20, s17;
	_ =	swait.ge [sflag:s19], $0x4000  }
0xc1: {  	s0 =	simm.s32 $0xFFFF4C00;
	s3 =	simm.s32 $0xFFFF5000;
	[sflag:s19] =	ssyncset.done $0x0  }
.LBB2_6:
0xc2: {  	s5 =	sadd.s32 $0xFFFFFFF0, s31  }
0xc3: {  	s8 =	sshra.s32 s0, $0x2;
	[sflag:s19] =	ssyncadd.s32 $0xFFFFC000;
	s0 =	smov.u32 s3  }
0xc4: {  	[tilespmem:s23], [sflag:$0x2] =	stream.linear.gather [hbm4b:s5+s2], $0x80, $0x38;
	[tilespmem:$0x1F800] =	vst v63  }
0xc5: {  	p1 =	sne.s32 s3, $0xFFFFFC00;
	s3 =	sadd.s32 $0x400, s3;
	s5 =	sadd.s32 $0x2E80, s8  }
0xc6: {  	[tilespmem:s24], [sflag:$0x1] =	stream.indirect.gather [hbm4b:s7+s21], $0x80, s5, s21, $0xb8;
	[tilespmem:$0x1F800] =	vst v63  }
0xc7: {  	_ =	swait.ge [sflag:s25], $0x80  }
0xc8: {  	[sflag:s25] =	ssyncset.done $0x0  }
0xc9: {  	[sflag:s25] =	ssyncadd.s32 $0xFFFFFF80  }
0xca: {  	_ =	swait.ge [sflag:s26], $0x4000  }
0xcb: {  	[sflag:s26] =	ssyncset.done $0x0  }
0xcc: {  	[sflag:s26] =	ssyncadd.s32 $0xFFFFC000  }
0xcd: {  	[spmem:s1] =	stream.indirect.scatter.add.f32 [tilespmem:s22], [sflag:$0x3], $0x80, s20, s21, $0xb8;
	[tilespmem:$0x1F800] =	vst v63  }
0xce: {  	_ =	swait.ge [sflag:s19], $0x4000  }
0xcf: {  	[sflag:s19] =	ssyncset.done $0x0  }
0xd0: {  	[sflag:s19] =	ssyncadd.s32 $0xFFFFC000  }
0xd1: {  	[tilespmem:s20], [sflag:$0x2] =	stream.linear.gather [hbm4b:s31+s2], $0x80, $0x38;
	[tilespmem:$0x1F800] =	vst v63  }
0xd2: {  	s5 =	sadd.s32 $0x2F00, s8  }
0xd3: {  	[tilespmem:s22], [sflag:$0x1] =	stream.indirect.gather [hbm4b:s7+s21], $0x80, s5, s21, $0xb8;
	[tilespmem:$0x1F800] =	vst v63  }
0xd4: {  	_ =	swait.ge [sflag:s25], $0x80  }
0xd5: {  	[sflag:s25] =	ssyncset.done $0x0  }
0xd6: {  	[sflag:s25] =	ssyncadd.s32 $0xFFFFFF80  }
0xd7: {  	_ =	swait.ge [sflag:s26], $0x4000  }
.Ltmp2:
0xd8: {  	[sflag:s26] =	ssyncset.done $0x0;
	(pc) =	sbr.rel @p1 .LBB2_6-.Ltmp2, $4  }
0xd9: {  	[sflag:s26] =	ssyncadd.s32 $0xFFFFC000  }
0xda: {  	[spmem:s1] =	stream.indirect.scatter.add.f32 [tilespmem:s24], [sflag:$0x3], $0x80, s23, s21, $0xb8;
	[tilespmem:$0x1F800] =	vst v63  }
0xdb: {  	_ =	swait.ge [sflag:s19], $0x4000  }
0xdc: {  	s31 =	sadd.s32 $0x20, s31;
	[sflag:s19] =	ssyncset.done $0x0  }
0xdd: {  	s3 =	sadd.s32 $0xFFFFFFF0, s31;
	s0 =	sshra.s32 s0, $0x2;
	[sflag:s19] =	ssyncadd.s32 $0xFFFFC000  }
0xde: {  	[tilespmem:s23], [sflag:$0x2] =	stream.linear.gather [hbm4b:s3+s2], $0x80, $0x38;
	[tilespmem:$0x1F800] =	vst v63  }
0xdf: {  	s8 =	sadd.s32 $0x2E80, s0  }
0xe0: {  	[tilespmem:s24], [sflag:$0x1] =	stream.indirect.gather [hbm4b:s7+s21], $0x80, s8, s21, $0xb8;
	[tilespmem:$0x1F800] =	vst v63  }
0xe1: {  	_ =	swait.ge [sflag:s25], $0x80  }
0xe2: {  	[sflag:s25] =	ssyncset.done $0x0  }
0xe3: {  	[sflag:s25] =	ssyncadd.s32 $0xFFFFFF80  }
0xe4: {  	_ =	swait.ge [sflag:s26], $0x4000  }
0xe5: {  	[sflag:s26] =	ssyncset.done $0x0  }
0xe6: {  	[sflag:s26] =	ssyncadd.s32 $0xFFFFC000  }
0xe7: {  	[spmem:s1] =	stream.indirect.scatter.add.f32 [tilespmem:s22], [sflag:$0x3], $0x80, s20, s21, $0xb8;
	[tilespmem:$0x1F800] =	vst v63  }
0xe8: {  	_ =	swait.ge [sflag:s19], $0x4000  }
0xe9: {  	[sflag:s19] =	ssyncset.done $0x0  }
0xea: {  	[sflag:s19] =	ssyncadd.s32 $0xFFFFC000  }
0xeb: {  	[tilespmem:s20], [sflag:$0x2] =	stream.linear.gather [hbm4b:s31+s2], $0x80, $0x38;
	[tilespmem:$0x1F800] =	vst v63  }
0xec: {  	s0 =	sadd.s32 $0x2F00, s0  }
0xed: {  	[tilespmem:s22], [sflag:$0x1] =	stream.indirect.gather [hbm4b:s7+s21], $0x80, s0, s21, $0xb8;
	[tilespmem:$0x1F800] =	vst v63  }
0xee: {  	_ =	swait.ge [sflag:s25], $0x80  }
0xef: {  	[sflag:s25] =	ssyncset.done $0x0  }
0xf0: {  	[sflag:s25] =	ssyncadd.s32 $0xFFFFFF80  }
0xf1: {  	_ =	swait.ge [sflag:s26], $0x4000  }
0xf2: {  	[sflag:s26] =	ssyncset.done $0x0  }
0xf3: {  	[sflag:s26] =	ssyncadd.s32 $0xFFFFC000  }
0xf4: {  	[spmem:s1] =	stream.indirect.scatter.add.f32 [tilespmem:s24], [sflag:$0x3], $0x80, s23, s21, $0xb8;
	[tilespmem:$0x1F800] =	vst v63  }
0xf5: {  	_ =	swait.ge [sflag:s19], $0x4000  }
0xf6: {  	[sflag:s19] =	ssyncset.done $0x0  }
0xf7: {  	[sflag:s19] =	ssyncadd.s32 $0xFFFFC000  }
0xf8: {  	[tilespmem:s23], [sflag:$0x2] =	stream.linear.gather [hbm4b:s12+s2], $0x80, $0x38;
	[tilespmem:$0x1F800] =	vst v63  }
0xf9: {  	_ = 	snop  }
0xfa: {  	[tilespmem:s24], [sflag:$0x1] =	stream.indirect.gather [hbm4b:s7+s21], $0x80, s28, s21, $0xb8;
	[tilespmem:$0x1F800] =	vst v63  }
0xfb: {  	_ =	swait.ge [sflag:s25], $0x80  }
0xfc: {  	[sflag:s25] =	ssyncset.done $0x0  }
0xfd: {  	[sflag:s25] =	ssyncadd.s32 $0xFFFFFF80  }
0xfe: {  	_ =	swait.ge [sflag:s26], $0x4000  }
0xff: {  	[sflag:s26] =	ssyncset.done $0x0  }
0x100: {  	[sflag:s26] =	ssyncadd.s32 $0xFFFFC000  }
0x101: {  	[spmem:s1] =	stream.indirect.scatter.add.f32 [tilespmem:s22], [sflag:$0x3], $0x80, s20, s21, $0xb8;
	[tilespmem:$0x1F800] =	vst v63  }
0x102: {  	_ =	swait.ge [sflag:s19], $0x4000  }
0x103: {  	[sflag:s19] =	ssyncset.done $0x0  }
0x104: {  	[sflag:s19] =	ssyncadd.s32 $0xFFFFC000  }
0x105: {  	_ =	swait.ge [sflag:s25], $0x80  }
0x106: {  	[sflag:s25] =	ssyncset.done $0x0  }
0x107: {  	[sflag:s25] =	ssyncadd.s32 $0xFFFFFF80  }
0x108: {  	_ =	swait.ge [sflag:s26], $0x4000  }
0x109: {  	[sflag:s26] =	ssyncset.done $0x0  }
0x10a: {  	[sflag:s26] =	ssyncadd.s32 $0xFFFFC000  }
0x10b: {  	[spmem:s1] =	stream.indirect.scatter.add.f32 [tilespmem:s24], [sflag:$0x3], $0x80, s23, s21, $0xb8;
	[tilespmem:$0x1F800] =	vst v63  }
0x10c: {  	_ =	swait.ge [sflag:s19], $0x4000  }
0x10d: {  	[sflag:s19] =	ssyncset.done $0x0  }
0x10e: {  	s0 =	sshrl.u32 @p0 s4, $0x3;
	[sflag:s19] =	ssyncadd.s32 $0xFFFFC000  }
0x10f: {  	[hbm:s14], [sflag:s30] =	dma.local @p0 [spmem:s0], $0x500  }
0x110: {  	s0 =	simm.s32 @p0 $0x3  }
0x111: {  	_ =	swait.ge @p0 [sflag:s0], $0x500  }
0x112: {  	s29 =	sadd.s32 $0x1, s29;
	[sflag:s0] =	ssyncset.done @p0 $0x0  }
0x113: {  	p1 =	sne.s32 s29, s15;
	[sflag:s0] =	ssyncadd.s32 @p0 $0xFFFFFB00;
	s0 =	sshrl.u32 @!p0 s4, $0x3  }
0x114: {  	[hbm:s13], [sflag:s30] =	dma.local @!p0 [spmem:s0], $0x1400  }
.Ltmp3:
0x115: {  	_ = 	snop;
	(pc) =	sbr.rel @p1 .LBB2_1-.Ltmp3, $4  }
0x116: {  	s0 =	simm.s32 @!p0 $0x3  }
0x117: {  	_ =	swait.ge @!p0 [sflag:s0], $0x1400  }
0x118: {  	[sflag:s0] =	ssyncset.done @!p0 $0x0  }
0x119: {  	[sflag:s0] =	ssyncadd.s32 @!p0 $0xFFFFEC00  }
0x11a: {  	_ =	sfence.sel $0x180000  }
0x11b: {  	[bflag:$0x0] =	sbarrier.arrive $0xFFFF  }
0x11c: {  	_ =	strace $0x90000053  }
0x11d: {  	s0 =	stileid.u32;
	[bflag:$0x2] =	sbarrier.arrive $0xFFFF  }
0x11e: {  	p0 =	sne.s32 s0, $0x0;
	s0 =	rddreg [dreg:$0x2]  }
0x11f: {  	s0 =	sadd.s32 @!p0 $0x100000, s0  }
0x120: {  	[sflag:s0] =	ssyncadd.tile.s32 @!p0 $0x1;
	_ =	shalt  }
.Lfunc_end2:
_tile_overlayer_lowered:
.L_overlay_start_2:
0x121: {  	(tag) =	ssettag $0x2  }
0x122: {  	s0 =	rddreg [dreg:$0x0];
	s2 =	stileid.u32  }
0x123: {  	s1 =	rddreg [dreg:$0x1];
	p0 =	sne.s32 s2, $0x0  }
0x124: {  	s3 =	rddreg [dreg:$0x2];
	[bflag:$0x3] =	sbarrier.arrive $0xFFFF;
	s2 =	simm.s32 @!p0 $0x1C03  }
0x125: {  	[timem:s3], [sflag:s2] =	dma.local @!p0 [hbm:s0], s1  }
0x126: {  	s0 =	simm.s32 @!p0 $0x3  }
0x127: {  	_ =	swait.ge @!p0 [sflag:s0], s1  }
0x128: {  	s1 =	ssub.s32 @!p0 $0x0, s1;
	[sflag:s0] =	ssyncset.done @!p0 $0x0  }
0x129: {  	[sflag:s0] =	ssyncadd.s32 @!p0 s1  }
0x12a: {  	[bflag:$0x3] =	sbarrier.arrive $0xFFFF  }
0x12b: {  	_ =	shalt  }

// kernel: kernel.15.cloned.1.call-start
scs
__scs_entry_jumppad:
0x0: {  	(pc) =	sbr.rel $0x88, $3  }
0x1: {  	(tag) =	ssettag $0x0;
	lr =	simm.s32 $0x1  }
0x2: {  	[smem:$0x3F84] =	sst lr;
	_ =	strace $0xD0000000  }
0x3: {  	_ = 	snop  }
0x4: {  	_ = 	snop  }
0x5: {  	_ = 	snop  }
0x6: {  	_ = 	snop  }
0x7: {  	_ = 	snop  }
__scs_overlays_trampoline_lowered:
0x8: {  	[smem:$0x3F93] =	sst s0  }
0x9: {  	[smem:$0x3F94] =	sst s1  }
0xa: {  	[smem:$0x3F95] =	sst s2  }
0xb: {  	[smem:$0x3F96] =	sst s3  }
0xc: {  	[smem:$0x3F97] =	sst s4  }
0xd: {  	[smem:$0x3F98] =	sst s5  }
0xe: {  	[smem:$0x3F99] =	sst s6  }
0xf: {  	[smem:$0x3F9A] =	sst s7  }
0x10: {  	[smem:$0x3F9B] =	sst s8  }
0x11: {  	[smem:$0x3F9C] =	sst s9;
	s0 =	simm.s32 @!p0 $0x0  }
0x12: {  	s1 =	sld [smem:$0x3F82];
	s0 =	simm.s32 @p0 $0x1  }
0x13: {  	[smem:$0x3F9D] =	sst s0;
	s0 =	simm.s32 @!p1 $0x0  }
0x14: {  	s2 =	sld [smem:$0x3F81];
	s0 =	simm.s32 @p1 $0x1  }
0x15: {  	[smem:$0x3F9E] =	sst s0;
	s0 =	simm.s32 @!p2 $0x0  }
0x16: {  	s3 =	sld [smem:$0x3FDB];
	s0 =	simm.s32 @p2 $0x1  }
0x17: {  	s4 =	simm.s32 $0x1BF5;
	[smem:$0x3FA0] =	sst s0  }
0x18: {  	s0 =	sld [smem:$0x3F83];
	_ =	swait.ge [sflag:s4], $0x0  }
0x19: {  	s7 =	sld [smem:$0x3F84]  }
0x1a: {  	s8 =	sadd.s32 $0xFFFFE003, lr  }
0x1b: {  	s9 =	sadd.s32 $0xFFFFFEF7, lr;
	s5 =	simm.s32 $0xFFFFFFFF;
	p2 =	slt.u32 s8, $0xFFFFF086  }
0x1c: {  	p1 =	slt.u32 s9, $0xF7A;
	s5 =	simm.s32 @!p2 $0x0  }
0x1d: {  	s5 =	simm.s32 @p1 $0x1;
	p0 =	seq.s32 s7, s2  }
0x1e: {  	s7 =	smul.u32 @!p0 $0xF7A, s2;
	p2 =	seq.s32 @!p0 s5, $0x0  }
0x1f: {  	s9 =	smul.u32 $0xF7A, s1;
	s8 =	simm.s32 @!p0 $0x1BF5;
	p2 =	por !p2, p0  }
0x20: {  	[sflag:s8] =	ssyncset.s32 @!p0 $0xFFFFF086;
	s6 =	sadd.s32 @!p0 s3, s7;
	s7 =	simm.s32 @!p0 $0x108  }
0x21: {  	s3 =	sadd.s32 s3, s9;
	s6 =	sadd.s32 @!p0 $0x88, s6;
	s7 =	simm.s32 @p2 $0x1082  }
0x22: {  	[simem:s7], [sflag:s8] =	dma.local @!p0 [hbm:s6], $0xF7A  }
0x23: {  	s9 =	sor.u32 $0xD0000000, s2;
	s6 =	simm.s32 $0x108;
	_ =	swait.ge @!p0 [sflag:s8], $0x0  }
0x24: {  	s3 =	sadd.s32 $0x88, s3;
	s6 =	simm.s32 @!p1 $0x1082;
	[sflag:s4] =	ssyncset.s32 $0xFFFFF086  }
0x25: {  	[simem:s6], [sflag:s4] =	dma.local [hbm:s3], $0xF7A  }
0x26: {  	[smem:$0x3F84] =	sst s1;
	(tag) =	ssettag s2;
	_ =	strace s9  }
0x27: {  	s1 =	sld [smem:$0x3F94]  }
0x28: {  	s2 =	sld [smem:$0x3F95]  }
0x29: {  	s4 =	sld [smem:$0x3F97]  }
0x2a: {  	p0 =	seq.s32 s5, $0x0;
	s5 =	sld [smem:$0x3F98]  }
0x2b: {  	s6 =	sld [smem:$0x3F99]  }
0x2c: {  	s7 =	sld [smem:$0x3F9A]  }
0x2d: {  	s3 =	simm.s32 $0x108;
	s8 =	sld [smem:$0x3F9B]  }
0x2e: {  	s3 =	simm.s32 @!p0 $0x1082;
	s9 =	sld [smem:$0x3F9C]  }
0x2f: {  	lr =	sadd.s32 s0, s3;
	s0 =	sld [smem:$0x3F93]  }
0x30: {  	s3 =	sld [smem:$0x3F96]  }
0x31: {  	[smem:$0x3F9F] =	sst s10  }
0x32: {  	s10 =	sld [smem:$0x3F9D];
	_ =	sdelay $0x3  }
0x33: {  	p0 =	seq.s32 s10, $0x1;
	s10 =	sld [smem:$0x3F9F];
	_ =	sdelay $0x3  }
0x34: {  	[smem:$0x3F9F] =	sst s10  }
0x35: {  	s10 =	sld [smem:$0x3F9E];
	_ =	sdelay $0x3  }
0x36: {  	p1 =	seq.s32 s10, $0x1;
	s10 =	sld [smem:$0x3F9F];
	_ =	sdelay $0x3  }
0x37: {  	[smem:$0x3F9F] =	sst s10  }
0x38: {  	s10 =	sld [smem:$0x3FA0]  }
0x39: {  	_ = 	snop;
	(pc) =	sbr.ind lr, $3  }
0x3a: {  	_ = 	snop  }
0x3b: {  	_ = 	snop  }
0x3c: {  	p2 =	seq.s32 s10, $0x1;
	s10 =	sld [smem:$0x3F9F]  }
0x3d: {  	_ =	shalt  }
0x3e: {  	_ =	shalt  }
0x3f: {  	_ =	shalt  }
0x40: {  	_ =	shalt  }
0x41: {  	_ =	shalt  }
0x42: {  	_ =	shalt  }
0x43: {  	_ =	shalt  }
0x44: {  	_ =	shalt  }
0x45: {  	_ =	shalt  }
0x46: {  	_ =	shalt  }
0x47: {  	_ =	shalt  }
0x48: {  	_ =	shalt  }
0x49: {  	_ =	shalt  }
0x4a: {  	_ =	shalt  }
0x4b: {  	_ =	shalt  }
0x4c: {  	_ =	shalt  }
0x4d: {  	_ =	shalt  }
0x4e: {  	_ =	shalt  }
0x4f: {  	_ =	shalt  }
0x50: {  	_ =	shalt  }
0x51: {  	_ =	shalt  }
0x52: {  	_ =	shalt  }
0x53: {  	_ =	shalt  }
0x54: {  	_ =	shalt  }
0x55: {  	_ =	shalt  }
0x56: {  	_ =	shalt  }
0x57: {  	_ =	shalt  }
0x58: {  	_ =	shalt  }
0x59: {  	_ =	shalt  }
0x5a: {  	_ =	shalt  }
0x5b: {  	_ =	shalt  }
0x5c: {  	_ =	shalt  }
0x5d: {  	_ =	shalt  }
0x5e: {  	_ =	shalt  }
0x5f: {  	_ =	shalt  }
0x60: {  	_ =	shalt  }
0x61: {  	_ =	shalt  }
0x62: {  	_ =	shalt  }
0x63: {  	_ =	shalt  }
0x64: {  	_ =	shalt  }
0x65: {  	_ =	shalt  }
0x66: {  	_ =	shalt  }
0x67: {  	_ =	shalt  }
0x68: {  	_ =	shalt  }
0x69: {  	_ =	shalt  }
0x6a: {  	_ =	shalt  }
0x6b: {  	_ =	shalt  }
0x6c: {  	_ =	shalt  }
0x6d: {  	_ =	shalt  }
0x6e: {  	_ =	shalt  }
0x6f: {  	_ =	shalt  }
0x70: {  	_ =	shalt  }
0x71: {  	_ =	shalt  }
0x72: {  	_ =	shalt  }
0x73: {  	_ =	shalt  }
0x74: {  	_ =	shalt  }
0x75: {  	_ =	shalt  }
0x76: {  	_ =	shalt  }
0x77: {  	_ =	shalt  }
0x78: {  	_ =	shalt  }
0x79: {  	_ =	shalt  }
0x7a: {  	_ =	shalt  }
0x7b: {  	_ =	shalt  }
0x7c: {  	_ =	shalt  }
0x7d: {  	_ =	shalt  }
0x7e: {  	_ =	shalt  }
0x7f: {  	_ =	shalt  }
0x80: {  	_ =	shalt  }
0x81: {  	_ =	shalt  }
0x82: {  	_ =	shalt  }
0x83: {  	_ =	shalt  }
0x84: {  	_ =	shalt  }
0x85: {  	_ =	shalt  }
0x86: {  	_ =	shalt  }
0x87: {  	_ =	shalt  }
.Lfunc_end0:
.L_simem_size_0:
called_computation.5_lowered:
.L_overlay_start_0:
0x88: {  	s2 =	sld [smem:$0x3FD9]  }
0x89: {  	s3 =	sld [smem:$0x3FFE];
	_ =	sdelay $0x1  }
0x8a: {  	s1 =	srdreg.scid  }
0x8b: {  	s0 =	sand.u32 $0x1, s1  }
0x8c: {  	s16 =	sshll.u32 s0, $0xA;
	s2 =	sadd.s32 s3, s2  }
0x8d: {  	s2 =	sadd.s32 s2, s16  }
0x8e: {  	[smem:$0x3FAB] =	sst s2  }
0x8f: {  	_ = 	snop  }
0x90: {  	(tm) =	ssettm $0x1  }
0x91: {  	s17 =	sld [smem:$0x3FFB];
	_ =	sdelay $0x3  }
0x92: {  	_ =	strace s17  }
0x93: {  	s2 =	sld [smem:$0x3FFC];
	_ =	sdelay $0x3  }
0x94: {  	_ =	strace s2  }
0x95: {  	s2 =	sld [smem:$0x3FFD];
	_ =	sdelay $0x3  }
0x96: {  	_ =	strace s2  }
0x97: {  	_ =	strace $0x8FFFFFFF  }
0x98: {  	s18 =	sld [smem:$0x3FDB];
	_ =	sdelay $0x1  }
0x99: {  	s19 =	simm.s32 $_scs_section_size  }
0x9a: {  	s4 =	simm.s32 $_size__tile_overlayer_lowered;
	s5 =	simm.s32 $_tile_overlayer_lowered  }
0x9b: {  	s22 =	simm.s32 $0x1BFF;
	s21 =	sshll.u32 s5, $0x1;
	s2 =	sadd.s32 s19, s18  }
0x9c: {  	s6 =	simm.s32 $0x0;
	s20 =	sshll.u32 s4, $0x1;
	s4 =	sadd.s32 s21, s2  }
0x9d: {  	[timem:s6], [sflag:s22] =	dma.local [hbm:s4], s20  }
0x9e: {  	_ =	swait.ge [sflag:s22], s20  }
0x9f: {  	s3 =	ssub.s32 $0x0, s20;
	[sflag:s22] =	ssyncset.done $0x0  }
0xa0: {  	[sflag:s22] =	ssyncadd.s32 s3;
	_ =	sdelay $0x1  }
0xa1: {  	s23 =	simm.s32 $0x1B8B  }
0xa2: {  	_ =	swait.ge [sflag:s23], $0x1  }
0xa3: {  	[sflag:s23] =	ssyncset.done $0x0  }
0xa4: {  	s25 =	simm.s32 $0x1B8E;
	s24 =	sld [smem:$0x3FFE];
	[sflag:s23] =	ssyncadd.s32 $0xFFFFFFFF  }
0xa5: {  	s26 =	simm.s32 $execute0_lowered;
	[smem:$0x3FD2] =	sst s25  }
0xa6: {  	s4 =	sshll.u32 s26, $0x1;
	_ =	strace $0x80000055;
	[dreg:$0x1] =	wrdreg $0xFFFFFFFF  }
0xa7: {  	s28 =	simm.s32 $_size_execute0_lowered;
	s2 =	sadd.s32 s2, s4;
	[dreg:$0x0] =	wrdreg $0x0  }
0xa8: {  	s4 =	sshll.u32 s28, $0x1;
	[dreg:$0x2] =	wrdreg s2  }
0xa9: {  	[dreg:$0x3] =	wrdreg s4  }
0xaa: {  	[dreg:$0x4] =	wrdreg $0xC0  }
0xab: {  	_ =	task [dreg:s6], $0x5FFFF  }
0xac: {  	[dreg:$0x1] =	wrdreg $0xFFFFFFFF  }
0xad: {  	[dreg:$0x0] =	wrdreg $0x60  }
0xae: {  	[dreg:$0x2] =	wrdreg s24  }
0xaf: {  	[dreg:$0x3] =	wrdreg $0x154000  }
0xb0: {  	[dreg:$0x4] =	wrdreg $0x9  }
0xb1: {  	_ =	task.clear_ibuf [dreg:s6], $0x5FFFF;
	_ =	strace $0x90000055  }
0xb2: {  	s29 =	simm.s32 $0x9;
	_ =	strace $0x80000057  }
0xb3: {  	_ =	swait.ge [sflag:s29], $0x1  }
0xb4: {  	[sflag:s29] =	ssyncadd.s32 $0xFFFFFFFF  }
0xb5: {  	_ =	strace $0x90000057  }
0xb6: {  	_ =	sfence  }
0xb7: {  	s30 =	sld [smem:$0x0];
	_ =	sdelay $0x2  }
0xb8: {  	s31 =	sshll.u32 s1, $0xD;
	s1 =	sshrl.u32 s1, $0x2  }
0xb9: {  	s3 =	sand.u32 $0x4000, s31;
	s1 =	sadd.s32 s1, s30  }
0xba: {  	s0 =	sor.u32 s3, s0;
	s1 =	sshll.u32 s1, $0x11  }
0xbb: {  	s0 =	sor.u32 s1, s0  }
0xbc: {  	s0 =	sadd.s32 $0x8F2B, s0  }
0xbd: {  	[sflag:s0] =	ssyncadd.remote.s32 $0x1  }
0xbe: {  	_ =	sfence.sel $0xFFFF  }
0xbf: {  	[dreg:$0x0] =	wrdreg $0xFFFFFFFF;
	(pc) =	sbr.abs _section_cstart, $3  }
0xc0: {  	[dreg:$0x1] =	wrdreg $0xFFFFFFFF  }
0xc1: {  	_ =	task.clear_ibuf [dreg:s6], $0x2FFFF;
	_ =	strace $0x9FFFFFFF  }
0xc2: {  	(tm) =	ssettm $0x7FFFFFFF  }
0xc3: {  	_ =	shalt  }
tec
execute0_lowered:
.L_overlay_start_1:
0x0: {  	(tag) =	ssettag $0x1  }
0x1: {  	s3 =	rddreg [dreg:$0x0]  }
0x2: {  	s0 =	srdreg.scid;
	s1 =	rddreg [dreg:$0x1];
	s2 =	simm.s32 $0x0  }
0x3: {  	s26 =	stileid.u32;
	s18 =	simm.s32 $0xB000;
	s19 =	simm.s32 $0x3  }
0x4: {  	s20 =	simm.s32 $0x2F00;
	s21 =	simm.s32 $0x80;
	s4 =	smul.u32 $0x29000, s26  }
0x5: {  	s22 =	simm.s32 $0x3000;
	s28 =	simm.s32 $0x2E80;
	s6 =	smul.u32 $0x5E00, s26  }
0x6: {  	s29 =	simm.s32 $0x0;
	s0 =	sand.u32 $0x1, s0;
	s8 =	smul.u32 $0x14000, s26  }
0x7: {  	[smem:$0x7FF] =	sst s2;
	s10 =	sadd.s32 $0x2AFC00, s3;
	s30 =	smul.u32 $0xBC0, s26  }
0x8: {  	s15 =	sadd.s32 $0x29A200, s3;
	s9 =	sshllo.u32 s26, $0x1;
	s12 =	smul.u32 $0x138800, s0  }
0x9: {  	p0 =	seq.s32 s26, $0xF;
	s26 =	simm.s32 $0x1;
	s11 =	smul.u32 $0x2F00, s9  }
0xa: {  	_ =	strace $0x80000056;
	s0 =	ssub.s32 $0x2, s0;
	s16 =	smul.u32 $0xA000, s9  }
0xb: {  	s5 =	sshrl.u32 s0, $0x1;
	s4 =	sshrl.u32 s4, $0x2;
	s6 =	sshrl.u32 s6, $0x3  }
0xc: {  	s31 =	sadd.s32 s30, s15;
	s13 =	sshrl.u32 s12, $0x3;
	s0 =	ssub.s32 s0, s5  }
0xd: {  	s4 =	sadd.s32 s4, s1;
	s23 =	sadd.s32 s10, s6;
	s6 =	sadd.s32 s15, s6  }
0xe: {  	s8 =	sadd.s32 s8, s12;
	s11 =	sshrl.u32 s11, $0x3;
	s25 =	sadd.s32 s12, s16  }
0xf: {  	s16 =	sadd.s32 $0x20, s31;
	s7 =	sadd.s32 s13, s3;
	s3 =	sadd.s32 $0x51A00, s3  }
0x10: {  	[dreg:$0x3] =	wrdreg s23;
	s14 =	sshrl.u32 s8, $0x3;
	s24 =	sadd.s32 $0x5D0, s6  }
0x11: {  	s10 =	sadd.s32 s10, s11;
	s11 =	sadd.s32 s15, s11;
	s15 =	smax.u32 s0, $0x1  }
0x12: {  	s23 =	simm.s32 $0x2F80;
	s7 =	sadd.s32 $0x3800, s7;
	[dreg:$0x4] =	wrdreg s24  }
0x13: {  	s9 =	sadd.s32 s3, s14;
	s12 =	sadd.s32 $0x5D0, s11;
	s14 =	sshrl.u32 s25, $0x3  }
0x14: {  	s17 =	sadd.s32 s3, s13;
	s24 =	simm.s32 $0x7000;
	s25 =	simm.s32 $0x2  }
0x15: {  	v0 =	vimm.f32 $0.0e+00;
	s13 =	sadd.s32 s3, s14;
	s14 =	sadd.s32 $0x26C00, s17;
	s17 =	sadd.s32 $0x600, s31  }
.LBB2_1:
0x16: {  	s0 =	simm.s32 $0x0;
	s3 =	simm.s32 $0x200  }
.LBB2_2:
0x17: {  	p1 =	sne.s32 s3, $0x28E00;
	[tilespmem:s0+$0xB070] =	vst v0  }
0x18: {  	[tilespmem:s0+$0xB000] =	vst v0  }
0x19: {  	[tilespmem:s0+$0xB010] =	vst v0  }
.Ltmp0:
0x1a: {  	[tilespmem:s0+$0xB020] =	vst v0;
	(pc) =	sbr.rel @p1 .LBB2_2-.Ltmp0, $4  }
0x1b: {  	[tilespmem:s0+$0xB030] =	vst v0  }
0x1c: {  	[tilespmem:s0+$0xB040] =	vst v0  }
0x1d: {  	[tilespmem:s0+$0xB050] =	vst v0  }
0x1e: {  	[tilespmem:s0+$0xB060] =	vst v0;
	s0 =	sshra.s32 s3, $0x2;
	s3 =	sadd.s32 $0x200, s3  }
0x1f: {  	[tilespmem:s0+$0xB070] =	vst v0  }
0x20: {  	[tilespmem:s0+$0xB000] =	vst v0  }
0x21: {  	[tilespmem:s0+$0xB010] =	vst v0  }
0x22: {  	[tilespmem:s0+$0xB020] =	vst v0  }
0x23: {  	[tilespmem:s0+$0xB030] =	vst v0  }
0x24: {  	[tilespmem:s0+$0xB040] =	vst v0  }
0x25: {  	[tilespmem:s0+$0xB050] =	vst v0  }
0x26: {  	[tilespmem:s0+$0xB060] =	vst v0  }
0x27: {  	[spmem:s4] =	stream.linear.scatter [tilespmem:s18], [sflag:$0x3], $0xA400, $0x38;
	[tilespmem:$0x1F800] =	vst v63  }
0x28: {  	_ =	swait.ge [sflag:s19], $0xA400  }
0x29: {  	[sflag:s19] =	ssyncset.done $0x0  }
0x2a: {  	s8 =	rddreg [dreg:$0x3];
	[sflag:s19] =	ssyncadd.s32 $0xFFFF5C00  }
0x2b: {  	[tilespmem:s2], [sflag:$0x3] =	stream.linear.gather [hbm4b:s8+s2], $0x2F00, $0x38;
	[tilespmem:$0x1F800] =	vst v63  }
0x2c: {  	_ =	swait.ge [sflag:s19], $0x2F00  }
0x2d: {  	[sflag:s19] =	ssyncset.done $0x0  }
0x2e: {  	[sflag:s19] =	ssyncadd.s32 $0xFFFFD100  }
0x2f: {  	[tilespmem:s20], [sflag:$0x2] =	stream.linear.gather [hbm4b:s6+s2], $0x80, $0x38;
	[tilespmem:$0x1F800] =	vst v63  }
0x30: {  	_ = 	snop  }
0x31: {  	[tilespmem:s22], [sflag:$0x1] =	stream.indirect.gather [hbm4b:s7+s21], $0x80, s2, s21, $0xb8;
	[tilespmem:$0x1F800] =	vst v63  }
0x32: {  	s3 =	sadd.s32 $0xFFFFFFF0, s16  }
0x33: {  	[tilespmem:s23], [sflag:$0x2] =	stream.linear.gather [hbm4b:s3+s2], $0x80, $0x38;
	[tilespmem:$0x1F800] =	vst v63  }
0x34: {  	s5 =	simm.s32 $0x80  }
0x35: {  	[tilespmem:s24], [sflag:$0x1] =	stream.indirect.gather [hbm4b:s7+s21], $0x80, s5, s21, $0xb8;
	[tilespmem:$0x1F800] =	vst v63  }
0x36: {  	_ =	swait.ge [sflag:s25], $0x80  }
0x37: {  	[sflag:s25] =	ssyncset.done $0x0  }
0x38: {  	[sflag:s25] =	ssyncadd.s32 $0xFFFFFF80  }
0x39: {  	_ =	swait.ge [sflag:s26], $0x4000  }
0x3a: {  	[sflag:s26] =	ssyncset.done $0x0  }
0x3b: {  	[sflag:s26] =	ssyncadd.s32 $0xFFFFC000  }
0x3c: {  	[spmem:s1] =	stream.indirect.scatter.add.f32 [tilespmem:s22], [sflag:$0x3], $0x80, s20, s21, $0xb8;
	[tilespmem:$0x1F800] =	vst v63  }
0x3d: {  	_ =	swait.ge [sflag:s19], $0x4000  }
0x3e: {  	[sflag:s19] =	ssyncset.done $0x0  }
0x3f: {  	[sflag:s19] =	ssyncadd.s32 $0xFFFFC000  }
0x40: {  	[tilespmem:s20], [sflag:$0x2] =	stream.linear.gather [hbm4b:s16+s2], $0x80, $0x38;
	[tilespmem:$0x1F800] =	vst v63  }
0x41: {  	s8 =	simm.s32 $0x100  }
0x42: {  	[tilespmem:s22], [sflag:$0x1] =	stream.indirect.gather [hbm4b:s7+s21], $0x80, s8, s21, $0xb8;
	[tilespmem:$0x1F800] =	vst v63  }
0x43: {  	_ =	swait.ge [sflag:s25], $0x80  }
0x44: {  	[sflag:s25] =	ssyncset.done $0x0  }
0x45: {  	[sflag:s25] =	ssyncadd.s32 $0xFFFFFF80  }
0x46: {  	_ =	swait.ge [sflag:s26], $0x4000  }
0x47: {  	[sflag:s26] =	ssyncset.done $0x0  }
0x48: {  	[sflag:s26] =	ssyncadd.s32 $0xFFFFC000  }
0x49: {  	[spmem:s1] =	stream.indirect.scatter.add.f32 [tilespmem:s24], [sflag:$0x3], $0x80, s23, s21, $0xb8;
	[tilespmem:$0x1F800] =	vst v63  }
0x4a: {  	s31 =	simm.s32 $0xFFFF4C00;
	_ =	swait.ge [sflag:s19], $0x4000  }
0x4b: {  	s0 =	simm.s32 $0xFFFF5000;
	s30 =	sadd.s32 $0x20, s16;
	[sflag:s19] =	ssyncset.done $0x0  }
.LBB2_4:
0x4c: {  	s3 =	sadd.s32 $0xFFFFFFF0, s30  }
0x4d: {  	s5 =	sshra.s32 s31, $0x2;
	[sflag:s19] =	ssyncadd.s32 $0xFFFFC000;
	s31 =	smov.u32 s0  }
0x4e: {  	[tilespmem:s23], [sflag:$0x2] =	stream.linear.gather [hbm4b:s3+s2], $0x80, $0x38;
	[tilespmem:$0x1F800] =	vst v63  }
0x4f: {  	p1 =	sne.s32 s0, $0xFFFFFC00;
	s0 =	sadd.s32 $0x400, s0;
	s3 =	sadd.s32 $0x2E80, s5  }
0x50: {  	[tilespmem:s24], [sflag:$0x1] =	stream.indirect.gather [hbm4b:s7+s21], $0x80, s3, s21, $0xb8;
	[tilespmem:$0x1F800] =	vst v63  }
0x51: {  	_ =	swait.ge [sflag:s25], $0x80  }
0x52: {  	[sflag:s25] =	ssyncset.done $0x0  }
0x53: {  	[sflag:s25] =	ssyncadd.s32 $0xFFFFFF80  }
0x54: {  	_ =	swait.ge [sflag:s26], $0x4000  }
0x55: {  	[sflag:s26] =	ssyncset.done $0x0  }
0x56: {  	[sflag:s26] =	ssyncadd.s32 $0xFFFFC000  }
0x57: {  	[spmem:s1] =	stream.indirect.scatter.add.f32 [tilespmem:s22], [sflag:$0x3], $0x80, s20, s21, $0xb8;
	[tilespmem:$0x1F800] =	vst v63  }
0x58: {  	_ =	swait.ge [sflag:s19], $0x4000  }
0x59: {  	[sflag:s19] =	ssyncset.done $0x0  }
0x5a: {  	[sflag:s19] =	ssyncadd.s32 $0xFFFFC000  }
0x5b: {  	[tilespmem:s20], [sflag:$0x2] =	stream.linear.gather [hbm4b:s30+s2], $0x80, $0x38;
	[tilespmem:$0x1F800] =	vst v63  }
0x5c: {  	s3 =	sadd.s32 $0x2F00, s5  }
0x5d: {  	[tilespmem:s22], [sflag:$0x1] =	stream.indirect.gather [hbm4b:s7+s21], $0x80, s3, s21, $0xb8;
	[tilespmem:$0x1F800] =	vst v63  }
0x5e: {  	_ =	swait.ge [sflag:s25], $0x80  }
0x5f: {  	[sflag:s25] =	ssyncset.done $0x0  }
0x60: {  	[sflag:s25] =	ssyncadd.s32 $0xFFFFFF80  }
0x61: {  	_ =	swait.ge [sflag:s26], $0x4000  }
.Ltmp1:
0x62: {  	[sflag:s26] =	ssyncset.done $0x0;
	(pc) =	sbr.rel @p1 .LBB2_4-.Ltmp1, $4  }
0x63: {  	[sflag:s26] =	ssyncadd.s32 $0xFFFFC000  }
0x64: {  	[spmem:s1] =	stream.indirect.scatter.add.f32 [tilespmem:s24], [sflag:$0x3], $0x80, s23, s21, $0xb8;
	[tilespmem:$0x1F800] =	vst v63  }
0x65: {  	_ =	swait.ge [sflag:s19], $0x4000  }
0x66: {  	s30 =	sadd.s32 $0x20, s30;
	[sflag:s19] =	ssyncset.done $0x0  }
0x67: {  	s0 =	sadd.s32 $0xFFFFFFF0, s30;
	s3 =	sshra.s32 s31, $0x2;
	[sflag:s19] =	ssyncadd.s32 $0xFFFFC000  }
0x68: {  	[tilespmem:s23], [sflag:$0x2] =	stream.linear.gather [hbm4b:s0+s2], $0x80, $0x38;
	[tilespmem:$0x1F800] =	vst v63  }
0x69: {  	s5 =	sadd.s32 $0x2E80, s3  }
0x6a: {  	[tilespmem:s24], [sflag:$0x1] =	stream.indirect.gather [hbm4b:s7+s21], $0x80, s5, s21, $0xb8;
	[tilespmem:$0x1F800] =	vst v63  }
0x6b: {  	_ =	swait.ge [sflag:s25], $0x80  }
0x6c: {  	[sflag:s25] =	ssyncset.done $0x0  }
0x6d: {  	[sflag:s25] =	ssyncadd.s32 $0xFFFFFF80  }
0x6e: {  	_ =	swait.ge [sflag:s26], $0x4000  }
0x6f: {  	[sflag:s26] =	ssyncset.done $0x0  }
0x70: {  	[sflag:s26] =	ssyncadd.s32 $0xFFFFC000  }
0x71: {  	[spmem:s1] =	stream.indirect.scatter.add.f32 [tilespmem:s22], [sflag:$0x3], $0x80, s20, s21, $0xb8;
	[tilespmem:$0x1F800] =	vst v63  }
0x72: {  	_ =	swait.ge [sflag:s19], $0x4000  }
0x73: {  	[sflag:s19] =	ssyncset.done $0x0  }
0x74: {  	[sflag:s19] =	ssyncadd.s32 $0xFFFFC000  }
0x75: {  	[tilespmem:s20], [sflag:$0x2] =	stream.linear.gather [hbm4b:s30+s2], $0x80, $0x38;
	[tilespmem:$0x1F800] =	vst v63  }
0x76: {  	s8 =	sadd.s32 $0x2F00, s3  }
0x77: {  	[tilespmem:s22], [sflag:$0x1] =	stream.indirect.gather [hbm4b:s7+s21], $0x80, s8, s21, $0xb8;
	[tilespmem:$0x1F800] =	vst v63  }
0x78: {  	_ =	swait.ge [sflag:s25], $0x80  }
0x79: {  	[sflag:s25] =	ssyncset.done $0x0  }
0x7a: {  	[sflag:s25] =	ssyncadd.s32 $0xFFFFFF80  }
0x7b: {  	_ =	swait.ge [sflag:s26], $0x4000  }
0x7c: {  	[sflag:s26] =	ssyncset.done $0x0  }
0x7d: {  	[sflag:s26] =	ssyncadd.s32 $0xFFFFC000  }
0x7e: {  	[spmem:s1] =	stream.indirect.scatter.add.f32 [tilespmem:s24], [sflag:$0x3], $0x80, s23, s21, $0xb8;
	[tilespmem:$0x1F800] =	vst v63  }
0x7f: {  	_ =	swait.ge [sflag:s19], $0x4000  }
0x80: {  	[sflag:s19] =	ssyncset.done $0x0  }
0x81: {  	s3 =	rddreg [dreg:$0x4];
	[sflag:s19] =	ssyncadd.s32 $0xFFFFC000  }
0x82: {  	[tilespmem:s23], [sflag:$0x2] =	stream.linear.gather [hbm4b:s3+s2], $0x80, $0x38;
	[tilespmem:$0x1F800] =	vst v63  }
0x83: {  	_ = 	snop  }
0x84: {  	[tilespmem:s24], [sflag:$0x1] =	stream.indirect.gather [hbm4b:s7+s21], $0x80, s28, s21, $0xb8;
	[tilespmem:$0x1F800] =	vst v63  }
0x85: {  	_ =	swait.ge [sflag:s25], $0x80  }
0x86: {  	[sflag:s25] =	ssyncset.done $0x0  }
0x87: {  	[sflag:s25] =	ssyncadd.s32 $0xFFFFFF80  }
0x88: {  	_ =	swait.ge [sflag:s26], $0x4000  }
0x89: {  	[sflag:s26] =	ssyncset.done $0x0  }
0x8a: {  	[sflag:s26] =	ssyncadd.s32 $0xFFFFC000  }
0x8b: {  	[spmem:s1] =	stream.indirect.scatter.add.f32 [tilespmem:s22], [sflag:$0x3], $0x80, s20, s21, $0xb8;
	[tilespmem:$0x1F800] =	vst v63  }
0x8c: {  	_ =	swait.ge [sflag:s19], $0x4000  }
0x8d: {  	[sflag:s19] =	ssyncset.done $0x0  }
0x8e: {  	[sflag:s19] =	ssyncadd.s32 $0xFFFFC000  }
0x8f: {  	_ =	swait.ge [sflag:s25], $0x80  }
0x90: {  	[sflag:s25] =	ssyncset.done $0x0  }
0x91: {  	[sflag:s25] =	ssyncadd.s32 $0xFFFFFF80  }
0x92: {  	_ =	swait.ge [sflag:s26], $0x4000  }
0x93: {  	[sflag:s26] =	ssyncset.done $0x0  }
0x94: {  	[sflag:s26] =	ssyncadd.s32 $0xFFFFC000  }
0x95: {  	[spmem:s1] =	stream.indirect.scatter.add.f32 [tilespmem:s24], [sflag:$0x3], $0x80, s23, s21, $0xb8;
	[tilespmem:$0x1F800] =	vst v63  }
0x96: {  	s5 =	stileid.u32;
	_ =	swait.ge [sflag:s19], $0x4000  }
0x97: {  	s0 =	sshll.u32 s5, $0x6;
	[sflag:s19] =	ssyncset.done $0x0  }
0x98: {  	s30 =	sor.u32 $0x1C03, s0;
	s8 =	sshrl.u32 s4, $0x3;
	[sflag:s19] =	ssyncadd.s32 $0xFFFFC000  }
0x99: {  	[hbm:s9], [sflag:s30] =	dma.local [spmem:s8], $0x1400  }
0x9a: {  	_ =	swait.ge [sflag:s19], $0x1400  }
0x9b: {  	[sflag:s19] =	ssyncset.done $0x0  }
0x9c: {  	[sflag:s19] =	ssyncadd.s32 $0xFFFFEC00  }
0x9d: {  	[spmem:s4] =	stream.linear.scatter [tilespmem:s18], [sflag:$0x3], $0xA400, $0x38;
	[tilespmem:$0x1F800] =	vst v63  }
0x9e: {  	_ =	swait.ge [sflag:s19], $0xA400  }
0x9f: {  	[sflag:s19] =	ssyncset.done $0x0  }
0xa0: {  	[sflag:s19] =	ssyncadd.s32 $0xFFFF5C00  }
0xa1: {  	[tilespmem:s2], [sflag:$0x3] =	stream.linear.gather [hbm4b:s10+s2], $0x2F00, $0x38;
	[tilespmem:$0x1F800] =	vst v63  }
0xa2: {  	_ =	swait.ge [sflag:s19], $0x2F00  }
0xa3: {  	[sflag:s19] =	ssyncset.done $0x0  }
0xa4: {  	[sflag:s19] =	ssyncadd.s32 $0xFFFFD100  }
0xa5: {  	[tilespmem:s20], [sflag:$0x2] =	stream.linear.gather [hbm4b:s11+s2], $0x80, $0x38;
	[tilespmem:$0x1F800] =	vst v63  }
0xa6: {  	_ = 	snop  }
0xa7: {  	[tilespmem:s22], [sflag:$0x1] =	stream.indirect.gather [hbm4b:s7+s21], $0x80, s2, s21, $0xb8;
	[tilespmem:$0x1F800] =	vst v63  }
0xa8: {  	s3 =	sadd.s32 $0xFFFFFFF0, s17  }
0xa9: {  	[tilespmem:s23], [sflag:$0x2] =	stream.linear.gather [hbm4b:s3+s2], $0x80, $0x38;
	[tilespmem:$0x1F800] =	vst v63  }
0xaa: {  	s5 =	simm.s32 $0x80  }
0xab: {  	[tilespmem:s24], [sflag:$0x1] =	stream.indirect.gather [hbm4b:s7+s21], $0x80, s5, s21, $0xb8;
	[tilespmem:$0x1F800] =	vst v63  }
0xac: {  	_ =	swait.ge [sflag:s25], $0x80  }
0xad: {  	[sflag:s25] =	ssyncset.done $0x0  }
0xae: {  	[sflag:s25] =	ssyncadd.s32 $0xFFFFFF80  }
0xaf: {  	_ =	swait.ge [sflag:s26], $0x4000  }
0xb0: {  	[sflag:s26] =	ssyncset.done $0x0  }
0xb1: {  	[sflag:s26] =	ssyncadd.s32 $0xFFFFC000  }
0xb2: {  	[spmem:s1] =	stream.indirect.scatter.add.f32 [tilespmem:s22], [sflag:$0x3], $0x80, s20, s21, $0xb8;
	[tilespmem:$0x1F800] =	vst v63  }
0xb3: {  	_ =	swait.ge [sflag:s19], $0x4000  }
0xb4: {  	[sflag:s19] =	ssyncset.done $0x0  }
0xb5: {  	[sflag:s19] =	ssyncadd.s32 $0xFFFFC000  }
0xb6: {  	[tilespmem:s20], [sflag:$0x2] =	stream.linear.gather [hbm4b:s17+s2], $0x80, $0x38;
	[tilespmem:$0x1F800] =	vst v63  }
0xb7: {  	s8 =	simm.s32 $0x100  }
0xb8: {  	[tilespmem:s22], [sflag:$0x1] =	stream.indirect.gather [hbm4b:s7+s21], $0x80, s8, s21, $0xb8;
	[tilespmem:$0x1F800] =	vst v63  }
0xb9: {  	_ =	swait.ge [sflag:s25], $0x80  }
0xba: {  	[sflag:s25] =	ssyncset.done $0x0  }
0xbb: {  	[sflag:s25] =	ssyncadd.s32 $0xFFFFFF80  }
0xbc: {  	_ =	swait.ge [sflag:s26], $0x4000  }
0xbd: {  	[sflag:s26] =	ssyncset.done $0x0  }
0xbe: {  	[sflag:s26] =	ssyncadd.s32 $0xFFFFC000  }
0xbf: {  	[spmem:s1] =	stream.indirect.scatter.add.f32 [tilespmem:s24], [sflag:$0x3], $0x80, s23, s21, $0xb8;
	[tilespmem:$0x1F800] =	vst v63  }
0xc0: {  	s31 =	sadd.s32 $0x20, s17;
	_ =	swait.ge [sflag:s19], $0x4000  }
0xc1: {  	s0 =	simm.s32 $0xFFFF4C00;
	s3 =	simm.s32 $0xFFFF5000;
	[sflag:s19] =	ssyncset.done $0x0  }
.LBB2_6:
0xc2: {  	s5 =	sadd.s32 $0xFFFFFFF0, s31  }
0xc3: {  	s8 =	sshra.s32 s0, $0x2;
	[sflag:s19] =	ssyncadd.s32 $0xFFFFC000;
	s0 =	smov.u32 s3  }
0xc4: {  	[tilespmem:s23], [sflag:$0x2] =	stream.linear.gather [hbm4b:s5+s2], $0x80, $0x38;
	[tilespmem:$0x1F800] =	vst v63  }
0xc5: {  	p1 =	sne.s32 s3, $0xFFFFFC00;
	s3 =	sadd.s32 $0x400, s3;
	s5 =	sadd.s32 $0x2E80, s8  }
0xc6: {  	[tilespmem:s24], [sflag:$0x1] =	stream.indirect.gather [hbm4b:s7+s21], $0x80, s5, s21, $0xb8;
	[tilespmem:$0x1F800] =	vst v63  }
0xc7: {  	_ =	swait.ge [sflag:s25], $0x80  }
0xc8: {  	[sflag:s25] =	ssyncset.done $0x0  }
0xc9: {  	[sflag:s25] =	ssyncadd.s32 $0xFFFFFF80  }
0xca: {  	_ =	swait.ge [sflag:s26], $0x4000  }
0xcb: {  	[sflag:s26] =	ssyncset.done $0x0  }
0xcc: {  	[sflag:s26] =	ssyncadd.s32 $0xFFFFC000  }
0xcd: {  	[spmem:s1] =	stream.indirect.scatter.add.f32 [tilespmem:s22], [sflag:$0x3], $0x80, s20, s21, $0xb8;
	[tilespmem:$0x1F800] =	vst v63  }
0xce: {  	_ =	swait.ge [sflag:s19], $0x4000  }
0xcf: {  	[sflag:s19] =	ssyncset.done $0x0  }
0xd0: {  	[sflag:s19] =	ssyncadd.s32 $0xFFFFC000  }
0xd1: {  	[tilespmem:s20], [sflag:$0x2] =	stream.linear.gather [hbm4b:s31+s2], $0x80, $0x38;
	[tilespmem:$0x1F800] =	vst v63  }
0xd2: {  	s5 =	sadd.s32 $0x2F00, s8  }
0xd3: {  	[tilespmem:s22], [sflag:$0x1] =	stream.indirect.gather [hbm4b:s7+s21], $0x80, s5, s21, $0xb8;
	[tilespmem:$0x1F800] =	vst v63  }
0xd4: {  	_ =	swait.ge [sflag:s25], $0x80  }
0xd5: {  	[sflag:s25] =	ssyncset.done $0x0  }
0xd6: {  	[sflag:s25] =	ssyncadd.s32 $0xFFFFFF80  }
0xd7: {  	_ =	swait.ge [sflag:s26], $0x4000  }
.Ltmp2:
0xd8: {  	[sflag:s26] =	ssyncset.done $0x0;
	(pc) =	sbr.rel @p1 .LBB2_6-.Ltmp2, $4  }
0xd9: {  	[sflag:s26] =	ssyncadd.s32 $0xFFFFC000  }
0xda: {  	[spmem:s1] =	stream.indirect.scatter.add.f32 [tilespmem:s24], [sflag:$0x3], $0x80, s23, s21, $0xb8;
	[tilespmem:$0x1F800] =	vst v63  }
0xdb: {  	_ =	swait.ge [sflag:s19], $0x4000  }
0xdc: {  	s31 =	sadd.s32 $0x20, s31;
	[sflag:s19] =	ssyncset.done $0x0  }
0xdd: {  	s3 =	sadd.s32 $0xFFFFFFF0, s31;
	s0 =	sshra.s32 s0, $0x2;
	[sflag:s19] =	ssyncadd.s32 $0xFFFFC000  }
0xde: {  	[tilespmem:s23], [sflag:$0x2] =	stream.linear.gather [hbm4b:s3+s2], $0x80, $0x38;
	[tilespmem:$0x1F800] =	vst v63  }
0xdf: {  	s8 =	sadd.s32 $0x2E80, s0  }
0xe0: {  	[tilespmem:s24], [sflag:$0x1] =	stream.indirect.gather [hbm4b:s7+s21], $0x80, s8, s21, $0xb8;
	[tilespmem:$0x1F800] =	vst v63  }
0xe1: {  	_ =	swait.ge [sflag:s25], $0x80  }
0xe2: {  	[sflag:s25] =	ssyncset.done $0x0  }
0xe3: {  	[sflag:s25] =	ssyncadd.s32 $0xFFFFFF80  }
0xe4: {  	_ =	swait.ge [sflag:s26], $0x4000  }
0xe5: {  	[sflag:s26] =	ssyncset.done $0x0  }
0xe6: {  	[sflag:s26] =	ssyncadd.s32 $0xFFFFC000  }
0xe7: {  	[spmem:s1] =	stream.indirect.scatter.add.f32 [tilespmem:s22], [sflag:$0x3], $0x80, s20, s21, $0xb8;
	[tilespmem:$0x1F800] =	vst v63  }
0xe8: {  	_ =	swait.ge [sflag:s19], $0x4000  }
0xe9: {  	[sflag:s19] =	ssyncset.done $0x0  }
0xea: {  	[sflag:s19] =	ssyncadd.s32 $0xFFFFC000  }
0xeb: {  	[tilespmem:s20], [sflag:$0x2] =	stream.linear.gather [hbm4b:s31+s2], $0x80, $0x38;
	[tilespmem:$0x1F800] =	vst v63  }
0xec: {  	s0 =	sadd.s32 $0x2F00, s0  }
0xed: {  	[tilespmem:s22], [sflag:$0x1] =	stream.indirect.gather [hbm4b:s7+s21], $0x80, s0, s21, $0xb8;
	[tilespmem:$0x1F800] =	vst v63  }
0xee: {  	_ =	swait.ge [sflag:s25], $0x80  }
0xef: {  	[sflag:s25] =	ssyncset.done $0x0  }
0xf0: {  	[sflag:s25] =	ssyncadd.s32 $0xFFFFFF80  }
0xf1: {  	_ =	swait.ge [sflag:s26], $0x4000  }
0xf2: {  	[sflag:s26] =	ssyncset.done $0x0  }
0xf3: {  	[sflag:s26] =	ssyncadd.s32 $0xFFFFC000  }
0xf4: {  	[spmem:s1] =	stream.indirect.scatter.add.f32 [tilespmem:s24], [sflag:$0x3], $0x80, s23, s21, $0xb8;
	[tilespmem:$0x1F800] =	vst v63  }
0xf5: {  	_ =	swait.ge [sflag:s19], $0x4000  }
0xf6: {  	[sflag:s19] =	ssyncset.done $0x0  }
0xf7: {  	[sflag:s19] =	ssyncadd.s32 $0xFFFFC000  }
0xf8: {  	[tilespmem:s23], [sflag:$0x2] =	stream.linear.gather [hbm4b:s12+s2], $0x80, $0x38;
	[tilespmem:$0x1F800] =	vst v63  }
0xf9: {  	_ = 	snop  }
0xfa: {  	[tilespmem:s24], [sflag:$0x1] =	stream.indirect.gather [hbm4b:s7+s21], $0x80, s28, s21, $0xb8;
	[tilespmem:$0x1F800] =	vst v63  }
0xfb: {  	_ =	swait.ge [sflag:s25], $0x80  }
0xfc: {  	[sflag:s25] =	ssyncset.done $0x0  }
0xfd: {  	[sflag:s25] =	ssyncadd.s32 $0xFFFFFF80  }
0xfe: {  	_ =	swait.ge [sflag:s26], $0x4000  }
0xff: {  	[sflag:s26] =	ssyncset.done $0x0  }
0x100: {  	[sflag:s26] =	ssyncadd.s32 $0xFFFFC000  }
0x101: {  	[spmem:s1] =	stream.indirect.scatter.add.f32 [tilespmem:s22], [sflag:$0x3], $0x80, s20, s21, $0xb8;
	[tilespmem:$0x1F800] =	vst v63  }
0x102: {  	_ =	swait.ge [sflag:s19], $0x4000  }
0x103: {  	[sflag:s19] =	ssyncset.done $0x0  }
0x104: {  	[sflag:s19] =	ssyncadd.s32 $0xFFFFC000  }
0x105: {  	_ =	swait.ge [sflag:s25], $0x80  }
0x106: {  	[sflag:s25] =	ssyncset.done $0x0  }
0x107: {  	[sflag:s25] =	ssyncadd.s32 $0xFFFFFF80  }
0x108: {  	_ =	swait.ge [sflag:s26], $0x4000  }
0x109: {  	[sflag:s26] =	ssyncset.done $0x0  }
0x10a: {  	[sflag:s26] =	ssyncadd.s32 $0xFFFFC000  }
0x10b: {  	[spmem:s1] =	stream.indirect.scatter.add.f32 [tilespmem:s24], [sflag:$0x3], $0x80, s23, s21, $0xb8;
	[tilespmem:$0x1F800] =	vst v63  }
0x10c: {  	_ =	swait.ge [sflag:s19], $0x4000  }
0x10d: {  	[sflag:s19] =	ssyncset.done $0x0  }
0x10e: {  	s0 =	sshrl.u32 @p0 s4, $0x3;
	[sflag:s19] =	ssyncadd.s32 $0xFFFFC000  }
0x10f: {  	[hbm:s14], [sflag:s30] =	dma.local @p0 [spmem:s0], $0x500  }
0x110: {  	s0 =	simm.s32 @p0 $0x3  }
0x111: {  	_ =	swait.ge @p0 [sflag:s0], $0x500  }
0x112: {  	s29 =	sadd.s32 $0x1, s29;
	[sflag:s0] =	ssyncset.done @p0 $0x0  }
0x113: {  	p1 =	sne.s32 s29, s15;
	[sflag:s0] =	ssyncadd.s32 @p0 $0xFFFFFB00;
	s0 =	sshrl.u32 @!p0 s4, $0x3  }
0x114: {  	[hbm:s13], [sflag:s30] =	dma.local @!p0 [spmem:s0], $0x1400  }
.Ltmp3:
0x115: {  	_ = 	snop;
	(pc) =	sbr.rel @p1 .LBB2_1-.Ltmp3, $4  }
0x116: {  	s0 =	simm.s32 @!p0 $0x3  }
0x117: {  	_ =	swait.ge @!p0 [sflag:s0], $0x1400  }
0x118: {  	[sflag:s0] =	ssyncset.done @!p0 $0x0  }
0x119: {  	[sflag:s0] =	ssyncadd.s32 @!p0 $0xFFFFEC00  }
0x11a: {  	_ =	sfence.sel $0x180000  }
0x11b: {  	[bflag:$0x0] =	sbarrier.arrive $0xFFFF  }
0x11c: {  	_ =	strace $0x90000056  }
0x11d: {  	s0 =	stileid.u32;
	[bflag:$0x2] =	sbarrier.arrive $0xFFFF  }
0x11e: {  	p0 =	sne.s32 s0, $0x0;
	s0 =	rddreg [dreg:$0x2]  }
0x11f: {  	s0 =	sadd.s32 @!p0 $0x100000, s0  }
0x120: {  	[sflag:s0] =	ssyncadd.tile.s32 @!p0 $0x1;
	_ =	shalt  }
.Lfunc_end2:
_tile_overlayer_lowered:
.L_overlay_start_2:
0x121: {  	(tag) =	ssettag $0x2  }
0x122: {  	s0 =	rddreg [dreg:$0x0];
	s2 =	stileid.u32  }
0x123: {  	s1 =	rddreg [dreg:$0x1];
	p0 =	sne.s32 s2, $0x0  }
0x124: {  	s3 =	rddreg [dreg:$0x2];
	[bflag:$0x3] =	sbarrier.arrive $0xFFFF;
	s2 =	simm.s32 @!p0 $0x1C03  }
0x125: {  	[timem:s3], [sflag:s2] =	dma.local @!p0 [hbm:s0], s1  }
0x126: {  	s0 =	simm.s32 @!p0 $0x3  }
0x127: {  	_ =	swait.ge @!p0 [sflag:s0], s1  }
0x128: {  	s1 =	ssub.s32 @!p0 $0x0, s1;
	[sflag:s0] =	ssyncset.done @!p0 $0x0  }
0x129: {  	[sflag:s0] =	ssyncadd.s32 @!p0 s1  }
0x12a: {  	[bflag:$0x3] =	sbarrier.arrive $0xFFFF  }
0x12b: {  	_ =	shalt  }

// kernel: kernel.9.cloned.1.call-start
scs
__scs_entry_jumppad:
0x0: {  	(pc) =	sbr.rel $0x88, $3  }
0x1: {  	(tag) =	ssettag $0x0;
	lr =	simm.s32 $0x1  }
0x2: {  	[smem:$0x3F84] =	sst lr;
	_ =	strace $0xD0000000  }
0x3: {  	_ = 	snop  }
0x4: {  	_ = 	snop  }
0x5: {  	_ = 	snop  }
0x6: {  	_ = 	snop  }
0x7: {  	_ = 	snop  }
__scs_overlays_trampoline_lowered:
0x8: {  	[smem:$0x3F93] =	sst s0  }
0x9: {  	[smem:$0x3F94] =	sst s1  }
0xa: {  	[smem:$0x3F95] =	sst s2  }
0xb: {  	[smem:$0x3F96] =	sst s3  }
0xc: {  	[smem:$0x3F97] =	sst s4  }
0xd: {  	[smem:$0x3F98] =	sst s5  }
0xe: {  	[smem:$0x3F99] =	sst s6  }
0xf: {  	[smem:$0x3F9A] =	sst s7  }
0x10: {  	[smem:$0x3F9B] =	sst s8  }
0x11: {  	[smem:$0x3F9C] =	sst s9;
	s0 =	simm.s32 @!p0 $0x0  }
0x12: {  	s1 =	sld [smem:$0x3F82];
	s0 =	simm.s32 @p0 $0x1  }
0x13: {  	[smem:$0x3F9D] =	sst s0;
	s0 =	simm.s32 @!p1 $0x0  }
0x14: {  	s2 =	sld [smem:$0x3F81];
	s0 =	simm.s32 @p1 $0x1  }
0x15: {  	[smem:$0x3F9E] =	sst s0;
	s0 =	simm.s32 @!p2 $0x0  }
0x16: {  	s3 =	sld [smem:$0x3FDB];
	s0 =	simm.s32 @p2 $0x1  }
0x17: {  	s4 =	simm.s32 $0x1BF5;
	[smem:$0x3FA0] =	sst s0  }
0x18: {  	s0 =	sld [smem:$0x3F83];
	_ =	swait.ge [sflag:s4], $0x0  }
0x19: {  	s7 =	sld [smem:$0x3F84]  }
0x1a: {  	s8 =	sadd.s32 $0xFFFFE003, lr  }
0x1b: {  	s9 =	sadd.s32 $0xFFFFFEF7, lr;
	s5 =	simm.s32 $0xFFFFFFFF;
	p2 =	slt.u32 s8, $0xFFFFF086  }
0x1c: {  	p1 =	slt.u32 s9, $0xF7A;
	s5 =	simm.s32 @!p2 $0x0  }
0x1d: {  	s5 =	simm.s32 @p1 $0x1;
	p0 =	seq.s32 s7, s2  }
0x1e: {  	s7 =	smul.u32 @!p0 $0xF7A, s2;
	p2 =	seq.s32 @!p0 s5, $0x0  }
0x1f: {  	s9 =	smul.u32 $0xF7A, s1;
	s8 =	simm.s32 @!p0 $0x1BF5;
	p2 =	por !p2, p0  }
0x20: {  	[sflag:s8] =	ssyncset.s32 @!p0 $0xFFFFF086;
	s6 =	sadd.s32 @!p0 s3, s7;
	s7 =	simm.s32 @!p0 $0x108  }
0x21: {  	s3 =	sadd.s32 s3, s9;
	s6 =	sadd.s32 @!p0 $0x88, s6;
	s7 =	simm.s32 @p2 $0x1082  }
0x22: {  	[simem:s7], [sflag:s8] =	dma.local @!p0 [hbm:s6], $0xF7A  }
0x23: {  	s9 =	sor.u32 $0xD0000000, s2;
	s6 =	simm.s32 $0x108;
	_ =	swait.ge @!p0 [sflag:s8], $0x0  }
0x24: {  	s3 =	sadd.s32 $0x88, s3;
	s6 =	simm.s32 @!p1 $0x1082;
	[sflag:s4] =	ssyncset.s32 $0xFFFFF086  }
0x25: {  	[simem:s6], [sflag:s4] =	dma.local [hbm:s3], $0xF7A  }
0x26: {  	[smem:$0x3F84] =	sst s1;
	(tag) =	ssettag s2;
	_ =	strace s9  }
0x27: {  	s1 =	sld [smem:$0x3F94]  }
0x28: {  	s2 =	sld [smem:$0x3F95]  }
0x29: {  	s4 =	sld [smem:$0x3F97]  }
0x2a: {  	p0 =	seq.s32 s5, $0x0;
	s5 =	sld [smem:$0x3F98]  }
0x2b: {  	s6 =	sld [smem:$0x3F99]  }
0x2c: {  	s7 =	sld [smem:$0x3F9A]  }
0x2d: {  	s3 =	simm.s32 $0x108;
	s8 =	sld [smem:$0x3F9B]  }
0x2e: {  	s3 =	simm.s32 @!p0 $0x1082;
	s9 =	sld [smem:$0x3F9C]  }
0x2f: {  	lr =	sadd.s32 s0, s3;
	s0 =	sld [smem:$0x3F93]  }
0x30: {  	s3 =	sld [smem:$0x3F96]  }
0x31: {  	[smem:$0x3F9F] =	sst s10  }
0x32: {  	s10 =	sld [smem:$0x3F9D];
	_ =	sdelay $0x3  }
0x33: {  	p0 =	seq.s32 s10, $0x1;
	s10 =	sld [smem:$0x3F9F];
	_ =	sdelay $0x3  }
0x34: {  	[smem:$0x3F9F] =	sst s10  }
0x35: {  	s10 =	sld [smem:$0x3F9E];
	_ =	sdelay $0x3  }
0x36: {  	p1 =	seq.s32 s10, $0x1;
	s10 =	sld [smem:$0x3F9F];
	_ =	sdelay $0x3  }
0x37: {  	[smem:$0x3F9F] =	sst s10  }
0x38: {  	s10 =	sld [smem:$0x3FA0]  }
0x39: {  	_ = 	snop;
	(pc) =	sbr.ind lr, $3  }
0x3a: {  	_ = 	snop  }
0x3b: {  	_ = 	snop  }
0x3c: {  	p2 =	seq.s32 s10, $0x1;
	s10 =	sld [smem:$0x3F9F]  }
0x3d: {  	_ =	shalt  }
0x3e: {  	_ =	shalt  }
0x3f: {  	_ =	shalt  }
0x40: {  	_ =	shalt  }
0x41: {  	_ =	shalt  }
0x42: {  	_ =	shalt  }
0x43: {  	_ =	shalt  }
0x44: {  	_ =	shalt  }
0x45: {  	_ =	shalt  }
0x46: {  	_ =	shalt  }
0x47: {  	_ =	shalt  }
0x48: {  	_ =	shalt  }
0x49: {  	_ =	shalt  }
0x4a: {  	_ =	shalt  }
0x4b: {  	_ =	shalt  }
0x4c: {  	_ =	shalt  }
0x4d: {  	_ =	shalt  }
0x4e: {  	_ =	shalt  }
0x4f: {  	_ =	shalt  }
0x50: {  	_ =	shalt  }
0x51: {  	_ =	shalt  }
0x52: {  	_ =	shalt  }
0x53: {  	_ =	shalt  }
0x54: {  	_ =	shalt  }
0x55: {  	_ =	shalt  }
0x56: {  	_ =	shalt  }
0x57: {  	_ =	shalt  }
0x58: {  	_ =	shalt  }
0x59: {  	_ =	shalt  }
0x5a: {  	_ =	shalt  }
0x5b: {  	_ =	shalt  }
0x5c: {  	_ =	shalt  }
0x5d: {  	_ =	shalt  }
0x5e: {  	_ =	shalt  }
0x5f: {  	_ =	shalt  }
0x60: {  	_ =	shalt  }
0x61: {  	_ =	shalt  }
0x62: {  	_ =	shalt  }
0x63: {  	_ =	shalt  }
0x64: {  	_ =	shalt  }
0x65: {  	_ =	shalt  }
0x66: {  	_ =	shalt  }
0x67: {  	_ =	shalt  }
0x68: {  	_ =	shalt  }
0x69: {  	_ =	shalt  }
0x6a: {  	_ =	shalt  }
0x6b: {  	_ =	shalt  }
0x6c: {  	_ =	shalt  }
0x6d: {  	_ =	shalt  }
0x6e: {  	_ =	shalt  }
0x6f: {  	_ =	shalt  }
0x70: {  	_ =	shalt  }
0x71: {  	_ =	shalt  }
0x72: {  	_ =	shalt  }
0x73: {  	_ =	shalt  }
0x74: {  	_ =	shalt  }
0x75: {  	_ =	shalt  }
0x76: {  	_ =	shalt  }
0x77: {  	_ =	shalt  }
0x78: {  	_ =	shalt  }
0x79: {  	_ =	shalt  }
0x7a: {  	_ =	shalt  }
0x7b: {  	_ =	shalt  }
0x7c: {  	_ =	shalt  }
0x7d: {  	_ =	shalt  }
0x7e: {  	_ =	shalt  }
0x7f: {  	_ =	shalt  }
0x80: {  	_ =	shalt  }
0x81: {  	_ =	shalt  }
0x82: {  	_ =	shalt  }
0x83: {  	_ =	shalt  }
0x84: {  	_ =	shalt  }
0x85: {  	_ =	shalt  }
0x86: {  	_ =	shalt  }
0x87: {  	_ =	shalt  }
.Lfunc_end0:
.L_simem_size_0:
called_computation.3_lowered:
.L_overlay_start_0:
0x88: {  	s2 =	sld [smem:$0x3FD9]  }
0x89: {  	s3 =	sld [smem:$0x3FFE];
	_ =	sdelay $0x1  }
0x8a: {  	s1 =	srdreg.scid  }
0x8b: {  	s0 =	sand.u32 $0x1, s1  }
0x8c: {  	s17 =	sshll.u32 s0, $0xA;
	s2 =	sadd.s32 s3, s2  }
0x8d: {  	s2 =	sadd.s32 s2, s17  }
0x8e: {  	[smem:$0x3FAB] =	sst s2  }
0x8f: {  	_ = 	snop  }
0x90: {  	s2 =	sld [smem:$0x3FC9];
	(tm) =	ssettm $0x1  }
0x91: {  	s18 =	sld [smem:$0x3FFB];
	_ =	sdelay $0x3  }
0x92: {  	_ =	strace s18  }
0x93: {  	s3 =	sld [smem:$0x3FFC];
	_ =	sdelay $0x3  }
0x94: {  	_ =	strace s3  }
0x95: {  	s3 =	sld [smem:$0x3FFD];
	_ =	sdelay $0x3  }
0x96: {  	_ =	strace s3  }
0x97: {  	_ =	strace $0x8FFFFFFF  }
0x98: {  	s19 =	sld [smem:$0x3FDB];
	_ =	sdelay $0x1  }
0x99: {  	s4 =	simm.s32 $_scs_section_size  }
0x9a: {  	s5 =	simm.s32 $_size__tile_overlayer_lowered;
	s6 =	simm.s32 $_tile_overlayer_lowered  }
0x9b: {  	s22 =	simm.s32 $0x1BFF;
	s21 =	sshll.u32 s6, $0x1;
	s3 =	sadd.s32 s4, s19  }
0x9c: {  	s7 =	simm.s32 $0x0;
	s20 =	sshll.u32 s5, $0x1;
	s5 =	sadd.s32 s21, s3  }
0x9d: {  	[timem:s7], [sflag:s22] =	dma.local [hbm:s5], s20  }
0x9e: {  	_ =	swait.ge [sflag:s22], s20  }
0x9f: {  	s4 =	ssub.s32 $0x0, s20;
	[sflag:s22] =	ssyncset.done $0x0  }
0xa0: {  	[sflag:s22] =	ssyncadd.s32 s4;
	_ =	sdelay $0x1  }
0xa1: {  	s23 =	simm.s32 $0x1B8B  }
0xa2: {  	_ =	swait.ge [sflag:s23], $0x1  }
0xa3: {  	[sflag:s23] =	ssyncset.done $0x0  }
0xa4: {  	s25 =	simm.s32 $0x1B8E;
	s24 =	sld [smem:$0x3FFE];
	[sflag:s23] =	ssyncadd.s32 $0xFFFFFFFF  }
0xa5: {  	s26 =	simm.s32 $execute0_lowered;
	[smem:$0x3FD2] =	sst s25  }
0xa6: {  	s5 =	sshll.u32 s26, $0x1;
	_ =	strace $0x8000004F;
	[dreg:$0x1] =	wrdreg $0xFFFFFFFF  }
0xa7: {  	s28 =	simm.s32 $_size_execute0_lowered;
	s3 =	sadd.s32 s3, s5;
	[dreg:$0x0] =	wrdreg $0x0  }
0xa8: {  	s5 =	sshll.u32 s28, $0x1;
	[dreg:$0x2] =	wrdreg s3  }
0xa9: {  	[dreg:$0x3] =	wrdreg s5  }
0xaa: {  	[dreg:$0x4] =	wrdreg $0xC0  }
0xab: {  	_ =	task [dreg:s7], $0x5FFFF  }
0xac: {  	[dreg:$0x1] =	wrdreg $0xFFFFFFFF  }
0xad: {  	[dreg:$0x0] =	wrdreg $0x60  }
0xae: {  	[dreg:$0x2] =	wrdreg s2  }
0xaf: {  	[dreg:$0x3] =	wrdreg s24  }
0xb0: {  	[dreg:$0x4] =	wrdreg $0x154000  }
0xb1: {  	[dreg:$0x5] =	wrdreg $0x9  }
0xb2: {  	_ =	task.clear_ibuf [dreg:s7], $0x6FFFF;
	_ =	strace $0x9000004F  }
0xb3: {  	s29 =	simm.s32 $0x9;
	_ =	strace $0x80000051  }
0xb4: {  	_ =	swait.ge [sflag:s29], $0x1  }
0xb5: {  	[sflag:s29] =	ssyncadd.s32 $0xFFFFFFFF  }
0xb6: {  	_ =	strace $0x90000051  }
0xb7: {  	_ =	sfence  }
0xb8: {  	s30 =	sld [smem:$0x0];
	_ =	sdelay $0x2  }
0xb9: {  	s31 =	sshll.u32 s1, $0xD;
	s1 =	sshrl.u32 s1, $0x2  }
0xba: {  	s3 =	sand.u32 $0x4000, s31;
	s1 =	sadd.s32 s1, s30  }
0xbb: {  	s0 =	sor.u32 s3, s0;
	s1 =	sshll.u32 s1, $0x11  }
0xbc: {  	s0 =	sor.u32 s1, s0  }
0xbd: {  	s0 =	sadd.s32 $0x8F2B, s0  }
0xbe: {  	[sflag:s0] =	ssyncadd.remote.s32 $0x1  }
0xbf: {  	_ =	sfence.sel $0xFFFF  }
0xc0: {  	[dreg:$0x0] =	wrdreg $0xFFFFFFFF;
	(pc) =	sbr.abs _section_cstart, $3  }
0xc1: {  	[dreg:$0x1] =	wrdreg $0xFFFFFFFF  }
0xc2: {  	_ =	task.clear_ibuf [dreg:s7], $0x2FFFF;
	_ =	strace $0x9FFFFFFF  }
0xc3: {  	(tm) =	ssettm $0x7FFFFFFF  }
tec
execute0_lowered:
.L_overlay_start_1:
0x0: {  	(tag) =	ssettag $0x1  }
0x1: {  	s1 =	rddreg [dreg:$0x0]  }
0x2: {  	s2 =	srdreg.scid;
	s11 =	rddreg [dreg:$0x1]  }
0x3: {  	s0 =	stileid.u32;
	s3 =	rddreg [dreg:$0x2];
	s4 =	simm.s32 $0x0  }
0x4: {  	s17 =	simm.s32 $0x2F00;
	s18 =	simm.s32 $0x80;
	s19 =	simm.s32 $0x3000  }
0x5: {  	s20 =	simm.s32 $0x2F80;
	s21 =	simm.s32 $0x7000;
	s22 =	simm.s32 $0x2  }
0x6: {  	s23 =	simm.s32 $0x1;
	s25 =	simm.s32 $0x0;
	s9 =	smul.u32 $0x29000, s0  }
0x7: {  	s6 =	sand.u32 $0x1, s2;
	s29 =	sshll.u32 s0, $0x1;
	s13 =	smul.u32 $0x5E00, s0  }
0x8: {  	[smem:$0x7FF] =	sst s4;
	s24 =	sor.u32 s6, s29;
	s15 =	smul.u32 $0x2F00, s6  }
0x9: {  	_ =	strace $0x80000050;
	s12 =	ssub.s32 $0x2, s6;
	s5 =	smul.u32 $0x2F00, s24  }
0xa: {  	s7 =	smul.u32 $0x1400, s24;
	s14 =	sshrl.u32 s12, $0x1;
	s30 =	sshrl.u32 s9, $0x2  }
0xb: {  	p0 =	seq.s32 s24, $0x1F;
	s24 =	simm.s32 $0x2E80;
	s12 =	ssub.s32 s12, s14  }
0xc: {  	s6 =	sadd.s32 s30, s3;
	s13 =	sadd.s32 s15, s13;
	s15 =	simm.s32 $0xB000  }
0xd: {  	s8 =	sshrl.u32 s5, $0x3;
	s5 =	sadd.s32 $0x29A200, s11;
	s16 =	sadd.s32 s7, s11  }
0xe: {  	s31 =	sor.u32 $0x80, s13;
	s12 =	smax.u32 s12, $0x1;
	s13 =	sadd.s32 $0x100, s13  }
0xf: {  	s10 =	sadd.s32 s8, s11;
	s7 =	sadd.s32 s5, s8;
	s11 =	sadd.s32 $0x2A400, s11  }
0x10: {  	s14 =	sshrl.u32 s31, $0x3;
	s8 =	sadd.s32 $0x2AFC00, s10;
	s9 =	sadd.s32 $0x5D0, s7  }
0x11: {  	v0 =	vimm.f32 $0.0e+00;
	s10 =	sadd.s32 $0x3800, s16;
	s14 =	sadd.s32 s14, s5;
	s16 =	simm.s32 $0x3  }
.LBB2_1:
0x12: {  	s26 =	simm.s32 $0x0;
	s28 =	simm.s32 $0x200  }
.LBB2_2:
0x13: {  	p1 =	sne.s32 s28, $0x28E00;
	[tilespmem:s26+$0xB070] =	vst v0  }
0x14: {  	[tilespmem:s26+$0xB000] =	vst v0  }
0x15: {  	[tilespmem:s26+$0xB010] =	vst v0  }
.Ltmp0:
0x16: {  	[tilespmem:s26+$0xB020] =	vst v0;
	(pc) =	sbr.rel @p1 .LBB2_2-.Ltmp0, $4  }
0x17: {  	[tilespmem:s26+$0xB030] =	vst v0  }
0x18: {  	[tilespmem:s26+$0xB040] =	vst v0  }
0x19: {  	[tilespmem:s26+$0xB050] =	vst v0  }
0x1a: {  	[tilespmem:s26+$0xB060] =	vst v0;
	s26 =	sshra.s32 s28, $0x2;
	s28 =	sadd.s32 $0x200, s28  }
0x1b: {  	[tilespmem:s26+$0xB070] =	vst v0  }
0x1c: {  	[tilespmem:s26+$0xB000] =	vst v0  }
0x1d: {  	[tilespmem:s26+$0xB010] =	vst v0  }
0x1e: {  	[tilespmem:s26+$0xB020] =	vst v0  }
0x1f: {  	[tilespmem:s26+$0xB030] =	vst v0  }
0x20: {  	[tilespmem:s26+$0xB040] =	vst v0  }
0x21: {  	[tilespmem:s26+$0xB050] =	vst v0  }
0x22: {  	[tilespmem:s26+$0xB060] =	vst v0  }
0x23: {  	[spmem:s6] =	stream.linear.scatter [tilespmem:s15], [sflag:$0x3], $0xA400, $0x38;
	[tilespmem:$0x1F800] =	vst v63  }
0x24: {  	_ =	swait.ge [sflag:s16], $0xA400  }
0x25: {  	[sflag:s16] =	ssyncset.done $0x0  }
0x26: {  	s31 =	simm.s32 $0x0;
	[sflag:s16] =	ssyncadd.s32 $0xFFFF5C00  }
0x27: {  	[tilespmem:s31], [sflag:$0x3] =	stream.linear.gather [hbm4b:s8+s31], $0x2F00, $0x38;
	[tilespmem:$0x1F800] =	vst v63  }
0x28: {  	_ =	swait.ge [sflag:s16], $0x2F00  }
0x29: {  	[sflag:s16] =	ssyncset.done $0x0  }
0x2a: {  	[sflag:s16] =	ssyncadd.s32 $0xFFFFD100  }
0x2b: {  	[tilespmem:s17], [sflag:$0x2] =	stream.linear.gather [hbm4b:s7+s31], $0x80, $0x38;
	[tilespmem:$0x1F800] =	vst v63  }
0x2c: {  	_ = 	snop  }
0x2d: {  	[tilespmem:s19], [sflag:$0x1] =	stream.indirect.gather [hbm4b:s1+s18], $0x80, s31, s18, $0xb8;
	[tilespmem:$0x1F800] =	vst v63  }
0x2e: {  	s2 =	sadd.s32 $0x0, s14  }
0x2f: {  	[tilespmem:s20], [sflag:$0x2] =	stream.linear.gather [hbm4b:s2+s4], $0x80, $0x38;
	[tilespmem:$0x1F800] =	vst v63  }
0x30: {  	s31 =	simm.s32 $0x80  }
0x31: {  	[tilespmem:s21], [sflag:$0x1] =	stream.indirect.gather [hbm4b:s1+s18], $0x80, s31, s18, $0xb8;
	[tilespmem:$0x1F800] =	vst v63  }
0x32: {  	_ =	swait.ge [sflag:s22], $0x80  }
0x33: {  	[sflag:s22] =	ssyncset.done $0x0  }
0x34: {  	[sflag:s22] =	ssyncadd.s32 $0xFFFFFF80  }
0x35: {  	_ =	swait.ge [sflag:s23], $0x4000  }
0x36: {  	[sflag:s23] =	ssyncset.done $0x0  }
0x37: {  	[sflag:s23] =	ssyncadd.s32 $0xFFFFC000  }
0x38: {  	[spmem:s3] =	stream.indirect.scatter.add.f32 [tilespmem:s19], [sflag:$0x3], $0x80, s17, s18, $0xb8;
	[tilespmem:$0x1F800] =	vst v63  }
0x39: {  	_ =	swait.ge [sflag:s16], $0x4000  }
0x3a: {  	s2 =	sshrl.u32 s13, $0x3;
	[sflag:s16] =	ssyncset.done $0x0  }
0x3b: {  	s26 =	sadd.s32 s5, s2;
	[sflag:s16] =	ssyncadd.s32 $0xFFFFC000  }
0x3c: {  	[tilespmem:s17], [sflag:$0x2] =	stream.linear.gather [hbm4b:s26+s4], $0x80, $0x38;
	[tilespmem:$0x1F800] =	vst v63  }
0x3d: {  	s31 =	simm.s32 $0x100  }
0x3e: {  	[tilespmem:s19], [sflag:$0x1] =	stream.indirect.gather [hbm4b:s1+s18], $0x80, s31, s18, $0xb8;
	[tilespmem:$0x1F800] =	vst v63  }
0x3f: {  	_ =	swait.ge [sflag:s22], $0x80  }
0x40: {  	[sflag:s22] =	ssyncset.done $0x0  }
0x41: {  	[sflag:s22] =	ssyncadd.s32 $0xFFFFFF80  }
0x42: {  	_ =	swait.ge [sflag:s23], $0x4000  }
0x43: {  	[sflag:s23] =	ssyncset.done $0x0  }
0x44: {  	[sflag:s23] =	ssyncadd.s32 $0xFFFFC000  }
0x45: {  	[spmem:s3] =	stream.indirect.scatter.add.f32 [tilespmem:s21], [sflag:$0x3], $0x80, s20, s18, $0xb8;
	[tilespmem:$0x1F800] =	vst v63  }
0x46: {  	s29 =	simm.s32 $0x20;
	s30 =	simm.s32 $0x40;
	_ =	swait.ge [sflag:s16], $0x4000  }
0x47: {  	s28 =	sadd.s32 $0x100, s13;
	s26 =	simm.s32 $0x200;
	[sflag:s16] =	ssyncset.done $0x0  }
.LBB2_4:
0x48: {  	s31 =	sadd.s32 s29, s14  }
0x49: {  	[sflag:s16] =	ssyncadd.s32 $0xFFFFC000;
	s29 =	smov.u32 s30;
	s2 =	sadd.s32 $0x20, s30  }
0x4a: {  	[tilespmem:s20], [sflag:$0x2] =	stream.linear.gather [hbm4b:s31+s4], $0x80, $0x38;
	[tilespmem:$0x1F800] =	vst v63  }
0x4b: {  	p1 =	sne.s32 s30, $0x5A0;
	s30 =	sadd.s32 $0xFFFFFF80, s26  }
0x4c: {  	[tilespmem:s21], [sflag:$0x1] =	stream.indirect.gather [hbm4b:s1+s18], $0x80, s30, s18, $0xb8;
	[tilespmem:$0x1F800] =	vst v63  }
0x4d: {  	_ =	swait.ge [sflag:s22], $0x80  }
0x4e: {  	[sflag:s22] =	ssyncset.done $0x0  }
0x4f: {  	[sflag:s22] =	ssyncadd.s32 $0xFFFFFF80  }
0x50: {  	_ =	swait.ge [sflag:s23], $0x4000  }
0x51: {  	[sflag:s23] =	ssyncset.done $0x0  }
0x52: {  	[sflag:s23] =	ssyncadd.s32 $0xFFFFC000  }
0x53: {  	[spmem:s3] =	stream.indirect.scatter.add.f32 [tilespmem:s19], [sflag:$0x3], $0x80, s17, s18, $0xb8;
	[tilespmem:$0x1F800] =	vst v63  }
0x54: {  	_ =	swait.ge [sflag:s16], $0x4000  }
0x55: {  	s30 =	sshrl.u32 s28, $0x3;
	[sflag:s16] =	ssyncset.done $0x0  }
0x56: {  	s30 =	sadd.s32 s5, s30;
	[sflag:s16] =	ssyncadd.s32 $0xFFFFC000  }
0x57: {  	[tilespmem:s17], [sflag:$0x2] =	stream.linear.gather [hbm4b:s30+s4], $0x80, $0x38;
	[tilespmem:$0x1F800] =	vst v63  }
0x58: {  	_ = 	snop  }
0x59: {  	[tilespmem:s19], [sflag:$0x1] =	stream.indirect.gather [hbm4b:s1+s18], $0x80, s26, s18, $0xb8;
	[tilespmem:$0x1F800] =	vst v63  }
0x5a: {  	_ =	swait.ge [sflag:s22], $0x80  }
0x5b: {  	[sflag:s22] =	ssyncset.done $0x0  }
0x5c: {  	[sflag:s22] =	ssyncadd.s32 $0xFFFFFF80  }
0x5d: {  	_ =	swait.ge [sflag:s23], $0x4000  }
.Ltmp1:
0x5e: {  	[sflag:s23] =	ssyncset.done $0x0;
	(pc) =	sbr.rel @p1 .LBB2_4-.Ltmp1, $4  }
0x5f: {  	[sflag:s23] =	ssyncadd.s32 $0xFFFFC000  }
0x60: {  	[spmem:s3] =	stream.indirect.scatter.add.f32 [tilespmem:s21], [sflag:$0x3], $0x80, s20, s18, $0xb8;
	[tilespmem:$0x1F800] =	vst v63  }
0x61: {  	s28 =	sadd.s32 $0x100, s28;
	_ =	swait.ge [sflag:s16], $0x4000  }
0x62: {  	s30 =	smov.u32 s2;
	s26 =	sadd.s32 $0x100, s26;
	[sflag:s16] =	ssyncset.done $0x0  }
0x63: {  	s2 =	sadd.s32 s29, s14;
	[sflag:s16] =	ssyncadd.s32 $0xFFFFC000  }
0x64: {  	[tilespmem:s20], [sflag:$0x2] =	stream.linear.gather [hbm4b:s2+s4], $0x80, $0x38;
	[tilespmem:$0x1F800] =	vst v63  }
0x65: {  	s30 =	sadd.s32 $0xFFFFFF80, s26  }
0x66: {  	[tilespmem:s21], [sflag:$0x1] =	stream.indirect.gather [hbm4b:s1+s18], $0x80, s30, s18, $0xb8;
	[tilespmem:$0x1F800] =	vst v63  }
0x67: {  	_ =	swait.ge [sflag:s22], $0x80  }
0x68: {  	[sflag:s22] =	ssyncset.done $0x0  }
0x69: {  	[sflag:s22] =	ssyncadd.s32 $0xFFFFFF80  }
0x6a: {  	_ =	swait.ge [sflag:s23], $0x4000  }
0x6b: {  	[sflag:s23] =	ssyncset.done $0x0  }
0x6c: {  	[sflag:s23] =	ssyncadd.s32 $0xFFFFC000  }
0x6d: {  	[spmem:s3] =	stream.indirect.scatter.add.f32 [tilespmem:s19], [sflag:$0x3], $0x80, s17, s18, $0xb8;
	[tilespmem:$0x1F800] =	vst v63  }
0x6e: {  	_ =	swait.ge [sflag:s16], $0x4000  }
0x6f: {  	s31 =	sshrl.u32 s28, $0x3;
	[sflag:s16] =	ssyncset.done $0x0  }
0x70: {  	s2 =	sadd.s32 s5, s31;
	[sflag:s16] =	ssyncadd.s32 $0xFFFFC000  }
0x71: {  	[tilespmem:s17], [sflag:$0x2] =	stream.linear.gather [hbm4b:s2+s4], $0x80, $0x38;
	[tilespmem:$0x1F800] =	vst v63  }
0x72: {  	_ = 	snop  }
0x73: {  	[tilespmem:s19], [sflag:$0x1] =	stream.indirect.gather [hbm4b:s1+s18], $0x80, s26, s18, $0xb8;
	[tilespmem:$0x1F800] =	vst v63  }
0x74: {  	_ =	swait.ge [sflag:s22], $0x80  }
0x75: {  	[sflag:s22] =	ssyncset.done $0x0  }
0x76: {  	[sflag:s22] =	ssyncadd.s32 $0xFFFFFF80  }
0x77: {  	_ =	swait.ge [sflag:s23], $0x4000  }
0x78: {  	[sflag:s23] =	ssyncset.done $0x0  }
0x79: {  	[sflag:s23] =	ssyncadd.s32 $0xFFFFC000  }
0x7a: {  	[spmem:s3] =	stream.indirect.scatter.add.f32 [tilespmem:s21], [sflag:$0x3], $0x80, s20, s18, $0xb8;
	[tilespmem:$0x1F800] =	vst v63  }
0x7b: {  	_ =	swait.ge [sflag:s16], $0x4000  }
0x7c: {  	[sflag:s16] =	ssyncset.done $0x0  }
0x7d: {  	[sflag:s16] =	ssyncadd.s32 $0xFFFFC000  }
0x7e: {  	[tilespmem:s20], [sflag:$0x2] =	stream.linear.gather [hbm4b:s9+s4], $0x80, $0x38;
	[tilespmem:$0x1F800] =	vst v63  }
0x7f: {  	_ = 	snop  }
0x80: {  	[tilespmem:s21], [sflag:$0x1] =	stream.indirect.gather [hbm4b:s1+s18], $0x80, s24, s18, $0xb8;
	[tilespmem:$0x1F800] =	vst v63  }
0x81: {  	_ =	swait.ge [sflag:s22], $0x80  }
0x82: {  	[sflag:s22] =	ssyncset.done $0x0  }
0x83: {  	[sflag:s22] =	ssyncadd.s32 $0xFFFFFF80  }
0x84: {  	_ =	swait.ge [sflag:s23], $0x4000  }
0x85: {  	[sflag:s23] =	ssyncset.done $0x0  }
0x86: {  	[sflag:s23] =	ssyncadd.s32 $0xFFFFC000  }
0x87: {  	[spmem:s3] =	stream.indirect.scatter.add.f32 [tilespmem:s19], [sflag:$0x3], $0x80, s17, s18, $0xb8;
	[tilespmem:$0x1F800] =	vst v63  }
0x88: {  	_ =	swait.ge [sflag:s16], $0x4000  }
0x89: {  	[sflag:s16] =	ssyncset.done $0x0  }
0x8a: {  	[sflag:s16] =	ssyncadd.s32 $0xFFFFC000  }
0x8b: {  	_ =	swait.ge [sflag:s22], $0x80  }
0x8c: {  	[sflag:s22] =	ssyncset.done $0x0  }
0x8d: {  	[sflag:s22] =	ssyncadd.s32 $0xFFFFFF80  }
0x8e: {  	_ =	swait.ge [sflag:s23], $0x4000  }
0x8f: {  	[sflag:s23] =	ssyncset.done $0x0  }
0x90: {  	[sflag:s23] =	ssyncadd.s32 $0xFFFFC000  }
0x91: {  	[spmem:s3] =	stream.indirect.scatter.add.f32 [tilespmem:s21], [sflag:$0x3], $0x80, s20, s18, $0xb8;
	[tilespmem:$0x1F800] =	vst v63  }
0x92: {  	_ =	swait.ge [sflag:s16], $0x4000  }
0x93: {  	s2 =	sshll.u32 @p0 s0, $0x6;
	[sflag:s16] =	ssyncset.done $0x0  }
0x94: {  	s2 =	sor.u32 @p0 $0x1C03, s2;
	s26 =	sshrl.u32 @p0 s6, $0x3;
	[sflag:s16] =	ssyncadd.s32 $0xFFFFC000  }
0x95: {  	[hbm:s11], [sflag:s2] =	dma.local @p0 [spmem:s26], $0x500  }
0x96: {  	s2 =	simm.s32 @p0 $0x3  }
0x97: {  	s25 =	sadd.s32 $0x1, s25;
	_ =	swait.ge @p0 [sflag:s2], $0x500  }
0x98: {  	p1 =	sne.s32 s25, s12;
	s26 =	sshll.u32 @!p0 s0, $0x6;
	[sflag:s2] =	ssyncset.done @p0 $0x0  }
0x99: {  	[sflag:s2] =	ssyncadd.s32 @p0 $0xFFFFFB00;
	s2 =	sor.u32 @!p0 $0x1C03, s26;
	s26 =	sshrl.u32 @!p0 s6, $0x3  }
0x9a: {  	[hbm:s10], [sflag:s2] =	dma.local @!p0 [spmem:s26], $0x1400  }
.Ltmp2:
0x9b: {  	_ = 	snop;
	(pc) =	sbr.rel @p1 .LBB2_1-.Ltmp2, $4  }
0x9c: {  	s2 =	simm.s32 @!p0 $0x3  }
0x9d: {  	_ =	swait.ge @!p0 [sflag:s2], $0x1400  }
0x9e: {  	[sflag:s2] =	ssyncset.done @!p0 $0x0  }
0x9f: {  	[sflag:s2] =	ssyncadd.s32 @!p0 $0xFFFFEC00  }
0xa0: {  	_ =	sfence.sel $0x180000  }
0xa1: {  	[bflag:$0x0] =	sbarrier.arrive $0xFFFF  }
0xa2: {  	_ =	strace $0x90000050  }
0xa3: {  	[bflag:$0x2] =	sbarrier.arrive $0xFFFF  }
0xa4: {  	p0 =	sne.s32 s0, $0x0;
	s0 =	rddreg [dreg:$0x3]  }
0xa5: {  	s0 =	sadd.s32 @!p0 $0x100000, s0  }
0xa6: {  	[sflag:s0] =	ssyncadd.tile.s32 @!p0 $0x1;
	_ =	shalt  }
.Lfunc_end2:
_tile_overlayer_lowered:
.L_overlay_start_2:
0xa7: {  	(tag) =	ssettag $0x2  }
0xa8: {  	s0 =	rddreg [dreg:$0x0];
	s2 =	stileid.u32  }
0xa9: {  	s1 =	rddreg [dreg:$0x1];
	p0 =	sne.s32 s2, $0x0  }
0xaa: {  	s3 =	rddreg [dreg:$0x2];
	[bflag:$0x3] =	sbarrier.arrive $0xFFFF;
	s2 =	simm.s32 @!p0 $0x1C03  }
0xab: {  	[timem:s3], [sflag:s2] =	dma.local @!p0 [hbm:s0], s1  }
0xac: {  	s0 =	simm.s32 @!p0 $0x3  }
0xad: {  	_ =	swait.ge @!p0 [sflag:s0], s1  }
0xae: {  	s1 =	ssub.s32 @!p0 $0x0, s1;
	[sflag:s0] =	ssyncset.done @!p0 $0x0  }
0xaf: {  	[sflag:s0] =	ssyncadd.s32 @!p0 s1  }
0xb0: {  	[bflag:$0x3] =	sbarrier.arrive $0xFFFF  }
0xb1: {  	_ =	shalt  }

// kernel: sparse-core-data-format-call.1.cloned.1.call-start
scs
called_computation.1_lowered:
.L_overlay_start_0:
0x0: {  	s1 =	sld [smem:$0x3FD9]  }
0x1: {  	s2 =	sld [smem:$0x3FFE];
	_ =	sdelay $0x1  }
0x2: {  	s3 =	srdreg.scid  }
0x3: {  	s0 =	sand.u32 $0x1, s3  }
0x4: {  	s17 =	sshll.u32 s0, $0xA;
	s1 =	sadd.s32 s2, s1  }
0x5: {  	s1 =	sadd.s32 s1, s17  }
0x6: {  	[smem:$0x3FAB] =	sst s1  }
0x7: {  	_ = 	snop  }
0x8: {  	(tm) =	ssettm $0x1  }
0x9: {  	s18 =	sld [smem:$0x3FFB];
	_ =	sdelay $0x3  }
0xa: {  	_ =	strace s18  }
0xb: {  	s1 =	sld [smem:$0x3FFC];
	_ =	sdelay $0x3  }
0xc: {  	_ =	strace s1  }
0xd: {  	s1 =	sld [smem:$0x3FFD];
	_ =	sdelay $0x3  }
0xe: {  	_ =	strace s1  }
0xf: {  	_ =	strace $0x8FFFFFFF  }
0x10: {  	s19 =	sld [smem:$0x3FDB];
	_ =	sdelay $0x1  }
0x11: {  	s20 =	simm.s32 $_scs_section_size  }
0x12: {  	s4 =	simm.s32 $_size__tile_overlayer_lowered;
	s5 =	simm.s32 $_tile_overlayer_lowered  }
0x13: {  	s23 =	simm.s32 $0x1BFF;
	s22 =	sshll.u32 s5, $0x1;
	s1 =	sadd.s32 s20, s19  }
0x14: {  	s6 =	simm.s32 $0x0;
	s21 =	sshll.u32 s4, $0x1;
	s4 =	sadd.s32 s22, s1  }
0x15: {  	[timem:s6], [sflag:s23] =	dma.local [hbm:s4], s21  }
0x16: {  	_ =	swait.ge [sflag:s23], s21  }
0x17: {  	s2 =	ssub.s32 $0x0, s21;
	[sflag:s23] =	ssyncset.done $0x0  }
0x18: {  	[sflag:s23] =	ssyncadd.s32 s2;
	_ =	sdelay $0x1  }
0x19: {  	s24 =	simm.s32 $0x1B8B  }
0x1a: {  	_ =	swait.ge [sflag:s24], $0x1  }
0x1b: {  	[sflag:s24] =	ssyncset.done $0x0  }
0x1c: {  	s26 =	simm.s32 $0x1B8E;
	s25 =	sld [smem:$0x3FFE];
	[sflag:s24] =	ssyncadd.s32 $0xFFFFFFFF  }
0x1d: {  	s27 =	simm.s32 $execute0_lowered;
	[smem:$0x3FD2] =	sst s26  }
0x1e: {  	s4 =	sshll.u32 s27, $0x1;
	_ =	strace $0x80000046;
	[dreg:$0x1] =	wrdreg $0xFFFFFFFF  }
0x1f: {  	s28 =	simm.s32 $_size_execute0_lowered;
	s1 =	sadd.s32 s1, s4;
	[dreg:$0x0] =	wrdreg $0x0  }
0x20: {  	s4 =	sshll.u32 s28, $0x1;
	[dreg:$0x2] =	wrdreg s1  }
0x21: {  	[dreg:$0x3] =	wrdreg s4  }
0x22: {  	[dreg:$0x4] =	wrdreg $0xC0  }
0x23: {  	_ =	task [dreg:s6], $0x5FFFF  }
0x24: {  	[dreg:$0x1] =	wrdreg $0xFFFFFFFF  }
0x25: {  	[dreg:$0x0] =	wrdreg $0x60  }
0x26: {  	[dreg:$0x2] =	wrdreg s25  }
0x27: {  	[dreg:$0x3] =	wrdreg $0x9  }
0x28: {  	_ =	task.clear_ibuf [dreg:s6], $0x4FFFF;
	_ =	strace $0x90000046  }
0x29: {  	s29 =	simm.s32 $0x9;
	_ =	strace $0x80000048  }
0x2a: {  	_ =	swait.ge [sflag:s29], $0x1  }
0x2b: {  	[sflag:s29] =	ssyncadd.s32 $0xFFFFFFFF  }
0x2c: {  	_ =	strace $0x90000048  }
0x2d: {  	_ =	sfence  }
0x2e: {  	s30 =	sld [smem:$0x0];
	_ =	sdelay $0x2  }
0x2f: {  	s31 =	sshll.u32 s3, $0xD;
	s3 =	sshrl.u32 s3, $0x2  }
0x30: {  	s2 =	sand.u32 $0x4000, s31;
	s1 =	sadd.s32 s3, s30  }
0x31: {  	s0 =	sor.u32 s2, s0;
	s1 =	sshll.u32 s1, $0x11  }
0x32: {  	s0 =	sor.u32 s1, s0  }
0x33: {  	s0 =	sadd.s32 $0x8F2B, s0  }
0x34: {  	[sflag:s0] =	ssyncadd.remote.s32 $0x1  }
0x35: {  	_ =	sfence.sel $0xFFFF  }
0x36: {  	[dreg:$0x0] =	wrdreg $0xFFFFFFFF;
	(pc) =	sbr.abs _section_cstart, $3  }
0x37: {  	[dreg:$0x1] =	wrdreg $0xFFFFFFFF  }
0x38: {  	_ =	task.clear_ibuf [dreg:s6], $0x2FFFF;
	_ =	strace $0x9FFFFFFF  }
0x39: {  	(tm) =	ssettm $0x7FFFFFFF  }
tec
execute0_lowered:
.L_overlay_start_1:
0x0: {  	(tag) =	ssettag $0x1  }
0x1: {  	s1 =	rddreg [dreg:$0x0]  }
0x2: {  	s0 =	rddreg [dreg:$0x1]  }
0x3: {  	_ =	strace $0x80000047;
	s4 =	srdreg.scid;
	s6 =	simm.s32 $0x2  }
0x4: {  	s13 =	simm.s32 $0x0;
	p0 =	por $0x0, $0x0;
	s15 =	simm.s32 $0x0  }
0x5: {  	s14 =	simm.s32 $0x0;
	s8 =	simm.s32 $0x0;
	s9 =	simm.s32 $0x0  }
.Ltmp0:
0x6: {  	s10 =	simm.s32 $0x0;
	s12 =	simm.s32 $0x0;
	(pc) =	sbr.rel .LBB1_1-.Ltmp0, $4  }
0x7: {  	s2 =	sadd.s32 $0x17400, s1;
	s3 =	sadd.s32 $0x157400, s1;
	s5 =	sshll.u32 s4, $0x4  }
0x8: {  	s1 =	stileid.u32;
	s4 =	simm.s32 $0x1;
	s5 =	sand.u32 $0x10, s5  }
0x9: {  	s7 =	simm.s32 $0x0;
	[sflag:s4] =	ssyncpa.u1 $0x0;
	s5 =	sor.u32 s1, s5  }
0xa: {  	[sflag:s6] =	ssyncpa.u1 $0x0;
	s6 =	simm.s32 $0x0;
	s11 =	smov.u32 s5  }
.LBB1_5:
0xb: {  	p1 =	slt.u32 s7, $0x2  }
0xc: {  	p2 =	sgt.s32 @!p1 s15, $0x1F  }
0xd: {  	s16 =	smov.u32 s15;
	s17 =	sshra.s32 @!p1 s15, $0x1F;
	p2 =	por !p2, p1  }
0xe: {  	s15 =	sand.u32 @!p1 s17, s15;
	s16 =	simm.s32 @p2 $0x1F  }
0xf: {  	p3 =	sgt.s32 @!p1 s13, $0x948;
	s15 =	ssub.s32 @!p1 s16, s15  }
0x10: {  	p3 =	por !p3, p1;
	s17 =	smov.u32 s13;
	s16 =	sadd.s32 @!p1 $0xFFFFFFE1, s15  }
0x11: {  	s15 =	ssub.s32 @!p1 $0x20, s15;
	p2 =	sgt.s32 @!p1 s16, $0x0;
	s16 =	sshra.s32 @!p1 s13, $0x1F  }
0x12: {  	s13 =	sand.u32 @!p1 s16, s13;
	s16 =	ssub.s32 @!p1 $0x0, s14;
	p2 =	por !p2, p1  }
0x13: {  	s17 =	simm.s32 @p3 $0x948;
	s14 =	smin.u32 @!p1 s14, s16;
	s15 =	simm.s32 @!p2 $0x0  }
0x14: {  	s13 =	ssub.s32 @!p1 s17, s13;
	s17 =	smov.u32 s11;
	p2 =	sgt.s32 @!p1 s14, $0x7F  }
0x15: {  	s16 =	sadd.s32 @!p1 $0xFFFFF6B8, s13;
	s14 =	ssub.s32 @!p1 $0x80, s14;
	p2 =	por !p2, p1  }
0x16: {  	s13 =	ssub.s32 @!p1 $0x9C8, s13;
	p3 =	sgt.s32 @!p1 s16, $0x7F;
	s14 =	simm.s32 @!p2 $0x0  }
0x17: {  	s16 =	sadd.s32 $0x80, s10;
	p2 =	por !p3, p1;
	s14 =	smul.u32 @!p1 s14, s15  }
0x18: {  	s13 =	simm.s32 @!p2 $0x0;
	p2 =	sgt.s32 s16, $0x9C3;
	s15 =	sadd.s32 $0x20, s11  }
0x19: {  	s18 =	smov.u32 s12;
	s17 =	smov.u32 @p2 s15  }
0x1a: {  	s13 =	smul.u32 @!p1 s13, s14;
	p3 =	sgt.s32 s17, $0x1F;
	s14 =	sadd.s32 $0x80, s12  }
0x1b: {  	s7 =	sadd.s32 $0x1, s7;
	p0 =	por !p0, !p0;
	s18 =	smov.u32 @p3 s14  }
0x1c: {  	s19 =	simm.s32 @!p1 $0x2;
	s16 =	simm.s32 @p2 $0x0;
	p2 =	sgt.s32 s18, $0x7F  }
0x1d: {  	s15 =	smov.u32 s8;
	s18 =	simm.s32 @p2 $0x0;
	p2 =	sne.s32 s7, $0x16  }
.Ltmp1:
0x1e: {  	s8 =	smov.u32 s11;
	s17 =	smov.u32 @p3 s5;
	(pc) =	sbr.rel @!p2 .LBB1_6-.Ltmp1, $4  }
0x1f: {  	s14 =	smov.u32 s9;
	s9 =	smov.u32 s12;
	s13 =	sand.u32 @!p1 $0x3FFFFFFF, s13  }
0x20: {  	s11 =	smov.u32 s17;
	_ =	swait.ge @!p1 [sflag:s19], s13;
	s20 =	ssub.s32 @!p1 $0x0, s13  }
0x21: {  	s13 =	smov.u32 s6;
	s6 =	smov.u32 s10;
	[sflag:s19] =	ssyncset.done @!p1 $0x0  }
0x22: {  	s10 =	smov.u32 s16;
	s12 =	smov.u32 s18;
	[sflag:s19] =	ssyncadd.s32 @!p1 s20  }
.LBB1_1:
0x23: {  	p1 =	sgt.u32 s7, $0x13  }
0x24: {  	s16 =	sshrl.u32 @!p1 s11, $0x3  }
0x25: {  	s17 =	sshll.u32 @!p1 s10, $0x3;
	s16 =	smul.u32 @!p1 $0x5000, s16  }
0x26: {  	s18 =	sshll.u32 @!p1 s11, $0x7;
	s17 =	sand.u32 @!p1 $0xFFFFFC00, s17  }
0x27: {  	s16 =	sadd.s32 @!p1 s16, s17;
	s17 =	sand.u32 @!p1 $0x380, s18  }
0x28: {  	s18 =	sand.u32 @!p1 $0x7F, s10;
	s16 =	sor.u32 @!p1 s17, s16  }
0x29: {  	s17 =	sor.u32 @!p1 s18, s16  }
0x2a: {  	s18 =	smulhi.u32 @!p1 $0xCCCCCCCD, s17  }
0x2b: {  	s16 =	smulhi.u32 @!p1 $0xCCCCCCCD, s16  }
0x2c: {  	s18 =	sshrl.u32 @!p1 s18, $0xB  }
0x2d: {  	s16 =	sshrl.u32 @!p1 s16, $0xB;
	s18 =	smul.u32 @!p1 $0xA00, s18  }
0x2e: {  	s19 =	sxor.u32 @!p1 $0xFFFFFFFF, s7;
	s20 =	smul.u32 @!p1 $0x2800, s12;
	s16 =	sand.u32 @!p1 $0x1F, s16  }
0x2f: {  	s19 =	sshll.u32 @!p1 s19, $0xE;
	s16 =	smul.u32 @!p1 $0x140, s16;
	s17 =	ssub.s32 @!p1 s17, s18  }
0x30: {  	s18 =	sand.u32 @!p1 $0x4000, s19;
	s19 =	sadd.s32 @!p1 s2, s20;
	s20 =	sand.u32 @!p1 $0x7, s17  }
0x31: {  	s17 =	sshrl.u32 @!p1 s17, $0x3;
	s16 =	sadd.s32 @!p1 s16, s19;
	s19 =	sshll.u32 @!p1 s20, $0x12  }
0x32: {  	s16 =	sadd.s32 @!p1 s17, s16;
	s17 =	sor.u32 @!p1 $0x80, s19;
	s19 =	simm.s32 @!p1 $0x14000  }
0x33: {  	[tilespmem:s18], [sflag:$0x1] =	stream.strided.gather @!p1 [hbm4b:s16+s17], $0x4000, s19, s17, $0x38;
	[tilespmem:$0x10100] =	vst v63  }
0x34: {  	p1 =	seq.s32 s7, $0x0  }
0x35: {  	p2 =	seq.s32 @!p1 s7, $0x15  }
0x36: {  	p1 =	por p1, p2  }
.Ltmp2:
0x37: {  	_ = 	snop;
	(pc) =	sbr.rel @p1 .LBB1_5-.Ltmp2, $1  }
0x38: {  	_ =	sdelay $0x3  }
0x39: {  	s16 =	simm.s32 $0x1  }
0x3a: {  	_ =	swait.ge [sflag:s4], $0x4000;
	s16 =	simm.s32 @!p0 $0x0  }
0x3b: {  	[sflag:s4] =	ssyncset.done $0x0;
	s17 =	sshll.u32 s16, $0xE  }
0x3c: {  	[sflag:s4] =	ssyncadd.s32 $0xFFFFC000;
	s17 =	sor.u32 $0x40, s17  }
0x3d: {  	s16 =	smul.u32 $0x10200, s16;
	v0 =	vld [tilespmem:s17+$0x30]  }
0x3e: {  	v1 =	vld [tilespmem:s17+$0xFFFFFFD0]  }
0x3f: {  	s16 =	sshrl.u32 s16, $0x2;
	v5 =	vld [tilespmem:s17+$0xFFFFFFE0]  }
0x40: {  	v6 =	vld [tilespmem:s17+$0xFFFFFFF0];
	s19 =	sor.u32 $0x8000, s16  }
0x41: {  	s31 =	sand.u32 $0x1, s7;
	v4 =	vld [tilespmem:s17+$0x0];
	s18 =	sadd.s32 $0x0, s19  }
0x42: {  	v3 =	vld [tilespmem:s17+$0x10];
	s16 =	smul.u32 $0x10200, s31;
	[tilespmem:s18+$0x3870 ss:$0x81] =	vst.msk $0xffff, v0  }
0x43: {  	v2 =	vld [tilespmem:s17+$0x20];
	[tilespmem:s18+$0x810 ss:$0x81] =	vst.msk $0xffff, v1  }
0x44: {  	s16 =	sshrl.u32 s16, $0x2;
	v0 =	vld [tilespmem:s17+$0xFFFFFFC0];
	[tilespmem:s18+$0x1020 ss:$0x81] =	vst.msk $0xffff, v5;
	s17 =	sadd.s32 $0x80, s17  }
0x45: {  	s20 =	simm.s32 $0x4;
	s21 =	simm.s32 $0x8;
	s16 =	sor.u32 $0x8000, s16;
	[tilespmem:s18+$0x1830 ss:$0x81] =	vst.msk $0xffff, v6;
	v1 =	vld [tilespmem:s17+$0x30]  }
.LBB1_3:
0x46: {  	p1 =	sne.s32 s21, $0x1FC;
	v5 =	vld [tilespmem:s17+$0xFFFFFFD0];
	[tilespmem:s18+$0x2040 ss:$0x81] =	vst.msk $0xffff, v4  }
0x47: {  	v6 =	vld [tilespmem:s17+$0xFFFFFFE0];
	[tilespmem:s18+$0x2850 ss:$0x81] =	vst.msk $0xffff, v3  }
0x48: {  	s22 =	sshra.s32 s20, $0x2;
	s20 =	smov.u32 s21;
	v7 =	vld [tilespmem:s17+$0xFFFFFFF0];
	[tilespmem:s18+$0x3060 ss:$0x81] =	vst.msk $0xffff, v2  }
.Ltmp3:
0x49: {  	v4 =	vld [tilespmem:s17+$0x0];
	[tilespmem:s18+$0x0 ss:$0x81] =	vst.msk $0xffff, v0;
	s18 =	sadd.s32 s22, s19;
	(pc) =	sbr.rel @p1 .LBB1_3-.Ltmp3, $4  }
0x4a: {  	v3 =	vld [tilespmem:s17+$0x10];
	[tilespmem:s18+$0x3870 ss:$0x81] =	vst.msk $0xffff, v1  }
0x4b: {  	[tilespmem:s18+$0x810 ss:$0x81] =	vst.msk $0xffff, v5;
	v2 =	vld [tilespmem:s17+$0x20]  }
0x4c: {  	v0 =	vld [tilespmem:s17+$0xFFFFFFC0];
	[tilespmem:s18+$0x1020 ss:$0x81] =	vst.msk $0xffff, v6;
	s17 =	sadd.s32 $0x80, s17  }
0x4d: {  	s21 =	sadd.s32 $0x4, s21;
	v1 =	vld [tilespmem:s17+$0x30];
	[tilespmem:s18+$0x1830 ss:$0x81] =	vst.msk $0xffff, v7  }
0x4e: {  	s21 =	sshll.u32 s6, $0x7  }
0x4f: {  	s22 =	sshll.u32 s9, $0x3;
	p1 =	sgt.s32 s8, $0x1F;
	s27 =	sshra.s32 s8, $0x1F  }
0x50: {  	s20 =	sshra.s32 s20, $0x2;
	s23 =	sand.u32 $0xFFFFFC00, s21;
	s22 =	sand.u32 $0xFFFFFC00, s22  }
0x51: {  	s30 =	ssub.s32 $0x0, s9;
	s21 =	sand.u32 $0x380, s21;
	s22 =	sadd.s32 s22, s23  }
0x52: {  	[tilespmem:s18+$0x2040 ss:$0x81] =	vst.msk $0xffff, v4;
	s31 =	sshra.s32 s6, $0x1F;
	s21 =	sor.u32 s21, s22;
	s22 =	smov.u32 s8  }
0x53: {  	s19 =	sadd.s32 s20, s19;
	[tilespmem:s18+$0x2850 ss:$0x81] =	vst.msk $0xffff, v3;
	s23 =	sand.u32 s27, s8;
	s22 =	simm.s32 @!p1 $0x1F  }
0x54: {  	v5 =	vld [tilespmem:s17+$0xFFFFFFD0];
	[tilespmem:s18+$0x3060 ss:$0x81] =	vst.msk $0xffff, v2;
	s27 =	smul.u32 $0x9C80, s8;
	s21 =	sshrl.u32 s21, $0x7;
	s22 =	ssub.s32 s22, s23  }
0x55: {  	v58 =	vld [tilespmem:s17+$0xFFFFFFE0];
	[tilespmem:s18+$0x0 ss:$0x81] =	vst.msk $0xffff, v0;
	s18 =	sand.u32 s31, s6;
	s24 =	smulhi.u32 $0x1A2C2A9, s21;
	s28 =	sadd.s32 $0xFFFFFFE1, s22  }
0x56: {  	v59 =	vld [tilespmem:s17+$0xFFFFFFF0];
	s20 =	ssub.s32 $0x20, s22;
	s22 =	smov.u32 s6;
	p1 =	sgt.s32 s28, $0x0  }
0x57: {  	v60 =	vld [tilespmem:s17+$0x0];
	s29 =	sshrl.u32 s24, $0x4;
	s20 =	simm.s32 @p1 $0x0;
	p1 =	sgt.s32 s6, $0x948  }
0x58: {  	v61 =	vld [tilespmem:s17+$0x10];
	[tilespmem:s19+$0x3870 ss:$0x81] =	vst.msk $0xffff, v1;
	s24 =	smin.u32 s9, s30;
	s28 =	sshrl.u32 s9, $0x3;
	s22 =	simm.s32 @!p1 $0x948  }
0x59: {  	v62 =	vld [tilespmem:s17+$0x20];
	[tilespmem:s19+$0x810 ss:$0x81] =	vst.msk $0xffff, v5;
	p1 =	sgt.s32 s24, $0x7F;
	s24 =	ssub.s32 $0x80, s24;
	s18 =	ssub.s32 s22, s18  }
0x5a: {  	v63 =	vld [tilespmem:s17+$0xFFFFFFC0];
	[tilespmem:s19+$0x1020 ss:$0x81] =	vst.msk $0xffff, v58;
	s23 =	smul.u32 $0x9C8, s29;
	s24 =	simm.s32 @p1 $0x0;
	s26 =	sadd.s32 $0xFFFFF6B8, s18  }
0x5b: {  	[tilespmem:s19+$0x1830 ss:$0x81] =	vst.msk $0xffff, v59;
	s25 =	smul.u32 s24, s20;
	s18 =	ssub.s32 $0x9C8, s18;
	p1 =	sgt.s32 s26, $0x7F  }
.Ltmp4:
0x5c: {  	[tilespmem:s19+$0x2040 ss:$0x81] =	vst.msk $0xffff, v60;
	s29 =	sand.u32 $0xF, s28;
	s18 =	simm.s32 @p1 $0x0;
	(pc) =	sbr.rel .LBB1_5-.Ltmp4, $4  }
0x5d: {  	[tilespmem:s19+$0x2850 ss:$0x81] =	vst.msk $0xffff, v61;
	s21 =	ssub.s32 s21, s23;
	s20 =	sadd.s32 s3, s27;
	s17 =	smul.u32 s18, s25  }
0x5e: {  	[tilespmem:s19+$0x3060 ss:$0x81] =	vst.msk $0xffff, v62;
	s30 =	sshll.u32 s21, $0x4;
	s18 =	sadd.s32 s29, s20  }
0x5f: {  	s31 =	sand.u32 $0x7, s9;
	[tilespmem:s19+$0x0 ss:$0x81] =	vst.msk $0xffff, v63;
	s18 =	sadd.s32 s30, s18;
	s17 =	sand.u32 $0x3FFFFFFF, s17  }
0x60: {  	[hbm4b:s18+s31] =	stream.linear.scatter [tilespmem:s16], [sflag:$0x2], s17, $0x20;
	[tilespmem:$0x10100] =	vst v63  }
.LBB1_6:
0x61: {  	_ =	sfence.sel $0x180000  }
0x62: {  	s2 =	simm.s32 $0x1;
	[bflag:$0x0] =	sbarrier.arrive $0xFFFF  }
0x63: {  	s31 =	simm.s32 $0x2;
	[sflag:s2] =	ssyncpa.u1 $0x1  }
0x64: {  	[sflag:s31] =	ssyncpa.u1 $0x1  }
0x65: {  	p0 =	sne.s32 s1, $0x0;
	_ =	strace $0x90000047  }
0x66: {  	s0 =	sadd.s32 @!p0 $0x100000, s0;
	[bflag:$0x2] =	sbarrier.arrive $0xFFFF  }
0x67: {  	[sflag:s0] =	ssyncadd.tile.s32 @!p0 $0x1;
	_ =	shalt  }
.Lfunc_end1:
_tile_overlayer_lowered:
.L_overlay_start_2:
0x68: {  	(tag) =	ssettag $0x2  }
0x69: {  	s0 =	rddreg [dreg:$0x0];
	s2 =	stileid.u32  }
0x6a: {  	s1 =	rddreg [dreg:$0x1];
	p0 =	sne.s32 s2, $0x0  }
0x6b: {  	s3 =	rddreg [dreg:$0x2];
	[bflag:$0x3] =	sbarrier.arrive $0xFFFF;
	s2 =	simm.s32 @!p0 $0x1C01  }
0x6c: {  	[timem:s3], [sflag:s2] =	dma.local @!p0 [hbm:s0], s1  }
0x6d: {  	s0 =	simm.s32 @!p0 $0x1  }
0x6e: {  	_ =	swait.ge @!p0 [sflag:s0], s1  }
0x6f: {  	s1 =	ssub.s32 @!p0 $0x0, s1;
	[sflag:s0] =	ssyncset.done @!p0 $0x0  }
0x70: {  	[sflag:s0] =	ssyncadd.s32 @!p0 s1  }
0x71: {  	[bflag:$0x3] =	sbarrier.arrive $0xFFFF  }
0x72: {  	_ =	shalt  }

// kernel: sparse-core-data-format-call.cloned.1.call-start
scs
called_computation_lowered:
.L_overlay_start_0:
0x0: {  	s1 =	sld [smem:$0x3FD9]  }
0x1: {  	s2 =	sld [smem:$0x3FFE];
	_ =	sdelay $0x1  }
0x2: {  	s3 =	srdreg.scid  }
0x3: {  	s0 =	sand.u32 $0x1, s3  }
0x4: {  	s17 =	sshll.u32 s0, $0xA;
	s1 =	sadd.s32 s2, s1  }
0x5: {  	s1 =	sadd.s32 s1, s17  }
0x6: {  	[smem:$0x3FAB] =	sst s1  }
0x7: {  	_ = 	snop  }
0x8: {  	(tm) =	ssettm $0x1  }
0x9: {  	s18 =	sld [smem:$0x3FFB];
	_ =	sdelay $0x3  }
0xa: {  	_ =	strace s18  }
0xb: {  	s1 =	sld [smem:$0x3FFC];
	_ =	sdelay $0x3  }
0xc: {  	_ =	strace s1  }
0xd: {  	s1 =	sld [smem:$0x3FFD];
	_ =	sdelay $0x3  }
0xe: {  	_ =	strace s1  }
0xf: {  	_ =	strace $0x8FFFFFFF  }
0x10: {  	s19 =	sld [smem:$0x3FDB];
	_ =	sdelay $0x1  }
0x11: {  	s20 =	simm.s32 $_scs_section_size  }
0x12: {  	s4 =	simm.s32 $_size__tile_overlayer_lowered;
	s5 =	simm.s32 $_tile_overlayer_lowered  }
0x13: {  	s23 =	simm.s32 $0x1BFF;
	s22 =	sshll.u32 s5, $0x1;
	s1 =	sadd.s32 s20, s19  }
0x14: {  	s6 =	simm.s32 $0x0;
	s21 =	sshll.u32 s4, $0x1;
	s4 =	sadd.s32 s22, s1  }
0x15: {  	[timem:s6], [sflag:s23] =	dma.local [hbm:s4], s21  }
0x16: {  	_ =	swait.ge [sflag:s23], s21  }
0x17: {  	s2 =	ssub.s32 $0x0, s21;
	[sflag:s23] =	ssyncset.done $0x0  }
0x18: {  	[sflag:s23] =	ssyncadd.s32 s2;
	_ =	sdelay $0x1  }
0x19: {  	s24 =	simm.s32 $0x1B8B  }
0x1a: {  	_ =	swait.ge [sflag:s24], $0x1  }
0x1b: {  	[sflag:s24] =	ssyncset.done $0x0  }
0x1c: {  	s26 =	simm.s32 $0x1B8E;
	s25 =	sld [smem:$0x3FFE];
	[sflag:s24] =	ssyncadd.s32 $0xFFFFFFFF  }
0x1d: {  	s27 =	simm.s32 $execute0_lowered;
	[smem:$0x3FD2] =	sst s26  }
0x1e: {  	s4 =	sshll.u32 s27, $0x1;
	_ =	strace $0x80000049;
	[dreg:$0x1] =	wrdreg $0xFFFFFFFF  }
0x1f: {  	s28 =	simm.s32 $_size_execute0_lowered;
	s1 =	sadd.s32 s1, s4;
	[dreg:$0x0] =	wrdreg $0x0  }
0x20: {  	s4 =	sshll.u32 s28, $0x1;
	[dreg:$0x2] =	wrdreg s1  }
0x21: {  	[dreg:$0x3] =	wrdreg s4  }
0x22: {  	[dreg:$0x4] =	wrdreg $0xC0  }
0x23: {  	_ =	task [dreg:s6], $0x5FFFF  }
0x24: {  	[dreg:$0x1] =	wrdreg $0xFFFFFFFF  }
0x25: {  	[dreg:$0x0] =	wrdreg $0x60  }
0x26: {  	[dreg:$0x2] =	wrdreg s25  }
0x27: {  	[dreg:$0x3] =	wrdreg $0x9  }
0x28: {  	_ =	task.clear_ibuf [dreg:s6], $0x4FFFF;
	_ =	strace $0x90000049  }
0x29: {  	s29 =	simm.s32 $0x9;
	_ =	strace $0x8000004B  }
0x2a: {  	_ =	swait.ge [sflag:s29], $0x1  }
0x2b: {  	[sflag:s29] =	ssyncadd.s32 $0xFFFFFFFF  }
0x2c: {  	_ =	strace $0x9000004B  }
0x2d: {  	_ =	sfence  }
0x2e: {  	s30 =	sld [smem:$0x0];
	_ =	sdelay $0x2  }
0x2f: {  	s31 =	sshll.u32 s3, $0xD;
	s3 =	sshrl.u32 s3, $0x2  }
0x30: {  	s2 =	sand.u32 $0x4000, s31;
	s1 =	sadd.s32 s3, s30  }
0x31: {  	s0 =	sor.u32 s2, s0;
	s1 =	sshll.u32 s1, $0x11  }
0x32: {  	s0 =	sor.u32 s1, s0  }
0x33: {  	s0 =	sadd.s32 $0x8F2B, s0  }
0x34: {  	[sflag:s0] =	ssyncadd.remote.s32 $0x1  }
0x35: {  	_ =	sfence.sel $0xFFFF  }
0x36: {  	[dreg:$0x0] =	wrdreg $0xFFFFFFFF;
	(pc) =	sbr.abs _section_cstart, $3  }
0x37: {  	[dreg:$0x1] =	wrdreg $0xFFFFFFFF  }
0x38: {  	_ =	task.clear_ibuf [dreg:s6], $0x2FFFF;
	_ =	strace $0x9FFFFFFF  }
0x39: {  	(tm) =	ssettm $0x7FFFFFFF  }
tec
execute0_lowered:
.L_overlay_start_1:
0x0: {  	(tag) =	ssettag $0x1  }
0x1: {  	s0 =	srdreg.scid  }
0x2: {  	s6 =	rddreg [dreg:$0x0];
	s7 =	simm.s32 $0x1;
	s8 =	simm.s32 $0x2  }
0x3: {  	s15 =	simm.s32 $0x0;
	s9 =	simm.s32 $0x271000;
	s1 =	sshll.u32 s0, $0x4  }
0x4: {  	s10 =	simm.s32 $0x0;
	s0 =	stileid.u32;
	s1 =	sand.u32 $0x10, s1  }
0x5: {  	s16 =	simm.s32 $0x0;
	s17 =	simm.s32 $0x0;
	s1 =	sor.u32 s0, s1  }
0x6: {  	s12 =	simm.s32 $0x0;
	s13 =	simm.s32 $0x0;
	s2 =	sshll.u32 s1, $0x2  }
0x7: {  	s14 =	simm.s32 $0x0;
	s3 =	sadd.s32 $0x157400, s6;
	s5 =	ssub.s32 $0x9C4, s2  }
.Ltmp0:
0x8: {  	s6 =	sadd.s32 $0x17400, s6;
	s4 =	sand.u32 $0x7C, s5;
	(pc) =	sbr.rel .LBB1_1-.Ltmp0, $4  }
0x9: {  	s1 =	rddreg [dreg:$0x1];
	_ =	strace $0x8000004A;
	p0 =	sne.s32 s4, $0x0  }
0xa: {  	s5 =	sshrl.u32 s5, $0x7;
	s4 =	simm.s32 $0x1;
	s7 =	simm.s32 @!p0 $0x0  }
0xb: {  	s11 =	smov.u32 s2;
	[sflag:s4] =	ssyncpa.u1 $0x0;
	s5 =	sadd.s32 s7, s5  }
0xc: {  	[sflag:s8] =	ssyncpa.u1 $0x0;
	s8 =	simm.s32 $0x1000;
	s7 =	sadd.s32 $0x1, s5  }
.LBB1_9:
0xd: {  	s18 =	sadd.s32 $0x80, s11  }
0xe: {  	s15 =	sadd.s32 $0x8, s12;
	s19 =	smov.u32 s12;
	p1 =	sgt.s32 s18, $0x9C3  }
0xf: {  	s19 =	smov.u32 @p1 s15  }
0x10: {  	s21 =	smov.u32 s13;
	s15 =	sadd.s32 $0x4, s13;
	p2 =	sgt.s32 s19, $0x7  }
0x11: {  	s21 =	smov.u32 @p2 s15  }
0x12: {  	s18 =	smov.u32 @p1 s2;
	p1 =	sgt.s32 s21, $0x3  }
0x13: {  	p0 =	slt.u32 s14, $0x2;
	s21 =	simm.s32 @p1 $0x0;
	p1 =	sne.s32 s14, s7  }
.Ltmp1:
0x14: {  	s20 =	simm.s32 @!p0 $0x2;
	(pc) =	sbr.rel @!p1 .LBB1_10-.Ltmp1, $4  }
0x15: {  	s16 =	smov.u32 s12;
	s17 =	smov.u32 s13;
	_ =	swait.ge @!p0 [sflag:s20], $0x4000  }
0x16: {  	s10 =	sadd.s32 $0x4000, s10;
	[sflag:s20] =	ssyncset.done @!p0 $0x0;
	s19 =	simm.s32 @p2 $0x0  }
0x17: {  	s15 =	smov.u32 s11;
	[sflag:s20] =	ssyncadd.s32 @!p0 $0xFFFFC000;
	s11 =	smov.u32 s18  }
0x18: {  	s12 =	smov.u32 s19;
	s14 =	sadd.s32 $0x1, s14;
	s13 =	smov.u32 s21  }
.LBB1_1:
0x19: {  	p0 =	sge.u32 s14, s5  }
0x1a: {  	s18 =	sand.u32 @!p0 $0x1FFFFFF, s11  }
0x1b: {  	s19 =	smulhi.u32 @!p0 $0x1A2C2A9, s18  }
0x1c: {  	s20 =	smul.u32 @!p0 $0x4E400, s13  }
0x1d: {  	s22 =	smul.u32 @!p0 $0x9C80, s12;
	s19 =	sshrl.u32 @!p0 s19, $0x4  }
0x1e: {  	s19 =	smul.u32 @!p0 $0x9C8, s19  }
0x1f: {  	s31 =	sadd.s32 $0xFFFFFFFF, s14;
	s20 =	sadd.s32 @!p0 s3, s20  }
0x20: {  	s21 =	sxor.u32 @!p0 $0xFFFFFFFF, s14;
	s20 =	sadd.s32 @!p0 s22, s20;
	s18 =	ssub.s32 @!p0 s18, s19  }
0x21: {  	s19 =	sshll.u32 @!p0 s21, $0xE;
	s21 =	simm.s32 @!p0 $0x4E400;
	s18 =	sshll.u32 @!p0 s18, $0x4  }
0x22: {  	s19 =	sand.u32 @!p0 $0x4000, s19;
	s18 =	sadd.s32 @!p0 s18, s20;
	s20 =	simm.s32 @!p0 $0x200  }
0x23: {  	[tilespmem:s19], [sflag:$0x1] =	stream.strided.gather @!p0 [hbm4b:s18+s20], $0x4000, s21, s20, $0x38;
	[tilespmem:$0x10000] =	vst v63  }
0x24: {  	p0 =	sge.u32 s31, s5  }
.Ltmp2:
0x25: {  	_ = 	snop;
	(pc) =	sbr.rel @p0 .LBB1_9-.Ltmp2, $1  }
0x26: {  	_ =	sdelay $0x3  }
0x27: {  	s18 =	sand.u32 $0x4000, s10  }
0x28: {  	_ =	swait.ge [sflag:s4], $0x4000;
	s21 =	sshll.u32 s14, $0xE;
	s19 =	sor.u32 $0x8040, s18  }
0x29: {  	s20 =	sor.u32 $0x40, s18;
	[sflag:s4] =	ssyncset.done $0x0;
	s31 =	sand.u32 $0x4000, s21  }
0x2a: {  	s21 =	simm.s32 $0x0;
	[sflag:s4] =	ssyncadd.s32 $0xFFFFC000;
	s18 =	sor.u32 $0x8000, s31  }
.LBB1_3:
0x2b: {  	s22 =	smov.u32 s20;
	s23 =	smov.u32 s19;
	s24 =	simm.s32 $0x0  }
.LBB1_4:
0x2c: {  	v0 =	vmov s22;
	_ =	sdelay $0x3  }
0x2d: {  	s26 =	simm.s32 $0x0  }
0x2e: {  	v6 =	vld.idx.msk [tilespmem:v0+s26+$0x30 ss:$0x1], $0xffff  }
0x2f: {  	v7 =	vld.idx.msk [tilespmem:v0+s26+$0xFFFFFFC0 ss:$0x1], $0xffff  }
0x30: {  	v5 =	vld.idx.msk [tilespmem:v0+s26+$0xFFFFFFD0 ss:$0x1], $0xffff  }
0x31: {  	v4 =	vld.idx.msk [tilespmem:v0+s26+$0xFFFFFFE0 ss:$0x1], $0xffff  }
0x32: {  	v3 =	vld.idx.msk [tilespmem:v0+s26+$0xFFFFFFF0 ss:$0x1], $0xffff  }
0x33: {  	v1 =	vld.idx.msk [tilespmem:v0+s26+$0x0 ss:$0x1], $0xffff  }
0x34: {  	v2 =	vld.idx.msk [tilespmem:v0+s26+$0x10 ss:$0x1], $0xffff;
	[tilespmem:s23+$0x30] =	vst v6  }
0x35: {  	s25 =	simm.s32 $0x80;
	s27 =	simm.s32 $0x400;
	[tilespmem:s23+$0xFFFFFFC0] =	vst v7;
	v6 =	vld.idx.msk [tilespmem:v0+s26+$0x20 ss:$0x1], $0xffff;
	s26 =	smov.u32 s23  }
.LBB1_5:
0x36: {  	p0 =	sne.s32 s27, $0x600;
	v7 =	vld.idx.msk [tilespmem:v0+s25+$0x30 ss:$0x1], $0xffff;
	[tilespmem:s26+$0xFFFFFFD0] =	vst v5  }
0x37: {  	v8 =	vld.idx.msk [tilespmem:v0+s25+$0xFFFFFFC0 ss:$0x1], $0xffff;
	[tilespmem:s26+$0xFFFFFFE0] =	vst v4  }
0x38: {  	v5 =	vld.idx.msk [tilespmem:v0+s25+$0xFFFFFFD0 ss:$0x1], $0xffff;
	[tilespmem:s26+$0xFFFFFFF0] =	vst v3  }
.Ltmp3:
0x39: {  	v4 =	vld.idx.msk [tilespmem:v0+s25+$0xFFFFFFE0 ss:$0x1], $0xffff;
	[tilespmem:s26+$0x0] =	vst v1;
	(pc) =	sbr.rel @p0 .LBB1_5-.Ltmp3, $4  }
0x3a: {  	v3 =	vld.idx.msk [tilespmem:v0+s25+$0xFFFFFFF0 ss:$0x1], $0xffff;
	[tilespmem:s26+$0x10] =	vst v2  }
0x3b: {  	v1 =	vld.idx.msk [tilespmem:v0+s25+$0x0 ss:$0x1], $0xffff;
	[tilespmem:s26+$0x20] =	vst v6;
	s26 =	sadd.s32 $0x400, s26  }
0x3c: {  	v2 =	vld.idx.msk [tilespmem:v0+s25+$0x10 ss:$0x1], $0xffff;
	[tilespmem:s26+$0x30] =	vst v7  }
0x3d: {  	[tilespmem:s26+$0xFFFFFFC0] =	vst v8;
	v6 =	vld.idx.msk [tilespmem:v0+s25+$0x20 ss:$0x1], $0xffff;
	s25 =	sshra.s32 s27, $0x2;
	s27 =	sadd.s32 $0x200, s27  }
0x3e: {  	_ =	sdelay $0x2  }
0x3f: {  	[tilespmem:s26+$0xFFFFFFD0] =	vst v5  }
0x40: {  	v56 =	vld.idx.msk [tilespmem:v0+s25+$0x30 ss:$0x1], $0xffff;
	[tilespmem:s26+$0xFFFFFFE0] =	vst v4  }
0x41: {  	v57 =	vld.idx.msk [tilespmem:v0+s25+$0xFFFFFFC0 ss:$0x1], $0xffff;
	[tilespmem:s26+$0xFFFFFFF0] =	vst v3  }
0x42: {  	v58 =	vld.idx.msk [tilespmem:v0+s25+$0xFFFFFFD0 ss:$0x1], $0xffff;
	[tilespmem:s26+$0x0] =	vst v1  }
0x43: {  	v59 =	vld.idx.msk [tilespmem:v0+s25+$0xFFFFFFE0 ss:$0x1], $0xffff;
	[tilespmem:s26+$0x10] =	vst v2  }
0x44: {  	v60 =	vld.idx.msk [tilespmem:v0+s25+$0xFFFFFFF0 ss:$0x1], $0xffff;
	s31 =	sadd.s32 $0x400, s26;
	[tilespmem:s26+$0x20] =	vst v6  }
0x45: {  	v61 =	vld.idx.msk [tilespmem:v0+s25+$0x0 ss:$0x1], $0xffff;
	[tilespmem:s31+$0x30] =	vst v56  }
0x46: {  	v62 =	vld.idx.msk [tilespmem:v0+s25+$0x10 ss:$0x1], $0xffff;
	s24 =	sadd.s32 $0x1, s24;
	[tilespmem:s31+$0xFFFFFFC0] =	vst v57  }
0x47: {  	v63 =	vld.idx.msk [tilespmem:v0+s25+$0x20 ss:$0x1], $0xffff;
	p0 =	sne.s32 s24, $0x8;
	[tilespmem:s31+$0xFFFFFFD0] =	vst v58  }
.Ltmp4:
0x48: {  	[tilespmem:s31+$0xFFFFFFE0] =	vst v59;
	(pc) =	sbr.rel @p0 .LBB1_4-.Ltmp4, $4  }
0x49: {  	[tilespmem:s31+$0xFFFFFFF0] =	vst v60  }
0x4a: {  	[tilespmem:s31+$0x0] =	vst v61  }
0x4b: {  	[tilespmem:s31+$0x10] =	vst v62  }
0x4c: {  	s23 =	sadd.s32 $0x80, s23;
	s22 =	sadd.s32 $0x200, s22;
	[tilespmem:s31+$0x20] =	vst v63  }
0x4d: {  	s21 =	sadd.s32 $0x1, s21  }
0x4e: {  	p0 =	sne.s32 s21, $0x4  }
.Ltmp5:
0x4f: {  	_ = 	snop;
	(pc) =	sbr.rel @p0 .LBB1_3-.Ltmp5, $2  }
0x50: {  	_ =	sdelay $0x2  }
0x51: {  	s19 =	sadd.s32 $0x1000, s19;
	s20 =	sadd.s32 $0x1000, s20  }
0x52: {  	s17 =	smul.u32 $0x4E200, s17  }
.Ltmp6:
0x53: {  	_ = 	snop;
	(pc) =	sbr.rel .LBB1_9-.Ltmp6, $4  }
0x54: {  	s15 =	sshll.u32 s15, $0x7;
	s16 =	sshll.u32 s16, $0x4;
	s17 =	sadd.s32 s6, s17  }
0x55: {  	s16 =	sand.u32 $0x70, s16;
	s15 =	sadd.s32 s15, s17  }
0x56: {  	s15 =	sadd.s32 s16, s15  }
0x57: {  	[hbm4b:s15+s8] =	stream.strided.scatter [tilespmem:s18], [sflag:$0x2], $0x4000, s9, s8, $0x38;
	[tilespmem:$0x10000] =	vst v63  }
.LBB1_10:
0x58: {  	_ =	sfence.sel $0x180000  }
0x59: {  	s2 =	simm.s32 $0x1;
	[bflag:$0x0] =	sbarrier.arrive $0xFFFF  }
0x5a: {  	s31 =	simm.s32 $0x2;
	[sflag:s2] =	ssyncpa.u1 $0x1  }
0x5b: {  	[sflag:s31] =	ssyncpa.u1 $0x1  }
0x5c: {  	p0 =	sne.s32 s0, $0x0;
	_ =	strace $0x9000004A  }
0x5d: {  	s0 =	sadd.s32 @!p0 $0x100000, s1;
	[bflag:$0x2] =	sbarrier.arrive $0xFFFF  }
0x5e: {  	[sflag:s0] =	ssyncadd.tile.s32 @!p0 $0x1;
	_ =	shalt  }
.Lfunc_end1:
_tile_overlayer_lowered:
.L_overlay_start_2:
0x5f: {  	(tag) =	ssettag $0x2  }
0x60: {  	s0 =	rddreg [dreg:$0x0];
	s2 =	stileid.u32  }
0x61: {  	s1 =	rddreg [dreg:$0x1];
	p0 =	sne.s32 s2, $0x0  }
0x62: {  	s3 =	rddreg [dreg:$0x2];
	[bflag:$0x3] =	sbarrier.arrive $0xFFFF;
	s2 =	simm.s32 @!p0 $0x1C01  }
0x63: {  	[timem:s3], [sflag:s2] =	dma.local @!p0 [hbm:s0], s1  }
0x64: {  	s0 =	simm.s32 @!p0 $0x1  }
0x65: {  	_ =	swait.ge @!p0 [sflag:s0], s1  }
0x66: {  	s1 =	ssub.s32 @!p0 $0x0, s1;
	[sflag:s0] =	ssyncset.done @!p0 $0x0  }
0x67: {  	[sflag:s0] =	ssyncadd.s32 @!p0 s1  }
0x68: {  	[bflag:$0x3] =	sbarrier.arrive $0xFFFF  }
0x69: {  	_ =	shalt  }

</sc_bundles>
